<compile_context>
chip_gen: v7x
topology: tpu7x:2x2x1
jax: 0.10.2.dev20260603
libtpu: 0.0.44.dev20260713+nightly
codegen_flags: <defaults>
</compile_context>

<pallas_src>
import functools

import jax
import jax.numpy as jnp
from jax import lax
from jax.experimental import pallas as pl
from jax.experimental.pallas import tpu as pltpu
from jax.experimental.pallas import tpu_sc as plsc

B, L, NL, NF, NV = 16, 128, 40, 32, 20
NW = 32
RPW = (B * NV) // NW
ROW = L * NL
PROW = NF * NL
NEG = -3.0e38

_mesh = plsc.VectorSubcoreMesh(core_axis_name="c", subcore_axis_name="s")


def _pool_plan():
    plans = []
    for f in range(NF):
        a = f * NL
        sl = []
        for s, wo in ((a, 8), (a + 16, 24), (a + 24, 32)):
            if s % 128 == 120:
                sl.append((s - 8, wo - 8))
                sl.append((s + 8, wo + 8))
            else:
                sl.append((s, wo))
        plans.append(sl)
    return plans


_POOL_PLANS = _pool_plan()


@functools.partial(
    pl.kernel,
    out_type=jax.ShapeDtypeStruct((NW, RPW, 4, 128), jnp.float32),
    mesh=_mesh,
    scratch_types=[
        pltpu.VMEM((NW, RPW), jnp.int32),
        pltpu.VMEM((NW, RPW), jnp.int32),
        pltpu.VMEM((8, ROW), jnp.float32),
        pltpu.VMEM((2, ROW), jnp.float32),
        pltpu.VMEM((8, PROW), jnp.int32),
        pltpu.VMEM((2, PROW), jnp.int32),
        pltpu.VMEM((RPW, 4, 128), jnp.float32),
        pltpu.VMEM((80,), jnp.float32),
        pltpu.VMEM((64,), jnp.float32),
        pltpu.SemaphoreType.DMA,
        pltpu.SemaphoreType.DMA,
    ],
)
def _sc_gather_reduce(lp_hbm, pool_hbm, ridx_hbm, fidx_hbm,
                      wm_out,
                      idx_all, fidx_all, rows_a, rows_b, pool_a,
                      pool_b, wm_v, s80, wbuf, sem0, sem1):
    wid = lax.axis_index("s") * 2 + lax.axis_index("c")
    pltpu.sync_copy(ridx_hbm, idx_all)
    pltpu.sync_copy(fidx_hbm, fidx_all)
    cp0 = pltpu.async_copy(lp_hbm.at[idx_all.at[wid, pl.ds(0, 8)]],
                           rows_a, sem0)
    cp1 = pltpu.async_copy(lp_hbm.at[idx_all.at[wid, pl.ds(8, 2)]],
                           rows_b, sem0)
    cp2 = pltpu.async_copy(pool_hbm.at[fidx_all.at[wid, pl.ds(0, 8)]],
                           pool_a, sem1)
    cp3 = pltpu.async_copy(pool_hbm.at[fidx_all.at[wid, pl.ds(8, 2)]],
                           pool_b, sem1)
    cp0.wait()
    cp1.wait()
    cp2.wait()
    cp3.wait()

    def make_row_body(rows_v, pool_v, j0):
        def row_body(j, carry):
            def g_body(g, accs):
                base = pl.multiple_of(g * 80, 16)
                return tuple(
                    jnp.maximum(a, rows_v[j, pl.ds(base + 16 * p, 16)])
                    for p, a in enumerate(accs)
                )

            init = tuple(jnp.full((16,), NEG, jnp.float32) for _ in range(5))
            accs = lax.fori_loop(0, ROW // 80, g_body, init)
            for p in range(5):
                s80[pl.ds(16 * p, 16)] = accs[p]
            f0 = jnp.maximum(s80[pl.ds(0, 16)], s80[pl.ds(40, 16)])
            f1 = jnp.maximum(s80[pl.ds(16, 16)], s80[pl.ds(56, 16)])
            f2 = jnp.maximum(s80[pl.ds(24, 16)], s80[pl.ds(64, 16)])
            ones = jnp.ones((16,), jnp.float32)
            wbuf[pl.ds(0, 16)] = ones
            wbuf[pl.ds(48, 16)] = ones
            wbuf[pl.ds(8, 16)] = jnp.maximum(1.0 - jnp.exp(f0), 1e-6)
            wbuf[pl.ds(24, 16)] = jnp.maximum(1.0 - jnp.exp(f1), 1e-6)
            wbuf[pl.ds(32, 16)] = jnp.maximum(1.0 - jnp.exp(f2), 1e-6)
            for f in range(NF):
                c = None
                for s, wo in _POOL_PLANS[f]:
                    wk = wbuf[pl.ds(wo, 16)]
                    ck = jnp.where(pool_v[j, pl.ds(s, 16)] == 0, wk, 1.0)
                    c = ck if c is None else jnp.minimum(c, ck)
                wm_v[j0 + j, f // 8, pl.ds((f % 8) * 16, 16)] = c
            return carry
        return row_body

    lax.fori_loop(0, 8, make_row_body(rows_a, pool_a, 0), 0)
    lax.fori_loop(0, 2, make_row_body(rows_b, pool_b, 8), 0)
    pltpu.sync_copy(wm_v, wm_out.at[wid])


def _finish_body(wm_ref, lf_ref, vlab_ref, vl_ref, out_ref):
    def body(i, acc):
        oh = (lax.broadcasted_iota(jnp.int32, (NV, L), 1)
              == vlab_ref[i]).astype(jnp.float32)
        fp = jnp.dot(oh, lf_ref[i],
                     preferred_element_type=jnp.float32)
        wm_i = jnp.min(wm_ref[i], axis=2)
        t = jnp.maximum(fp - jnp.log(wm_i), 0.0)
        mask = lax.broadcasted_iota(jnp.int32, (NV, 1), 0) < vl_ref[i]
        return acc + jnp.sum(jnp.where(mask, t, 0.0))

    total = lax.fori_loop(0, B, body, jnp.float32(0.0))
    tot = lax.fori_loop(0, B, lambda i, a: a + vl_ref[i, 0], 0)
    norm = jnp.maximum(tot, 1).astype(jnp.float32)
    out_ref[...] = jnp.full((1, 1), total / norm, jnp.float32)


@jax.jit
def _frame_role_loss(log_pa, v_label, v_l, log_frame, frame_idx, frame_pool):
    lp_flat = log_pa.reshape(B * L, ROW)
    pool_flat = frame_pool.reshape(-1, PROW).astype(jnp.int32)
    vlab = v_label.astype(jnp.int32)
    ridx = (jnp.arange(B, dtype=jnp.int32)[:, None] * L + vlab)
    fidx = jnp.take_along_axis(frame_idx.astype(jnp.int32), vlab, axis=1)
    wm = _sc_gather_reduce(
        lp_flat, pool_flat,
        ridx.reshape(NW, RPW), fidx.reshape(NW, RPW))
    loss = pl.pallas_call(
        _finish_body,
        in_specs=[
            pl.BlockSpec((B, NV, NF, 16), lambda: (0, 0, 0, 0)),
            pl.BlockSpec((B, L, NF), lambda: (0, 0, 0)),
            pl.BlockSpec((B, NV, 1), lambda: (0, 0, 0)),
            pl.BlockSpec((B, 1), lambda: (0, 0)),
        ],
        out_shape=jax.ShapeDtypeStruct((1, 1), jnp.float32),
    )(wm.reshape(B, NV, NF, 16), log_frame, vlab.reshape(B, NV, 1),
      v_l.reshape(B, 1).astype(jnp.int32))
    return loss.reshape(())


def kernel(log_pa, score, v_label, v_l, role_label, roleset_id, log_frame,
           frame_idx, frame_pool):
    return _frame_role_loss(log_pa, v_label, v_l, log_frame, frame_idx,
                            frame_pool)

# --- scband reference (transcript-rebuilt; emitter-appended) ---
"""Pipeline reference for scband-frame-role-loss-51943334477961 (READ-ONLY COPY).

The authoritative reference and input builder live on the scoring server;
editing this copy changes nothing except your own understanding.
"""

import jax, jax.numpy as jnp
import numpy as np

B, L, NL, NF, NV, NLEM = 16, 128, 40, 32, 20, 5000

def setup_inputs(seed: int = 0):
    key = jax.random.key(seed)
    ks = jax.random.split(key, 9)
    log_pa = jax.random.normal(ks[0], (B, L, L, NL), dtype=jnp.float32)
    score = jax.random.normal(ks[1], (B, L), dtype=jnp.float32)
    v_label = jax.random.randint(ks[2], (B, NV), 0, L)
    v_l = jax.random.randint(ks[3], (B,), 0, NV)
    role_label = jax.random.randint(ks[4], (B, NV, L), 0, NL)
    roleset_id = jax.random.randint(ks[5], (B, NV), 0, NF)
    log_frame = jax.nn.log_softmax(jax.random.normal(ks[6], (B, L, NF), dtype=jnp.float32), axis=-1)
    frame_idx = jax.random.randint(ks[7], (B, L), 0, NLEM)
    frame_pool = jax.random.randint(ks[8], (NLEM, NF, NL), 0, 2)
    return {"log_pa": log_pa, "score": score, "v_label": v_label, "v_l": v_l,
            "role_label": role_label, "roleset_id": roleset_id, "log_frame": log_frame,
            "frame_idx": frame_idx, "frame_pool": frame_pool}

def reference(log_pa, score, v_label, v_l, role_label, roleset_id, log_frame, frame_idx, frame_pool):
    # use_gold_predicate == 1, use_gold_frame == 0 path of FrameRoleLoss.forward
    batch_l = log_pa.shape[0]
    nv = v_label.shape[1]
    loss = jnp.zeros(())
    for i in range(batch_l):
        slot_mask = (jnp.arange(nv) < v_l[i]).astype(jnp.float32)  # [NV]
        v_i = v_label[i]                                          # [NV]
        # neg role log-prob: log(1 - p(role)) clamped
        neg_role = jnp.log(jnp.clip(1.0 - jnp.exp(log_pa[i][v_i]), 1e-6, None))  # [NV, L, NL]
        neg_role = neg_role[:, None, :, :]                        # [NV, 1, L, NL]
        frame_pool_i = frame_pool[frame_idx[i][v_i]]              # [NV, NF, NL] (gather by lemma id)
        frame_pool_i = frame_pool_i[:, :, None, :].astype(jnp.float32)  # [NV, NF, 1, NL]
        frame_pred_i = log_frame[i][v_i]                          # [NV, NF]
        neg_role_mask = 1.0 - frame_pool_i
        neg_role = neg_role_mask * neg_role                       # [NV, NF, L, NL] broadcast
        m = jnp.min(jnp.min(neg_role, axis=-1), axis=-1)          # [NV, NF]
        loss_i = jnp.sum(slot_mask * jnp.sum(jax.nn.relu(frame_pred_i - m), axis=-1))
        loss = loss + loss_i
    normalizer = jnp.maximum(jnp.sum(v_l), 1).astype(jnp.float32)
    return loss / normalizer

if __name__ == "__main__":
    import jax
    _d = setup_inputs()
    print(jax.jit(kernel)(*tuple(_d.values())))

</pallas_src>

<mosaic_0001>
#map = affine_map<(d0, d1) -> (0, 0)>
#map1 = affine_map<(d0, d1) -> (0, 0, 0, 0)>
module attributes {stable_mosaic.version = 14 : i64} {
  func.func @_sc_gather_reduce(%arg0: i32, %arg1: i32, %arg2: memref<2048x5120xf32, #tpu.memory_space<hbm>>, %arg3: memref<5000x1280xi32, #tpu.memory_space<hbm>>, %arg4: memref<32x10xi32, #tpu.memory_space<hbm>>, %arg5: memref<32x10xi32, #tpu.memory_space<hbm>>, %arg6: memref<32x10x4x128xf32, #tpu.memory_space<hbm>>, %arg7: memref<32x10xi32, #tpu.memory_space<vmem>>, %arg8: memref<32x10xi32, #tpu.memory_space<vmem>>, %arg9: memref<8x5120xf32, #tpu.memory_space<vmem>>, %arg10: memref<2x5120xf32, #tpu.memory_space<vmem>>, %arg11: memref<8x1280xi32, #tpu.memory_space<vmem>>, %arg12: memref<2x1280xi32, #tpu.memory_space<vmem>>, %arg13: memref<10x4x128xf32, #tpu.memory_space<vmem>>, %arg14: memref<80xf32, #tpu.memory_space<vmem>>, %arg15: memref<64xf32, #tpu.memory_space<vmem>>, %arg16: memref<!tpu.dma_semaphore, #tpu.memory_space<semaphore_mem>>, %arg17: memref<!tpu.dma_semaphore, #tpu.memory_space<semaphore_mem>>) attributes {dimension_semantics = [#tpu.dimension_semantics<core_parallel>, #tpu.dimension_semantics<subcore_parallel>], iteration_bounds = array<i64: 2, 16>, scalar_prefetch = 0 : i64, scratch_operands = 11 : i64, tpu.core_type = #tpu.core_type<sc_vector_subcore>, window_params = [{transform_indices = #map}, {transform_indices = #map}, {transform_indices = #map}, {transform_indices = #map}, {transform_indices = #map1}]} {
    %mul3A = arith.constant 2 : i32
    %mul3A_0 = arith.muli %arg1, %mul3A : i32
    %add3A = arith.addi %mul3A_0, %arg0 : i32
    "tpu.region"() ({
      %run_scoped3A = tpu.sem_alloc : memref<!tpu.dma_semaphore, #tpu.memory_space<semaphore_mem>>
      tpu.enqueue_dma source(%arg4 : memref<32x10xi32, #tpu.memory_space<hbm>>) target(%arg7 : memref<32x10xi32, #tpu.memory_space<vmem>>) target_semaphore(%run_scoped3A : memref<!tpu.dma_semaphore, #tpu.memory_space<semaphore_mem>>)
      tpu.wait_dma2 semaphore(%run_scoped3A : memref<!tpu.dma_semaphore, #tpu.memory_space<semaphore_mem>>) src(%arg4 : memref<32x10xi32, #tpu.memory_space<hbm>>) dst(%arg7 : memref<32x10xi32, #tpu.memory_space<vmem>>)
      tpu.yield
    }) : () -> ()
    "tpu.region"() ({
      %run_scoped3A = tpu.sem_alloc : memref<!tpu.dma_semaphore, #tpu.memory_space<semaphore_mem>>
      tpu.enqueue_dma source(%arg5 : memref<32x10xi32, #tpu.memory_space<hbm>>) target(%arg8 : memref<32x10xi32, #tpu.memory_space<vmem>>) target_semaphore(%run_scoped3A : memref<!tpu.dma_semaphore, #tpu.memory_space<semaphore_mem>>)
      tpu.wait_dma2 semaphore(%run_scoped3A : memref<!tpu.dma_semaphore, #tpu.memory_space<semaphore_mem>>) src(%arg5 : memref<32x10xi32, #tpu.memory_space<hbm>>) dst(%arg8 : memref<32x10xi32, #tpu.memory_space<vmem>>)
      tpu.yield
    }) : () -> ()
    %dma_start3A = arith.constant 0 : i32
    %dma_start3A_1 = tpu.memref_slice %arg7[%add3A, %dma_start3A] : memref<32x10xi32, #tpu.memory_space<vmem>> -> memref<1x8xi32, #tpu.memory_space<vmem>>
    %dma_start3A_2 = tpu.memref_squeeze %dma_start3A_1 : memref<1x8xi32, #tpu.memory_space<vmem>> -> memref<8xi32, #tpu.memory_space<vmem>>
    %dma_start3A_3 = arith.constant 0 : i32
    %dma_start3A_4 = arith.constant 0 : i32
    %dma_start3A_5 = tpu.memref_slice %arg2[%dma_start3A_3, %dma_start3A_4] : memref<2048x5120xf32, #tpu.memory_space<hbm>> -> memref<2048x5120xf32, #tpu.memory_space<hbm>>
    tpu.enqueue_indirect_dma source(%dma_start3A_5 : memref<2048x5120xf32, #tpu.memory_space<hbm>>) target(%arg9 : memref<8x5120xf32, #tpu.memory_space<vmem>>) offsets(%dma_start3A_2 : memref<8xi32, #tpu.memory_space<vmem>>) semaphore(%arg16 : memref<!tpu.dma_semaphore, #tpu.memory_space<semaphore_mem>>)
    %dma_start3A_6 = arith.constant 8 : i32
    %dma_start3A_7 = tpu.memref_slice %arg7[%add3A, %dma_start3A_6] : memref<32x10xi32, #tpu.memory_space<vmem>> -> memref<1x2xi32, #tpu.memory_space<vmem>>
    %dma_start3A_8 = tpu.memref_squeeze %dma_start3A_7 : memref<1x2xi32, #tpu.memory_space<vmem>> -> memref<2xi32, #tpu.memory_space<vmem>>
    %dma_start3A_9 = arith.constant 0 : i32
    %dma_start3A_10 = arith.constant 0 : i32
    %dma_start3A_11 = tpu.memref_slice %arg2[%dma_start3A_9, %dma_start3A_10] : memref<2048x5120xf32, #tpu.memory_space<hbm>> -> memref<2048x5120xf32, #tpu.memory_space<hbm>>
    tpu.enqueue_indirect_dma source(%dma_start3A_11 : memref<2048x5120xf32, #tpu.memory_space<hbm>>) target(%arg10 : memref<2x5120xf32, #tpu.memory_space<vmem>>) offsets(%dma_start3A_8 : memref<2xi32, #tpu.memory_space<vmem>>) semaphore(%arg16 : memref<!tpu.dma_semaphore, #tpu.memory_space<semaphore_mem>>)
    %dma_start3A_12 = arith.constant 0 : i32
    %dma_start3A_13 = tpu.memref_slice %arg8[%add3A, %dma_start3A_12] : memref<32x10xi32, #tpu.memory_space<vmem>> -> memref<1x8xi32, #tpu.memory_space<vmem>>
    %dma_start3A_14 = tpu.memref_squeeze %dma_start3A_13 : memref<1x8xi32, #tpu.memory_space<vmem>> -> memref<8xi32, #tpu.memory_space<vmem>>
    %dma_start3A_15 = arith.constant 0 : i32
    %dma_start3A_16 = arith.constant 0 : i32
    %dma_start3A_17 = tpu.memref_slice %arg3[%dma_start3A_15, %dma_start3A_16] : memref<5000x1280xi32, #tpu.memory_space<hbm>> -> memref<5000x1280xi32, #tpu.memory_space<hbm>>
    tpu.enqueue_indirect_dma source(%dma_start3A_17 : memref<5000x1280xi32, #tpu.memory_space<hbm>>) target(%arg11 : memref<8x1280xi32, #tpu.memory_space<vmem>>) offsets(%dma_start3A_14 : memref<8xi32, #tpu.memory_space<vmem>>) semaphore(%arg17 : memref<!tpu.dma_semaphore, #tpu.memory_space<semaphore_mem>>)
    %dma_start3A_18 = arith.constant 8 : i32
    %dma_start3A_19 = tpu.memref_slice %arg8[%add3A, %dma_start3A_18] : memref<32x10xi32, #tpu.memory_space<vmem>> -> memref<1x2xi32, #tpu.memory_space<vmem>>
    %dma_start3A_20 = tpu.memref_squeeze %dma_start3A_19 : memref<1x2xi32, #tpu.memory_space<vmem>> -> memref<2xi32, #tpu.memory_space<vmem>>
    %dma_start3A_21 = arith.constant 0 : i32
    %dma_start3A_22 = arith.constant 0 : i32
    %dma_start3A_23 = tpu.memref_slice %arg3[%dma_start3A_21, %dma_start3A_22] : memref<5000x1280xi32, #tpu.memory_space<hbm>> -> memref<5000x1280xi32, #tpu.memory_space<hbm>>
    tpu.enqueue_indirect_dma source(%dma_start3A_23 : memref<5000x1280xi32, #tpu.memory_space<hbm>>) target(%arg12 : memref<2x1280xi32, #tpu.memory_space<vmem>>) offsets(%dma_start3A_20 : memref<2xi32, #tpu.memory_space<vmem>>) semaphore(%arg17 : memref<!tpu.dma_semaphore, #tpu.memory_space<semaphore_mem>>)
    %dma_wait3A = arith.constant 0 : i32
    %dma_wait3A_24 = tpu.memref_slice %arg7[%add3A, %dma_wait3A] : memref<32x10xi32, #tpu.memory_space<vmem>> -> memref<1x8xi32, #tpu.memory_space<vmem>>
    %dma_wait3A_25 = tpu.memref_squeeze %dma_wait3A_24 : memref<1x8xi32, #tpu.memory_space<vmem>> -> memref<8xi32, #tpu.memory_space<vmem>>
    %dma_wait3A_26 = arith.constant 0 : i32
    %dma_wait3A_27 = arith.constant 0 : i32
    %dma_wait3A_28 = tpu.memref_slice %arg2[%dma_wait3A_26, %dma_wait3A_27] : memref<2048x5120xf32, #tpu.memory_space<hbm>> -> memref<2048x5120xf32, #tpu.memory_space<hbm>>
    tpu.wait_indirect_dma semaphore(%arg16 : memref<!tpu.dma_semaphore, #tpu.memory_space<semaphore_mem>>) src(%dma_wait3A_28 : memref<2048x5120xf32, #tpu.memory_space<hbm>>) dst(%arg9 : memref<8x5120xf32, #tpu.memory_space<vmem>>)
    %dma_wait3A_29 = arith.constant 8 : i32
    %dma_wait3A_30 = tpu.memref_slice %arg7[%add3A, %dma_wait3A_29] : memref<32x10xi32, #tpu.memory_space<vmem>> -> memref<1x2xi32, #tpu.memory_space<vmem>>
    %dma_wait3A_31 = tpu.memref_squeeze %dma_wait3A_30 : memref<1x2xi32, #tpu.memory_space<vmem>> -> memref<2xi32, #tpu.memory_space<vmem>>
    %dma_wait3A_32 = arith.constant 0 : i32
    %dma_wait3A_33 = arith.constant 0 : i32
    %dma_wait3A_34 = tpu.memref_slice %arg2[%dma_wait3A_32, %dma_wait3A_33] : memref<2048x5120xf32, #tpu.memory_space<hbm>> -> memref<2048x5120xf32, #tpu.memory_space<hbm>>
    tpu.wait_indirect_dma semaphore(%arg16 : memref<!tpu.dma_semaphore, #tpu.memory_space<semaphore_mem>>) src(%dma_wait3A_34 : memref<2048x5120xf32, #tpu.memory_space<hbm>>) dst(%arg10 : memref<2x5120xf32, #tpu.memory_space<vmem>>)
    %dma_wait3A_35 = arith.constant 0 : i32
    %dma_wait3A_36 = tpu.memref_slice %arg8[%add3A, %dma_wait3A_35] : memref<32x10xi32, #tpu.memory_space<vmem>> -> memref<1x8xi32, #tpu.memory_space<vmem>>
    %dma_wait3A_37 = tpu.memref_squeeze %dma_wait3A_36 : memref<1x8xi32, #tpu.memory_space<vmem>> -> memref<8xi32, #tpu.memory_space<vmem>>
    %dma_wait3A_38 = arith.constant 0 : i32
    %dma_wait3A_39 = arith.constant 0 : i32
    %dma_wait3A_40 = tpu.memref_slice %arg3[%dma_wait3A_38, %dma_wait3A_39] : memref<5000x1280xi32, #tpu.memory_space<hbm>> -> memref<5000x1280xi32, #tpu.memory_space<hbm>>
    tpu.wait_indirect_dma semaphore(%arg17 : memref<!tpu.dma_semaphore, #tpu.memory_space<semaphore_mem>>) src(%dma_wait3A_40 : memref<5000x1280xi32, #tpu.memory_space<hbm>>) dst(%arg11 : memref<8x1280xi32, #tpu.memory_space<vmem>>)
    %dma_wait3A_41 = arith.constant 8 : i32
    %dma_wait3A_42 = tpu.memref_slice %arg8[%add3A, %dma_wait3A_41] : memref<32x10xi32, #tpu.memory_space<vmem>> -> memref<1x2xi32, #tpu.memory_space<vmem>>
    %dma_wait3A_43 = tpu.memref_squeeze %dma_wait3A_42 : memref<1x2xi32, #tpu.memory_space<vmem>> -> memref<2xi32, #tpu.memory_space<vmem>>
    %dma_wait3A_44 = arith.constant 0 : i32
    %dma_wait3A_45 = arith.constant 0 : i32
    %dma_wait3A_46 = tpu.memref_slice %arg3[%dma_wait3A_44, %dma_wait3A_45] : memref<5000x1280xi32, #tpu.memory_space<hbm>> -> memref<5000x1280xi32, #tpu.memory_space<hbm>>
    tpu.wait_indirect_dma semaphore(%arg17 : memref<!tpu.dma_semaphore, #tpu.memory_space<semaphore_mem>>) src(%dma_wait3A_46 : memref<5000x1280xi32, #tpu.memory_space<hbm>>) dst(%arg12 : memref<2x1280xi32, #tpu.memory_space<vmem>>)
    %scan3A = arith.constant 0 : i32
    %scan3A_47 = arith.constant 0 : i32
    %scan3A_48 = arith.constant 8 : i32
    %scan3A_49 = arith.addi %scan3A_47, %scan3A_48 : i32
    %scan3A_50 = arith.constant 1 : i32
    scf.for %scan3A_58 = %scan3A_47 to %scan3A_49 step %scan3A_50  : i32 {
      %broadcast_in_dim3A = arith.constant -3.000000e+38 : f32
      %broadcast_in_dim3A_59 = vector.broadcast %broadcast_in_dim3A : f32 to vector<16xf32>
      %broadcast_in_dim3A_60 = arith.constant -3.000000e+38 : f32
      %broadcast_in_dim3A_61 = vector.broadcast %broadcast_in_dim3A_60 : f32 to vector<16xf32>
      %broadcast_in_dim3A_62 = arith.constant -3.000000e+38 : f32
      %broadcast_in_dim3A_63 = vector.broadcast %broadcast_in_dim3A_62 : f32 to vector<16xf32>
      %broadcast_in_dim3A_64 = arith.constant -3.000000e+38 : f32
      %broadcast_in_dim3A_65 = vector.broadcast %broadcast_in_dim3A_64 : f32 to vector<16xf32>
      %broadcast_in_dim3A_66 = arith.constant -3.000000e+38 : f32
      %broadcast_in_dim3A_67 = vector.broadcast %broadcast_in_dim3A_66 : f32 to vector<16xf32>
      %scan3A_68 = arith.constant 0 : i32
      %scan3A_69 = arith.constant 64 : i32
      %scan3A_70 = arith.addi %scan3A_68, %scan3A_69 : i32
      %scan3A_71 = arith.constant 1 : i32
      %scan3A_72:5 = scf.for %scan3A_1833 = %scan3A_68 to %scan3A_70 step %scan3A_71 iter_args(%scan3A_1834 = %broadcast_in_dim3A_59, %scan3A_1835 = %broadcast_in_dim3A_61, %scan3A_1836 = %broadcast_in_dim3A_63, %scan3A_1837 = %broadcast_in_dim3A_65, %scan3A_1838 = %broadcast_in_dim3A_67) -> (vector<16xf32>, vector<16xf32>, vector<16xf32>, vector<16xf32>, vector<16xf32>)  : i32 {
        %mul3A_1839 = arith.constant 80 : i32
        %mul3A_1840 = arith.muli %scan3A_1833, %mul3A_1839 : i32
        %multiple_of3A = tpu.assume_multiple %mul3A_1840, 16 : i32
        %add3A_1841 = arith.constant 0 : i32
        %add3A_1842 = arith.addi %multiple_of3A, %add3A_1841 : i32
        %get3A_1843 = arith.index_cast %scan3A_58 : i32 to index
        %get3A_1844 = arith.index_cast %add3A_1842 : i32 to index
        %get3A_1845 = tpu.vector_load %arg9[%get3A_1843, %get3A_1844] {strides = array<i32>} : memref<8x5120xf32, #tpu.memory_space<vmem>>, vector<1x16xf32>,
        %get3A_1846 = vector.shape_cast %get3A_1845 : vector<1x16xf32> to vector<16xf32>
        %max3A_1847 = arith.maximumf %scan3A_1834, %get3A_1846 : vector<16xf32>
        %add3A_1848 = arith.constant 16 : i32
        %add3A_1849 = arith.addi %multiple_of3A, %add3A_1848 : i32
        %get3A_1850 = arith.index_cast %scan3A_58 : i32 to index
        %get3A_1851 = arith.index_cast %add3A_1849 : i32 to index
        %get3A_1852 = tpu.vector_load %arg9[%get3A_1850, %get3A_1851] {strides = array<i32>} : memref<8x5120xf32, #tpu.memory_space<vmem>>, vector<1x16xf32>,
        %get3A_1853 = vector.shape_cast %get3A_1852 : vector<1x16xf32> to vector<16xf32>
        %max3A_1854 = arith.maximumf %scan3A_1835, %get3A_1853 : vector<16xf32>
        %add3A_1855 = arith.constant 32 : i32
        %add3A_1856 = arith.addi %multiple_of3A, %add3A_1855 : i32
        %get3A_1857 = arith.index_cast %scan3A_58 : i32 to index
        %get3A_1858 = arith.index_cast %add3A_1856 : i32 to index
        %get3A_1859 = tpu.vector_load %arg9[%get3A_1857, %get3A_1858] {strides = array<i32>} : memref<8x5120xf32, #tpu.memory_space<vmem>>, vector<1x16xf32>,
        %get3A_1860 = vector.shape_cast %get3A_1859 : vector<1x16xf32> to vector<16xf32>
        %max3A_1861 = arith.maximumf %scan3A_1836, %get3A_1860 : vector<16xf32>
        %add3A_1862 = arith.constant 48 : i32
        %add3A_1863 = arith.addi %multiple_of3A, %add3A_1862 : i32
        %get3A_1864 = arith.index_cast %scan3A_58 : i32 to index
        %get3A_1865 = arith.index_cast %add3A_1863 : i32 to index
        %get3A_1866 = tpu.vector_load %arg9[%get3A_1864, %get3A_1865] {strides = array<i32>} : memref<8x5120xf32, #tpu.memory_space<vmem>>, vector<1x16xf32>,
        %get3A_1867 = vector.shape_cast %get3A_1866 : vector<1x16xf32> to vector<16xf32>
        %max3A_1868 = arith.maximumf %scan3A_1837, %get3A_1867 : vector<16xf32>
        %add3A_1869 = arith.constant 64 : i32
        %add3A_1870 = arith.addi %multiple_of3A, %add3A_1869 : i32
        %get3A_1871 = arith.index_cast %scan3A_58 : i32 to index
        %get3A_1872 = arith.index_cast %add3A_1870 : i32 to index
        %get3A_1873 = tpu.vector_load %arg9[%get3A_1871, %get3A_1872] {strides = array<i32>} : memref<8x5120xf32, #tpu.memory_space<vmem>>, vector<1x16xf32>,
        %get3A_1874 = vector.shape_cast %get3A_1873 : vector<1x16xf32> to vector<16xf32>
        %max3A_1875 = arith.maximumf %scan3A_1838, %get3A_1874 : vector<16xf32>
        scf.yield %max3A_1847, %max3A_1854, %max3A_1861, %max3A_1868, %max3A_1875 : vector<16xf32>, vector<16xf32>, vector<16xf32>, vector<16xf32>, vector<16xf32>
      }
      %scan3A_73 = arith.constant 64 : i32
      %swap3A = arith.constant 0 : index
      %swap3A_74 = tpu.vector_load %arg14[%swap3A] {strides = array<i32>} : memref<80xf32, #tpu.memory_space<vmem>>, vector<16xf32>,
      %swap3A_75 = vector.shape_cast %swap3A_74 : vector<16xf32> to vector<16xf32>
      %swap3A_76 = vector.shape_cast %scan3A_72#0 : vector<16xf32> to vector<16xf32>
      tpu.vector_store %arg14[%swap3A], %swap3A_76 {strides = array<i32>} : memref<80xf32, #tpu.memory_space<vmem>>, vector<16xf32>,
      %swap3A_77 = arith.constant 16 : index
      %swap3A_78 = tpu.vector_load %arg14[%swap3A_77] {strides = array<i32>} : memref<80xf32, #tpu.memory_space<vmem>>, vector<16xf32>,
      %swap3A_79 = vector.shape_cast %swap3A_78 : vector<16xf32> to vector<16xf32>
      %swap3A_80 = vector.shape_cast %scan3A_72#1 : vector<16xf32> to vector<16xf32>
      tpu.vector_store %arg14[%swap3A_77], %swap3A_80 {strides = array<i32>} : memref<80xf32, #tpu.memory_space<vmem>>, vector<16xf32>,
      %swap3A_81 = arith.constant 32 : index
      %swap3A_82 = tpu.vector_load %arg14[%swap3A_81] {strides = array<i32>} : memref<80xf32, #tpu.memory_space<vmem>>, vector<16xf32>,
      %swap3A_83 = vector.shape_cast %swap3A_82 : vector<16xf32> to vector<16xf32>
      %swap3A_84 = vector.shape_cast %scan3A_72#2 : vector<16xf32> to vector<16xf32>
      tpu.vector_store %arg14[%swap3A_81], %swap3A_84 {strides = array<i32>} : memref<80xf32, #tpu.memory_space<vmem>>, vector<16xf32>,
      %swap3A_85 = arith.constant 48 : index
      %swap3A_86 = tpu.vector_load %arg14[%swap3A_85] {strides = array<i32>} : memref<80xf32, #tpu.memory_space<vmem>>, vector<16xf32>,
      %swap3A_87 = vector.shape_cast %swap3A_86 : vector<16xf32> to vector<16xf32>
      %swap3A_88 = vector.shape_cast %scan3A_72#3 : vector<16xf32> to vector<16xf32>
      tpu.vector_store %arg14[%swap3A_85], %swap3A_88 {strides = array<i32>} : memref<80xf32, #tpu.memory_space<vmem>>, vector<16xf32>,
      %swap3A_89 = arith.constant 64 : index
      %swap3A_90 = tpu.vector_load %arg14[%swap3A_89] {strides = array<i32>} : memref<80xf32, #tpu.memory_space<vmem>>, vector<16xf32>,
      %swap3A_91 = vector.shape_cast %swap3A_90 : vector<16xf32> to vector<16xf32>
      %swap3A_92 = vector.shape_cast %scan3A_72#4 : vector<16xf32> to vector<16xf32>
      tpu.vector_store %arg14[%swap3A_89], %swap3A_92 {strides = array<i32>} : memref<80xf32, #tpu.memory_space<vmem>>, vector<16xf32>,
      %get3A = arith.constant 0 : index
      %get3A_93 = tpu.vector_load %arg14[%get3A] {strides = array<i32>} : memref<80xf32, #tpu.memory_space<vmem>>, vector<16xf32>,
      %get3A_94 = vector.shape_cast %get3A_93 : vector<16xf32> to vector<16xf32>
      %get3A_95 = arith.constant 40 : index
      %get3A_96 = tpu.vector_load %arg14[%get3A_95] {strides = array<i32>} : memref<80xf32, #tpu.memory_space<vmem>>, vector<16xf32>,
      %get3A_97 = vector.shape_cast %get3A_96 : vector<16xf32> to vector<16xf32>
      %max3A = arith.maximumf %get3A_94, %get3A_97 : vector<16xf32>
      %get3A_98 = arith.constant 16 : index
      %get3A_99 = tpu.vector_load %arg14[%get3A_98] {strides = array<i32>} : memref<80xf32, #tpu.memory_space<vmem>>, vector<16xf32>,
      %get3A_100 = vector.shape_cast %get3A_99 : vector<16xf32> to vector<16xf32>
      %get3A_101 = arith.constant 56 : index
      %get3A_102 = tpu.vector_load %arg14[%get3A_101] {strides = array<i32>} : memref<80xf32, #tpu.memory_space<vmem>>, vector<16xf32>,
      %get3A_103 = vector.shape_cast %get3A_102 : vector<16xf32> to vector<16xf32>
      %max3A_104 = arith.maximumf %get3A_100, %get3A_103 : vector<16xf32>
      %get3A_105 = arith.constant 24 : index
      %get3A_106 = tpu.vector_load %arg14[%get3A_105] {strides = array<i32>} : memref<80xf32, #tpu.memory_space<vmem>>, vector<16xf32>,
      %get3A_107 = vector.shape_cast %get3A_106 : vector<16xf32> to vector<16xf32>
      %get3A_108 = arith.constant 64 : index
      %get3A_109 = tpu.vector_load %arg14[%get3A_108] {strides = array<i32>} : memref<80xf32, #tpu.memory_space<vmem>>, vector<16xf32>,
      %get3A_110 = vector.shape_cast %get3A_109 : vector<16xf32> to vector<16xf32>
      %max3A_111 = arith.maximumf %get3A_107, %get3A_110 : vector<16xf32>
      %broadcast_in_dim3A_112 = arith.constant 1.000000e+00 : f32
      %broadcast_in_dim3A_113 = vector.broadcast %broadcast_in_dim3A_112 : f32 to vector<16xf32>
      %swap3A_114 = arith.constant 0 : index
      %swap3A_115 = tpu.vector_load %arg15[%swap3A_114] {strides = array<i32>} : memref<64xf32, #tpu.memory_space<vmem>>, vector<16xf32>,
      %swap3A_116 = vector.shape_cast %swap3A_115 : vector<16xf32> to vector<16xf32>
      %swap3A_117 = vector.shape_cast %broadcast_in_dim3A_113 : vector<16xf32> to vector<16xf32>
      tpu.vector_store %arg15[%swap3A_114], %swap3A_117 {strides = array<i32>} : memref<64xf32, #tpu.memory_space<vmem>>, vector<16xf32>,
      %swap3A_118 = arith.constant 48 : index
      %swap3A_119 = tpu.vector_load %arg15[%swap3A_118] {strides = array<i32>} : memref<64xf32, #tpu.memory_space<vmem>>, vector<16xf32>,
      %swap3A_120 = vector.shape_cast %swap3A_119 : vector<16xf32> to vector<16xf32>
      %swap3A_121 = vector.shape_cast %broadcast_in_dim3A_113 : vector<16xf32> to vector<16xf32>
      tpu.vector_store %arg15[%swap3A_118], %swap3A_121 {strides = array<i32>} : memref<64xf32, #tpu.memory_space<vmem>>, vector<16xf32>,
      %exp3A = math.exp %max3A : vector<16xf32>
      %sub3A = arith.constant 1.000000e+00 : f32
      %sub3A_122 = vector.broadcast %sub3A : f32 to vector<16xf32>
      %sub3A_123 = arith.subf %sub3A_122, %exp3A : vector<16xf32>
      %max3A_124 = arith.constant 9.99999997E-7 : f32
      %max3A_125 = vector.broadcast %max3A_124 : f32 to vector<16xf32>
      %max3A_126 = arith.maximumf %sub3A_123, %max3A_125 : vector<16xf32>
      %swap3A_127 = arith.constant 8 : index
      %swap3A_128 = tpu.vector_load %arg15[%swap3A_127] {strides = array<i32>} : memref<64xf32, #tpu.memory_space<vmem>>, vector<16xf32>,
      %swap3A_129 = vector.shape_cast %swap3A_128 : vector<16xf32> to vector<16xf32>
      %swap3A_130 = vector.shape_cast %max3A_126 : vector<16xf32> to vector<16xf32>
      tpu.vector_store %arg15[%swap3A_127], %swap3A_130 {strides = array<i32>} : memref<64xf32, #tpu.memory_space<vmem>>, vector<16xf32>,
      %exp3A_131 = math.exp %max3A_104 : vector<16xf32>
      %sub3A_132 = arith.constant 1.000000e+00 : f32
      %sub3A_133 = vector.broadcast %sub3A_132 : f32 to vector<16xf32>
      %sub3A_134 = arith.subf %sub3A_133, %exp3A_131 : vector<16xf32>
      %max3A_135 = arith.constant 9.99999997E-7 : f32
      %max3A_136 = vector.broadcast %max3A_135 : f32 to vector<16xf32>
      %max3A_137 = arith.maximumf %sub3A_134, %max3A_136 : vector<16xf32>
      %swap3A_138 = arith.constant 24 : index
      %swap3A_139 = tpu.vector_load %arg15[%swap3A_138] {strides = array<i32>} : memref<64xf32, #tpu.memory_space<vmem>>, vector<16xf32>,
      %swap3A_140 = vector.shape_cast %swap3A_139 : vector<16xf32> to vector<16xf32>
      %swap3A_141 = vector.shape_cast %max3A_137 : vector<16xf32> to vector<16xf32>
      tpu.vector_store %arg15[%swap3A_138], %swap3A_141 {strides = array<i32>} : memref<64xf32, #tpu.memory_space<vmem>>, vector<16xf32>,
      %exp3A_142 = math.exp %max3A_111 : vector<16xf32>
      %sub3A_143 = arith.constant 1.000000e+00 : f32
      %sub3A_144 = vector.broadcast %sub3A_143 : f32 to vector<16xf32>
      %sub3A_145 = arith.subf %sub3A_144, %exp3A_142 : vector<16xf32>
      %max3A_146 = arith.constant 9.99999997E-7 : f32
      %max3A_147 = vector.broadcast %max3A_146 : f32 to vector<16xf32>
      %max3A_148 = arith.maximumf %sub3A_145, %max3A_147 : vector<16xf32>
      %swap3A_149 = arith.constant 32 : index
      %swap3A_150 = tpu.vector_load %arg15[%swap3A_149] {strides = array<i32>} : memref<64xf32, #tpu.memory_space<vmem>>, vector<16xf32>,
      %swap3A_151 = vector.shape_cast %swap3A_150 : vector<16xf32> to vector<16xf32>
      %swap3A_152 = vector.shape_cast %max3A_148 : vector<16xf32> to vector<16xf32>
      tpu.vector_store %arg15[%swap3A_149], %swap3A_152 {strides = array<i32>} : memref<64xf32, #tpu.memory_space<vmem>>, vector<16xf32>,
      %get3A_153 = arith.constant 8 : index
      %get3A_154 = tpu.vector_load %arg15[%get3A_153] {strides = array<i32>} : memref<64xf32, #tpu.memory_space<vmem>>, vector<16xf32>,
      %get3A_155 = vector.shape_cast %get3A_154 : vector<16xf32> to vector<16xf32>
      %get3A_156 = arith.index_cast %scan3A_58 : i32 to index
      %get3A_157 = arith.constant 0 : index
      %get3A_158 = tpu.vector_load %arg11[%get3A_156, %get3A_157] {strides = array<i32>} : memref<8x1280xi32, #tpu.memory_space<vmem>>, vector<1x16xi32>,
      %get3A_159 = vector.shape_cast %get3A_158 : vector<1x16xi32> to vector<16xi32>
      %eq3A = arith.constant 0 : i32
      %eq3A_160 = vector.broadcast %eq3A : i32 to vector<16xi32>
      %eq3A_161 = arith.cmpi eq, %get3A_159, %eq3A_160 : vector<16xi32>
      %jit3A = arith.constant 1.000000e+00 : f32
      %broadcast_in_dim3A_162 = vector.broadcast %jit3A : f32 to vector<16xf32>
      %select_n3A = arith.select %eq3A_161, %get3A_155, %broadcast_in_dim3A_162 : vector<16xi1>, vector<16xf32>
      %get3A_163 = arith.constant 24 : index
      %get3A_164 = tpu.vector_load %arg15[%get3A_163] {strides = array<i32>} : memref<64xf32, #tpu.memory_space<vmem>>, vector<16xf32>,
      %get3A_165 = vector.shape_cast %get3A_164 : vector<16xf32> to vector<16xf32>
      %get3A_166 = arith.index_cast %scan3A_58 : i32 to index
      %get3A_167 = arith.constant 16 : index
      %get3A_168 = tpu.vector_load %arg11[%get3A_166, %get3A_167] {strides = array<i32>} : memref<8x1280xi32, #tpu.memory_space<vmem>>, vector<1x16xi32>,
      %get3A_169 = vector.shape_cast %get3A_168 : vector<1x16xi32> to vector<16xi32>
      %eq3A_170 = arith.constant 0 : i32
      %eq3A_171 = vector.broadcast %eq3A_170 : i32 to vector<16xi32>
      %eq3A_172 = arith.cmpi eq, %get3A_169, %eq3A_171 : vector<16xi32>
      %jit3A_173 = arith.constant 1.000000e+00 : f32
      %broadcast_in_dim3A_174 = vector.broadcast %jit3A_173 : f32 to vector<16xf32>
      %select_n3A_175 = arith.select %eq3A_172, %get3A_165, %broadcast_in_dim3A_174 : vector<16xi1>, vector<16xf32>
      %min3A = arith.minimumf %select_n3A, %select_n3A_175 : vector<16xf32>
      %get3A_176 = arith.constant 32 : index
      %get3A_177 = tpu.vector_load %arg15[%get3A_176] {strides = array<i32>} : memref<64xf32, #tpu.memory_space<vmem>>, vector<16xf32>,
      %get3A_178 = vector.shape_cast %get3A_177 : vector<16xf32> to vector<16xf32>
      %get3A_179 = arith.index_cast %scan3A_58 : i32 to index
      %get3A_180 = arith.constant 24 : index
      %get3A_181 = tpu.vector_load %arg11[%get3A_179, %get3A_180] {strides = array<i32>} : memref<8x1280xi32, #tpu.memory_space<vmem>>, vector<1x16xi32>,
      %get3A_182 = vector.shape_cast %get3A_181 : vector<1x16xi32> to vector<16xi32>
      %eq3A_183 = arith.constant 0 : i32
      %eq3A_184 = vector.broadcast %eq3A_183 : i32 to vector<16xi32>
      %eq3A_185 = arith.cmpi eq, %get3A_182, %eq3A_184 : vector<16xi32>
      %jit3A_186 = arith.constant 1.000000e+00 : f32
      %broadcast_in_dim3A_187 = vector.broadcast %jit3A_186 : f32 to vector<16xf32>
      %select_n3A_188 = arith.select %eq3A_185, %get3A_178, %broadcast_in_dim3A_187 : vector<16xi1>, vector<16xf32>
      %min3A_189 = arith.minimumf %min3A, %select_n3A_188 : vector<16xf32>
      %add3A_190 = arith.constant 0 : i32
      %add3A_191 = arith.addi %add3A_190, %scan3A_58 : i32
      %swap3A_192 = arith.constant 0 : i32
      %swap3A_193 = arith.index_cast %add3A_191 : i32 to index
      %swap3A_194 = arith.index_cast %swap3A_192 : i32 to index
      %swap3A_195 = arith.constant 0 : index
      %swap3A_196 = tpu.vector_load %arg13[%swap3A_193, %swap3A_194, %swap3A_195] {strides = array<i32>} : memref<10x4x128xf32, #tpu.memory_space<vmem>>, vector<1x1x16xf32>,
      %swap3A_197 = vector.shape_cast %swap3A_196 : vector<1x1x16xf32> to vector<16xf32>
      %swap3A_198 = vector.shape_cast %min3A_189 : vector<16xf32> to vector<1x1x16xf32>
      tpu.vector_store %arg13[%swap3A_193, %swap3A_194, %swap3A_195], %swap3A_198 {strides = array<i32>} : memref<10x4x128xf32, #tpu.memory_space<vmem>>, vector<1x1x16xf32>,
      %get3A_199 = arith.constant 8 : index
      %get3A_200 = tpu.vector_load %arg15[%get3A_199] {strides = array<i32>} : memref<64xf32, #tpu.memory_space<vmem>>, vector<16xf32>,
      %get3A_201 = vector.shape_cast %get3A_200 : vector<16xf32> to vector<16xf32>
      %get3A_202 = arith.index_cast %scan3A_58 : i32 to index
      %get3A_203 = arith.constant 40 : index
      %get3A_204 = tpu.vector_load %arg11[%get3A_202, %get3A_203] {strides = array<i32>} : memref<8x1280xi32, #tpu.memory_space<vmem>>, vector<1x16xi32>,
      %get3A_205 = vector.shape_cast %get3A_204 : vector<1x16xi32> to vector<16xi32>
      %eq3A_206 = arith.constant 0 : i32
      %eq3A_207 = vector.broadcast %eq3A_206 : i32 to vector<16xi32>
      %eq3A_208 = arith.cmpi eq, %get3A_205, %eq3A_207 : vector<16xi32>
      %jit3A_209 = arith.constant 1.000000e+00 : f32
      %broadcast_in_dim3A_210 = vector.broadcast %jit3A_209 : f32 to vector<16xf32>
      %select_n3A_211 = arith.select %eq3A_208, %get3A_201, %broadcast_in_dim3A_210 : vector<16xi1>, vector<16xf32>
      %get3A_212 = arith.constant 24 : index
      %get3A_213 = tpu.vector_load %arg15[%get3A_212] {strides = array<i32>} : memref<64xf32, #tpu.memory_space<vmem>>, vector<16xf32>,
      %get3A_214 = vector.shape_cast %get3A_213 : vector<16xf32> to vector<16xf32>
      %get3A_215 = arith.index_cast %scan3A_58 : i32 to index
      %get3A_216 = arith.constant 56 : index
      %get3A_217 = tpu.vector_load %arg11[%get3A_215, %get3A_216] {strides = array<i32>} : memref<8x1280xi32, #tpu.memory_space<vmem>>, vector<1x16xi32>,
      %get3A_218 = vector.shape_cast %get3A_217 : vector<1x16xi32> to vector<16xi32>
      %eq3A_219 = arith.constant 0 : i32
      %eq3A_220 = vector.broadcast %eq3A_219 : i32 to vector<16xi32>
      %eq3A_221 = arith.cmpi eq, %get3A_218, %eq3A_220 : vector<16xi32>
      %jit3A_222 = arith.constant 1.000000e+00 : f32
      %broadcast_in_dim3A_223 = vector.broadcast %jit3A_222 : f32 to vector<16xf32>
      %select_n3A_224 = arith.select %eq3A_221, %get3A_214, %broadcast_in_dim3A_223 : vector<16xi1>, vector<16xf32>
      %min3A_225 = arith.minimumf %select_n3A_211, %select_n3A_224 : vector<16xf32>
      %get3A_226 = arith.constant 32 : index
      %get3A_227 = tpu.vector_load %arg15[%get3A_226] {strides = array<i32>} : memref<64xf32, #tpu.memory_space<vmem>>, vector<16xf32>,
      %get3A_228 = vector.shape_cast %get3A_227 : vector<16xf32> to vector<16xf32>
      %get3A_229 = arith.index_cast %scan3A_58 : i32 to index
      %get3A_230 = arith.constant 64 : index
      %get3A_231 = tpu.vector_load %arg11[%get3A_229, %get3A_230] {strides = array<i32>} : memref<8x1280xi32, #tpu.memory_space<vmem>>, vector<1x16xi32>,
      %get3A_232 = vector.shape_cast %get3A_231 : vector<1x16xi32> to vector<16xi32>
      %eq3A_233 = arith.constant 0 : i32
      %eq3A_234 = vector.broadcast %eq3A_233 : i32 to vector<16xi32>
      %eq3A_235 = arith.cmpi eq, %get3A_232, %eq3A_234 : vector<16xi32>
      %jit3A_236 = arith.constant 1.000000e+00 : f32
      %broadcast_in_dim3A_237 = vector.broadcast %jit3A_236 : f32 to vector<16xf32>
      %select_n3A_238 = arith.select %eq3A_235, %get3A_228, %broadcast_in_dim3A_237 : vector<16xi1>, vector<16xf32>
      %min3A_239 = arith.minimumf %min3A_225, %select_n3A_238 : vector<16xf32>
      %add3A_240 = arith.constant 0 : i32
      %add3A_241 = arith.addi %add3A_240, %scan3A_58 : i32
      %swap3A_242 = arith.constant 0 : i32
      %swap3A_243 = arith.index_cast %add3A_241 : i32 to index
      %swap3A_244 = arith.index_cast %swap3A_242 : i32 to index
      %swap3A_245 = arith.constant 16 : index
      %swap3A_246 = tpu.vector_load %arg13[%swap3A_243, %swap3A_244, %swap3A_245] {strides = array<i32>} : memref<10x4x128xf32, #tpu.memory_space<vmem>>, vector<1x1x16xf32>,
      %swap3A_247 = vector.shape_cast %swap3A_246 : vector<1x1x16xf32> to vector<16xf32>
      %swap3A_248 = vector.shape_cast %min3A_239 : vector<16xf32> to vector<1x1x16xf32>
      tpu.vector_store %arg13[%swap3A_243, %swap3A_244, %swap3A_245], %swap3A_248 {strides = array<i32>} : memref<10x4x128xf32, #tpu.memory_space<vmem>>, vector<1x1x16xf32>,
      %get3A_249 = arith.constant 8 : index
      %get3A_250 = tpu.vector_load %arg15[%get3A_249] {strides = array<i32>} : memref<64xf32, #tpu.memory_space<vmem>>, vector<16xf32>,
      %get3A_251 = vector.shape_cast %get3A_250 : vector<16xf32> to vector<16xf32>
      %get3A_252 = arith.index_cast %scan3A_58 : i32 to index
      %get3A_253 = arith.constant 80 : index
      %get3A_254 = tpu.vector_load %arg11[%get3A_252, %get3A_253] {strides = array<i32>} : memref<8x1280xi32, #tpu.memory_space<vmem>>, vector<1x16xi32>,
      %get3A_255 = vector.shape_cast %get3A_254 : vector<1x16xi32> to vector<16xi32>
      %eq3A_256 = arith.constant 0 : i32
      %eq3A_257 = vector.broadcast %eq3A_256 : i32 to vector<16xi32>
      %eq3A_258 = arith.cmpi eq, %get3A_255, %eq3A_257 : vector<16xi32>
      %jit3A_259 = arith.constant 1.000000e+00 : f32
      %broadcast_in_dim3A_260 = vector.broadcast %jit3A_259 : f32 to vector<16xf32>
      %select_n3A_261 = arith.select %eq3A_258, %get3A_251, %broadcast_in_dim3A_260 : vector<16xi1>, vector<16xf32>
      %get3A_262 = arith.constant 24 : index
      %get3A_263 = tpu.vector_load %arg15[%get3A_262] {strides = array<i32>} : memref<64xf32, #tpu.memory_space<vmem>>, vector<16xf32>,
      %get3A_264 = vector.shape_cast %get3A_263 : vector<16xf32> to vector<16xf32>
      %get3A_265 = arith.index_cast %scan3A_58 : i32 to index
      %get3A_266 = arith.constant 96 : index
      %get3A_267 = tpu.vector_load %arg11[%get3A_265, %get3A_266] {strides = array<i32>} : memref<8x1280xi32, #tpu.memory_space<vmem>>, vector<1x16xi32>,
      %get3A_268 = vector.shape_cast %get3A_267 : vector<1x16xi32> to vector<16xi32>
      %eq3A_269 = arith.constant 0 : i32
      %eq3A_270 = vector.broadcast %eq3A_269 : i32 to vector<16xi32>
      %eq3A_271 = arith.cmpi eq, %get3A_268, %eq3A_270 : vector<16xi32>
      %jit3A_272 = arith.constant 1.000000e+00 : f32
      %broadcast_in_dim3A_273 = vector.broadcast %jit3A_272 : f32 to vector<16xf32>
      %select_n3A_274 = arith.select %eq3A_271, %get3A_264, %broadcast_in_dim3A_273 : vector<16xi1>, vector<16xf32>
      %min3A_275 = arith.minimumf %select_n3A_261, %select_n3A_274 : vector<16xf32>
      %get3A_276 = arith.constant 32 : index
      %get3A_277 = tpu.vector_load %arg15[%get3A_276] {strides = array<i32>} : memref<64xf32, #tpu.memory_space<vmem>>, vector<16xf32>,
      %get3A_278 = vector.shape_cast %get3A_277 : vector<16xf32> to vector<16xf32>
      %get3A_279 = arith.index_cast %scan3A_58 : i32 to index
      %get3A_280 = arith.constant 104 : index
      %get3A_281 = tpu.vector_load %arg11[%get3A_279, %get3A_280] {strides = array<i32>} : memref<8x1280xi32, #tpu.memory_space<vmem>>, vector<1x16xi32>,
      %get3A_282 = vector.shape_cast %get3A_281 : vector<1x16xi32> to vector<16xi32>
      %eq3A_283 = arith.constant 0 : i32
      %eq3A_284 = vector.broadcast %eq3A_283 : i32 to vector<16xi32>
      %eq3A_285 = arith.cmpi eq, %get3A_282, %eq3A_284 : vector<16xi32>
      %jit3A_286 = arith.constant 1.000000e+00 : f32
      %broadcast_in_dim3A_287 = vector.broadcast %jit3A_286 : f32 to vector<16xf32>
      %select_n3A_288 = arith.select %eq3A_285, %get3A_278, %broadcast_in_dim3A_287 : vector<16xi1>, vector<16xf32>
      %min3A_289 = arith.minimumf %min3A_275, %select_n3A_288 : vector<16xf32>
      %add3A_290 = arith.constant 0 : i32
      %add3A_291 = arith.addi %add3A_290, %scan3A_58 : i32
      %swap3A_292 = arith.constant 0 : i32
      %swap3A_293 = arith.index_cast %add3A_291 : i32 to index
      %swap3A_294 = arith.index_cast %swap3A_292 : i32 to index
      %swap3A_295 = arith.constant 32 : index
      %swap3A_296 = tpu.vector_load %arg13[%swap3A_293, %swap3A_294, %swap3A_295] {strides = array<i32>} : memref<10x4x128xf32, #tpu.memory_space<vmem>>, vector<1x1x16xf32>,
      %swap3A_297 = vector.shape_cast %swap3A_296 : vector<1x1x16xf32> to vector<16xf32>
      %swap3A_298 = vector.shape_cast %min3A_289 : vector<16xf32> to vector<1x1x16xf32>
      tpu.vector_store %arg13[%swap3A_293, %swap3A_294, %swap3A_295], %swap3A_298 {strides = array<i32>} : memref<10x4x128xf32, #tpu.memory_space<vmem>>, vector<1x1x16xf32>,
      %get3A_299 = arith.constant 0 : index
      %get3A_300 = tpu.vector_load %arg15[%get3A_299] {strides = array<i32>} : memref<64xf32, #tpu.memory_space<vmem>>, vector<16xf32>,
      %get3A_301 = vector.shape_cast %get3A_300 : vector<16xf32> to vector<16xf32>
      %get3A_302 = arith.index_cast %scan3A_58 : i32 to index
      %get3A_303 = arith.constant 112 : index
      %get3A_304 = tpu.vector_load %arg11[%get3A_302, %get3A_303] {strides = array<i32>} : memref<8x1280xi32, #tpu.memory_space<vmem>>, vector<1x16xi32>,
      %get3A_305 = vector.shape_cast %get3A_304 : vector<1x16xi32> to vector<16xi32>
      %eq3A_306 = arith.constant 0 : i32
      %eq3A_307 = vector.broadcast %eq3A_306 : i32 to vector<16xi32>
      %eq3A_308 = arith.cmpi eq, %get3A_305, %eq3A_307 : vector<16xi32>
      %jit3A_309 = arith.constant 1.000000e+00 : f32
      %broadcast_in_dim3A_310 = vector.broadcast %jit3A_309 : f32 to vector<16xf32>
      %select_n3A_311 = arith.select %eq3A_308, %get3A_301, %broadcast_in_dim3A_310 : vector<16xi1>, vector<16xf32>
      %get3A_312 = arith.constant 16 : index
      %get3A_313 = tpu.vector_load %arg15[%get3A_312] {strides = array<i32>} : memref<64xf32, #tpu.memory_space<vmem>>, vector<16xf32>,
      %get3A_314 = vector.shape_cast %get3A_313 : vector<16xf32> to vector<16xf32>
      %get3A_315 = arith.index_cast %scan3A_58 : i32 to index
      %get3A_316 = arith.constant 128 : index
      %get3A_317 = tpu.vector_load %arg11[%get3A_315, %get3A_316] {strides = array<i32>} : memref<8x1280xi32, #tpu.memory_space<vmem>>, vector<1x16xi32>,
      %get3A_318 = vector.shape_cast %get3A_317 : vector<1x16xi32> to vector<16xi32>
      %eq3A_319 = arith.constant 0 : i32
      %eq3A_320 = vector.broadcast %eq3A_319 : i32 to vector<16xi32>
      %eq3A_321 = arith.cmpi eq, %get3A_318, %eq3A_320 : vector<16xi32>
      %jit3A_322 = arith.constant 1.000000e+00 : f32
      %broadcast_in_dim3A_323 = vector.broadcast %jit3A_322 : f32 to vector<16xf32>
      %select_n3A_324 = arith.select %eq3A_321, %get3A_314, %broadcast_in_dim3A_323 : vector<16xi1>, vector<16xf32>
      %min3A_325 = arith.minimumf %select_n3A_311, %select_n3A_324 : vector<16xf32>
      %get3A_326 = arith.constant 24 : index
      %get3A_327 = tpu.vector_load %arg15[%get3A_326] {strides = array<i32>} : memref<64xf32, #tpu.memory_space<vmem>>, vector<16xf32>,
      %get3A_328 = vector.shape_cast %get3A_327 : vector<16xf32> to vector<16xf32>
      %get3A_329 = arith.index_cast %scan3A_58 : i32 to index
      %get3A_330 = arith.constant 136 : index
      %get3A_331 = tpu.vector_load %arg11[%get3A_329, %get3A_330] {strides = array<i32>} : memref<8x1280xi32, #tpu.memory_space<vmem>>, vector<1x16xi32>,
      %get3A_332 = vector.shape_cast %get3A_331 : vector<1x16xi32> to vector<16xi32>
      %eq3A_333 = arith.constant 0 : i32
      %eq3A_334 = vector.broadcast %eq3A_333 : i32 to vector<16xi32>
      %eq3A_335 = arith.cmpi eq, %get3A_332, %eq3A_334 : vector<16xi32>
      %jit3A_336 = arith.constant 1.000000e+00 : f32
      %broadcast_in_dim3A_337 = vector.broadcast %jit3A_336 : f32 to vector<16xf32>
      %select_n3A_338 = arith.select %eq3A_335, %get3A_328, %broadcast_in_dim3A_337 : vector<16xi1>, vector<16xf32>
      %min3A_339 = arith.minimumf %min3A_325, %select_n3A_338 : vector<16xf32>
      %get3A_340 = arith.constant 32 : index
      %get3A_341 = tpu.vector_load %arg15[%get3A_340] {strides = array<i32>} : memref<64xf32, #tpu.memory_space<vmem>>, vector<16xf32>,
      %get3A_342 = vector.shape_cast %get3A_341 : vector<16xf32> to vector<16xf32>
      %get3A_343 = arith.index_cast %scan3A_58 : i32 to index
      %get3A_344 = arith.constant 144 : index
      %get3A_345 = tpu.vector_load %arg11[%get3A_343, %get3A_344] {strides = array<i32>} : memref<8x1280xi32, #tpu.memory_space<vmem>>, vector<1x16xi32>,
      %get3A_346 = vector.shape_cast %get3A_345 : vector<1x16xi32> to vector<16xi32>
      %eq3A_347 = arith.constant 0 : i32
      %eq3A_348 = vector.broadcast %eq3A_347 : i32 to vector<16xi32>
      %eq3A_349 = arith.cmpi eq, %get3A_346, %eq3A_348 : vector<16xi32>
      %jit3A_350 = arith.constant 1.000000e+00 : f32
      %broadcast_in_dim3A_351 = vector.broadcast %jit3A_350 : f32 to vector<16xf32>
      %select_n3A_352 = arith.select %eq3A_349, %get3A_342, %broadcast_in_dim3A_351 : vector<16xi1>, vector<16xf32>
      %min3A_353 = arith.minimumf %min3A_339, %select_n3A_352 : vector<16xf32>
      %add3A_354 = arith.constant 0 : i32
      %add3A_355 = arith.addi %add3A_354, %scan3A_58 : i32
      %swap3A_356 = arith.constant 0 : i32
      %swap3A_357 = arith.index_cast %add3A_355 : i32 to index
      %swap3A_358 = arith.index_cast %swap3A_356 : i32 to index
      %swap3A_359 = arith.constant 48 : index
      %swap3A_360 = tpu.vector_load %arg13[%swap3A_357, %swap3A_358, %swap3A_359] {strides = array<i32>} : memref<10x4x128xf32, #tpu.memory_space<vmem>>, vector<1x1x16xf32>,
      %swap3A_361 = vector.shape_cast %swap3A_360 : vector<1x1x16xf32> to vector<16xf32>
      %swap3A_362 = vector.shape_cast %min3A_353 : vector<16xf32> to vector<1x1x16xf32>
      tpu.vector_store %arg13[%swap3A_357, %swap3A_358, %swap3A_359], %swap3A_362 {strides = array<i32>} : memref<10x4x128xf32, #tpu.memory_space<vmem>>, vector<1x1x16xf32>,
      %get3A_363 = arith.constant 8 : index
      %get3A_364 = tpu.vector_load %arg15[%get3A_363] {strides = array<i32>} : memref<64xf32, #tpu.memory_space<vmem>>, vector<16xf32>,
      %get3A_365 = vector.shape_cast %get3A_364 : vector<16xf32> to vector<16xf32>
      %get3A_366 = arith.index_cast %scan3A_58 : i32 to index
      %get3A_367 = arith.constant 160 : index
      %get3A_368 = tpu.vector_load %arg11[%get3A_366, %get3A_367] {strides = array<i32>} : memref<8x1280xi32, #tpu.memory_space<vmem>>, vector<1x16xi32>,
      %get3A_369 = vector.shape_cast %get3A_368 : vector<1x16xi32> to vector<16xi32>
      %eq3A_370 = arith.constant 0 : i32
      %eq3A_371 = vector.broadcast %eq3A_370 : i32 to vector<16xi32>
      %eq3A_372 = arith.cmpi eq, %get3A_369, %eq3A_371 : vector<16xi32>
      %jit3A_373 = arith.constant 1.000000e+00 : f32
      %broadcast_in_dim3A_374 = vector.broadcast %jit3A_373 : f32 to vector<16xf32>
      %select_n3A_375 = arith.select %eq3A_372, %get3A_365, %broadcast_in_dim3A_374 : vector<16xi1>, vector<16xf32>
      %get3A_376 = arith.constant 24 : index
      %get3A_377 = tpu.vector_load %arg15[%get3A_376] {strides = array<i32>} : memref<64xf32, #tpu.memory_space<vmem>>, vector<16xf32>,
      %get3A_378 = vector.shape_cast %get3A_377 : vector<16xf32> to vector<16xf32>
      %get3A_379 = arith.index_cast %scan3A_58 : i32 to index
      %get3A_380 = arith.constant 176 : index
      %get3A_381 = tpu.vector_load %arg11[%get3A_379, %get3A_380] {strides = array<i32>} : memref<8x1280xi32, #tpu.memory_space<vmem>>, vector<1x16xi32>,
      %get3A_382 = vector.shape_cast %get3A_381 : vector<1x16xi32> to vector<16xi32>
      %eq3A_383 = arith.constant 0 : i32
      %eq3A_384 = vector.broadcast %eq3A_383 : i32 to vector<16xi32>
      %eq3A_385 = arith.cmpi eq, %get3A_382, %eq3A_384 : vector<16xi32>
      %jit3A_386 = arith.constant 1.000000e+00 : f32
      %broadcast_in_dim3A_387 = vector.broadcast %jit3A_386 : f32 to vector<16xf32>
      %select_n3A_388 = arith.select %eq3A_385, %get3A_378, %broadcast_in_dim3A_387 : vector<16xi1>, vector<16xf32>
      %min3A_389 = arith.minimumf %select_n3A_375, %select_n3A_388 : vector<16xf32>
      %get3A_390 = arith.constant 32 : index
      %get3A_391 = tpu.vector_load %arg15[%get3A_390] {strides = array<i32>} : memref<64xf32, #tpu.memory_space<vmem>>, vector<16xf32>,
      %get3A_392 = vector.shape_cast %get3A_391 : vector<16xf32> to vector<16xf32>
      %get3A_393 = arith.index_cast %scan3A_58 : i32 to index
      %get3A_394 = arith.constant 184 : index
      %get3A_395 = tpu.vector_load %arg11[%get3A_393, %get3A_394] {strides = array<i32>} : memref<8x1280xi32, #tpu.memory_space<vmem>>, vector<1x16xi32>,
      %get3A_396 = vector.shape_cast %get3A_395 : vector<1x16xi32> to vector<16xi32>
      %eq3A_397 = arith.constant 0 : i32
      %eq3A_398 = vector.broadcast %eq3A_397 : i32 to vector<16xi32>
      %eq3A_399 = arith.cmpi eq, %get3A_396, %eq3A_398 : vector<16xi32>
      %jit3A_400 = arith.constant 1.000000e+00 : f32
      %broadcast_in_dim3A_401 = vector.broadcast %jit3A_400 : f32 to vector<16xf32>
      %select_n3A_402 = arith.select %eq3A_399, %get3A_392, %broadcast_in_dim3A_401 : vector<16xi1>, vector<16xf32>
      %min3A_403 = arith.minimumf %min3A_389, %select_n3A_402 : vector<16xf32>
      %add3A_404 = arith.constant 0 : i32
      %add3A_405 = arith.addi %add3A_404, %scan3A_58 : i32
      %swap3A_406 = arith.constant 0 : i32
      %swap3A_407 = arith.index_cast %add3A_405 : i32 to index
      %swap3A_408 = arith.index_cast %swap3A_406 : i32 to index
      %swap3A_409 = arith.constant 64 : index
      %swap3A_410 = tpu.vector_load %arg13[%swap3A_407, %swap3A_408, %swap3A_409] {strides = array<i32>} : memref<10x4x128xf32, #tpu.memory_space<vmem>>, vector<1x1x16xf32>,
      %swap3A_411 = vector.shape_cast %swap3A_410 : vector<1x1x16xf32> to vector<16xf32>
      %swap3A_412 = vector.shape_cast %min3A_403 : vector<16xf32> to vector<1x1x16xf32>
      tpu.vector_store %arg13[%swap3A_407, %swap3A_408, %swap3A_409], %swap3A_412 {strides = array<i32>} : memref<10x4x128xf32, #tpu.memory_space<vmem>>, vector<1x1x16xf32>,
      %get3A_413 = arith.constant 8 : index
      %get3A_414 = tpu.vector_load %arg15[%get3A_413] {strides = array<i32>} : memref<64xf32, #tpu.memory_space<vmem>>, vector<16xf32>,
      %get3A_415 = vector.shape_cast %get3A_414 : vector<16xf32> to vector<16xf32>
      %get3A_416 = arith.index_cast %scan3A_58 : i32 to index
      %get3A_417 = arith.constant 200 : index
      %get3A_418 = tpu.vector_load %arg11[%get3A_416, %get3A_417] {strides = array<i32>} : memref<8x1280xi32, #tpu.memory_space<vmem>>, vector<1x16xi32>,
      %get3A_419 = vector.shape_cast %get3A_418 : vector<1x16xi32> to vector<16xi32>
      %eq3A_420 = arith.constant 0 : i32
      %eq3A_421 = vector.broadcast %eq3A_420 : i32 to vector<16xi32>
      %eq3A_422 = arith.cmpi eq, %get3A_419, %eq3A_421 : vector<16xi32>
      %jit3A_423 = arith.constant 1.000000e+00 : f32
      %broadcast_in_dim3A_424 = vector.broadcast %jit3A_423 : f32 to vector<16xf32>
      %select_n3A_425 = arith.select %eq3A_422, %get3A_415, %broadcast_in_dim3A_424 : vector<16xi1>, vector<16xf32>
      %get3A_426 = arith.constant 24 : index
      %get3A_427 = tpu.vector_load %arg15[%get3A_426] {strides = array<i32>} : memref<64xf32, #tpu.memory_space<vmem>>, vector<16xf32>,
      %get3A_428 = vector.shape_cast %get3A_427 : vector<16xf32> to vector<16xf32>
      %get3A_429 = arith.index_cast %scan3A_58 : i32 to index
      %get3A_430 = arith.constant 216 : index
      %get3A_431 = tpu.vector_load %arg11[%get3A_429, %get3A_430] {strides = array<i32>} : memref<8x1280xi32, #tpu.memory_space<vmem>>, vector<1x16xi32>,
      %get3A_432 = vector.shape_cast %get3A_431 : vector<1x16xi32> to vector<16xi32>
      %eq3A_433 = arith.constant 0 : i32
      %eq3A_434 = vector.broadcast %eq3A_433 : i32 to vector<16xi32>
      %eq3A_435 = arith.cmpi eq, %get3A_432, %eq3A_434 : vector<16xi32>
      %jit3A_436 = arith.constant 1.000000e+00 : f32
      %broadcast_in_dim3A_437 = vector.broadcast %jit3A_436 : f32 to vector<16xf32>
      %select_n3A_438 = arith.select %eq3A_435, %get3A_428, %broadcast_in_dim3A_437 : vector<16xi1>, vector<16xf32>
      %min3A_439 = arith.minimumf %select_n3A_425, %select_n3A_438 : vector<16xf32>
      %get3A_440 = arith.constant 32 : index
      %get3A_441 = tpu.vector_load %arg15[%get3A_440] {strides = array<i32>} : memref<64xf32, #tpu.memory_space<vmem>>, vector<16xf32>,
      %get3A_442 = vector.shape_cast %get3A_441 : vector<16xf32> to vector<16xf32>
      %get3A_443 = arith.index_cast %scan3A_58 : i32 to index
      %get3A_444 = arith.constant 224 : index
      %get3A_445 = tpu.vector_load %arg11[%get3A_443, %get3A_444] {strides = array<i32>} : memref<8x1280xi32, #tpu.memory_space<vmem>>, vector<1x16xi32>,
      %get3A_446 = vector.shape_cast %get3A_445 : vector<1x16xi32> to vector<16xi32>
      %eq3A_447 = arith.constant 0 : i32
      %eq3A_448 = vector.broadcast %eq3A_447 : i32 to vector<16xi32>
      %eq3A_449 = arith.cmpi eq, %get3A_446, %eq3A_448 : vector<16xi32>
      %jit3A_450 = arith.constant 1.000000e+00 : f32
      %broadcast_in_dim3A_451 = vector.broadcast %jit3A_450 : f32 to vector<16xf32>
      %select_n3A_452 = arith.select %eq3A_449, %get3A_442, %broadcast_in_dim3A_451 : vector<16xi1>, vector<16xf32>
      %min3A_453 = arith.minimumf %min3A_439, %select_n3A_452 : vector<16xf32>
      %add3A_454 = arith.constant 0 : i32
      %add3A_455 = arith.addi %add3A_454, %scan3A_58 : i32
      %swap3A_456 = arith.constant 0 : i32
      %swap3A_457 = arith.index_cast %add3A_455 : i32 to index
      %swap3A_458 = arith.index_cast %swap3A_456 : i32 to index
      %swap3A_459 = arith.constant 80 : index
      %swap3A_460 = tpu.vector_load %arg13[%swap3A_457, %swap3A_458, %swap3A_459] {strides = array<i32>} : memref<10x4x128xf32, #tpu.memory_space<vmem>>, vector<1x1x16xf32>,
      %swap3A_461 = vector.shape_cast %swap3A_460 : vector<1x1x16xf32> to vector<16xf32>
      %swap3A_462 = vector.shape_cast %min3A_453 : vector<16xf32> to vector<1x1x16xf32>
      tpu.vector_store %arg13[%swap3A_457, %swap3A_458, %swap3A_459], %swap3A_462 {strides = array<i32>} : memref<10x4x128xf32, #tpu.memory_space<vmem>>, vector<1x1x16xf32>,
      %get3A_463 = arith.constant 8 : index
      %get3A_464 = tpu.vector_load %arg15[%get3A_463] {strides = array<i32>} : memref<64xf32, #tpu.memory_space<vmem>>, vector<16xf32>,
      %get3A_465 = vector.shape_cast %get3A_464 : vector<16xf32> to vector<16xf32>
      %get3A_466 = arith.index_cast %scan3A_58 : i32 to index
      %get3A_467 = arith.constant 240 : index
      %get3A_468 = tpu.vector_load %arg11[%get3A_466, %get3A_467] {strides = array<i32>} : memref<8x1280xi32, #tpu.memory_space<vmem>>, vector<1x16xi32>,
      %get3A_469 = vector.shape_cast %get3A_468 : vector<1x16xi32> to vector<16xi32>
      %eq3A_470 = arith.constant 0 : i32
      %eq3A_471 = vector.broadcast %eq3A_470 : i32 to vector<16xi32>
      %eq3A_472 = arith.cmpi eq, %get3A_469, %eq3A_471 : vector<16xi32>
      %jit3A_473 = arith.constant 1.000000e+00 : f32
      %broadcast_in_dim3A_474 = vector.broadcast %jit3A_473 : f32 to vector<16xf32>
      %select_n3A_475 = arith.select %eq3A_472, %get3A_465, %broadcast_in_dim3A_474 : vector<16xi1>, vector<16xf32>
      %get3A_476 = arith.constant 24 : index
      %get3A_477 = tpu.vector_load %arg15[%get3A_476] {strides = array<i32>} : memref<64xf32, #tpu.memory_space<vmem>>, vector<16xf32>,
      %get3A_478 = vector.shape_cast %get3A_477 : vector<16xf32> to vector<16xf32>
      %get3A_479 = arith.index_cast %scan3A_58 : i32 to index
      %get3A_480 = arith.constant 256 : index
      %get3A_481 = tpu.vector_load %arg11[%get3A_479, %get3A_480] {strides = array<i32>} : memref<8x1280xi32, #tpu.memory_space<vmem>>, vector<1x16xi32>,
      %get3A_482 = vector.shape_cast %get3A_481 : vector<1x16xi32> to vector<16xi32>
      %eq3A_483 = arith.constant 0 : i32
      %eq3A_484 = vector.broadcast %eq3A_483 : i32 to vector<16xi32>
      %eq3A_485 = arith.cmpi eq, %get3A_482, %eq3A_484 : vector<16xi32>
      %jit3A_486 = arith.constant 1.000000e+00 : f32
      %broadcast_in_dim3A_487 = vector.broadcast %jit3A_486 : f32 to vector<16xf32>
      %select_n3A_488 = arith.select %eq3A_485, %get3A_478, %broadcast_in_dim3A_487 : vector<16xi1>, vector<16xf32>
      %min3A_489 = arith.minimumf %select_n3A_475, %select_n3A_488 : vector<16xf32>
      %get3A_490 = arith.constant 32 : index
      %get3A_491 = tpu.vector_load %arg15[%get3A_490] {strides = array<i32>} : memref<64xf32, #tpu.memory_space<vmem>>, vector<16xf32>,
      %get3A_492 = vector.shape_cast %get3A_491 : vector<16xf32> to vector<16xf32>
      %get3A_493 = arith.index_cast %scan3A_58 : i32 to index
      %get3A_494 = arith.constant 264 : index
      %get3A_495 = tpu.vector_load %arg11[%get3A_493, %get3A_494] {strides = array<i32>} : memref<8x1280xi32, #tpu.memory_space<vmem>>, vector<1x16xi32>,
      %get3A_496 = vector.shape_cast %get3A_495 : vector<1x16xi32> to vector<16xi32>
      %eq3A_497 = arith.constant 0 : i32
      %eq3A_498 = vector.broadcast %eq3A_497 : i32 to vector<16xi32>
      %eq3A_499 = arith.cmpi eq, %get3A_496, %eq3A_498 : vector<16xi32>
      %jit3A_500 = arith.constant 1.000000e+00 : f32
      %broadcast_in_dim3A_501 = vector.broadcast %jit3A_500 : f32 to vector<16xf32>
      %select_n3A_502 = arith.select %eq3A_499, %get3A_492, %broadcast_in_dim3A_501 : vector<16xi1>, vector<16xf32>
      %min3A_503 = arith.minimumf %min3A_489, %select_n3A_502 : vector<16xf32>
      %add3A_504 = arith.constant 0 : i32
      %add3A_505 = arith.addi %add3A_504, %scan3A_58 : i32
      %swap3A_506 = arith.constant 0 : i32
      %swap3A_507 = arith.index_cast %add3A_505 : i32 to index
      %swap3A_508 = arith.index_cast %swap3A_506 : i32 to index
      %swap3A_509 = arith.constant 96 : index
      %swap3A_510 = tpu.vector_load %arg13[%swap3A_507, %swap3A_508, %swap3A_509] {strides = array<i32>} : memref<10x4x128xf32, #tpu.memory_space<vmem>>, vector<1x1x16xf32>,
      %swap3A_511 = vector.shape_cast %swap3A_510 : vector<1x1x16xf32> to vector<16xf32>
      %swap3A_512 = vector.shape_cast %min3A_503 : vector<16xf32> to vector<1x1x16xf32>
      tpu.vector_store %arg13[%swap3A_507, %swap3A_508, %swap3A_509], %swap3A_512 {strides = array<i32>} : memref<10x4x128xf32, #tpu.memory_space<vmem>>, vector<1x1x16xf32>,
      %get3A_513 = arith.constant 8 : index
      %get3A_514 = tpu.vector_load %arg15[%get3A_513] {strides = array<i32>} : memref<64xf32, #tpu.memory_space<vmem>>, vector<16xf32>,
      %get3A_515 = vector.shape_cast %get3A_514 : vector<16xf32> to vector<16xf32>
      %get3A_516 = arith.index_cast %scan3A_58 : i32 to index
      %get3A_517 = arith.constant 280 : index
      %get3A_518 = tpu.vector_load %arg11[%get3A_516, %get3A_517] {strides = array<i32>} : memref<8x1280xi32, #tpu.memory_space<vmem>>, vector<1x16xi32>,
      %get3A_519 = vector.shape_cast %get3A_518 : vector<1x16xi32> to vector<16xi32>
      %eq3A_520 = arith.constant 0 : i32
      %eq3A_521 = vector.broadcast %eq3A_520 : i32 to vector<16xi32>
      %eq3A_522 = arith.cmpi eq, %get3A_519, %eq3A_521 : vector<16xi32>
      %jit3A_523 = arith.constant 1.000000e+00 : f32
      %broadcast_in_dim3A_524 = vector.broadcast %jit3A_523 : f32 to vector<16xf32>
      %select_n3A_525 = arith.select %eq3A_522, %get3A_515, %broadcast_in_dim3A_524 : vector<16xi1>, vector<16xf32>
      %get3A_526 = arith.constant 24 : index
      %get3A_527 = tpu.vector_load %arg15[%get3A_526] {strides = array<i32>} : memref<64xf32, #tpu.memory_space<vmem>>, vector<16xf32>,
      %get3A_528 = vector.shape_cast %get3A_527 : vector<16xf32> to vector<16xf32>
      %get3A_529 = arith.index_cast %scan3A_58 : i32 to index
      %get3A_530 = arith.constant 296 : index
      %get3A_531 = tpu.vector_load %arg11[%get3A_529, %get3A_530] {strides = array<i32>} : memref<8x1280xi32, #tpu.memory_space<vmem>>, vector<1x16xi32>,
      %get3A_532 = vector.shape_cast %get3A_531 : vector<1x16xi32> to vector<16xi32>
      %eq3A_533 = arith.constant 0 : i32
      %eq3A_534 = vector.broadcast %eq3A_533 : i32 to vector<16xi32>
      %eq3A_535 = arith.cmpi eq, %get3A_532, %eq3A_534 : vector<16xi32>
      %jit3A_536 = arith.constant 1.000000e+00 : f32
      %broadcast_in_dim3A_537 = vector.broadcast %jit3A_536 : f32 to vector<16xf32>
      %select_n3A_538 = arith.select %eq3A_535, %get3A_528, %broadcast_in_dim3A_537 : vector<16xi1>, vector<16xf32>
      %min3A_539 = arith.minimumf %select_n3A_525, %select_n3A_538 : vector<16xf32>
      %get3A_540 = arith.constant 32 : index
      %get3A_541 = tpu.vector_load %arg15[%get3A_540] {strides = array<i32>} : memref<64xf32, #tpu.memory_space<vmem>>, vector<16xf32>,
      %get3A_542 = vector.shape_cast %get3A_541 : vector<16xf32> to vector<16xf32>
      %get3A_543 = arith.index_cast %scan3A_58 : i32 to index
      %get3A_544 = arith.constant 304 : index
      %get3A_545 = tpu.vector_load %arg11[%get3A_543, %get3A_544] {strides = array<i32>} : memref<8x1280xi32, #tpu.memory_space<vmem>>, vector<1x16xi32>,
      %get3A_546 = vector.shape_cast %get3A_545 : vector<1x16xi32> to vector<16xi32>
      %eq3A_547 = arith.constant 0 : i32
      %eq3A_548 = vector.broadcast %eq3A_547 : i32 to vector<16xi32>
      %eq3A_549 = arith.cmpi eq, %get3A_546, %eq3A_548 : vector<16xi32>
      %jit3A_550 = arith.constant 1.000000e+00 : f32
      %broadcast_in_dim3A_551 = vector.broadcast %jit3A_550 : f32 to vector<16xf32>
      %select_n3A_552 = arith.select %eq3A_549, %get3A_542, %broadcast_in_dim3A_551 : vector<16xi1>, vector<16xf32>
      %min3A_553 = arith.minimumf %min3A_539, %select_n3A_552 : vector<16xf32>
      %add3A_554 = arith.constant 0 : i32
      %add3A_555 = arith.addi %add3A_554, %scan3A_58 : i32
      %swap3A_556 = arith.constant 0 : i32
      %swap3A_557 = arith.index_cast %add3A_555 : i32 to index
      %swap3A_558 = arith.index_cast %swap3A_556 : i32 to index
      %swap3A_559 = arith.constant 112 : index
      %swap3A_560 = tpu.vector_load %arg13[%swap3A_557, %swap3A_558, %swap3A_559] {strides = array<i32>} : memref<10x4x128xf32, #tpu.memory_space<vmem>>, vector<1x1x16xf32>,
      %swap3A_561 = vector.shape_cast %swap3A_560 : vector<1x1x16xf32> to vector<16xf32>
      %swap3A_562 = vector.shape_cast %min3A_553 : vector<16xf32> to vector<1x1x16xf32>
      tpu.vector_store %arg13[%swap3A_557, %swap3A_558, %swap3A_559], %swap3A_562 {strides = array<i32>} : memref<10x4x128xf32, #tpu.memory_space<vmem>>, vector<1x1x16xf32>,
      %get3A_563 = arith.constant 8 : index
      %get3A_564 = tpu.vector_load %arg15[%get3A_563] {strides = array<i32>} : memref<64xf32, #tpu.memory_space<vmem>>, vector<16xf32>,
      %get3A_565 = vector.shape_cast %get3A_564 : vector<16xf32> to vector<16xf32>
      %get3A_566 = arith.index_cast %scan3A_58 : i32 to index
      %get3A_567 = arith.constant 320 : index
      %get3A_568 = tpu.vector_load %arg11[%get3A_566, %get3A_567] {strides = array<i32>} : memref<8x1280xi32, #tpu.memory_space<vmem>>, vector<1x16xi32>,
      %get3A_569 = vector.shape_cast %get3A_568 : vector<1x16xi32> to vector<16xi32>
      %eq3A_570 = arith.constant 0 : i32
      %eq3A_571 = vector.broadcast %eq3A_570 : i32 to vector<16xi32>
      %eq3A_572 = arith.cmpi eq, %get3A_569, %eq3A_571 : vector<16xi32>
      %jit3A_573 = arith.constant 1.000000e+00 : f32
      %broadcast_in_dim3A_574 = vector.broadcast %jit3A_573 : f32 to vector<16xf32>
      %select_n3A_575 = arith.select %eq3A_572, %get3A_565, %broadcast_in_dim3A_574 : vector<16xi1>, vector<16xf32>
      %get3A_576 = arith.constant 24 : index
      %get3A_577 = tpu.vector_load %arg15[%get3A_576] {strides = array<i32>} : memref<64xf32, #tpu.memory_space<vmem>>, vector<16xf32>,
      %get3A_578 = vector.shape_cast %get3A_577 : vector<16xf32> to vector<16xf32>
      %get3A_579 = arith.index_cast %scan3A_58 : i32 to index
      %get3A_580 = arith.constant 336 : index
      %get3A_581 = tpu.vector_load %arg11[%get3A_579, %get3A_580] {strides = array<i32>} : memref<8x1280xi32, #tpu.memory_space<vmem>>, vector<1x16xi32>,
      %get3A_582 = vector.shape_cast %get3A_581 : vector<1x16xi32> to vector<16xi32>
      %eq3A_583 = arith.constant 0 : i32
      %eq3A_584 = vector.broadcast %eq3A_583 : i32 to vector<16xi32>
      %eq3A_585 = arith.cmpi eq, %get3A_582, %eq3A_584 : vector<16xi32>
      %jit3A_586 = arith.constant 1.000000e+00 : f32
      %broadcast_in_dim3A_587 = vector.broadcast %jit3A_586 : f32 to vector<16xf32>
      %select_n3A_588 = arith.select %eq3A_585, %get3A_578, %broadcast_in_dim3A_587 : vector<16xi1>, vector<16xf32>
      %min3A_589 = arith.minimumf %select_n3A_575, %select_n3A_588 : vector<16xf32>
      %get3A_590 = arith.constant 32 : index
      %get3A_591 = tpu.vector_load %arg15[%get3A_590] {strides = array<i32>} : memref<64xf32, #tpu.memory_space<vmem>>, vector<16xf32>,
      %get3A_592 = vector.shape_cast %get3A_591 : vector<16xf32> to vector<16xf32>
      %get3A_593 = arith.index_cast %scan3A_58 : i32 to index
      %get3A_594 = arith.constant 344 : index
      %get3A_595 = tpu.vector_load %arg11[%get3A_593, %get3A_594] {strides = array<i32>} : memref<8x1280xi32, #tpu.memory_space<vmem>>, vector<1x16xi32>,
      %get3A_596 = vector.shape_cast %get3A_595 : vector<1x16xi32> to vector<16xi32>
      %eq3A_597 = arith.constant 0 : i32
      %eq3A_598 = vector.broadcast %eq3A_597 : i32 to vector<16xi32>
      %eq3A_599 = arith.cmpi eq, %get3A_596, %eq3A_598 : vector<16xi32>
      %jit3A_600 = arith.constant 1.000000e+00 : f32
      %broadcast_in_dim3A_601 = vector.broadcast %jit3A_600 : f32 to vector<16xf32>
      %select_n3A_602 = arith.select %eq3A_599, %get3A_592, %broadcast_in_dim3A_601 : vector<16xi1>, vector<16xf32>
      %min3A_603 = arith.minimumf %min3A_589, %select_n3A_602 : vector<16xf32>
      %add3A_604 = arith.constant 0 : i32
      %add3A_605 = arith.addi %add3A_604, %scan3A_58 : i32
      %swap3A_606 = arith.constant 1 : i32
      %swap3A_607 = arith.index_cast %add3A_605 : i32 to index
      %swap3A_608 = arith.index_cast %swap3A_606 : i32 to index
      %swap3A_609 = arith.constant 0 : index
      %swap3A_610 = tpu.vector_load %arg13[%swap3A_607, %swap3A_608, %swap3A_609] {strides = array<i32>} : memref<10x4x128xf32, #tpu.memory_space<vmem>>, vector<1x1x16xf32>,
      %swap3A_611 = vector.shape_cast %swap3A_610 : vector<1x1x16xf32> to vector<16xf32>
      %swap3A_612 = vector.shape_cast %min3A_603 : vector<16xf32> to vector<1x1x16xf32>
      tpu.vector_store %arg13[%swap3A_607, %swap3A_608, %swap3A_609], %swap3A_612 {strides = array<i32>} : memref<10x4x128xf32, #tpu.memory_space<vmem>>, vector<1x1x16xf32>,
      %get3A_613 = arith.constant 8 : index
      %get3A_614 = tpu.vector_load %arg15[%get3A_613] {strides = array<i32>} : memref<64xf32, #tpu.memory_space<vmem>>, vector<16xf32>,
      %get3A_615 = vector.shape_cast %get3A_614 : vector<16xf32> to vector<16xf32>
      %get3A_616 = arith.index_cast %scan3A_58 : i32 to index
      %get3A_617 = arith.constant 360 : index
      %get3A_618 = tpu.vector_load %arg11[%get3A_616, %get3A_617] {strides = array<i32>} : memref<8x1280xi32, #tpu.memory_space<vmem>>, vector<1x16xi32>,
      %get3A_619 = vector.shape_cast %get3A_618 : vector<1x16xi32> to vector<16xi32>
      %eq3A_620 = arith.constant 0 : i32
      %eq3A_621 = vector.broadcast %eq3A_620 : i32 to vector<16xi32>
      %eq3A_622 = arith.cmpi eq, %get3A_619, %eq3A_621 : vector<16xi32>
      %jit3A_623 = arith.constant 1.000000e+00 : f32
      %broadcast_in_dim3A_624 = vector.broadcast %jit3A_623 : f32 to vector<16xf32>
      %select_n3A_625 = arith.select %eq3A_622, %get3A_615, %broadcast_in_dim3A_624 : vector<16xi1>, vector<16xf32>
      %get3A_626 = arith.constant 16 : index
      %get3A_627 = tpu.vector_load %arg15[%get3A_626] {strides = array<i32>} : memref<64xf32, #tpu.memory_space<vmem>>, vector<16xf32>,
      %get3A_628 = vector.shape_cast %get3A_627 : vector<16xf32> to vector<16xf32>
      %get3A_629 = arith.index_cast %scan3A_58 : i32 to index
      %get3A_630 = arith.constant 368 : index
      %get3A_631 = tpu.vector_load %arg11[%get3A_629, %get3A_630] {strides = array<i32>} : memref<8x1280xi32, #tpu.memory_space<vmem>>, vector<1x16xi32>,
      %get3A_632 = vector.shape_cast %get3A_631 : vector<1x16xi32> to vector<16xi32>
      %eq3A_633 = arith.constant 0 : i32
      %eq3A_634 = vector.broadcast %eq3A_633 : i32 to vector<16xi32>
      %eq3A_635 = arith.cmpi eq, %get3A_632, %eq3A_634 : vector<16xi32>
      %jit3A_636 = arith.constant 1.000000e+00 : f32
      %broadcast_in_dim3A_637 = vector.broadcast %jit3A_636 : f32 to vector<16xf32>
      %select_n3A_638 = arith.select %eq3A_635, %get3A_628, %broadcast_in_dim3A_637 : vector<16xi1>, vector<16xf32>
      %min3A_639 = arith.minimumf %select_n3A_625, %select_n3A_638 : vector<16xf32>
      %get3A_640 = arith.constant 32 : index
      %get3A_641 = tpu.vector_load %arg15[%get3A_640] {strides = array<i32>} : memref<64xf32, #tpu.memory_space<vmem>>, vector<16xf32>,
      %get3A_642 = vector.shape_cast %get3A_641 : vector<16xf32> to vector<16xf32>
      %get3A_643 = arith.index_cast %scan3A_58 : i32 to index
      %get3A_644 = arith.constant 384 : index
      %get3A_645 = tpu.vector_load %arg11[%get3A_643, %get3A_644] {strides = array<i32>} : memref<8x1280xi32, #tpu.memory_space<vmem>>, vector<1x16xi32>,
      %get3A_646 = vector.shape_cast %get3A_645 : vector<1x16xi32> to vector<16xi32>
      %eq3A_647 = arith.constant 0 : i32
      %eq3A_648 = vector.broadcast %eq3A_647 : i32 to vector<16xi32>
      %eq3A_649 = arith.cmpi eq, %get3A_646, %eq3A_648 : vector<16xi32>
      %jit3A_650 = arith.constant 1.000000e+00 : f32
      %broadcast_in_dim3A_651 = vector.broadcast %jit3A_650 : f32 to vector<16xf32>
      %select_n3A_652 = arith.select %eq3A_649, %get3A_642, %broadcast_in_dim3A_651 : vector<16xi1>, vector<16xf32>
      %min3A_653 = arith.minimumf %min3A_639, %select_n3A_652 : vector<16xf32>
      %get3A_654 = arith.constant 32 : index
      %get3A_655 = tpu.vector_load %arg15[%get3A_654] {strides = array<i32>} : memref<64xf32, #tpu.memory_space<vmem>>, vector<16xf32>,
      %get3A_656 = vector.shape_cast %get3A_655 : vector<16xf32> to vector<16xf32>
      %get3A_657 = arith.index_cast %scan3A_58 : i32 to index
      %get3A_658 = arith.constant 384 : index
      %get3A_659 = tpu.vector_load %arg11[%get3A_657, %get3A_658] {strides = array<i32>} : memref<8x1280xi32, #tpu.memory_space<vmem>>, vector<1x16xi32>,
      %get3A_660 = vector.shape_cast %get3A_659 : vector<1x16xi32> to vector<16xi32>
      %eq3A_661 = arith.constant 0 : i32
      %eq3A_662 = vector.broadcast %eq3A_661 : i32 to vector<16xi32>
      %eq3A_663 = arith.cmpi eq, %get3A_660, %eq3A_662 : vector<16xi32>
      %jit3A_664 = arith.constant 1.000000e+00 : f32
      %broadcast_in_dim3A_665 = vector.broadcast %jit3A_664 : f32 to vector<16xf32>
      %select_n3A_666 = arith.select %eq3A_663, %get3A_656, %broadcast_in_dim3A_665 : vector<16xi1>, vector<16xf32>
      %min3A_667 = arith.minimumf %min3A_653, %select_n3A_666 : vector<16xf32>
      %add3A_668 = arith.constant 0 : i32
      %add3A_669 = arith.addi %add3A_668, %scan3A_58 : i32
      %swap3A_670 = arith.constant 1 : i32
      %swap3A_671 = arith.index_cast %add3A_669 : i32 to index
      %swap3A_672 = arith.index_cast %swap3A_670 : i32 to index
      %swap3A_673 = arith.constant 16 : index
      %swap3A_674 = tpu.vector_load %arg13[%swap3A_671, %swap3A_672, %swap3A_673] {strides = array<i32>} : memref<10x4x128xf32, #tpu.memory_space<vmem>>, vector<1x1x16xf32>,
      %swap3A_675 = vector.shape_cast %swap3A_674 : vector<1x1x16xf32> to vector<16xf32>
      %swap3A_676 = vector.shape_cast %min3A_667 : vector<16xf32> to vector<1x1x16xf32>
      tpu.vector_store %arg13[%swap3A_671, %swap3A_672, %swap3A_673], %swap3A_676 {strides = array<i32>} : memref<10x4x128xf32, #tpu.memory_space<vmem>>, vector<1x1x16xf32>,
      %get3A_677 = arith.constant 8 : index
      %get3A_678 = tpu.vector_load %arg15[%get3A_677] {strides = array<i32>} : memref<64xf32, #tpu.memory_space<vmem>>, vector<16xf32>,
      %get3A_679 = vector.shape_cast %get3A_678 : vector<16xf32> to vector<16xf32>
      %get3A_680 = arith.index_cast %scan3A_58 : i32 to index
      %get3A_681 = arith.constant 400 : index
      %get3A_682 = tpu.vector_load %arg11[%get3A_680, %get3A_681] {strides = array<i32>} : memref<8x1280xi32, #tpu.memory_space<vmem>>, vector<1x16xi32>,
      %get3A_683 = vector.shape_cast %get3A_682 : vector<1x16xi32> to vector<16xi32>
      %eq3A_684 = arith.constant 0 : i32
      %eq3A_685 = vector.broadcast %eq3A_684 : i32 to vector<16xi32>
      %eq3A_686 = arith.cmpi eq, %get3A_683, %eq3A_685 : vector<16xi32>
      %jit3A_687 = arith.constant 1.000000e+00 : f32
      %broadcast_in_dim3A_688 = vector.broadcast %jit3A_687 : f32 to vector<16xf32>
      %select_n3A_689 = arith.select %eq3A_686, %get3A_679, %broadcast_in_dim3A_688 : vector<16xi1>, vector<16xf32>
      %get3A_690 = arith.constant 24 : index
      %get3A_691 = tpu.vector_load %arg15[%get3A_690] {strides = array<i32>} : memref<64xf32, #tpu.memory_space<vmem>>, vector<16xf32>,
      %get3A_692 = vector.shape_cast %get3A_691 : vector<16xf32> to vector<16xf32>
      %get3A_693 = arith.index_cast %scan3A_58 : i32 to index
      %get3A_694 = arith.constant 416 : index
      %get3A_695 = tpu.vector_load %arg11[%get3A_693, %get3A_694] {strides = array<i32>} : memref<8x1280xi32, #tpu.memory_space<vmem>>, vector<1x16xi32>,
      %get3A_696 = vector.shape_cast %get3A_695 : vector<1x16xi32> to vector<16xi32>
      %eq3A_697 = arith.constant 0 : i32
      %eq3A_698 = vector.broadcast %eq3A_697 : i32 to vector<16xi32>
      %eq3A_699 = arith.cmpi eq, %get3A_696, %eq3A_698 : vector<16xi32>
      %jit3A_700 = arith.constant 1.000000e+00 : f32
      %broadcast_in_dim3A_701 = vector.broadcast %jit3A_700 : f32 to vector<16xf32>
      %select_n3A_702 = arith.select %eq3A_699, %get3A_692, %broadcast_in_dim3A_701 : vector<16xi1>, vector<16xf32>
      %min3A_703 = arith.minimumf %select_n3A_689, %select_n3A_702 : vector<16xf32>
      %get3A_704 = arith.constant 32 : index
      %get3A_705 = tpu.vector_load %arg15[%get3A_704] {strides = array<i32>} : memref<64xf32, #tpu.memory_space<vmem>>, vector<16xf32>,
      %get3A_706 = vector.shape_cast %get3A_705 : vector<16xf32> to vector<16xf32>
      %get3A_707 = arith.index_cast %scan3A_58 : i32 to index
      %get3A_708 = arith.constant 424 : index
      %get3A_709 = tpu.vector_load %arg11[%get3A_707, %get3A_708] {strides = array<i32>} : memref<8x1280xi32, #tpu.memory_space<vmem>>, vector<1x16xi32>,
      %get3A_710 = vector.shape_cast %get3A_709 : vector<1x16xi32> to vector<16xi32>
      %eq3A_711 = arith.constant 0 : i32
      %eq3A_712 = vector.broadcast %eq3A_711 : i32 to vector<16xi32>
      %eq3A_713 = arith.cmpi eq, %get3A_710, %eq3A_712 : vector<16xi32>
      %jit3A_714 = arith.constant 1.000000e+00 : f32
      %broadcast_in_dim3A_715 = vector.broadcast %jit3A_714 : f32 to vector<16xf32>
      %select_n3A_716 = arith.select %eq3A_713, %get3A_706, %broadcast_in_dim3A_715 : vector<16xi1>, vector<16xf32>
      %min3A_717 = arith.minimumf %min3A_703, %select_n3A_716 : vector<16xf32>
      %add3A_718 = arith.constant 0 : i32
      %add3A_719 = arith.addi %add3A_718, %scan3A_58 : i32
      %swap3A_720 = arith.constant 1 : i32
      %swap3A_721 = arith.index_cast %add3A_719 : i32 to index
      %swap3A_722 = arith.index_cast %swap3A_720 : i32 to index
      %swap3A_723 = arith.constant 32 : index
      %swap3A_724 = tpu.vector_load %arg13[%swap3A_721, %swap3A_722, %swap3A_723] {strides = array<i32>} : memref<10x4x128xf32, #tpu.memory_space<vmem>>, vector<1x1x16xf32>,
      %swap3A_725 = vector.shape_cast %swap3A_724 : vector<1x1x16xf32> to vector<16xf32>
      %swap3A_726 = vector.shape_cast %min3A_717 : vector<16xf32> to vector<1x1x16xf32>
      tpu.vector_store %arg13[%swap3A_721, %swap3A_722, %swap3A_723], %swap3A_726 {strides = array<i32>} : memref<10x4x128xf32, #tpu.memory_space<vmem>>, vector<1x1x16xf32>,
      %get3A_727 = arith.constant 8 : index
      %get3A_728 = tpu.vector_load %arg15[%get3A_727] {strides = array<i32>} : memref<64xf32, #tpu.memory_space<vmem>>, vector<16xf32>,
      %get3A_729 = vector.shape_cast %get3A_728 : vector<16xf32> to vector<16xf32>
      %get3A_730 = arith.index_cast %scan3A_58 : i32 to index
      %get3A_731 = arith.constant 440 : index
      %get3A_732 = tpu.vector_load %arg11[%get3A_730, %get3A_731] {strides = array<i32>} : memref<8x1280xi32, #tpu.memory_space<vmem>>, vector<1x16xi32>,
      %get3A_733 = vector.shape_cast %get3A_732 : vector<1x16xi32> to vector<16xi32>
      %eq3A_734 = arith.constant 0 : i32
      %eq3A_735 = vector.broadcast %eq3A_734 : i32 to vector<16xi32>
      %eq3A_736 = arith.cmpi eq, %get3A_733, %eq3A_735 : vector<16xi32>
      %jit3A_737 = arith.constant 1.000000e+00 : f32
      %broadcast_in_dim3A_738 = vector.broadcast %jit3A_737 : f32 to vector<16xf32>
      %select_n3A_739 = arith.select %eq3A_736, %get3A_729, %broadcast_in_dim3A_738 : vector<16xi1>, vector<16xf32>
      %get3A_740 = arith.constant 24 : index
      %get3A_741 = tpu.vector_load %arg15[%get3A_740] {strides = array<i32>} : memref<64xf32, #tpu.memory_space<vmem>>, vector<16xf32>,
      %get3A_742 = vector.shape_cast %get3A_741 : vector<16xf32> to vector<16xf32>
      %get3A_743 = arith.index_cast %scan3A_58 : i32 to index
      %get3A_744 = arith.constant 456 : index
      %get3A_745 = tpu.vector_load %arg11[%get3A_743, %get3A_744] {strides = array<i32>} : memref<8x1280xi32, #tpu.memory_space<vmem>>, vector<1x16xi32>,
      %get3A_746 = vector.shape_cast %get3A_745 : vector<1x16xi32> to vector<16xi32>
      %eq3A_747 = arith.constant 0 : i32
      %eq3A_748 = vector.broadcast %eq3A_747 : i32 to vector<16xi32>
      %eq3A_749 = arith.cmpi eq, %get3A_746, %eq3A_748 : vector<16xi32>
      %jit3A_750 = arith.constant 1.000000e+00 : f32
      %broadcast_in_dim3A_751 = vector.broadcast %jit3A_750 : f32 to vector<16xf32>
      %select_n3A_752 = arith.select %eq3A_749, %get3A_742, %broadcast_in_dim3A_751 : vector<16xi1>, vector<16xf32>
      %min3A_753 = arith.minimumf %select_n3A_739, %select_n3A_752 : vector<16xf32>
      %get3A_754 = arith.constant 32 : index
      %get3A_755 = tpu.vector_load %arg15[%get3A_754] {strides = array<i32>} : memref<64xf32, #tpu.memory_space<vmem>>, vector<16xf32>,
      %get3A_756 = vector.shape_cast %get3A_755 : vector<16xf32> to vector<16xf32>
      %get3A_757 = arith.index_cast %scan3A_58 : i32 to index
      %get3A_758 = arith.constant 464 : index
      %get3A_759 = tpu.vector_load %arg11[%get3A_757, %get3A_758] {strides = array<i32>} : memref<8x1280xi32, #tpu.memory_space<vmem>>, vector<1x16xi32>,
      %get3A_760 = vector.shape_cast %get3A_759 : vector<1x16xi32> to vector<16xi32>
      %eq3A_761 = arith.constant 0 : i32
      %eq3A_762 = vector.broadcast %eq3A_761 : i32 to vector<16xi32>
      %eq3A_763 = arith.cmpi eq, %get3A_760, %eq3A_762 : vector<16xi32>
      %jit3A_764 = arith.constant 1.000000e+00 : f32
      %broadcast_in_dim3A_765 = vector.broadcast %jit3A_764 : f32 to vector<16xf32>
      %select_n3A_766 = arith.select %eq3A_763, %get3A_756, %broadcast_in_dim3A_765 : vector<16xi1>, vector<16xf32>
      %min3A_767 = arith.minimumf %min3A_753, %select_n3A_766 : vector<16xf32>
      %add3A_768 = arith.constant 0 : i32
      %add3A_769 = arith.addi %add3A_768, %scan3A_58 : i32
      %swap3A_770 = arith.constant 1 : i32
      %swap3A_771 = arith.index_cast %add3A_769 : i32 to index
      %swap3A_772 = arith.index_cast %swap3A_770 : i32 to index
      %swap3A_773 = arith.constant 48 : index
      %swap3A_774 = tpu.vector_load %arg13[%swap3A_771, %swap3A_772, %swap3A_773] {strides = array<i32>} : memref<10x4x128xf32, #tpu.memory_space<vmem>>, vector<1x1x16xf32>,
      %swap3A_775 = vector.shape_cast %swap3A_774 : vector<1x1x16xf32> to vector<16xf32>
      %swap3A_776 = vector.shape_cast %min3A_767 : vector<16xf32> to vector<1x1x16xf32>
      tpu.vector_store %arg13[%swap3A_771, %swap3A_772, %swap3A_773], %swap3A_776 {strides = array<i32>} : memref<10x4x128xf32, #tpu.memory_space<vmem>>, vector<1x1x16xf32>,
      %get3A_777 = arith.constant 8 : index
      %get3A_778 = tpu.vector_load %arg15[%get3A_777] {strides = array<i32>} : memref<64xf32, #tpu.memory_space<vmem>>, vector<16xf32>,
      %get3A_779 = vector.shape_cast %get3A_778 : vector<16xf32> to vector<16xf32>
      %get3A_780 = arith.index_cast %scan3A_58 : i32 to index
      %get3A_781 = arith.constant 480 : index
      %get3A_782 = tpu.vector_load %arg11[%get3A_780, %get3A_781] {strides = array<i32>} : memref<8x1280xi32, #tpu.memory_space<vmem>>, vector<1x16xi32>,
      %get3A_783 = vector.shape_cast %get3A_782 : vector<1x16xi32> to vector<16xi32>
      %eq3A_784 = arith.constant 0 : i32
      %eq3A_785 = vector.broadcast %eq3A_784 : i32 to vector<16xi32>
      %eq3A_786 = arith.cmpi eq, %get3A_783, %eq3A_785 : vector<16xi32>
      %jit3A_787 = arith.constant 1.000000e+00 : f32
      %broadcast_in_dim3A_788 = vector.broadcast %jit3A_787 : f32 to vector<16xf32>
      %select_n3A_789 = arith.select %eq3A_786, %get3A_779, %broadcast_in_dim3A_788 : vector<16xi1>, vector<16xf32>
      %get3A_790 = arith.constant 24 : index
      %get3A_791 = tpu.vector_load %arg15[%get3A_790] {strides = array<i32>} : memref<64xf32, #tpu.memory_space<vmem>>, vector<16xf32>,
      %get3A_792 = vector.shape_cast %get3A_791 : vector<16xf32> to vector<16xf32>
      %get3A_793 = arith.index_cast %scan3A_58 : i32 to index
      %get3A_794 = arith.constant 496 : index
      %get3A_795 = tpu.vector_load %arg11[%get3A_793, %get3A_794] {strides = array<i32>} : memref<8x1280xi32, #tpu.memory_space<vmem>>, vector<1x16xi32>,
      %get3A_796 = vector.shape_cast %get3A_795 : vector<1x16xi32> to vector<16xi32>
      %eq3A_797 = arith.constant 0 : i32
      %eq3A_798 = vector.broadcast %eq3A_797 : i32 to vector<16xi32>
      %eq3A_799 = arith.cmpi eq, %get3A_796, %eq3A_798 : vector<16xi32>
      %jit3A_800 = arith.constant 1.000000e+00 : f32
      %broadcast_in_dim3A_801 = vector.broadcast %jit3A_800 : f32 to vector<16xf32>
      %select_n3A_802 = arith.select %eq3A_799, %get3A_792, %broadcast_in_dim3A_801 : vector<16xi1>, vector<16xf32>
      %min3A_803 = arith.minimumf %select_n3A_789, %select_n3A_802 : vector<16xf32>
      %get3A_804 = arith.constant 24 : index
      %get3A_805 = tpu.vector_load %arg15[%get3A_804] {strides = array<i32>} : memref<64xf32, #tpu.memory_space<vmem>>, vector<16xf32>,
      %get3A_806 = vector.shape_cast %get3A_805 : vector<16xf32> to vector<16xf32>
      %get3A_807 = arith.index_cast %scan3A_58 : i32 to index
      %get3A_808 = arith.constant 496 : index
      %get3A_809 = tpu.vector_load %arg11[%get3A_807, %get3A_808] {strides = array<i32>} : memref<8x1280xi32, #tpu.memory_space<vmem>>, vector<1x16xi32>,
      %get3A_810 = vector.shape_cast %get3A_809 : vector<1x16xi32> to vector<16xi32>
      %eq3A_811 = arith.constant 0 : i32
      %eq3A_812 = vector.broadcast %eq3A_811 : i32 to vector<16xi32>
      %eq3A_813 = arith.cmpi eq, %get3A_810, %eq3A_812 : vector<16xi32>
      %jit3A_814 = arith.constant 1.000000e+00 : f32
      %broadcast_in_dim3A_815 = vector.broadcast %jit3A_814 : f32 to vector<16xf32>
      %select_n3A_816 = arith.select %eq3A_813, %get3A_806, %broadcast_in_dim3A_815 : vector<16xi1>, vector<16xf32>
      %min3A_817 = arith.minimumf %min3A_803, %select_n3A_816 : vector<16xf32>
      %get3A_818 = arith.constant 40 : index
      %get3A_819 = tpu.vector_load %arg15[%get3A_818] {strides = array<i32>} : memref<64xf32, #tpu.memory_space<vmem>>, vector<16xf32>,
      %get3A_820 = vector.shape_cast %get3A_819 : vector<16xf32> to vector<16xf32>
      %get3A_821 = arith.index_cast %scan3A_58 : i32 to index
      %get3A_822 = arith.constant 512 : index
      %get3A_823 = tpu.vector_load %arg11[%get3A_821, %get3A_822] {strides = array<i32>} : memref<8x1280xi32, #tpu.memory_space<vmem>>, vector<1x16xi32>,
      %get3A_824 = vector.shape_cast %get3A_823 : vector<1x16xi32> to vector<16xi32>
      %eq3A_825 = arith.constant 0 : i32
      %eq3A_826 = vector.broadcast %eq3A_825 : i32 to vector<16xi32>
      %eq3A_827 = arith.cmpi eq, %get3A_824, %eq3A_826 : vector<16xi32>
      %jit3A_828 = arith.constant 1.000000e+00 : f32
      %broadcast_in_dim3A_829 = vector.broadcast %jit3A_828 : f32 to vector<16xf32>
      %select_n3A_830 = arith.select %eq3A_827, %get3A_820, %broadcast_in_dim3A_829 : vector<16xi1>, vector<16xf32>
      %min3A_831 = arith.minimumf %min3A_817, %select_n3A_830 : vector<16xf32>
      %add3A_832 = arith.constant 0 : i32
      %add3A_833 = arith.addi %add3A_832, %scan3A_58 : i32
      %swap3A_834 = arith.constant 1 : i32
      %swap3A_835 = arith.index_cast %add3A_833 : i32 to index
      %swap3A_836 = arith.index_cast %swap3A_834 : i32 to index
      %swap3A_837 = arith.constant 64 : index
      %swap3A_838 = tpu.vector_load %arg13[%swap3A_835, %swap3A_836, %swap3A_837] {strides = array<i32>} : memref<10x4x128xf32, #tpu.memory_space<vmem>>, vector<1x1x16xf32>,
      %swap3A_839 = vector.shape_cast %swap3A_838 : vector<1x1x16xf32> to vector<16xf32>
      %swap3A_840 = vector.shape_cast %min3A_831 : vector<16xf32> to vector<1x1x16xf32>
      tpu.vector_store %arg13[%swap3A_835, %swap3A_836, %swap3A_837], %swap3A_840 {strides = array<i32>} : memref<10x4x128xf32, #tpu.memory_space<vmem>>, vector<1x1x16xf32>,
      %get3A_841 = arith.constant 8 : index
      %get3A_842 = tpu.vector_load %arg15[%get3A_841] {strides = array<i32>} : memref<64xf32, #tpu.memory_space<vmem>>, vector<16xf32>,
      %get3A_843 = vector.shape_cast %get3A_842 : vector<16xf32> to vector<16xf32>
      %get3A_844 = arith.index_cast %scan3A_58 : i32 to index
      %get3A_845 = arith.constant 520 : index
      %get3A_846 = tpu.vector_load %arg11[%get3A_844, %get3A_845] {strides = array<i32>} : memref<8x1280xi32, #tpu.memory_space<vmem>>, vector<1x16xi32>,
      %get3A_847 = vector.shape_cast %get3A_846 : vector<1x16xi32> to vector<16xi32>
      %eq3A_848 = arith.constant 0 : i32
      %eq3A_849 = vector.broadcast %eq3A_848 : i32 to vector<16xi32>
      %eq3A_850 = arith.cmpi eq, %get3A_847, %eq3A_849 : vector<16xi32>
      %jit3A_851 = arith.constant 1.000000e+00 : f32
      %broadcast_in_dim3A_852 = vector.broadcast %jit3A_851 : f32 to vector<16xf32>
      %select_n3A_853 = arith.select %eq3A_850, %get3A_843, %broadcast_in_dim3A_852 : vector<16xi1>, vector<16xf32>
      %get3A_854 = arith.constant 24 : index
      %get3A_855 = tpu.vector_load %arg15[%get3A_854] {strides = array<i32>} : memref<64xf32, #tpu.memory_space<vmem>>, vector<16xf32>,
      %get3A_856 = vector.shape_cast %get3A_855 : vector<16xf32> to vector<16xf32>
      %get3A_857 = arith.index_cast %scan3A_58 : i32 to index
      %get3A_858 = arith.constant 536 : index
      %get3A_859 = tpu.vector_load %arg11[%get3A_857, %get3A_858] {strides = array<i32>} : memref<8x1280xi32, #tpu.memory_space<vmem>>, vector<1x16xi32>,
      %get3A_860 = vector.shape_cast %get3A_859 : vector<1x16xi32> to vector<16xi32>
      %eq3A_861 = arith.constant 0 : i32
      %eq3A_862 = vector.broadcast %eq3A_861 : i32 to vector<16xi32>
      %eq3A_863 = arith.cmpi eq, %get3A_860, %eq3A_862 : vector<16xi32>
      %jit3A_864 = arith.constant 1.000000e+00 : f32
      %broadcast_in_dim3A_865 = vector.broadcast %jit3A_864 : f32 to vector<16xf32>
      %select_n3A_866 = arith.select %eq3A_863, %get3A_856, %broadcast_in_dim3A_865 : vector<16xi1>, vector<16xf32>
      %min3A_867 = arith.minimumf %select_n3A_853, %select_n3A_866 : vector<16xf32>
      %get3A_868 = arith.constant 32 : index
      %get3A_869 = tpu.vector_load %arg15[%get3A_868] {strides = array<i32>} : memref<64xf32, #tpu.memory_space<vmem>>, vector<16xf32>,
      %get3A_870 = vector.shape_cast %get3A_869 : vector<16xf32> to vector<16xf32>
      %get3A_871 = arith.index_cast %scan3A_58 : i32 to index
      %get3A_872 = arith.constant 544 : index
      %get3A_873 = tpu.vector_load %arg11[%get3A_871, %get3A_872] {strides = array<i32>} : memref<8x1280xi32, #tpu.memory_space<vmem>>, vector<1x16xi32>,
      %get3A_874 = vector.shape_cast %get3A_873 : vector<1x16xi32> to vector<16xi32>
      %eq3A_875 = arith.constant 0 : i32
      %eq3A_876 = vector.broadcast %eq3A_875 : i32 to vector<16xi32>
      %eq3A_877 = arith.cmpi eq, %get3A_874, %eq3A_876 : vector<16xi32>
      %jit3A_878 = arith.constant 1.000000e+00 : f32
      %broadcast_in_dim3A_879 = vector.broadcast %jit3A_878 : f32 to vector<16xf32>
      %select_n3A_880 = arith.select %eq3A_877, %get3A_870, %broadcast_in_dim3A_879 : vector<16xi1>, vector<16xf32>
      %min3A_881 = arith.minimumf %min3A_867, %select_n3A_880 : vector<16xf32>
      %add3A_882 = arith.constant 0 : i32
      %add3A_883 = arith.addi %add3A_882, %scan3A_58 : i32
      %swap3A_884 = arith.constant 1 : i32
      %swap3A_885 = arith.index_cast %add3A_883 : i32 to index
      %swap3A_886 = arith.index_cast %swap3A_884 : i32 to index
      %swap3A_887 = arith.constant 80 : index
      %swap3A_888 = tpu.vector_load %arg13[%swap3A_885, %swap3A_886, %swap3A_887] {strides = array<i32>} : memref<10x4x128xf32, #tpu.memory_space<vmem>>, vector<1x1x16xf32>,
      %swap3A_889 = vector.shape_cast %swap3A_888 : vector<1x1x16xf32> to vector<16xf32>
      %swap3A_890 = vector.shape_cast %min3A_881 : vector<16xf32> to vector<1x1x16xf32>
      tpu.vector_store %arg13[%swap3A_885, %swap3A_886, %swap3A_887], %swap3A_890 {strides = array<i32>} : memref<10x4x128xf32, #tpu.memory_space<vmem>>, vector<1x1x16xf32>,
      %get3A_891 = arith.constant 8 : index
      %get3A_892 = tpu.vector_load %arg15[%get3A_891] {strides = array<i32>} : memref<64xf32, #tpu.memory_space<vmem>>, vector<16xf32>,
      %get3A_893 = vector.shape_cast %get3A_892 : vector<16xf32> to vector<16xf32>
      %get3A_894 = arith.index_cast %scan3A_58 : i32 to index
      %get3A_895 = arith.constant 560 : index
      %get3A_896 = tpu.vector_load %arg11[%get3A_894, %get3A_895] {strides = array<i32>} : memref<8x1280xi32, #tpu.memory_space<vmem>>, vector<1x16xi32>,
      %get3A_897 = vector.shape_cast %get3A_896 : vector<1x16xi32> to vector<16xi32>
      %eq3A_898 = arith.constant 0 : i32
      %eq3A_899 = vector.broadcast %eq3A_898 : i32 to vector<16xi32>
      %eq3A_900 = arith.cmpi eq, %get3A_897, %eq3A_899 : vector<16xi32>
      %jit3A_901 = arith.constant 1.000000e+00 : f32
      %broadcast_in_dim3A_902 = vector.broadcast %jit3A_901 : f32 to vector<16xf32>
      %select_n3A_903 = arith.select %eq3A_900, %get3A_893, %broadcast_in_dim3A_902 : vector<16xi1>, vector<16xf32>
      %get3A_904 = arith.constant 24 : index
      %get3A_905 = tpu.vector_load %arg15[%get3A_904] {strides = array<i32>} : memref<64xf32, #tpu.memory_space<vmem>>, vector<16xf32>,
      %get3A_906 = vector.shape_cast %get3A_905 : vector<16xf32> to vector<16xf32>
      %get3A_907 = arith.index_cast %scan3A_58 : i32 to index
      %get3A_908 = arith.constant 576 : index
      %get3A_909 = tpu.vector_load %arg11[%get3A_907, %get3A_908] {strides = array<i32>} : memref<8x1280xi32, #tpu.memory_space<vmem>>, vector<1x16xi32>,
      %get3A_910 = vector.shape_cast %get3A_909 : vector<1x16xi32> to vector<16xi32>
      %eq3A_911 = arith.constant 0 : i32
      %eq3A_912 = vector.broadcast %eq3A_911 : i32 to vector<16xi32>
      %eq3A_913 = arith.cmpi eq, %get3A_910, %eq3A_912 : vector<16xi32>
      %jit3A_914 = arith.constant 1.000000e+00 : f32
      %broadcast_in_dim3A_915 = vector.broadcast %jit3A_914 : f32 to vector<16xf32>
      %select_n3A_916 = arith.select %eq3A_913, %get3A_906, %broadcast_in_dim3A_915 : vector<16xi1>, vector<16xf32>
      %min3A_917 = arith.minimumf %select_n3A_903, %select_n3A_916 : vector<16xf32>
      %get3A_918 = arith.constant 32 : index
      %get3A_919 = tpu.vector_load %arg15[%get3A_918] {strides = array<i32>} : memref<64xf32, #tpu.memory_space<vmem>>, vector<16xf32>,
      %get3A_920 = vector.shape_cast %get3A_919 : vector<16xf32> to vector<16xf32>
      %get3A_921 = arith.index_cast %scan3A_58 : i32 to index
      %get3A_922 = arith.constant 584 : index
      %get3A_923 = tpu.vector_load %arg11[%get3A_921, %get3A_922] {strides = array<i32>} : memref<8x1280xi32, #tpu.memory_space<vmem>>, vector<1x16xi32>,
      %get3A_924 = vector.shape_cast %get3A_923 : vector<1x16xi32> to vector<16xi32>
      %eq3A_925 = arith.constant 0 : i32
      %eq3A_926 = vector.broadcast %eq3A_925 : i32 to vector<16xi32>
      %eq3A_927 = arith.cmpi eq, %get3A_924, %eq3A_926 : vector<16xi32>
      %jit3A_928 = arith.constant 1.000000e+00 : f32
      %broadcast_in_dim3A_929 = vector.broadcast %jit3A_928 : f32 to vector<16xf32>
      %select_n3A_930 = arith.select %eq3A_927, %get3A_920, %broadcast_in_dim3A_929 : vector<16xi1>, vector<16xf32>
      %min3A_931 = arith.minimumf %min3A_917, %select_n3A_930 : vector<16xf32>
      %add3A_932 = arith.constant 0 : i32
      %add3A_933 = arith.addi %add3A_932, %scan3A_58 : i32
      %swap3A_934 = arith.constant 1 : i32
      %swap3A_935 = arith.index_cast %add3A_933 : i32 to index
      %swap3A_936 = arith.index_cast %swap3A_934 : i32 to index
      %swap3A_937 = arith.constant 96 : index
      %swap3A_938 = tpu.vector_load %arg13[%swap3A_935, %swap3A_936, %swap3A_937] {strides = array<i32>} : memref<10x4x128xf32, #tpu.memory_space<vmem>>, vector<1x1x16xf32>,
      %swap3A_939 = vector.shape_cast %swap3A_938 : vector<1x1x16xf32> to vector<16xf32>
      %swap3A_940 = vector.shape_cast %min3A_931 : vector<16xf32> to vector<1x1x16xf32>
      tpu.vector_store %arg13[%swap3A_935, %swap3A_936, %swap3A_937], %swap3A_940 {strides = array<i32>} : memref<10x4x128xf32, #tpu.memory_space<vmem>>, vector<1x1x16xf32>,
      %get3A_941 = arith.constant 8 : index
      %get3A_942 = tpu.vector_load %arg15[%get3A_941] {strides = array<i32>} : memref<64xf32, #tpu.memory_space<vmem>>, vector<16xf32>,
      %get3A_943 = vector.shape_cast %get3A_942 : vector<16xf32> to vector<16xf32>
      %get3A_944 = arith.index_cast %scan3A_58 : i32 to index
      %get3A_945 = arith.constant 600 : index
      %get3A_946 = tpu.vector_load %arg11[%get3A_944, %get3A_945] {strides = array<i32>} : memref<8x1280xi32, #tpu.memory_space<vmem>>, vector<1x16xi32>,
      %get3A_947 = vector.shape_cast %get3A_946 : vector<1x16xi32> to vector<16xi32>
      %eq3A_948 = arith.constant 0 : i32
      %eq3A_949 = vector.broadcast %eq3A_948 : i32 to vector<16xi32>
      %eq3A_950 = arith.cmpi eq, %get3A_947, %eq3A_949 : vector<16xi32>
      %jit3A_951 = arith.constant 1.000000e+00 : f32
      %broadcast_in_dim3A_952 = vector.broadcast %jit3A_951 : f32 to vector<16xf32>
      %select_n3A_953 = arith.select %eq3A_950, %get3A_943, %broadcast_in_dim3A_952 : vector<16xi1>, vector<16xf32>
      %get3A_954 = arith.constant 24 : index
      %get3A_955 = tpu.vector_load %arg15[%get3A_954] {strides = array<i32>} : memref<64xf32, #tpu.memory_space<vmem>>, vector<16xf32>,
      %get3A_956 = vector.shape_cast %get3A_955 : vector<16xf32> to vector<16xf32>
      %get3A_957 = arith.index_cast %scan3A_58 : i32 to index
      %get3A_958 = arith.constant 616 : index
      %get3A_959 = tpu.vector_load %arg11[%get3A_957, %get3A_958] {strides = array<i32>} : memref<8x1280xi32, #tpu.memory_space<vmem>>, vector<1x16xi32>,
      %get3A_960 = vector.shape_cast %get3A_959 : vector<1x16xi32> to vector<16xi32>
      %eq3A_961 = arith.constant 0 : i32
      %eq3A_962 = vector.broadcast %eq3A_961 : i32 to vector<16xi32>
      %eq3A_963 = arith.cmpi eq, %get3A_960, %eq3A_962 : vector<16xi32>
      %jit3A_964 = arith.constant 1.000000e+00 : f32
      %broadcast_in_dim3A_965 = vector.broadcast %jit3A_964 : f32 to vector<16xf32>
      %select_n3A_966 = arith.select %eq3A_963, %get3A_956, %broadcast_in_dim3A_965 : vector<16xi1>, vector<16xf32>
      %min3A_967 = arith.minimumf %select_n3A_953, %select_n3A_966 : vector<16xf32>
      %get3A_968 = arith.constant 32 : index
      %get3A_969 = tpu.vector_load %arg15[%get3A_968] {strides = array<i32>} : memref<64xf32, #tpu.memory_space<vmem>>, vector<16xf32>,
      %get3A_970 = vector.shape_cast %get3A_969 : vector<16xf32> to vector<16xf32>
      %get3A_971 = arith.index_cast %scan3A_58 : i32 to index
      %get3A_972 = arith.constant 624 : index
      %get3A_973 = tpu.vector_load %arg11[%get3A_971, %get3A_972] {strides = array<i32>} : memref<8x1280xi32, #tpu.memory_space<vmem>>, vector<1x16xi32>,
      %get3A_974 = vector.shape_cast %get3A_973 : vector<1x16xi32> to vector<16xi32>
      %eq3A_975 = arith.constant 0 : i32
      %eq3A_976 = vector.broadcast %eq3A_975 : i32 to vector<16xi32>
      %eq3A_977 = arith.cmpi eq, %get3A_974, %eq3A_976 : vector<16xi32>
      %jit3A_978 = arith.constant 1.000000e+00 : f32
      %broadcast_in_dim3A_979 = vector.broadcast %jit3A_978 : f32 to vector<16xf32>
      %select_n3A_980 = arith.select %eq3A_977, %get3A_970, %broadcast_in_dim3A_979 : vector<16xi1>, vector<16xf32>
      %min3A_981 = arith.minimumf %min3A_967, %select_n3A_980 : vector<16xf32>
      %add3A_982 = arith.constant 0 : i32
      %add3A_983 = arith.addi %add3A_982, %scan3A_58 : i32
      %swap3A_984 = arith.constant 1 : i32
      %swap3A_985 = arith.index_cast %add3A_983 : i32 to index
      %swap3A_986 = arith.index_cast %swap3A_984 : i32 to index
      %swap3A_987 = arith.constant 112 : index
      %swap3A_988 = tpu.vector_load %arg13[%swap3A_985, %swap3A_986, %swap3A_987] {strides = array<i32>} : memref<10x4x128xf32, #tpu.memory_space<vmem>>, vector<1x1x16xf32>,
      %swap3A_989 = vector.shape_cast %swap3A_988 : vector<1x1x16xf32> to vector<16xf32>
      %swap3A_990 = vector.shape_cast %min3A_981 : vector<16xf32> to vector<1x1x16xf32>
      tpu.vector_store %arg13[%swap3A_985, %swap3A_986, %swap3A_987], %swap3A_990 {strides = array<i32>} : memref<10x4x128xf32, #tpu.memory_space<vmem>>, vector<1x1x16xf32>,
      %get3A_991 = arith.constant 8 : index
      %get3A_992 = tpu.vector_load %arg15[%get3A_991] {strides = array<i32>} : memref<64xf32, #tpu.memory_space<vmem>>, vector<16xf32>,
      %get3A_993 = vector.shape_cast %get3A_992 : vector<16xf32> to vector<16xf32>
      %get3A_994 = arith.index_cast %scan3A_58 : i32 to index
      %get3A_995 = arith.constant 640 : index
      %get3A_996 = tpu.vector_load %arg11[%get3A_994, %get3A_995] {strides = array<i32>} : memref<8x1280xi32, #tpu.memory_space<vmem>>, vector<1x16xi32>,
      %get3A_997 = vector.shape_cast %get3A_996 : vector<1x16xi32> to vector<16xi32>
      %eq3A_998 = arith.constant 0 : i32
      %eq3A_999 = vector.broadcast %eq3A_998 : i32 to vector<16xi32>
      %eq3A_1000 = arith.cmpi eq, %get3A_997, %eq3A_999 : vector<16xi32>
      %jit3A_1001 = arith.constant 1.000000e+00 : f32
      %broadcast_in_dim3A_1002 = vector.broadcast %jit3A_1001 : f32 to vector<16xf32>
      %select_n3A_1003 = arith.select %eq3A_1000, %get3A_993, %broadcast_in_dim3A_1002 : vector<16xi1>, vector<16xf32>
      %get3A_1004 = arith.constant 24 : index
      %get3A_1005 = tpu.vector_load %arg15[%get3A_1004] {strides = array<i32>} : memref<64xf32, #tpu.memory_space<vmem>>, vector<16xf32>,
      %get3A_1006 = vector.shape_cast %get3A_1005 : vector<16xf32> to vector<16xf32>
      %get3A_1007 = arith.index_cast %scan3A_58 : i32 to index
      %get3A_1008 = arith.constant 656 : index
      %get3A_1009 = tpu.vector_load %arg11[%get3A_1007, %get3A_1008] {strides = array<i32>} : memref<8x1280xi32, #tpu.memory_space<vmem>>, vector<1x16xi32>,
      %get3A_1010 = vector.shape_cast %get3A_1009 : vector<1x16xi32> to vector<16xi32>
      %eq3A_1011 = arith.constant 0 : i32
      %eq3A_1012 = vector.broadcast %eq3A_1011 : i32 to vector<16xi32>
      %eq3A_1013 = arith.cmpi eq, %get3A_1010, %eq3A_1012 : vector<16xi32>
      %jit3A_1014 = arith.constant 1.000000e+00 : f32
      %broadcast_in_dim3A_1015 = vector.broadcast %jit3A_1014 : f32 to vector<16xf32>
      %select_n3A_1016 = arith.select %eq3A_1013, %get3A_1006, %broadcast_in_dim3A_1015 : vector<16xi1>, vector<16xf32>
      %min3A_1017 = arith.minimumf %select_n3A_1003, %select_n3A_1016 : vector<16xf32>
      %get3A_1018 = arith.constant 32 : index
      %get3A_1019 = tpu.vector_load %arg15[%get3A_1018] {strides = array<i32>} : memref<64xf32, #tpu.memory_space<vmem>>, vector<16xf32>,
      %get3A_1020 = vector.shape_cast %get3A_1019 : vector<16xf32> to vector<16xf32>
      %get3A_1021 = arith.index_cast %scan3A_58 : i32 to index
      %get3A_1022 = arith.constant 664 : index
      %get3A_1023 = tpu.vector_load %arg11[%get3A_1021, %get3A_1022] {strides = array<i32>} : memref<8x1280xi32, #tpu.memory_space<vmem>>, vector<1x16xi32>,
      %get3A_1024 = vector.shape_cast %get3A_1023 : vector<1x16xi32> to vector<16xi32>
      %eq3A_1025 = arith.constant 0 : i32
      %eq3A_1026 = vector.broadcast %eq3A_1025 : i32 to vector<16xi32>
      %eq3A_1027 = arith.cmpi eq, %get3A_1024, %eq3A_1026 : vector<16xi32>
      %jit3A_1028 = arith.constant 1.000000e+00 : f32
      %broadcast_in_dim3A_1029 = vector.broadcast %jit3A_1028 : f32 to vector<16xf32>
      %select_n3A_1030 = arith.select %eq3A_1027, %get3A_1020, %broadcast_in_dim3A_1029 : vector<16xi1>, vector<16xf32>
      %min3A_1031 = arith.minimumf %min3A_1017, %select_n3A_1030 : vector<16xf32>
      %add3A_1032 = arith.constant 0 : i32
      %add3A_1033 = arith.addi %add3A_1032, %scan3A_58 : i32
      %swap3A_1034 = arith.constant 2 : i32
      %swap3A_1035 = arith.index_cast %add3A_1033 : i32 to index
      %swap3A_1036 = arith.index_cast %swap3A_1034 : i32 to index
      %swap3A_1037 = arith.constant 0 : index
      %swap3A_1038 = tpu.vector_load %arg13[%swap3A_1035, %swap3A_1036, %swap3A_1037] {strides = array<i32>} : memref<10x4x128xf32, #tpu.memory_space<vmem>>, vector<1x1x16xf32>,
      %swap3A_1039 = vector.shape_cast %swap3A_1038 : vector<1x1x16xf32> to vector<16xf32>
      %swap3A_1040 = vector.shape_cast %min3A_1031 : vector<16xf32> to vector<1x1x16xf32>
      tpu.vector_store %arg13[%swap3A_1035, %swap3A_1036, %swap3A_1037], %swap3A_1040 {strides = array<i32>} : memref<10x4x128xf32, #tpu.memory_space<vmem>>, vector<1x1x16xf32>,
      %get3A_1041 = arith.constant 8 : index
      %get3A_1042 = tpu.vector_load %arg15[%get3A_1041] {strides = array<i32>} : memref<64xf32, #tpu.memory_space<vmem>>, vector<16xf32>,
      %get3A_1043 = vector.shape_cast %get3A_1042 : vector<16xf32> to vector<16xf32>
      %get3A_1044 = arith.index_cast %scan3A_58 : i32 to index
      %get3A_1045 = arith.constant 680 : index
      %get3A_1046 = tpu.vector_load %arg11[%get3A_1044, %get3A_1045] {strides = array<i32>} : memref<8x1280xi32, #tpu.memory_space<vmem>>, vector<1x16xi32>,
      %get3A_1047 = vector.shape_cast %get3A_1046 : vector<1x16xi32> to vector<16xi32>
      %eq3A_1048 = arith.constant 0 : i32
      %eq3A_1049 = vector.broadcast %eq3A_1048 : i32 to vector<16xi32>
      %eq3A_1050 = arith.cmpi eq, %get3A_1047, %eq3A_1049 : vector<16xi32>
      %jit3A_1051 = arith.constant 1.000000e+00 : f32
      %broadcast_in_dim3A_1052 = vector.broadcast %jit3A_1051 : f32 to vector<16xf32>
      %select_n3A_1053 = arith.select %eq3A_1050, %get3A_1043, %broadcast_in_dim3A_1052 : vector<16xi1>, vector<16xf32>
      %get3A_1054 = arith.constant 24 : index
      %get3A_1055 = tpu.vector_load %arg15[%get3A_1054] {strides = array<i32>} : memref<64xf32, #tpu.memory_space<vmem>>, vector<16xf32>,
      %get3A_1056 = vector.shape_cast %get3A_1055 : vector<16xf32> to vector<16xf32>
      %get3A_1057 = arith.index_cast %scan3A_58 : i32 to index
      %get3A_1058 = arith.constant 696 : index
      %get3A_1059 = tpu.vector_load %arg11[%get3A_1057, %get3A_1058] {strides = array<i32>} : memref<8x1280xi32, #tpu.memory_space<vmem>>, vector<1x16xi32>,
      %get3A_1060 = vector.shape_cast %get3A_1059 : vector<1x16xi32> to vector<16xi32>
      %eq3A_1061 = arith.constant 0 : i32
      %eq3A_1062 = vector.broadcast %eq3A_1061 : i32 to vector<16xi32>
      %eq3A_1063 = arith.cmpi eq, %get3A_1060, %eq3A_1062 : vector<16xi32>
      %jit3A_1064 = arith.constant 1.000000e+00 : f32
      %broadcast_in_dim3A_1065 = vector.broadcast %jit3A_1064 : f32 to vector<16xf32>
      %select_n3A_1066 = arith.select %eq3A_1063, %get3A_1056, %broadcast_in_dim3A_1065 : vector<16xi1>, vector<16xf32>
      %min3A_1067 = arith.minimumf %select_n3A_1053, %select_n3A_1066 : vector<16xf32>
      %get3A_1068 = arith.constant 32 : index
      %get3A_1069 = tpu.vector_load %arg15[%get3A_1068] {strides = array<i32>} : memref<64xf32, #tpu.memory_space<vmem>>, vector<16xf32>,
      %get3A_1070 = vector.shape_cast %get3A_1069 : vector<16xf32> to vector<16xf32>
      %get3A_1071 = arith.index_cast %scan3A_58 : i32 to index
      %get3A_1072 = arith.constant 704 : index
      %get3A_1073 = tpu.vector_load %arg11[%get3A_1071, %get3A_1072] {strides = array<i32>} : memref<8x1280xi32, #tpu.memory_space<vmem>>, vector<1x16xi32>,
      %get3A_1074 = vector.shape_cast %get3A_1073 : vector<1x16xi32> to vector<16xi32>
      %eq3A_1075 = arith.constant 0 : i32
      %eq3A_1076 = vector.broadcast %eq3A_1075 : i32 to vector<16xi32>
      %eq3A_1077 = arith.cmpi eq, %get3A_1074, %eq3A_1076 : vector<16xi32>
      %jit3A_1078 = arith.constant 1.000000e+00 : f32
      %broadcast_in_dim3A_1079 = vector.broadcast %jit3A_1078 : f32 to vector<16xf32>
      %select_n3A_1080 = arith.select %eq3A_1077, %get3A_1070, %broadcast_in_dim3A_1079 : vector<16xi1>, vector<16xf32>
      %min3A_1081 = arith.minimumf %min3A_1067, %select_n3A_1080 : vector<16xf32>
      %add3A_1082 = arith.constant 0 : i32
      %add3A_1083 = arith.addi %add3A_1082, %scan3A_58 : i32
      %swap3A_1084 = arith.constant 2 : i32
      %swap3A_1085 = arith.index_cast %add3A_1083 : i32 to index
      %swap3A_1086 = arith.index_cast %swap3A_1084 : i32 to index
      %swap3A_1087 = arith.constant 16 : index
      %swap3A_1088 = tpu.vector_load %arg13[%swap3A_1085, %swap3A_1086, %swap3A_1087] {strides = array<i32>} : memref<10x4x128xf32, #tpu.memory_space<vmem>>, vector<1x1x16xf32>,
      %swap3A_1089 = vector.shape_cast %swap3A_1088 : vector<1x1x16xf32> to vector<16xf32>
      %swap3A_1090 = vector.shape_cast %min3A_1081 : vector<16xf32> to vector<1x1x16xf32>
      tpu.vector_store %arg13[%swap3A_1085, %swap3A_1086, %swap3A_1087], %swap3A_1090 {strides = array<i32>} : memref<10x4x128xf32, #tpu.memory_space<vmem>>, vector<1x1x16xf32>,
      %get3A_1091 = arith.constant 8 : index
      %get3A_1092 = tpu.vector_load %arg15[%get3A_1091] {strides = array<i32>} : memref<64xf32, #tpu.memory_space<vmem>>, vector<16xf32>,
      %get3A_1093 = vector.shape_cast %get3A_1092 : vector<16xf32> to vector<16xf32>
      %get3A_1094 = arith.index_cast %scan3A_58 : i32 to index
      %get3A_1095 = arith.constant 720 : index
      %get3A_1096 = tpu.vector_load %arg11[%get3A_1094, %get3A_1095] {strides = array<i32>} : memref<8x1280xi32, #tpu.memory_space<vmem>>, vector<1x16xi32>,
      %get3A_1097 = vector.shape_cast %get3A_1096 : vector<1x16xi32> to vector<16xi32>
      %eq3A_1098 = arith.constant 0 : i32
      %eq3A_1099 = vector.broadcast %eq3A_1098 : i32 to vector<16xi32>
      %eq3A_1100 = arith.cmpi eq, %get3A_1097, %eq3A_1099 : vector<16xi32>
      %jit3A_1101 = arith.constant 1.000000e+00 : f32
      %broadcast_in_dim3A_1102 = vector.broadcast %jit3A_1101 : f32 to vector<16xf32>
      %select_n3A_1103 = arith.select %eq3A_1100, %get3A_1093, %broadcast_in_dim3A_1102 : vector<16xi1>, vector<16xf32>
      %get3A_1104 = arith.constant 24 : index
      %get3A_1105 = tpu.vector_load %arg15[%get3A_1104] {strides = array<i32>} : memref<64xf32, #tpu.memory_space<vmem>>, vector<16xf32>,
      %get3A_1106 = vector.shape_cast %get3A_1105 : vector<16xf32> to vector<16xf32>
      %get3A_1107 = arith.index_cast %scan3A_58 : i32 to index
      %get3A_1108 = arith.constant 736 : index
      %get3A_1109 = tpu.vector_load %arg11[%get3A_1107, %get3A_1108] {strides = array<i32>} : memref<8x1280xi32, #tpu.memory_space<vmem>>, vector<1x16xi32>,
      %get3A_1110 = vector.shape_cast %get3A_1109 : vector<1x16xi32> to vector<16xi32>
      %eq3A_1111 = arith.constant 0 : i32
      %eq3A_1112 = vector.broadcast %eq3A_1111 : i32 to vector<16xi32>
      %eq3A_1113 = arith.cmpi eq, %get3A_1110, %eq3A_1112 : vector<16xi32>
      %jit3A_1114 = arith.constant 1.000000e+00 : f32
      %broadcast_in_dim3A_1115 = vector.broadcast %jit3A_1114 : f32 to vector<16xf32>
      %select_n3A_1116 = arith.select %eq3A_1113, %get3A_1106, %broadcast_in_dim3A_1115 : vector<16xi1>, vector<16xf32>
      %min3A_1117 = arith.minimumf %select_n3A_1103, %select_n3A_1116 : vector<16xf32>
      %get3A_1118 = arith.constant 32 : index
      %get3A_1119 = tpu.vector_load %arg15[%get3A_1118] {strides = array<i32>} : memref<64xf32, #tpu.memory_space<vmem>>, vector<16xf32>,
      %get3A_1120 = vector.shape_cast %get3A_1119 : vector<16xf32> to vector<16xf32>
      %get3A_1121 = arith.index_cast %scan3A_58 : i32 to index
      %get3A_1122 = arith.constant 744 : index
      %get3A_1123 = tpu.vector_load %arg11[%get3A_1121, %get3A_1122] {strides = array<i32>} : memref<8x1280xi32, #tpu.memory_space<vmem>>, vector<1x16xi32>,
      %get3A_1124 = vector.shape_cast %get3A_1123 : vector<1x16xi32> to vector<16xi32>
      %eq3A_1125 = arith.constant 0 : i32
      %eq3A_1126 = vector.broadcast %eq3A_1125 : i32 to vector<16xi32>
      %eq3A_1127 = arith.cmpi eq, %get3A_1124, %eq3A_1126 : vector<16xi32>
      %jit3A_1128 = arith.constant 1.000000e+00 : f32
      %broadcast_in_dim3A_1129 = vector.broadcast %jit3A_1128 : f32 to vector<16xf32>
      %select_n3A_1130 = arith.select %eq3A_1127, %get3A_1120, %broadcast_in_dim3A_1129 : vector<16xi1>, vector<16xf32>
      %min3A_1131 = arith.minimumf %min3A_1117, %select_n3A_1130 : vector<16xf32>
      %add3A_1132 = arith.constant 0 : i32
      %add3A_1133 = arith.addi %add3A_1132, %scan3A_58 : i32
      %swap3A_1134 = arith.constant 2 : i32
      %swap3A_1135 = arith.index_cast %add3A_1133 : i32 to index
      %swap3A_1136 = arith.index_cast %swap3A_1134 : i32 to index
      %swap3A_1137 = arith.constant 32 : index
      %swap3A_1138 = tpu.vector_load %arg13[%swap3A_1135, %swap3A_1136, %swap3A_1137] {strides = array<i32>} : memref<10x4x128xf32, #tpu.memory_space<vmem>>, vector<1x1x16xf32>,
      %swap3A_1139 = vector.shape_cast %swap3A_1138 : vector<1x1x16xf32> to vector<16xf32>
      %swap3A_1140 = vector.shape_cast %min3A_1131 : vector<16xf32> to vector<1x1x16xf32>
      tpu.vector_store %arg13[%swap3A_1135, %swap3A_1136, %swap3A_1137], %swap3A_1140 {strides = array<i32>} : memref<10x4x128xf32, #tpu.memory_space<vmem>>, vector<1x1x16xf32>,
      %get3A_1141 = arith.constant 0 : index
      %get3A_1142 = tpu.vector_load %arg15[%get3A_1141] {strides = array<i32>} : memref<64xf32, #tpu.memory_space<vmem>>, vector<16xf32>,
      %get3A_1143 = vector.shape_cast %get3A_1142 : vector<16xf32> to vector<16xf32>
      %get3A_1144 = arith.index_cast %scan3A_58 : i32 to index
      %get3A_1145 = arith.constant 752 : index
      %get3A_1146 = tpu.vector_load %arg11[%get3A_1144, %get3A_1145] {strides = array<i32>} : memref<8x1280xi32, #tpu.memory_space<vmem>>, vector<1x16xi32>,
      %get3A_1147 = vector.shape_cast %get3A_1146 : vector<1x16xi32> to vector<16xi32>
      %eq3A_1148 = arith.constant 0 : i32
      %eq3A_1149 = vector.broadcast %eq3A_1148 : i32 to vector<16xi32>
      %eq3A_1150 = arith.cmpi eq, %get3A_1147, %eq3A_1149 : vector<16xi32>
      %jit3A_1151 = arith.constant 1.000000e+00 : f32
      %broadcast_in_dim3A_1152 = vector.broadcast %jit3A_1151 : f32 to vector<16xf32>
      %select_n3A_1153 = arith.select %eq3A_1150, %get3A_1143, %broadcast_in_dim3A_1152 : vector<16xi1>, vector<16xf32>
      %get3A_1154 = arith.constant 16 : index
      %get3A_1155 = tpu.vector_load %arg15[%get3A_1154] {strides = array<i32>} : memref<64xf32, #tpu.memory_space<vmem>>, vector<16xf32>,
      %get3A_1156 = vector.shape_cast %get3A_1155 : vector<16xf32> to vector<16xf32>
      %get3A_1157 = arith.index_cast %scan3A_58 : i32 to index
      %get3A_1158 = arith.constant 768 : index
      %get3A_1159 = tpu.vector_load %arg11[%get3A_1157, %get3A_1158] {strides = array<i32>} : memref<8x1280xi32, #tpu.memory_space<vmem>>, vector<1x16xi32>,
      %get3A_1160 = vector.shape_cast %get3A_1159 : vector<1x16xi32> to vector<16xi32>
      %eq3A_1161 = arith.constant 0 : i32
      %eq3A_1162 = vector.broadcast %eq3A_1161 : i32 to vector<16xi32>
      %eq3A_1163 = arith.cmpi eq, %get3A_1160, %eq3A_1162 : vector<16xi32>
      %jit3A_1164 = arith.constant 1.000000e+00 : f32
      %broadcast_in_dim3A_1165 = vector.broadcast %jit3A_1164 : f32 to vector<16xf32>
      %select_n3A_1166 = arith.select %eq3A_1163, %get3A_1156, %broadcast_in_dim3A_1165 : vector<16xi1>, vector<16xf32>
      %min3A_1167 = arith.minimumf %select_n3A_1153, %select_n3A_1166 : vector<16xf32>
      %get3A_1168 = arith.constant 24 : index
      %get3A_1169 = tpu.vector_load %arg15[%get3A_1168] {strides = array<i32>} : memref<64xf32, #tpu.memory_space<vmem>>, vector<16xf32>,
      %get3A_1170 = vector.shape_cast %get3A_1169 : vector<16xf32> to vector<16xf32>
      %get3A_1171 = arith.index_cast %scan3A_58 : i32 to index
      %get3A_1172 = arith.constant 776 : index
      %get3A_1173 = tpu.vector_load %arg11[%get3A_1171, %get3A_1172] {strides = array<i32>} : memref<8x1280xi32, #tpu.memory_space<vmem>>, vector<1x16xi32>,
      %get3A_1174 = vector.shape_cast %get3A_1173 : vector<1x16xi32> to vector<16xi32>
      %eq3A_1175 = arith.constant 0 : i32
      %eq3A_1176 = vector.broadcast %eq3A_1175 : i32 to vector<16xi32>
      %eq3A_1177 = arith.cmpi eq, %get3A_1174, %eq3A_1176 : vector<16xi32>
      %jit3A_1178 = arith.constant 1.000000e+00 : f32
      %broadcast_in_dim3A_1179 = vector.broadcast %jit3A_1178 : f32 to vector<16xf32>
      %select_n3A_1180 = arith.select %eq3A_1177, %get3A_1170, %broadcast_in_dim3A_1179 : vector<16xi1>, vector<16xf32>
      %min3A_1181 = arith.minimumf %min3A_1167, %select_n3A_1180 : vector<16xf32>
      %get3A_1182 = arith.constant 32 : index
      %get3A_1183 = tpu.vector_load %arg15[%get3A_1182] {strides = array<i32>} : memref<64xf32, #tpu.memory_space<vmem>>, vector<16xf32>,
      %get3A_1184 = vector.shape_cast %get3A_1183 : vector<16xf32> to vector<16xf32>
      %get3A_1185 = arith.index_cast %scan3A_58 : i32 to index
      %get3A_1186 = arith.constant 784 : index
      %get3A_1187 = tpu.vector_load %arg11[%get3A_1185, %get3A_1186] {strides = array<i32>} : memref<8x1280xi32, #tpu.memory_space<vmem>>, vector<1x16xi32>,
      %get3A_1188 = vector.shape_cast %get3A_1187 : vector<1x16xi32> to vector<16xi32>
      %eq3A_1189 = arith.constant 0 : i32
      %eq3A_1190 = vector.broadcast %eq3A_1189 : i32 to vector<16xi32>
      %eq3A_1191 = arith.cmpi eq, %get3A_1188, %eq3A_1190 : vector<16xi32>
      %jit3A_1192 = arith.constant 1.000000e+00 : f32
      %broadcast_in_dim3A_1193 = vector.broadcast %jit3A_1192 : f32 to vector<16xf32>
      %select_n3A_1194 = arith.select %eq3A_1191, %get3A_1184, %broadcast_in_dim3A_1193 : vector<16xi1>, vector<16xf32>
      %min3A_1195 = arith.minimumf %min3A_1181, %select_n3A_1194 : vector<16xf32>
      %add3A_1196 = arith.constant 0 : i32
      %add3A_1197 = arith.addi %add3A_1196, %scan3A_58 : i32
      %swap3A_1198 = arith.constant 2 : i32
      %swap3A_1199 = arith.index_cast %add3A_1197 : i32 to index
      %swap3A_1200 = arith.index_cast %swap3A_1198 : i32 to index
      %swap3A_1201 = arith.constant 48 : index
      %swap3A_1202 = tpu.vector_load %arg13[%swap3A_1199, %swap3A_1200, %swap3A_1201] {strides = array<i32>} : memref<10x4x128xf32, #tpu.memory_space<vmem>>, vector<1x1x16xf32>,
      %swap3A_1203 = vector.shape_cast %swap3A_1202 : vector<1x1x16xf32> to vector<16xf32>
      %swap3A_1204 = vector.shape_cast %min3A_1195 : vector<16xf32> to vector<1x1x16xf32>
      tpu.vector_store %arg13[%swap3A_1199, %swap3A_1200, %swap3A_1201], %swap3A_1204 {strides = array<i32>} : memref<10x4x128xf32, #tpu.memory_space<vmem>>, vector<1x1x16xf32>,
      %get3A_1205 = arith.constant 8 : index
      %get3A_1206 = tpu.vector_load %arg15[%get3A_1205] {strides = array<i32>} : memref<64xf32, #tpu.memory_space<vmem>>, vector<16xf32>,
      %get3A_1207 = vector.shape_cast %get3A_1206 : vector<16xf32> to vector<16xf32>
      %get3A_1208 = arith.index_cast %scan3A_58 : i32 to index
      %get3A_1209 = arith.constant 800 : index
      %get3A_1210 = tpu.vector_load %arg11[%get3A_1208, %get3A_1209] {strides = array<i32>} : memref<8x1280xi32, #tpu.memory_space<vmem>>, vector<1x16xi32>,
      %get3A_1211 = vector.shape_cast %get3A_1210 : vector<1x16xi32> to vector<16xi32>
      %eq3A_1212 = arith.constant 0 : i32
      %eq3A_1213 = vector.broadcast %eq3A_1212 : i32 to vector<16xi32>
      %eq3A_1214 = arith.cmpi eq, %get3A_1211, %eq3A_1213 : vector<16xi32>
      %jit3A_1215 = arith.constant 1.000000e+00 : f32
      %broadcast_in_dim3A_1216 = vector.broadcast %jit3A_1215 : f32 to vector<16xf32>
      %select_n3A_1217 = arith.select %eq3A_1214, %get3A_1207, %broadcast_in_dim3A_1216 : vector<16xi1>, vector<16xf32>
      %get3A_1218 = arith.constant 24 : index
      %get3A_1219 = tpu.vector_load %arg15[%get3A_1218] {strides = array<i32>} : memref<64xf32, #tpu.memory_space<vmem>>, vector<16xf32>,
      %get3A_1220 = vector.shape_cast %get3A_1219 : vector<16xf32> to vector<16xf32>
      %get3A_1221 = arith.index_cast %scan3A_58 : i32 to index
      %get3A_1222 = arith.constant 816 : index
      %get3A_1223 = tpu.vector_load %arg11[%get3A_1221, %get3A_1222] {strides = array<i32>} : memref<8x1280xi32, #tpu.memory_space<vmem>>, vector<1x16xi32>,
      %get3A_1224 = vector.shape_cast %get3A_1223 : vector<1x16xi32> to vector<16xi32>
      %eq3A_1225 = arith.constant 0 : i32
      %eq3A_1226 = vector.broadcast %eq3A_1225 : i32 to vector<16xi32>
      %eq3A_1227 = arith.cmpi eq, %get3A_1224, %eq3A_1226 : vector<16xi32>
      %jit3A_1228 = arith.constant 1.000000e+00 : f32
      %broadcast_in_dim3A_1229 = vector.broadcast %jit3A_1228 : f32 to vector<16xf32>
      %select_n3A_1230 = arith.select %eq3A_1227, %get3A_1220, %broadcast_in_dim3A_1229 : vector<16xi1>, vector<16xf32>
      %min3A_1231 = arith.minimumf %select_n3A_1217, %select_n3A_1230 : vector<16xf32>
      %get3A_1232 = arith.constant 32 : index
      %get3A_1233 = tpu.vector_load %arg15[%get3A_1232] {strides = array<i32>} : memref<64xf32, #tpu.memory_space<vmem>>, vector<16xf32>,
      %get3A_1234 = vector.shape_cast %get3A_1233 : vector<16xf32> to vector<16xf32>
      %get3A_1235 = arith.index_cast %scan3A_58 : i32 to index
      %get3A_1236 = arith.constant 824 : index
      %get3A_1237 = tpu.vector_load %arg11[%get3A_1235, %get3A_1236] {strides = array<i32>} : memref<8x1280xi32, #tpu.memory_space<vmem>>, vector<1x16xi32>,
      %get3A_1238 = vector.shape_cast %get3A_1237 : vector<1x16xi32> to vector<16xi32>
      %eq3A_1239 = arith.constant 0 : i32
      %eq3A_1240 = vector.broadcast %eq3A_1239 : i32 to vector<16xi32>
      %eq3A_1241 = arith.cmpi eq, %get3A_1238, %eq3A_1240 : vector<16xi32>
      %jit3A_1242 = arith.constant 1.000000e+00 : f32
      %broadcast_in_dim3A_1243 = vector.broadcast %jit3A_1242 : f32 to vector<16xf32>
      %select_n3A_1244 = arith.select %eq3A_1241, %get3A_1234, %broadcast_in_dim3A_1243 : vector<16xi1>, vector<16xf32>
      %min3A_1245 = arith.minimumf %min3A_1231, %select_n3A_1244 : vector<16xf32>
      %add3A_1246 = arith.constant 0 : i32
      %add3A_1247 = arith.addi %add3A_1246, %scan3A_58 : i32
      %swap3A_1248 = arith.constant 2 : i32
      %swap3A_1249 = arith.index_cast %add3A_1247 : i32 to index
      %swap3A_1250 = arith.index_cast %swap3A_1248 : i32 to index
      %swap3A_1251 = arith.constant 64 : index
      %swap3A_1252 = tpu.vector_load %arg13[%swap3A_1249, %swap3A_1250, %swap3A_1251] {strides = array<i32>} : memref<10x4x128xf32, #tpu.memory_space<vmem>>, vector<1x1x16xf32>,
      %swap3A_1253 = vector.shape_cast %swap3A_1252 : vector<1x1x16xf32> to vector<16xf32>
      %swap3A_1254 = vector.shape_cast %min3A_1245 : vector<16xf32> to vector<1x1x16xf32>
      tpu.vector_store %arg13[%swap3A_1249, %swap3A_1250, %swap3A_1251], %swap3A_1254 {strides = array<i32>} : memref<10x4x128xf32, #tpu.memory_space<vmem>>, vector<1x1x16xf32>,
      %get3A_1255 = arith.constant 8 : index
      %get3A_1256 = tpu.vector_load %arg15[%get3A_1255] {strides = array<i32>} : memref<64xf32, #tpu.memory_space<vmem>>, vector<16xf32>,
      %get3A_1257 = vector.shape_cast %get3A_1256 : vector<16xf32> to vector<16xf32>
      %get3A_1258 = arith.index_cast %scan3A_58 : i32 to index
      %get3A_1259 = arith.constant 840 : index
      %get3A_1260 = tpu.vector_load %arg11[%get3A_1258, %get3A_1259] {strides = array<i32>} : memref<8x1280xi32, #tpu.memory_space<vmem>>, vector<1x16xi32>,
      %get3A_1261 = vector.shape_cast %get3A_1260 : vector<1x16xi32> to vector<16xi32>
      %eq3A_1262 = arith.constant 0 : i32
      %eq3A_1263 = vector.broadcast %eq3A_1262 : i32 to vector<16xi32>
      %eq3A_1264 = arith.cmpi eq, %get3A_1261, %eq3A_1263 : vector<16xi32>
      %jit3A_1265 = arith.constant 1.000000e+00 : f32
      %broadcast_in_dim3A_1266 = vector.broadcast %jit3A_1265 : f32 to vector<16xf32>
      %select_n3A_1267 = arith.select %eq3A_1264, %get3A_1257, %broadcast_in_dim3A_1266 : vector<16xi1>, vector<16xf32>
      %get3A_1268 = arith.constant 24 : index
      %get3A_1269 = tpu.vector_load %arg15[%get3A_1268] {strides = array<i32>} : memref<64xf32, #tpu.memory_space<vmem>>, vector<16xf32>,
      %get3A_1270 = vector.shape_cast %get3A_1269 : vector<16xf32> to vector<16xf32>
      %get3A_1271 = arith.index_cast %scan3A_58 : i32 to index
      %get3A_1272 = arith.constant 856 : index
      %get3A_1273 = tpu.vector_load %arg11[%get3A_1271, %get3A_1272] {strides = array<i32>} : memref<8x1280xi32, #tpu.memory_space<vmem>>, vector<1x16xi32>,
      %get3A_1274 = vector.shape_cast %get3A_1273 : vector<1x16xi32> to vector<16xi32>
      %eq3A_1275 = arith.constant 0 : i32
      %eq3A_1276 = vector.broadcast %eq3A_1275 : i32 to vector<16xi32>
      %eq3A_1277 = arith.cmpi eq, %get3A_1274, %eq3A_1276 : vector<16xi32>
      %jit3A_1278 = arith.constant 1.000000e+00 : f32
      %broadcast_in_dim3A_1279 = vector.broadcast %jit3A_1278 : f32 to vector<16xf32>
      %select_n3A_1280 = arith.select %eq3A_1277, %get3A_1270, %broadcast_in_dim3A_1279 : vector<16xi1>, vector<16xf32>
      %min3A_1281 = arith.minimumf %select_n3A_1267, %select_n3A_1280 : vector<16xf32>
      %get3A_1282 = arith.constant 32 : index
      %get3A_1283 = tpu.vector_load %arg15[%get3A_1282] {strides = array<i32>} : memref<64xf32, #tpu.memory_space<vmem>>, vector<16xf32>,
      %get3A_1284 = vector.shape_cast %get3A_1283 : vector<16xf32> to vector<16xf32>
      %get3A_1285 = arith.index_cast %scan3A_58 : i32 to index
      %get3A_1286 = arith.constant 864 : index
      %get3A_1287 = tpu.vector_load %arg11[%get3A_1285, %get3A_1286] {strides = array<i32>} : memref<8x1280xi32, #tpu.memory_space<vmem>>, vector<1x16xi32>,
      %get3A_1288 = vector.shape_cast %get3A_1287 : vector<1x16xi32> to vector<16xi32>
      %eq3A_1289 = arith.constant 0 : i32
      %eq3A_1290 = vector.broadcast %eq3A_1289 : i32 to vector<16xi32>
      %eq3A_1291 = arith.cmpi eq, %get3A_1288, %eq3A_1290 : vector<16xi32>
      %jit3A_1292 = arith.constant 1.000000e+00 : f32
      %broadcast_in_dim3A_1293 = vector.broadcast %jit3A_1292 : f32 to vector<16xf32>
      %select_n3A_1294 = arith.select %eq3A_1291, %get3A_1284, %broadcast_in_dim3A_1293 : vector<16xi1>, vector<16xf32>
      %min3A_1295 = arith.minimumf %min3A_1281, %select_n3A_1294 : vector<16xf32>
      %add3A_1296 = arith.constant 0 : i32
      %add3A_1297 = arith.addi %add3A_1296, %scan3A_58 : i32
      %swap3A_1298 = arith.constant 2 : i32
      %swap3A_1299 = arith.index_cast %add3A_1297 : i32 to index
      %swap3A_1300 = arith.index_cast %swap3A_1298 : i32 to index
      %swap3A_1301 = arith.constant 80 : index
      %swap3A_1302 = tpu.vector_load %arg13[%swap3A_1299, %swap3A_1300, %swap3A_1301] {strides = array<i32>} : memref<10x4x128xf32, #tpu.memory_space<vmem>>, vector<1x1x16xf32>,
      %swap3A_1303 = vector.shape_cast %swap3A_1302 : vector<1x1x16xf32> to vector<16xf32>
      %swap3A_1304 = vector.shape_cast %min3A_1295 : vector<16xf32> to vector<1x1x16xf32>
      tpu.vector_store %arg13[%swap3A_1299, %swap3A_1300, %swap3A_1301], %swap3A_1304 {strides = array<i32>} : memref<10x4x128xf32, #tpu.memory_space<vmem>>, vector<1x1x16xf32>,
      %get3A_1305 = arith.constant 8 : index
      %get3A_1306 = tpu.vector_load %arg15[%get3A_1305] {strides = array<i32>} : memref<64xf32, #tpu.memory_space<vmem>>, vector<16xf32>,
      %get3A_1307 = vector.shape_cast %get3A_1306 : vector<16xf32> to vector<16xf32>
      %get3A_1308 = arith.index_cast %scan3A_58 : i32 to index
      %get3A_1309 = arith.constant 880 : index
      %get3A_1310 = tpu.vector_load %arg11[%get3A_1308, %get3A_1309] {strides = array<i32>} : memref<8x1280xi32, #tpu.memory_space<vmem>>, vector<1x16xi32>,
      %get3A_1311 = vector.shape_cast %get3A_1310 : vector<1x16xi32> to vector<16xi32>
      %eq3A_1312 = arith.constant 0 : i32
      %eq3A_1313 = vector.broadcast %eq3A_1312 : i32 to vector<16xi32>
      %eq3A_1314 = arith.cmpi eq, %get3A_1311, %eq3A_1313 : vector<16xi32>
      %jit3A_1315 = arith.constant 1.000000e+00 : f32
      %broadcast_in_dim3A_1316 = vector.broadcast %jit3A_1315 : f32 to vector<16xf32>
      %select_n3A_1317 = arith.select %eq3A_1314, %get3A_1307, %broadcast_in_dim3A_1316 : vector<16xi1>, vector<16xf32>
      %get3A_1318 = arith.constant 24 : index
      %get3A_1319 = tpu.vector_load %arg15[%get3A_1318] {strides = array<i32>} : memref<64xf32, #tpu.memory_space<vmem>>, vector<16xf32>,
      %get3A_1320 = vector.shape_cast %get3A_1319 : vector<16xf32> to vector<16xf32>
      %get3A_1321 = arith.index_cast %scan3A_58 : i32 to index
      %get3A_1322 = arith.constant 896 : index
      %get3A_1323 = tpu.vector_load %arg11[%get3A_1321, %get3A_1322] {strides = array<i32>} : memref<8x1280xi32, #tpu.memory_space<vmem>>, vector<1x16xi32>,
      %get3A_1324 = vector.shape_cast %get3A_1323 : vector<1x16xi32> to vector<16xi32>
      %eq3A_1325 = arith.constant 0 : i32
      %eq3A_1326 = vector.broadcast %eq3A_1325 : i32 to vector<16xi32>
      %eq3A_1327 = arith.cmpi eq, %get3A_1324, %eq3A_1326 : vector<16xi32>
      %jit3A_1328 = arith.constant 1.000000e+00 : f32
      %broadcast_in_dim3A_1329 = vector.broadcast %jit3A_1328 : f32 to vector<16xf32>
      %select_n3A_1330 = arith.select %eq3A_1327, %get3A_1320, %broadcast_in_dim3A_1329 : vector<16xi1>, vector<16xf32>
      %min3A_1331 = arith.minimumf %select_n3A_1317, %select_n3A_1330 : vector<16xf32>
      %get3A_1332 = arith.constant 32 : index
      %get3A_1333 = tpu.vector_load %arg15[%get3A_1332] {strides = array<i32>} : memref<64xf32, #tpu.memory_space<vmem>>, vector<16xf32>,
      %get3A_1334 = vector.shape_cast %get3A_1333 : vector<16xf32> to vector<16xf32>
      %get3A_1335 = arith.index_cast %scan3A_58 : i32 to index
      %get3A_1336 = arith.constant 904 : index
      %get3A_1337 = tpu.vector_load %arg11[%get3A_1335, %get3A_1336] {strides = array<i32>} : memref<8x1280xi32, #tpu.memory_space<vmem>>, vector<1x16xi32>,
      %get3A_1338 = vector.shape_cast %get3A_1337 : vector<1x16xi32> to vector<16xi32>
      %eq3A_1339 = arith.constant 0 : i32
      %eq3A_1340 = vector.broadcast %eq3A_1339 : i32 to vector<16xi32>
      %eq3A_1341 = arith.cmpi eq, %get3A_1338, %eq3A_1340 : vector<16xi32>
      %jit3A_1342 = arith.constant 1.000000e+00 : f32
      %broadcast_in_dim3A_1343 = vector.broadcast %jit3A_1342 : f32 to vector<16xf32>
      %select_n3A_1344 = arith.select %eq3A_1341, %get3A_1334, %broadcast_in_dim3A_1343 : vector<16xi1>, vector<16xf32>
      %min3A_1345 = arith.minimumf %min3A_1331, %select_n3A_1344 : vector<16xf32>
      %add3A_1346 = arith.constant 0 : i32
      %add3A_1347 = arith.addi %add3A_1346, %scan3A_58 : i32
      %swap3A_1348 = arith.constant 2 : i32
      %swap3A_1349 = arith.index_cast %add3A_1347 : i32 to index
      %swap3A_1350 = arith.index_cast %swap3A_1348 : i32 to index
      %swap3A_1351 = arith.constant 96 : index
      %swap3A_1352 = tpu.vector_load %arg13[%swap3A_1349, %swap3A_1350, %swap3A_1351] {strides = array<i32>} : memref<10x4x128xf32, #tpu.memory_space<vmem>>, vector<1x1x16xf32>,
      %swap3A_1353 = vector.shape_cast %swap3A_1352 : vector<1x1x16xf32> to vector<16xf32>
      %swap3A_1354 = vector.shape_cast %min3A_1345 : vector<16xf32> to vector<1x1x16xf32>
      tpu.vector_store %arg13[%swap3A_1349, %swap3A_1350, %swap3A_1351], %swap3A_1354 {strides = array<i32>} : memref<10x4x128xf32, #tpu.memory_space<vmem>>, vector<1x1x16xf32>,
      %get3A_1355 = arith.constant 8 : index
      %get3A_1356 = tpu.vector_load %arg15[%get3A_1355] {strides = array<i32>} : memref<64xf32, #tpu.memory_space<vmem>>, vector<16xf32>,
      %get3A_1357 = vector.shape_cast %get3A_1356 : vector<16xf32> to vector<16xf32>
      %get3A_1358 = arith.index_cast %scan3A_58 : i32 to index
      %get3A_1359 = arith.constant 920 : index
      %get3A_1360 = tpu.vector_load %arg11[%get3A_1358, %get3A_1359] {strides = array<i32>} : memref<8x1280xi32, #tpu.memory_space<vmem>>, vector<1x16xi32>,
      %get3A_1361 = vector.shape_cast %get3A_1360 : vector<1x16xi32> to vector<16xi32>
      %eq3A_1362 = arith.constant 0 : i32
      %eq3A_1363 = vector.broadcast %eq3A_1362 : i32 to vector<16xi32>
      %eq3A_1364 = arith.cmpi eq, %get3A_1361, %eq3A_1363 : vector<16xi32>
      %jit3A_1365 = arith.constant 1.000000e+00 : f32
      %broadcast_in_dim3A_1366 = vector.broadcast %jit3A_1365 : f32 to vector<16xf32>
      %select_n3A_1367 = arith.select %eq3A_1364, %get3A_1357, %broadcast_in_dim3A_1366 : vector<16xi1>, vector<16xf32>
      %get3A_1368 = arith.constant 24 : index
      %get3A_1369 = tpu.vector_load %arg15[%get3A_1368] {strides = array<i32>} : memref<64xf32, #tpu.memory_space<vmem>>, vector<16xf32>,
      %get3A_1370 = vector.shape_cast %get3A_1369 : vector<16xf32> to vector<16xf32>
      %get3A_1371 = arith.index_cast %scan3A_58 : i32 to index
      %get3A_1372 = arith.constant 936 : index
      %get3A_1373 = tpu.vector_load %arg11[%get3A_1371, %get3A_1372] {strides = array<i32>} : memref<8x1280xi32, #tpu.memory_space<vmem>>, vector<1x16xi32>,
      %get3A_1374 = vector.shape_cast %get3A_1373 : vector<1x16xi32> to vector<16xi32>
      %eq3A_1375 = arith.constant 0 : i32
      %eq3A_1376 = vector.broadcast %eq3A_1375 : i32 to vector<16xi32>
      %eq3A_1377 = arith.cmpi eq, %get3A_1374, %eq3A_1376 : vector<16xi32>
      %jit3A_1378 = arith.constant 1.000000e+00 : f32
      %broadcast_in_dim3A_1379 = vector.broadcast %jit3A_1378 : f32 to vector<16xf32>
      %select_n3A_1380 = arith.select %eq3A_1377, %get3A_1370, %broadcast_in_dim3A_1379 : vector<16xi1>, vector<16xf32>
      %min3A_1381 = arith.minimumf %select_n3A_1367, %select_n3A_1380 : vector<16xf32>
      %get3A_1382 = arith.constant 32 : index
      %get3A_1383 = tpu.vector_load %arg15[%get3A_1382] {strides = array<i32>} : memref<64xf32, #tpu.memory_space<vmem>>, vector<16xf32>,
      %get3A_1384 = vector.shape_cast %get3A_1383 : vector<16xf32> to vector<16xf32>
      %get3A_1385 = arith.index_cast %scan3A_58 : i32 to index
      %get3A_1386 = arith.constant 944 : index
      %get3A_1387 = tpu.vector_load %arg11[%get3A_1385, %get3A_1386] {strides = array<i32>} : memref<8x1280xi32, #tpu.memory_space<vmem>>, vector<1x16xi32>,
      %get3A_1388 = vector.shape_cast %get3A_1387 : vector<1x16xi32> to vector<16xi32>
      %eq3A_1389 = arith.constant 0 : i32
      %eq3A_1390 = vector.broadcast %eq3A_1389 : i32 to vector<16xi32>
      %eq3A_1391 = arith.cmpi eq, %get3A_1388, %eq3A_1390 : vector<16xi32>
      %jit3A_1392 = arith.constant 1.000000e+00 : f32
      %broadcast_in_dim3A_1393 = vector.broadcast %jit3A_1392 : f32 to vector<16xf32>
      %select_n3A_1394 = arith.select %eq3A_1391, %get3A_1384, %broadcast_in_dim3A_1393 : vector<16xi1>, vector<16xf32>
      %min3A_1395 = arith.minimumf %min3A_1381, %select_n3A_1394 : vector<16xf32>
      %add3A_1396 = arith.constant 0 : i32
      %add3A_1397 = arith.addi %add3A_1396, %scan3A_58 : i32
      %swap3A_1398 = arith.constant 2 : i32
      %swap3A_1399 = arith.index_cast %add3A_1397 : i32 to index
      %swap3A_1400 = arith.index_cast %swap3A_1398 : i32 to index
      %swap3A_1401 = arith.constant 112 : index
      %swap3A_1402 = tpu.vector_load %arg13[%swap3A_1399, %swap3A_1400, %swap3A_1401] {strides = array<i32>} : memref<10x4x128xf32, #tpu.memory_space<vmem>>, vector<1x1x16xf32>,
      %swap3A_1403 = vector.shape_cast %swap3A_1402 : vector<1x1x16xf32> to vector<16xf32>
      %swap3A_1404 = vector.shape_cast %min3A_1395 : vector<16xf32> to vector<1x1x16xf32>
      tpu.vector_store %arg13[%swap3A_1399, %swap3A_1400, %swap3A_1401], %swap3A_1404 {strides = array<i32>} : memref<10x4x128xf32, #tpu.memory_space<vmem>>, vector<1x1x16xf32>,
      %get3A_1405 = arith.constant 8 : index
      %get3A_1406 = tpu.vector_load %arg15[%get3A_1405] {strides = array<i32>} : memref<64xf32, #tpu.memory_space<vmem>>, vector<16xf32>,
      %get3A_1407 = vector.shape_cast %get3A_1406 : vector<16xf32> to vector<16xf32>
      %get3A_1408 = arith.index_cast %scan3A_58 : i32 to index
      %get3A_1409 = arith.constant 960 : index
      %get3A_1410 = tpu.vector_load %arg11[%get3A_1408, %get3A_1409] {strides = array<i32>} : memref<8x1280xi32, #tpu.memory_space<vmem>>, vector<1x16xi32>,
      %get3A_1411 = vector.shape_cast %get3A_1410 : vector<1x16xi32> to vector<16xi32>
      %eq3A_1412 = arith.constant 0 : i32
      %eq3A_1413 = vector.broadcast %eq3A_1412 : i32 to vector<16xi32>
      %eq3A_1414 = arith.cmpi eq, %get3A_1411, %eq3A_1413 : vector<16xi32>
      %jit3A_1415 = arith.constant 1.000000e+00 : f32
      %broadcast_in_dim3A_1416 = vector.broadcast %jit3A_1415 : f32 to vector<16xf32>
      %select_n3A_1417 = arith.select %eq3A_1414, %get3A_1407, %broadcast_in_dim3A_1416 : vector<16xi1>, vector<16xf32>
      %get3A_1418 = arith.constant 24 : index
      %get3A_1419 = tpu.vector_load %arg15[%get3A_1418] {strides = array<i32>} : memref<64xf32, #tpu.memory_space<vmem>>, vector<16xf32>,
      %get3A_1420 = vector.shape_cast %get3A_1419 : vector<16xf32> to vector<16xf32>
      %get3A_1421 = arith.index_cast %scan3A_58 : i32 to index
      %get3A_1422 = arith.constant 976 : index
      %get3A_1423 = tpu.vector_load %arg11[%get3A_1421, %get3A_1422] {strides = array<i32>} : memref<8x1280xi32, #tpu.memory_space<vmem>>, vector<1x16xi32>,
      %get3A_1424 = vector.shape_cast %get3A_1423 : vector<1x16xi32> to vector<16xi32>
      %eq3A_1425 = arith.constant 0 : i32
      %eq3A_1426 = vector.broadcast %eq3A_1425 : i32 to vector<16xi32>
      %eq3A_1427 = arith.cmpi eq, %get3A_1424, %eq3A_1426 : vector<16xi32>
      %jit3A_1428 = arith.constant 1.000000e+00 : f32
      %broadcast_in_dim3A_1429 = vector.broadcast %jit3A_1428 : f32 to vector<16xf32>
      %select_n3A_1430 = arith.select %eq3A_1427, %get3A_1420, %broadcast_in_dim3A_1429 : vector<16xi1>, vector<16xf32>
      %min3A_1431 = arith.minimumf %select_n3A_1417, %select_n3A_1430 : vector<16xf32>
      %get3A_1432 = arith.constant 32 : index
      %get3A_1433 = tpu.vector_load %arg15[%get3A_1432] {strides = array<i32>} : memref<64xf32, #tpu.memory_space<vmem>>, vector<16xf32>,
      %get3A_1434 = vector.shape_cast %get3A_1433 : vector<16xf32> to vector<16xf32>
      %get3A_1435 = arith.index_cast %scan3A_58 : i32 to index
      %get3A_1436 = arith.constant 984 : index
      %get3A_1437 = tpu.vector_load %arg11[%get3A_1435, %get3A_1436] {strides = array<i32>} : memref<8x1280xi32, #tpu.memory_space<vmem>>, vector<1x16xi32>,
      %get3A_1438 = vector.shape_cast %get3A_1437 : vector<1x16xi32> to vector<16xi32>
      %eq3A_1439 = arith.constant 0 : i32
      %eq3A_1440 = vector.broadcast %eq3A_1439 : i32 to vector<16xi32>
      %eq3A_1441 = arith.cmpi eq, %get3A_1438, %eq3A_1440 : vector<16xi32>
      %jit3A_1442 = arith.constant 1.000000e+00 : f32
      %broadcast_in_dim3A_1443 = vector.broadcast %jit3A_1442 : f32 to vector<16xf32>
      %select_n3A_1444 = arith.select %eq3A_1441, %get3A_1434, %broadcast_in_dim3A_1443 : vector<16xi1>, vector<16xf32>
      %min3A_1445 = arith.minimumf %min3A_1431, %select_n3A_1444 : vector<16xf32>
      %add3A_1446 = arith.constant 0 : i32
      %add3A_1447 = arith.addi %add3A_1446, %scan3A_58 : i32
      %swap3A_1448 = arith.constant 3 : i32
      %swap3A_1449 = arith.index_cast %add3A_1447 : i32 to index
      %swap3A_1450 = arith.index_cast %swap3A_1448 : i32 to index
      %swap3A_1451 = arith.constant 0 : index
      %swap3A_1452 = tpu.vector_load %arg13[%swap3A_1449, %swap3A_1450, %swap3A_1451] {strides = array<i32>} : memref<10x4x128xf32, #tpu.memory_space<vmem>>, vector<1x1x16xf32>,
      %swap3A_1453 = vector.shape_cast %swap3A_1452 : vector<1x1x16xf32> to vector<16xf32>
      %swap3A_1454 = vector.shape_cast %min3A_1445 : vector<16xf32> to vector<1x1x16xf32>
      tpu.vector_store %arg13[%swap3A_1449, %swap3A_1450, %swap3A_1451], %swap3A_1454 {strides = array<i32>} : memref<10x4x128xf32, #tpu.memory_space<vmem>>, vector<1x1x16xf32>,
      %get3A_1455 = arith.constant 8 : index
      %get3A_1456 = tpu.vector_load %arg15[%get3A_1455] {strides = array<i32>} : memref<64xf32, #tpu.memory_space<vmem>>, vector<16xf32>,
      %get3A_1457 = vector.shape_cast %get3A_1456 : vector<16xf32> to vector<16xf32>
      %get3A_1458 = arith.index_cast %scan3A_58 : i32 to index
      %get3A_1459 = arith.constant 1000 : index
      %get3A_1460 = tpu.vector_load %arg11[%get3A_1458, %get3A_1459] {strides = array<i32>} : memref<8x1280xi32, #tpu.memory_space<vmem>>, vector<1x16xi32>,
      %get3A_1461 = vector.shape_cast %get3A_1460 : vector<1x16xi32> to vector<16xi32>
      %eq3A_1462 = arith.constant 0 : i32
      %eq3A_1463 = vector.broadcast %eq3A_1462 : i32 to vector<16xi32>
      %eq3A_1464 = arith.cmpi eq, %get3A_1461, %eq3A_1463 : vector<16xi32>
      %jit3A_1465 = arith.constant 1.000000e+00 : f32
      %broadcast_in_dim3A_1466 = vector.broadcast %jit3A_1465 : f32 to vector<16xf32>
      %select_n3A_1467 = arith.select %eq3A_1464, %get3A_1457, %broadcast_in_dim3A_1466 : vector<16xi1>, vector<16xf32>
      %get3A_1468 = arith.constant 16 : index
      %get3A_1469 = tpu.vector_load %arg15[%get3A_1468] {strides = array<i32>} : memref<64xf32, #tpu.memory_space<vmem>>, vector<16xf32>,
      %get3A_1470 = vector.shape_cast %get3A_1469 : vector<16xf32> to vector<16xf32>
      %get3A_1471 = arith.index_cast %scan3A_58 : i32 to index
      %get3A_1472 = arith.constant 1008 : index
      %get3A_1473 = tpu.vector_load %arg11[%get3A_1471, %get3A_1472] {strides = array<i32>} : memref<8x1280xi32, #tpu.memory_space<vmem>>, vector<1x16xi32>,
      %get3A_1474 = vector.shape_cast %get3A_1473 : vector<1x16xi32> to vector<16xi32>
      %eq3A_1475 = arith.constant 0 : i32
      %eq3A_1476 = vector.broadcast %eq3A_1475 : i32 to vector<16xi32>
      %eq3A_1477 = arith.cmpi eq, %get3A_1474, %eq3A_1476 : vector<16xi32>
      %jit3A_1478 = arith.constant 1.000000e+00 : f32
      %broadcast_in_dim3A_1479 = vector.broadcast %jit3A_1478 : f32 to vector<16xf32>
      %select_n3A_1480 = arith.select %eq3A_1477, %get3A_1470, %broadcast_in_dim3A_1479 : vector<16xi1>, vector<16xf32>
      %min3A_1481 = arith.minimumf %select_n3A_1467, %select_n3A_1480 : vector<16xf32>
      %get3A_1482 = arith.constant 32 : index
      %get3A_1483 = tpu.vector_load %arg15[%get3A_1482] {strides = array<i32>} : memref<64xf32, #tpu.memory_space<vmem>>, vector<16xf32>,
      %get3A_1484 = vector.shape_cast %get3A_1483 : vector<16xf32> to vector<16xf32>
      %get3A_1485 = arith.index_cast %scan3A_58 : i32 to index
      %get3A_1486 = arith.constant 1024 : index
      %get3A_1487 = tpu.vector_load %arg11[%get3A_1485, %get3A_1486] {strides = array<i32>} : memref<8x1280xi32, #tpu.memory_space<vmem>>, vector<1x16xi32>,
      %get3A_1488 = vector.shape_cast %get3A_1487 : vector<1x16xi32> to vector<16xi32>
      %eq3A_1489 = arith.constant 0 : i32
      %eq3A_1490 = vector.broadcast %eq3A_1489 : i32 to vector<16xi32>
      %eq3A_1491 = arith.cmpi eq, %get3A_1488, %eq3A_1490 : vector<16xi32>
      %jit3A_1492 = arith.constant 1.000000e+00 : f32
      %broadcast_in_dim3A_1493 = vector.broadcast %jit3A_1492 : f32 to vector<16xf32>
      %select_n3A_1494 = arith.select %eq3A_1491, %get3A_1484, %broadcast_in_dim3A_1493 : vector<16xi1>, vector<16xf32>
      %min3A_1495 = arith.minimumf %min3A_1481, %select_n3A_1494 : vector<16xf32>
      %get3A_1496 = arith.constant 32 : index
      %get3A_1497 = tpu.vector_load %arg15[%get3A_1496] {strides = array<i32>} : memref<64xf32, #tpu.memory_space<vmem>>, vector<16xf32>,
      %get3A_1498 = vector.shape_cast %get3A_1497 : vector<16xf32> to vector<16xf32>
      %get3A_1499 = arith.index_cast %scan3A_58 : i32 to index
      %get3A_1500 = arith.constant 1024 : index
      %get3A_1501 = tpu.vector_load %arg11[%get3A_1499, %get3A_1500] {strides = array<i32>} : memref<8x1280xi32, #tpu.memory_space<vmem>>, vector<1x16xi32>,
      %get3A_1502 = vector.shape_cast %get3A_1501 : vector<1x16xi32> to vector<16xi32>
      %eq3A_1503 = arith.constant 0 : i32
      %eq3A_1504 = vector.broadcast %eq3A_1503 : i32 to vector<16xi32>
      %eq3A_1505 = arith.cmpi eq, %get3A_1502, %eq3A_1504 : vector<16xi32>
      %jit3A_1506 = arith.constant 1.000000e+00 : f32
      %broadcast_in_dim3A_1507 = vector.broadcast %jit3A_1506 : f32 to vector<16xf32>
      %select_n3A_1508 = arith.select %eq3A_1505, %get3A_1498, %broadcast_in_dim3A_1507 : vector<16xi1>, vector<16xf32>
      %min3A_1509 = arith.minimumf %min3A_1495, %select_n3A_1508 : vector<16xf32>
      %add3A_1510 = arith.constant 0 : i32
      %add3A_1511 = arith.addi %add3A_1510, %scan3A_58 : i32
      %swap3A_1512 = arith.constant 3 : i32
      %swap3A_1513 = arith.index_cast %add3A_1511 : i32 to index
      %swap3A_1514 = arith.index_cast %swap3A_1512 : i32 to index
      %swap3A_1515 = arith.constant 16 : index
      %swap3A_1516 = tpu.vector_load %arg13[%swap3A_1513, %swap3A_1514, %swap3A_1515] {strides = array<i32>} : memref<10x4x128xf32, #tpu.memory_space<vmem>>, vector<1x1x16xf32>,
      %swap3A_1517 = vector.shape_cast %swap3A_1516 : vector<1x1x16xf32> to vector<16xf32>
      %swap3A_1518 = vector.shape_cast %min3A_1509 : vector<16xf32> to vector<1x1x16xf32>
      tpu.vector_store %arg13[%swap3A_1513, %swap3A_1514, %swap3A_1515], %swap3A_1518 {strides = array<i32>} : memref<10x4x128xf32, #tpu.memory_space<vmem>>, vector<1x1x16xf32>,
      %get3A_1519 = arith.constant 8 : index
      %get3A_1520 = tpu.vector_load %arg15[%get3A_1519] {strides = array<i32>} : memref<64xf32, #tpu.memory_space<vmem>>, vector<16xf32>,
      %get3A_1521 = vector.shape_cast %get3A_1520 : vector<16xf32> to vector<16xf32>
      %get3A_1522 = arith.index_cast %scan3A_58 : i32 to index
      %get3A_1523 = arith.constant 1040 : index
      %get3A_1524 = tpu.vector_load %arg11[%get3A_1522, %get3A_1523] {strides = array<i32>} : memref<8x1280xi32, #tpu.memory_space<vmem>>, vector<1x16xi32>,
      %get3A_1525 = vector.shape_cast %get3A_1524 : vector<1x16xi32> to vector<16xi32>
      %eq3A_1526 = arith.constant 0 : i32
      %eq3A_1527 = vector.broadcast %eq3A_1526 : i32 to vector<16xi32>
      %eq3A_1528 = arith.cmpi eq, %get3A_1525, %eq3A_1527 : vector<16xi32>
      %jit3A_1529 = arith.constant 1.000000e+00 : f32
      %broadcast_in_dim3A_1530 = vector.broadcast %jit3A_1529 : f32 to vector<16xf32>
      %select_n3A_1531 = arith.select %eq3A_1528, %get3A_1521, %broadcast_in_dim3A_1530 : vector<16xi1>, vector<16xf32>
      %get3A_1532 = arith.constant 24 : index
      %get3A_1533 = tpu.vector_load %arg15[%get3A_1532] {strides = array<i32>} : memref<64xf32, #tpu.memory_space<vmem>>, vector<16xf32>,
      %get3A_1534 = vector.shape_cast %get3A_1533 : vector<16xf32> to vector<16xf32>
      %get3A_1535 = arith.index_cast %scan3A_58 : i32 to index
      %get3A_1536 = arith.constant 1056 : index
      %get3A_1537 = tpu.vector_load %arg11[%get3A_1535, %get3A_1536] {strides = array<i32>} : memref<8x1280xi32, #tpu.memory_space<vmem>>, vector<1x16xi32>,
      %get3A_1538 = vector.shape_cast %get3A_1537 : vector<1x16xi32> to vector<16xi32>
      %eq3A_1539 = arith.constant 0 : i32
      %eq3A_1540 = vector.broadcast %eq3A_1539 : i32 to vector<16xi32>
      %eq3A_1541 = arith.cmpi eq, %get3A_1538, %eq3A_1540 : vector<16xi32>
      %jit3A_1542 = arith.constant 1.000000e+00 : f32
      %broadcast_in_dim3A_1543 = vector.broadcast %jit3A_1542 : f32 to vector<16xf32>
      %select_n3A_1544 = arith.select %eq3A_1541, %get3A_1534, %broadcast_in_dim3A_1543 : vector<16xi1>, vector<16xf32>
      %min3A_1545 = arith.minimumf %select_n3A_1531, %select_n3A_1544 : vector<16xf32>
      %get3A_1546 = arith.constant 32 : index
      %get3A_1547 = tpu.vector_load %arg15[%get3A_1546] {strides = array<i32>} : memref<64xf32, #tpu.memory_space<vmem>>, vector<16xf32>,
      %get3A_1548 = vector.shape_cast %get3A_1547 : vector<16xf32> to vector<16xf32>
      %get3A_1549 = arith.index_cast %scan3A_58 : i32 to index
      %get3A_1550 = arith.constant 1064 : index
      %get3A_1551 = tpu.vector_load %arg11[%get3A_1549, %get3A_1550] {strides = array<i32>} : memref<8x1280xi32, #tpu.memory_space<vmem>>, vector<1x16xi32>,
      %get3A_1552 = vector.shape_cast %get3A_1551 : vector<1x16xi32> to vector<16xi32>
      %eq3A_1553 = arith.constant 0 : i32
      %eq3A_1554 = vector.broadcast %eq3A_1553 : i32 to vector<16xi32>
      %eq3A_1555 = arith.cmpi eq, %get3A_1552, %eq3A_1554 : vector<16xi32>
      %jit3A_1556 = arith.constant 1.000000e+00 : f32
      %broadcast_in_dim3A_1557 = vector.broadcast %jit3A_1556 : f32 to vector<16xf32>
      %select_n3A_1558 = arith.select %eq3A_1555, %get3A_1548, %broadcast_in_dim3A_1557 : vector<16xi1>, vector<16xf32>
      %min3A_1559 = arith.minimumf %min3A_1545, %select_n3A_1558 : vector<16xf32>
      %add3A_1560 = arith.constant 0 : i32
      %add3A_1561 = arith.addi %add3A_1560, %scan3A_58 : i32
      %swap3A_1562 = arith.constant 3 : i32
      %swap3A_1563 = arith.index_cast %add3A_1561 : i32 to index
      %swap3A_1564 = arith.index_cast %swap3A_1562 : i32 to index
      %swap3A_1565 = arith.constant 32 : index
      %swap3A_1566 = tpu.vector_load %arg13[%swap3A_1563, %swap3A_1564, %swap3A_1565] {strides = array<i32>} : memref<10x4x128xf32, #tpu.memory_space<vmem>>, vector<1x1x16xf32>,
      %swap3A_1567 = vector.shape_cast %swap3A_1566 : vector<1x1x16xf32> to vector<16xf32>
      %swap3A_1568 = vector.shape_cast %min3A_1559 : vector<16xf32> to vector<1x1x16xf32>
      tpu.vector_store %arg13[%swap3A_1563, %swap3A_1564, %swap3A_1565], %swap3A_1568 {strides = array<i32>} : memref<10x4x128xf32, #tpu.memory_space<vmem>>, vector<1x1x16xf32>,
      %get3A_1569 = arith.constant 8 : index
      %get3A_1570 = tpu.vector_load %arg15[%get3A_1569] {strides = array<i32>} : memref<64xf32, #tpu.memory_space<vmem>>, vector<16xf32>,
      %get3A_1571 = vector.shape_cast %get3A_1570 : vector<16xf32> to vector<16xf32>
      %get3A_1572 = arith.index_cast %scan3A_58 : i32 to index
      %get3A_1573 = arith.constant 1080 : index
      %get3A_1574 = tpu.vector_load %arg11[%get3A_1572, %get3A_1573] {strides = array<i32>} : memref<8x1280xi32, #tpu.memory_space<vmem>>, vector<1x16xi32>,
      %get3A_1575 = vector.shape_cast %get3A_1574 : vector<1x16xi32> to vector<16xi32>
      %eq3A_1576 = arith.constant 0 : i32
      %eq3A_1577 = vector.broadcast %eq3A_1576 : i32 to vector<16xi32>
      %eq3A_1578 = arith.cmpi eq, %get3A_1575, %eq3A_1577 : vector<16xi32>
      %jit3A_1579 = arith.constant 1.000000e+00 : f32
      %broadcast_in_dim3A_1580 = vector.broadcast %jit3A_1579 : f32 to vector<16xf32>
      %select_n3A_1581 = arith.select %eq3A_1578, %get3A_1571, %broadcast_in_dim3A_1580 : vector<16xi1>, vector<16xf32>
      %get3A_1582 = arith.constant 24 : index
      %get3A_1583 = tpu.vector_load %arg15[%get3A_1582] {strides = array<i32>} : memref<64xf32, #tpu.memory_space<vmem>>, vector<16xf32>,
      %get3A_1584 = vector.shape_cast %get3A_1583 : vector<16xf32> to vector<16xf32>
      %get3A_1585 = arith.index_cast %scan3A_58 : i32 to index
      %get3A_1586 = arith.constant 1096 : index
      %get3A_1587 = tpu.vector_load %arg11[%get3A_1585, %get3A_1586] {strides = array<i32>} : memref<8x1280xi32, #tpu.memory_space<vmem>>, vector<1x16xi32>,
      %get3A_1588 = vector.shape_cast %get3A_1587 : vector<1x16xi32> to vector<16xi32>
      %eq3A_1589 = arith.constant 0 : i32
      %eq3A_1590 = vector.broadcast %eq3A_1589 : i32 to vector<16xi32>
      %eq3A_1591 = arith.cmpi eq, %get3A_1588, %eq3A_1590 : vector<16xi32>
      %jit3A_1592 = arith.constant 1.000000e+00 : f32
      %broadcast_in_dim3A_1593 = vector.broadcast %jit3A_1592 : f32 to vector<16xf32>
      %select_n3A_1594 = arith.select %eq3A_1591, %get3A_1584, %broadcast_in_dim3A_1593 : vector<16xi1>, vector<16xf32>
      %min3A_1595 = arith.minimumf %select_n3A_1581, %select_n3A_1594 : vector<16xf32>
      %get3A_1596 = arith.constant 32 : index
      %get3A_1597 = tpu.vector_load %arg15[%get3A_1596] {strides = array<i32>} : memref<64xf32, #tpu.memory_space<vmem>>, vector<16xf32>,
      %get3A_1598 = vector.shape_cast %get3A_1597 : vector<16xf32> to vector<16xf32>
      %get3A_1599 = arith.index_cast %scan3A_58 : i32 to index
      %get3A_1600 = arith.constant 1104 : index
      %get3A_1601 = tpu.vector_load %arg11[%get3A_1599, %get3A_1600] {strides = array<i32>} : memref<8x1280xi32, #tpu.memory_space<vmem>>, vector<1x16xi32>,
      %get3A_1602 = vector.shape_cast %get3A_1601 : vector<1x16xi32> to vector<16xi32>
      %eq3A_1603 = arith.constant 0 : i32
      %eq3A_1604 = vector.broadcast %eq3A_1603 : i32 to vector<16xi32>
      %eq3A_1605 = arith.cmpi eq, %get3A_1602, %eq3A_1604 : vector<16xi32>
      %jit3A_1606 = arith.constant 1.000000e+00 : f32
      %broadcast_in_dim3A_1607 = vector.broadcast %jit3A_1606 : f32 to vector<16xf32>
      %select_n3A_1608 = arith.select %eq3A_1605, %get3A_1598, %broadcast_in_dim3A_1607 : vector<16xi1>, vector<16xf32>
      %min3A_1609 = arith.minimumf %min3A_1595, %select_n3A_1608 : vector<16xf32>
      %add3A_1610 = arith.constant 0 : i32
      %add3A_1611 = arith.addi %add3A_1610, %scan3A_58 : i32
      %swap3A_1612 = arith.constant 3 : i32
      %swap3A_1613 = arith.index_cast %add3A_1611 : i32 to index
      %swap3A_1614 = arith.index_cast %swap3A_1612 : i32 to index
      %swap3A_1615 = arith.constant 48 : index
      %swap3A_1616 = tpu.vector_load %arg13[%swap3A_1613, %swap3A_1614, %swap3A_1615] {strides = array<i32>} : memref<10x4x128xf32, #tpu.memory_space<vmem>>, vector<1x1x16xf32>,
      %swap3A_1617 = vector.shape_cast %swap3A_1616 : vector<1x1x16xf32> to vector<16xf32>
      %swap3A_1618 = vector.shape_cast %min3A_1609 : vector<16xf32> to vector<1x1x16xf32>
      tpu.vector_store %arg13[%swap3A_1613, %swap3A_1614, %swap3A_1615], %swap3A_1618 {strides = array<i32>} : memref<10x4x128xf32, #tpu.memory_space<vmem>>, vector<1x1x16xf32>,
      %get3A_1619 = arith.constant 8 : index
      %get3A_1620 = tpu.vector_load %arg15[%get3A_1619] {strides = array<i32>} : memref<64xf32, #tpu.memory_space<vmem>>, vector<16xf32>,
      %get3A_1621 = vector.shape_cast %get3A_1620 : vector<16xf32> to vector<16xf32>
      %get3A_1622 = arith.index_cast %scan3A_58 : i32 to index
      %get3A_1623 = arith.constant 1120 : index
      %get3A_1624 = tpu.vector_load %arg11[%get3A_1622, %get3A_1623] {strides = array<i32>} : memref<8x1280xi32, #tpu.memory_space<vmem>>, vector<1x16xi32>,
      %get3A_1625 = vector.shape_cast %get3A_1624 : vector<1x16xi32> to vector<16xi32>
      %eq3A_1626 = arith.constant 0 : i32
      %eq3A_1627 = vector.broadcast %eq3A_1626 : i32 to vector<16xi32>
      %eq3A_1628 = arith.cmpi eq, %get3A_1625, %eq3A_1627 : vector<16xi32>
      %jit3A_1629 = arith.constant 1.000000e+00 : f32
      %broadcast_in_dim3A_1630 = vector.broadcast %jit3A_1629 : f32 to vector<16xf32>
      %select_n3A_1631 = arith.select %eq3A_1628, %get3A_1621, %broadcast_in_dim3A_1630 : vector<16xi1>, vector<16xf32>
      %get3A_1632 = arith.constant 24 : index
      %get3A_1633 = tpu.vector_load %arg15[%get3A_1632] {strides = array<i32>} : memref<64xf32, #tpu.memory_space<vmem>>, vector<16xf32>,
      %get3A_1634 = vector.shape_cast %get3A_1633 : vector<16xf32> to vector<16xf32>
      %get3A_1635 = arith.index_cast %scan3A_58 : i32 to index
      %get3A_1636 = arith.constant 1136 : index
      %get3A_1637 = tpu.vector_load %arg11[%get3A_1635, %get3A_1636] {strides = array<i32>} : memref<8x1280xi32, #tpu.memory_space<vmem>>, vector<1x16xi32>,
      %get3A_1638 = vector.shape_cast %get3A_1637 : vector<1x16xi32> to vector<16xi32>
      %eq3A_1639 = arith.constant 0 : i32
      %eq3A_1640 = vector.broadcast %eq3A_1639 : i32 to vector<16xi32>
      %eq3A_1641 = arith.cmpi eq, %get3A_1638, %eq3A_1640 : vector<16xi32>
      %jit3A_1642 = arith.constant 1.000000e+00 : f32
      %broadcast_in_dim3A_1643 = vector.broadcast %jit3A_1642 : f32 to vector<16xf32>
      %select_n3A_1644 = arith.select %eq3A_1641, %get3A_1634, %broadcast_in_dim3A_1643 : vector<16xi1>, vector<16xf32>
      %min3A_1645 = arith.minimumf %select_n3A_1631, %select_n3A_1644 : vector<16xf32>
      %get3A_1646 = arith.constant 24 : index
      %get3A_1647 = tpu.vector_load %arg15[%get3A_1646] {strides = array<i32>} : memref<64xf32, #tpu.memory_space<vmem>>, vector<16xf32>,
      %get3A_1648 = vector.shape_cast %get3A_1647 : vector<16xf32> to vector<16xf32>
      %get3A_1649 = arith.index_cast %scan3A_58 : i32 to index
      %get3A_1650 = arith.constant 1136 : index
      %get3A_1651 = tpu.vector_load %arg11[%get3A_1649, %get3A_1650] {strides = array<i32>} : memref<8x1280xi32, #tpu.memory_space<vmem>>, vector<1x16xi32>,
      %get3A_1652 = vector.shape_cast %get3A_1651 : vector<1x16xi32> to vector<16xi32>
      %eq3A_1653 = arith.constant 0 : i32
      %eq3A_1654 = vector.broadcast %eq3A_1653 : i32 to vector<16xi32>
      %eq3A_1655 = arith.cmpi eq, %get3A_1652, %eq3A_1654 : vector<16xi32>
      %jit3A_1656 = arith.constant 1.000000e+00 : f32
      %broadcast_in_dim3A_1657 = vector.broadcast %jit3A_1656 : f32 to vector<16xf32>
      %select_n3A_1658 = arith.select %eq3A_1655, %get3A_1648, %broadcast_in_dim3A_1657 : vector<16xi1>, vector<16xf32>
      %min3A_1659 = arith.minimumf %min3A_1645, %select_n3A_1658 : vector<16xf32>
      %get3A_1660 = arith.constant 40 : index
      %get3A_1661 = tpu.vector_load %arg15[%get3A_1660] {strides = array<i32>} : memref<64xf32, #tpu.memory_space<vmem>>, vector<16xf32>,
      %get3A_1662 = vector.shape_cast %get3A_1661 : vector<16xf32> to vector<16xf32>
      %get3A_1663 = arith.index_cast %scan3A_58 : i32 to index
      %get3A_1664 = arith.constant 1152 : index
      %get3A_1665 = tpu.vector_load %arg11[%get3A_1663, %get3A_1664] {strides = array<i32>} : memref<8x1280xi32, #tpu.memory_space<vmem>>, vector<1x16xi32>,
      %get3A_1666 = vector.shape_cast %get3A_1665 : vector<1x16xi32> to vector<16xi32>
      %eq3A_1667 = arith.constant 0 : i32
      %eq3A_1668 = vector.broadcast %eq3A_1667 : i32 to vector<16xi32>
      %eq3A_1669 = arith.cmpi eq, %get3A_1666, %eq3A_1668 : vector<16xi32>
      %jit3A_1670 = arith.constant 1.000000e+00 : f32
      %broadcast_in_dim3A_1671 = vector.broadcast %jit3A_1670 : f32 to vector<16xf32>
      %select_n3A_1672 = arith.select %eq3A_1669, %get3A_1662, %broadcast_in_dim3A_1671 : vector<16xi1>, vector<16xf32>
      %min3A_1673 = arith.minimumf %min3A_1659, %select_n3A_1672 : vector<16xf32>
      %add3A_1674 = arith.constant 0 : i32
      %add3A_1675 = arith.addi %add3A_1674, %scan3A_58 : i32
      %swap3A_1676 = arith.constant 3 : i32
      %swap3A_1677 = arith.index_cast %add3A_1675 : i32 to index
      %swap3A_1678 = arith.index_cast %swap3A_1676 : i32 to index
      %swap3A_1679 = arith.constant 64 : index
      %swap3A_1680 = tpu.vector_load %arg13[%swap3A_1677, %swap3A_1678, %swap3A_1679] {strides = array<i32>} : memref<10x4x128xf32, #tpu.memory_space<vmem>>, vector<1x1x16xf32>,
      %swap3A_1681 = vector.shape_cast %swap3A_1680 : vector<1x1x16xf32> to vector<16xf32>
      %swap3A_1682 = vector.shape_cast %min3A_1673 : vector<16xf32> to vector<1x1x16xf32>
      tpu.vector_store %arg13[%swap3A_1677, %swap3A_1678, %swap3A_1679], %swap3A_1682 {strides = array<i32>} : memref<10x4x128xf32, #tpu.memory_space<vmem>>, vector<1x1x16xf32>,
      %get3A_1683 = arith.constant 8 : index
      %get3A_1684 = tpu.vector_load %arg15[%get3A_1683] {strides = array<i32>} : memref<64xf32, #tpu.memory_space<vmem>>, vector<16xf32>,
      %get3A_1685 = vector.shape_cast %get3A_1684 : vector<16xf32> to vector<16xf32>
      %get3A_1686 = arith.index_cast %scan3A_58 : i32 to index
      %get3A_1687 = arith.constant 1160 : index
      %get3A_1688 = tpu.vector_load %arg11[%get3A_1686, %get3A_1687] {strides = array<i32>} : memref<8x1280xi32, #tpu.memory_space<vmem>>, vector<1x16xi32>,
      %get3A_1689 = vector.shape_cast %get3A_1688 : vector<1x16xi32> to vector<16xi32>
      %eq3A_1690 = arith.constant 0 : i32
      %eq3A_1691 = vector.broadcast %eq3A_1690 : i32 to vector<16xi32>
      %eq3A_1692 = arith.cmpi eq, %get3A_1689, %eq3A_1691 : vector<16xi32>
      %jit3A_1693 = arith.constant 1.000000e+00 : f32
      %broadcast_in_dim3A_1694 = vector.broadcast %jit3A_1693 : f32 to vector<16xf32>
      %select_n3A_1695 = arith.select %eq3A_1692, %get3A_1685, %broadcast_in_dim3A_1694 : vector<16xi1>, vector<16xf32>
      %get3A_1696 = arith.constant 24 : index
      %get3A_1697 = tpu.vector_load %arg15[%get3A_1696] {strides = array<i32>} : memref<64xf32, #tpu.memory_space<vmem>>, vector<16xf32>,
      %get3A_1698 = vector.shape_cast %get3A_1697 : vector<16xf32> to vector<16xf32>
      %get3A_1699 = arith.index_cast %scan3A_58 : i32 to index
      %get3A_1700 = arith.constant 1176 : index
      %get3A_1701 = tpu.vector_load %arg11[%get3A_1699, %get3A_1700] {strides = array<i32>} : memref<8x1280xi32, #tpu.memory_space<vmem>>, vector<1x16xi32>,
      %get3A_1702 = vector.shape_cast %get3A_1701 : vector<1x16xi32> to vector<16xi32>
      %eq3A_1703 = arith.constant 0 : i32
      %eq3A_1704 = vector.broadcast %eq3A_1703 : i32 to vector<16xi32>
      %eq3A_1705 = arith.cmpi eq, %get3A_1702, %eq3A_1704 : vector<16xi32>
      %jit3A_1706 = arith.constant 1.000000e+00 : f32
      %broadcast_in_dim3A_1707 = vector.broadcast %jit3A_1706 : f32 to vector<16xf32>
      %select_n3A_1708 = arith.select %eq3A_1705, %get3A_1698, %broadcast_in_dim3A_1707 : vector<16xi1>, vector<16xf32>
      %min3A_1709 = arith.minimumf %select_n3A_1695, %select_n3A_1708 : vector<16xf32>
      %get3A_1710 = arith.constant 32 : index
      %get3A_1711 = tpu.vector_load %arg15[%get3A_1710] {strides = array<i32>} : memref<64xf32, #tpu.memory_space<vmem>>, vector<16xf32>,
      %get3A_1712 = vector.shape_cast %get3A_1711 : vector<16xf32> to vector<16xf32>
      %get3A_1713 = arith.index_cast %scan3A_58 : i32 to index
      %get3A_1714 = arith.constant 1184 : index
      %get3A_1715 = tpu.vector_load %arg11[%get3A_1713, %get3A_1714] {strides = array<i32>} : memref<8x1280xi32, #tpu.memory_space<vmem>>, vector<1x16xi32>,
      %get3A_1716 = vector.shape_cast %get3A_1715 : vector<1x16xi32> to vector<16xi32>
      %eq3A_1717 = arith.constant 0 : i32
      %eq3A_1718 = vector.broadcast %eq3A_1717 : i32 to vector<16xi32>
      %eq3A_1719 = arith.cmpi eq, %get3A_1716, %eq3A_1718 : vector<16xi32>
      %jit3A_1720 = arith.constant 1.000000e+00 : f32
      %broadcast_in_dim3A_1721 = vector.broadcast %jit3A_1720 : f32 to vector<16xf32>
      %select_n3A_1722 = arith.select %eq3A_1719, %get3A_1712, %broadcast_in_dim3A_1721 : vector<16xi1>, vector<16xf32>
      %min3A_1723 = arith.minimumf %min3A_1709, %select_n3A_1722 : vector<16xf32>
      %add3A_1724 = arith.constant 0 : i32
      %add3A_1725 = arith.addi %add3A_1724, %scan3A_58 : i32
      %swap3A_1726 = arith.constant 3 : i32
      %swap3A_1727 = arith.index_cast %add3A_1725 : i32 to index
      %swap3A_1728 = arith.index_cast %swap3A_1726 : i32 to index
      %swap3A_1729 = arith.constant 80 : index
      %swap3A_1730 = tpu.vector_load %arg13[%swap3A_1727, %swap3A_1728, %swap3A_1729] {strides = array<i32>} : memref<10x4x128xf32, #tpu.memory_space<vmem>>, vector<1x1x16xf32>,
      %swap3A_1731 = vector.shape_cast %swap3A_1730 : vector<1x1x16xf32> to vector<16xf32>
      %swap3A_1732 = vector.shape_cast %min3A_1723 : vector<16xf32> to vector<1x1x16xf32>
      tpu.vector_store %arg13[%swap3A_1727, %swap3A_1728, %swap3A_1729], %swap3A_1732 {strides = array<i32>} : memref<10x4x128xf32, #tpu.memory_space<vmem>>, vector<1x1x16xf32>,
      %get3A_1733 = arith.constant 8 : index
      %get3A_1734 = tpu.vector_load %arg15[%get3A_1733] {strides = array<i32>} : memref<64xf32, #tpu.memory_space<vmem>>, vector<16xf32>,
      %get3A_1735 = vector.shape_cast %get3A_1734 : vector<16xf32> to vector<16xf32>
      %get3A_1736 = arith.index_cast %scan3A_58 : i32 to index
      %get3A_1737 = arith.constant 1200 : index
      %get3A_1738 = tpu.vector_load %arg11[%get3A_1736, %get3A_1737] {strides = array<i32>} : memref<8x1280xi32, #tpu.memory_space<vmem>>, vector<1x16xi32>,
      %get3A_1739 = vector.shape_cast %get3A_1738 : vector<1x16xi32> to vector<16xi32>
      %eq3A_1740 = arith.constant 0 : i32
      %eq3A_1741 = vector.broadcast %eq3A_1740 : i32 to vector<16xi32>
      %eq3A_1742 = arith.cmpi eq, %get3A_1739, %eq3A_1741 : vector<16xi32>
      %jit3A_1743 = arith.constant 1.000000e+00 : f32
      %broadcast_in_dim3A_1744 = vector.broadcast %jit3A_1743 : f32 to vector<16xf32>
      %select_n3A_1745 = arith.select %eq3A_1742, %get3A_1735, %broadcast_in_dim3A_1744 : vector<16xi1>, vector<16xf32>
      %get3A_1746 = arith.constant 24 : index
      %get3A_1747 = tpu.vector_load %arg15[%get3A_1746] {strides = array<i32>} : memref<64xf32, #tpu.memory_space<vmem>>, vector<16xf32>,
      %get3A_1748 = vector.shape_cast %get3A_1747 : vector<16xf32> to vector<16xf32>
      %get3A_1749 = arith.index_cast %scan3A_58 : i32 to index
      %get3A_1750 = arith.constant 1216 : index
      %get3A_1751 = tpu.vector_load %arg11[%get3A_1749, %get3A_1750] {strides = array<i32>} : memref<8x1280xi32, #tpu.memory_space<vmem>>, vector<1x16xi32>,
      %get3A_1752 = vector.shape_cast %get3A_1751 : vector<1x16xi32> to vector<16xi32>
      %eq3A_1753 = arith.constant 0 : i32
      %eq3A_1754 = vector.broadcast %eq3A_1753 : i32 to vector<16xi32>
      %eq3A_1755 = arith.cmpi eq, %get3A_1752, %eq3A_1754 : vector<16xi32>
      %jit3A_1756 = arith.constant 1.000000e+00 : f32
      %broadcast_in_dim3A_1757 = vector.broadcast %jit3A_1756 : f32 to vector<16xf32>
      %select_n3A_1758 = arith.select %eq3A_1755, %get3A_1748, %broadcast_in_dim3A_1757 : vector<16xi1>, vector<16xf32>
      %min3A_1759 = arith.minimumf %select_n3A_1745, %select_n3A_1758 : vector<16xf32>
      %get3A_1760 = arith.constant 32 : index
      %get3A_1761 = tpu.vector_load %arg15[%get3A_1760] {strides = array<i32>} : memref<64xf32, #tpu.memory_space<vmem>>, vector<16xf32>,
      %get3A_1762 = vector.shape_cast %get3A_1761 : vector<16xf32> to vector<16xf32>
      %get3A_1763 = arith.index_cast %scan3A_58 : i32 to index
      %get3A_1764 = arith.constant 1224 : index
      %get3A_1765 = tpu.vector_load %arg11[%get3A_1763, %get3A_1764] {strides = array<i32>} : memref<8x1280xi32, #tpu.memory_space<vmem>>, vector<1x16xi32>,
      %get3A_1766 = vector.shape_cast %get3A_1765 : vector<1x16xi32> to vector<16xi32>
      %eq3A_1767 = arith.constant 0 : i32
      %eq3A_1768 = vector.broadcast %eq3A_1767 : i32 to vector<16xi32>
      %eq3A_1769 = arith.cmpi eq, %get3A_1766, %eq3A_1768 : vector<16xi32>
      %jit3A_1770 = arith.constant 1.000000e+00 : f32
      %broadcast_in_dim3A_1771 = vector.broadcast %jit3A_1770 : f32 to vector<16xf32>
      %select_n3A_1772 = arith.select %eq3A_1769, %get3A_1762, %broadcast_in_dim3A_1771 : vector<16xi1>, vector<16xf32>
      %min3A_1773 = arith.minimumf %min3A_1759, %select_n3A_1772 : vector<16xf32>
      %add3A_1774 = arith.constant 0 : i32
      %add3A_1775 = arith.addi %add3A_1774, %scan3A_58 : i32
      %swap3A_1776 = arith.constant 3 : i32
      %swap3A_1777 = arith.index_cast %add3A_1775 : i32 to index
      %swap3A_1778 = arith.index_cast %swap3A_1776 : i32 to index
      %swap3A_1779 = arith.constant 96 : index
      %swap3A_1780 = tpu.vector_load %arg13[%swap3A_1777, %swap3A_1778, %swap3A_1779] {strides = array<i32>} : memref<10x4x128xf32, #tpu.memory_space<vmem>>, vector<1x1x16xf32>,
      %swap3A_1781 = vector.shape_cast %swap3A_1780 : vector<1x1x16xf32> to vector<16xf32>
      %swap3A_1782 = vector.shape_cast %min3A_1773 : vector<16xf32> to vector<1x1x16xf32>
      tpu.vector_store %arg13[%swap3A_1777, %swap3A_1778, %swap3A_1779], %swap3A_1782 {strides = array<i32>} : memref<10x4x128xf32, #tpu.memory_space<vmem>>, vector<1x1x16xf32>,
      %get3A_1783 = arith.constant 8 : index
      %get3A_1784 = tpu.vector_load %arg15[%get3A_1783] {strides = array<i32>} : memref<64xf32, #tpu.memory_space<vmem>>, vector<16xf32>,
      %get3A_1785 = vector.shape_cast %get3A_1784 : vector<16xf32> to vector<16xf32>
      %get3A_1786 = arith.index_cast %scan3A_58 : i32 to index
      %get3A_1787 = arith.constant 1240 : index
      %get3A_1788 = tpu.vector_load %arg11[%get3A_1786, %get3A_1787] {strides = array<i32>} : memref<8x1280xi32, #tpu.memory_space<vmem>>, vector<1x16xi32>,
      %get3A_1789 = vector.shape_cast %get3A_1788 : vector<1x16xi32> to vector<16xi32>
      %eq3A_1790 = arith.constant 0 : i32
      %eq3A_1791 = vector.broadcast %eq3A_1790 : i32 to vector<16xi32>
      %eq3A_1792 = arith.cmpi eq, %get3A_1789, %eq3A_1791 : vector<16xi32>
      %jit3A_1793 = arith.constant 1.000000e+00 : f32
      %broadcast_in_dim3A_1794 = vector.broadcast %jit3A_1793 : f32 to vector<16xf32>
      %select_n3A_1795 = arith.select %eq3A_1792, %get3A_1785, %broadcast_in_dim3A_1794 : vector<16xi1>, vector<16xf32>
      %get3A_1796 = arith.constant 24 : index
      %get3A_1797 = tpu.vector_load %arg15[%get3A_1796] {strides = array<i32>} : memref<64xf32, #tpu.memory_space<vmem>>, vector<16xf32>,
      %get3A_1798 = vector.shape_cast %get3A_1797 : vector<16xf32> to vector<16xf32>
      %get3A_1799 = arith.index_cast %scan3A_58 : i32 to index
      %get3A_1800 = arith.constant 1256 : index
      %get3A_1801 = tpu.vector_load %arg11[%get3A_1799, %get3A_1800] {strides = array<i32>} : memref<8x1280xi32, #tpu.memory_space<vmem>>, vector<1x16xi32>,
      %get3A_1802 = vector.shape_cast %get3A_1801 : vector<1x16xi32> to vector<16xi32>
      %eq3A_1803 = arith.constant 0 : i32
      %eq3A_1804 = vector.broadcast %eq3A_1803 : i32 to vector<16xi32>
      %eq3A_1805 = arith.cmpi eq, %get3A_1802, %eq3A_1804 : vector<16xi32>
      %jit3A_1806 = arith.constant 1.000000e+00 : f32
      %broadcast_in_dim3A_1807 = vector.broadcast %jit3A_1806 : f32 to vector<16xf32>
      %select_n3A_1808 = arith.select %eq3A_1805, %get3A_1798, %broadcast_in_dim3A_1807 : vector<16xi1>, vector<16xf32>
      %min3A_1809 = arith.minimumf %select_n3A_1795, %select_n3A_1808 : vector<16xf32>
      %get3A_1810 = arith.constant 32 : index
      %get3A_1811 = tpu.vector_load %arg15[%get3A_1810] {strides = array<i32>} : memref<64xf32, #tpu.memory_space<vmem>>, vector<16xf32>,
      %get3A_1812 = vector.shape_cast %get3A_1811 : vector<16xf32> to vector<16xf32>
      %get3A_1813 = arith.index_cast %scan3A_58 : i32 to index
      %get3A_1814 = arith.constant 1264 : index
      %get3A_1815 = tpu.vector_load %arg11[%get3A_1813, %get3A_1814] {strides = array<i32>} : memref<8x1280xi32, #tpu.memory_space<vmem>>, vector<1x16xi32>,
      %get3A_1816 = vector.shape_cast %get3A_1815 : vector<1x16xi32> to vector<16xi32>
      %eq3A_1817 = arith.constant 0 : i32
      %eq3A_1818 = vector.broadcast %eq3A_1817 : i32 to vector<16xi32>
      %eq3A_1819 = arith.cmpi eq, %get3A_1816, %eq3A_1818 : vector<16xi32>
      %jit3A_1820 = arith.constant 1.000000e+00 : f32
      %broadcast_in_dim3A_1821 = vector.broadcast %jit3A_1820 : f32 to vector<16xf32>
      %select_n3A_1822 = arith.select %eq3A_1819, %get3A_1812, %broadcast_in_dim3A_1821 : vector<16xi1>, vector<16xf32>
      %min3A_1823 = arith.minimumf %min3A_1809, %select_n3A_1822 : vector<16xf32>
      %add3A_1824 = arith.constant 0 : i32
      %add3A_1825 = arith.addi %add3A_1824, %scan3A_58 : i32
      %swap3A_1826 = arith.constant 3 : i32
      %swap3A_1827 = arith.index_cast %add3A_1825 : i32 to index
      %swap3A_1828 = arith.index_cast %swap3A_1826 : i32 to index
      %swap3A_1829 = arith.constant 112 : index
      %swap3A_1830 = tpu.vector_load %arg13[%swap3A_1827, %swap3A_1828, %swap3A_1829] {strides = array<i32>} : memref<10x4x128xf32, #tpu.memory_space<vmem>>, vector<1x1x16xf32>,
      %swap3A_1831 = vector.shape_cast %swap3A_1830 : vector<1x1x16xf32> to vector<16xf32>
      %swap3A_1832 = vector.shape_cast %min3A_1823 : vector<16xf32> to vector<1x1x16xf32>
      tpu.vector_store %arg13[%swap3A_1827, %swap3A_1828, %swap3A_1829], %swap3A_1832 {strides = array<i32>} : memref<10x4x128xf32, #tpu.memory_space<vmem>>, vector<1x1x16xf32>,
    }
    %scan3A_51 = arith.constant 8 : i32
    %scan3A_52 = arith.constant 0 : i32
    %scan3A_53 = arith.constant 0 : i32
    %scan3A_54 = arith.constant 2 : i32
    %scan3A_55 = arith.addi %scan3A_53, %scan3A_54 : i32
    %scan3A_56 = arith.constant 1 : i32
    scf.for %scan3A_58 = %scan3A_53 to %scan3A_55 step %scan3A_56  : i32 {
      %broadcast_in_dim3A = arith.constant -3.000000e+38 : f32
      %broadcast_in_dim3A_59 = vector.broadcast %broadcast_in_dim3A : f32 to vector<16xf32>
      %broadcast_in_dim3A_60 = arith.constant -3.000000e+38 : f32
      %broadcast_in_dim3A_61 = vector.broadcast %broadcast_in_dim3A_60 : f32 to vector<16xf32>
      %broadcast_in_dim3A_62 = arith.constant -3.000000e+38 : f32
      %broadcast_in_dim3A_63 = vector.broadcast %broadcast_in_dim3A_62 : f32 to vector<16xf32>
      %broadcast_in_dim3A_64 = arith.constant -3.000000e+38 : f32
      %broadcast_in_dim3A_65 = vector.broadcast %broadcast_in_dim3A_64 : f32 to vector<16xf32>
      %broadcast_in_dim3A_66 = arith.constant -3.000000e+38 : f32
      %broadcast_in_dim3A_67 = vector.broadcast %broadcast_in_dim3A_66 : f32 to vector<16xf32>
      %scan3A_68 = arith.constant 0 : i32
      %scan3A_69 = arith.constant 64 : i32
      %scan3A_70 = arith.addi %scan3A_68, %scan3A_69 : i32
      %scan3A_71 = arith.constant 1 : i32
      %scan3A_72:5 = scf.for %scan3A_1833 = %scan3A_68 to %scan3A_70 step %scan3A_71 iter_args(%scan3A_1834 = %broadcast_in_dim3A_59, %scan3A_1835 = %broadcast_in_dim3A_61, %scan3A_1836 = %broadcast_in_dim3A_63, %scan3A_1837 = %broadcast_in_dim3A_65, %scan3A_1838 = %broadcast_in_dim3A_67) -> (vector<16xf32>, vector<16xf32>, vector<16xf32>, vector<16xf32>, vector<16xf32>)  : i32 {
        %mul3A_1839 = arith.constant 80 : i32
        %mul3A_1840 = arith.muli %scan3A_1833, %mul3A_1839 : i32
        %multiple_of3A = tpu.assume_multiple %mul3A_1840, 16 : i32
        %add3A_1841 = arith.constant 0 : i32
        %add3A_1842 = arith.addi %multiple_of3A, %add3A_1841 : i32
        %get3A_1843 = arith.index_cast %scan3A_58 : i32 to index
        %get3A_1844 = arith.index_cast %add3A_1842 : i32 to index
        %get3A_1845 = tpu.vector_load %arg10[%get3A_1843, %get3A_1844] {strides = array<i32>} : memref<2x5120xf32, #tpu.memory_space<vmem>>, vector<1x16xf32>,
        %get3A_1846 = vector.shape_cast %get3A_1845 : vector<1x16xf32> to vector<16xf32>
        %max3A_1847 = arith.maximumf %scan3A_1834, %get3A_1846 : vector<16xf32>
        %add3A_1848 = arith.constant 16 : i32
        %add3A_1849 = arith.addi %multiple_of3A, %add3A_1848 : i32
        %get3A_1850 = arith.index_cast %scan3A_58 : i32 to index
        %get3A_1851 = arith.index_cast %add3A_1849 : i32 to index
        %get3A_1852 = tpu.vector_load %arg10[%get3A_1850, %get3A_1851] {strides = array<i32>} : memref<2x5120xf32, #tpu.memory_space<vmem>>, vector<1x16xf32>,
        %get3A_1853 = vector.shape_cast %get3A_1852 : vector<1x16xf32> to vector<16xf32>
        %max3A_1854 = arith.maximumf %scan3A_1835, %get3A_1853 : vector<16xf32>
        %add3A_1855 = arith.constant 32 : i32
        %add3A_1856 = arith.addi %multiple_of3A, %add3A_1855 : i32
        %get3A_1857 = arith.index_cast %scan3A_58 : i32 to index
        %get3A_1858 = arith.index_cast %add3A_1856 : i32 to index
        %get3A_1859 = tpu.vector_load %arg10[%get3A_1857, %get3A_1858] {strides = array<i32>} : memref<2x5120xf32, #tpu.memory_space<vmem>>, vector<1x16xf32>,
        %get3A_1860 = vector.shape_cast %get3A_1859 : vector<1x16xf32> to vector<16xf32>
        %max3A_1861 = arith.maximumf %scan3A_1836, %get3A_1860 : vector<16xf32>
        %add3A_1862 = arith.constant 48 : i32
        %add3A_1863 = arith.addi %multiple_of3A, %add3A_1862 : i32
        %get3A_1864 = arith.index_cast %scan3A_58 : i32 to index
        %get3A_1865 = arith.index_cast %add3A_1863 : i32 to index
        %get3A_1866 = tpu.vector_load %arg10[%get3A_1864, %get3A_1865] {strides = array<i32>} : memref<2x5120xf32, #tpu.memory_space<vmem>>, vector<1x16xf32>,
        %get3A_1867 = vector.shape_cast %get3A_1866 : vector<1x16xf32> to vector<16xf32>
        %max3A_1868 = arith.maximumf %scan3A_1837, %get3A_1867 : vector<16xf32>
        %add3A_1869 = arith.constant 64 : i32
        %add3A_1870 = arith.addi %multiple_of3A, %add3A_1869 : i32
        %get3A_1871 = arith.index_cast %scan3A_58 : i32 to index
        %get3A_1872 = arith.index_cast %add3A_1870 : i32 to index
        %get3A_1873 = tpu.vector_load %arg10[%get3A_1871, %get3A_1872] {strides = array<i32>} : memref<2x5120xf32, #tpu.memory_space<vmem>>, vector<1x16xf32>,
        %get3A_1874 = vector.shape_cast %get3A_1873 : vector<1x16xf32> to vector<16xf32>
        %max3A_1875 = arith.maximumf %scan3A_1838, %get3A_1874 : vector<16xf32>
        scf.yield %max3A_1847, %max3A_1854, %max3A_1861, %max3A_1868, %max3A_1875 : vector<16xf32>, vector<16xf32>, vector<16xf32>, vector<16xf32>, vector<16xf32>
      }
      %scan3A_73 = arith.constant 64 : i32
      %swap3A = arith.constant 0 : index
      %swap3A_74 = tpu.vector_load %arg14[%swap3A] {strides = array<i32>} : memref<80xf32, #tpu.memory_space<vmem>>, vector<16xf32>,
      %swap3A_75 = vector.shape_cast %swap3A_74 : vector<16xf32> to vector<16xf32>
      %swap3A_76 = vector.shape_cast %scan3A_72#0 : vector<16xf32> to vector<16xf32>
      tpu.vector_store %arg14[%swap3A], %swap3A_76 {strides = array<i32>} : memref<80xf32, #tpu.memory_space<vmem>>, vector<16xf32>,
      %swap3A_77 = arith.constant 16 : index
      %swap3A_78 = tpu.vector_load %arg14[%swap3A_77] {strides = array<i32>} : memref<80xf32, #tpu.memory_space<vmem>>, vector<16xf32>,
      %swap3A_79 = vector.shape_cast %swap3A_78 : vector<16xf32> to vector<16xf32>
      %swap3A_80 = vector.shape_cast %scan3A_72#1 : vector<16xf32> to vector<16xf32>
      tpu.vector_store %arg14[%swap3A_77], %swap3A_80 {strides = array<i32>} : memref<80xf32, #tpu.memory_space<vmem>>, vector<16xf32>,
      %swap3A_81 = arith.constant 32 : index
      %swap3A_82 = tpu.vector_load %arg14[%swap3A_81] {strides = array<i32>} : memref<80xf32, #tpu.memory_space<vmem>>, vector<16xf32>,
      %swap3A_83 = vector.shape_cast %swap3A_82 : vector<16xf32> to vector<16xf32>
      %swap3A_84 = vector.shape_cast %scan3A_72#2 : vector<16xf32> to vector<16xf32>
      tpu.vector_store %arg14[%swap3A_81], %swap3A_84 {strides = array<i32>} : memref<80xf32, #tpu.memory_space<vmem>>, vector<16xf32>,
      %swap3A_85 = arith.constant 48 : index
      %swap3A_86 = tpu.vector_load %arg14[%swap3A_85] {strides = array<i32>} : memref<80xf32, #tpu.memory_space<vmem>>, vector<16xf32>,
      %swap3A_87 = vector.shape_cast %swap3A_86 : vector<16xf32> to vector<16xf32>
      %swap3A_88 = vector.shape_cast %scan3A_72#3 : vector<16xf32> to vector<16xf32>
      tpu.vector_store %arg14[%swap3A_85], %swap3A_88 {strides = array<i32>} : memref<80xf32, #tpu.memory_space<vmem>>, vector<16xf32>,
      %swap3A_89 = arith.constant 64 : index
      %swap3A_90 = tpu.vector_load %arg14[%swap3A_89] {strides = array<i32>} : memref<80xf32, #tpu.memory_space<vmem>>, vector<16xf32>,
      %swap3A_91 = vector.shape_cast %swap3A_90 : vector<16xf32> to vector<16xf32>
      %swap3A_92 = vector.shape_cast %scan3A_72#4 : vector<16xf32> to vector<16xf32>
      tpu.vector_store %arg14[%swap3A_89], %swap3A_92 {strides = array<i32>} : memref<80xf32, #tpu.memory_space<vmem>>, vector<16xf32>,
      %get3A = arith.constant 0 : index
      %get3A_93 = tpu.vector_load %arg14[%get3A] {strides = array<i32>} : memref<80xf32, #tpu.memory_space<vmem>>, vector<16xf32>,
      %get3A_94 = vector.shape_cast %get3A_93 : vector<16xf32> to vector<16xf32>
      %get3A_95 = arith.constant 40 : index
      %get3A_96 = tpu.vector_load %arg14[%get3A_95] {strides = array<i32>} : memref<80xf32, #tpu.memory_space<vmem>>, vector<16xf32>,
      %get3A_97 = vector.shape_cast %get3A_96 : vector<16xf32> to vector<16xf32>
      %max3A = arith.maximumf %get3A_94, %get3A_97 : vector<16xf32>
      %get3A_98 = arith.constant 16 : index
      %get3A_99 = tpu.vector_load %arg14[%get3A_98] {strides = array<i32>} : memref<80xf32, #tpu.memory_space<vmem>>, vector<16xf32>,
      %get3A_100 = vector.shape_cast %get3A_99 : vector<16xf32> to vector<16xf32>
      %get3A_101 = arith.constant 56 : index
      %get3A_102 = tpu.vector_load %arg14[%get3A_101] {strides = array<i32>} : memref<80xf32, #tpu.memory_space<vmem>>, vector<16xf32>,
      %get3A_103 = vector.shape_cast %get3A_102 : vector<16xf32> to vector<16xf32>
      %max3A_104 = arith.maximumf %get3A_100, %get3A_103 : vector<16xf32>
      %get3A_105 = arith.constant 24 : index
      %get3A_106 = tpu.vector_load %arg14[%get3A_105] {strides = array<i32>} : memref<80xf32, #tpu.memory_space<vmem>>, vector<16xf32>,
      %get3A_107 = vector.shape_cast %get3A_106 : vector<16xf32> to vector<16xf32>
      %get3A_108 = arith.constant 64 : index
      %get3A_109 = tpu.vector_load %arg14[%get3A_108] {strides = array<i32>} : memref<80xf32, #tpu.memory_space<vmem>>, vector<16xf32>,
      %get3A_110 = vector.shape_cast %get3A_109 : vector<16xf32> to vector<16xf32>
      %max3A_111 = arith.maximumf %get3A_107, %get3A_110 : vector<16xf32>
      %broadcast_in_dim3A_112 = arith.constant 1.000000e+00 : f32
      %broadcast_in_dim3A_113 = vector.broadcast %broadcast_in_dim3A_112 : f32 to vector<16xf32>
      %swap3A_114 = arith.constant 0 : index
      %swap3A_115 = tpu.vector_load %arg15[%swap3A_114] {strides = array<i32>} : memref<64xf32, #tpu.memory_space<vmem>>, vector<16xf32>,
      %swap3A_116 = vector.shape_cast %swap3A_115 : vector<16xf32> to vector<16xf32>
      %swap3A_117 = vector.shape_cast %broadcast_in_dim3A_113 : vector<16xf32> to vector<16xf32>
      tpu.vector_store %arg15[%swap3A_114], %swap3A_117 {strides = array<i32>} : memref<64xf32, #tpu.memory_space<vmem>>, vector<16xf32>,
      %swap3A_118 = arith.constant 48 : index
      %swap3A_119 = tpu.vector_load %arg15[%swap3A_118] {strides = array<i32>} : memref<64xf32, #tpu.memory_space<vmem>>, vector<16xf32>,
      %swap3A_120 = vector.shape_cast %swap3A_119 : vector<16xf32> to vector<16xf32>
      %swap3A_121 = vector.shape_cast %broadcast_in_dim3A_113 : vector<16xf32> to vector<16xf32>
      tpu.vector_store %arg15[%swap3A_118], %swap3A_121 {strides = array<i32>} : memref<64xf32, #tpu.memory_space<vmem>>, vector<16xf32>,
      %exp3A = math.exp %max3A : vector<16xf32>
      %sub3A = arith.constant 1.000000e+00 : f32
      %sub3A_122 = vector.broadcast %sub3A : f32 to vector<16xf32>
      %sub3A_123 = arith.subf %sub3A_122, %exp3A : vector<16xf32>
      %max3A_124 = arith.constant 9.99999997E-7 : f32
      %max3A_125 = vector.broadcast %max3A_124 : f32 to vector<16xf32>
      %max3A_126 = arith.maximumf %sub3A_123, %max3A_125 : vector<16xf32>
      %swap3A_127 = arith.constant 8 : index
      %swap3A_128 = tpu.vector_load %arg15[%swap3A_127] {strides = array<i32>} : memref<64xf32, #tpu.memory_space<vmem>>, vector<16xf32>,
      %swap3A_129 = vector.shape_cast %swap3A_128 : vector<16xf32> to vector<16xf32>
      %swap3A_130 = vector.shape_cast %max3A_126 : vector<16xf32> to vector<16xf32>
      tpu.vector_store %arg15[%swap3A_127], %swap3A_130 {strides = array<i32>} : memref<64xf32, #tpu.memory_space<vmem>>, vector<16xf32>,
      %exp3A_131 = math.exp %max3A_104 : vector<16xf32>
      %sub3A_132 = arith.constant 1.000000e+00 : f32
      %sub3A_133 = vector.broadcast %sub3A_132 : f32 to vector<16xf32>
      %sub3A_134 = arith.subf %sub3A_133, %exp3A_131 : vector<16xf32>
      %max3A_135 = arith.constant 9.99999997E-7 : f32
      %max3A_136 = vector.broadcast %max3A_135 : f32 to vector<16xf32>
      %max3A_137 = arith.maximumf %sub3A_134, %max3A_136 : vector<16xf32>
      %swap3A_138 = arith.constant 24 : index
      %swap3A_139 = tpu.vector_load %arg15[%swap3A_138] {strides = array<i32>} : memref<64xf32, #tpu.memory_space<vmem>>, vector<16xf32>,
      %swap3A_140 = vector.shape_cast %swap3A_139 : vector<16xf32> to vector<16xf32>
      %swap3A_141 = vector.shape_cast %max3A_137 : vector<16xf32> to vector<16xf32>
      tpu.vector_store %arg15[%swap3A_138], %swap3A_141 {strides = array<i32>} : memref<64xf32, #tpu.memory_space<vmem>>, vector<16xf32>,
      %exp3A_142 = math.exp %max3A_111 : vector<16xf32>
      %sub3A_143 = arith.constant 1.000000e+00 : f32
      %sub3A_144 = vector.broadcast %sub3A_143 : f32 to vector<16xf32>
      %sub3A_145 = arith.subf %sub3A_144, %exp3A_142 : vector<16xf32>
      %max3A_146 = arith.constant 9.99999997E-7 : f32
      %max3A_147 = vector.broadcast %max3A_146 : f32 to vector<16xf32>
      %max3A_148 = arith.maximumf %sub3A_145, %max3A_147 : vector<16xf32>
      %swap3A_149 = arith.constant 32 : index
      %swap3A_150 = tpu.vector_load %arg15[%swap3A_149] {strides = array<i32>} : memref<64xf32, #tpu.memory_space<vmem>>, vector<16xf32>,
      %swap3A_151 = vector.shape_cast %swap3A_150 : vector<16xf32> to vector<16xf32>
      %swap3A_152 = vector.shape_cast %max3A_148 : vector<16xf32> to vector<16xf32>
      tpu.vector_store %arg15[%swap3A_149], %swap3A_152 {strides = array<i32>} : memref<64xf32, #tpu.memory_space<vmem>>, vector<16xf32>,
      %get3A_153 = arith.constant 8 : index
      %get3A_154 = tpu.vector_load %arg15[%get3A_153] {strides = array<i32>} : memref<64xf32, #tpu.memory_space<vmem>>, vector<16xf32>,
      %get3A_155 = vector.shape_cast %get3A_154 : vector<16xf32> to vector<16xf32>
      %get3A_156 = arith.index_cast %scan3A_58 : i32 to index
      %get3A_157 = arith.constant 0 : index
      %get3A_158 = tpu.vector_load %arg12[%get3A_156, %get3A_157] {strides = array<i32>} : memref<2x1280xi32, #tpu.memory_space<vmem>>, vector<1x16xi32>,
      %get3A_159 = vector.shape_cast %get3A_158 : vector<1x16xi32> to vector<16xi32>
      %eq3A = arith.constant 0 : i32
      %eq3A_160 = vector.broadcast %eq3A : i32 to vector<16xi32>
      %eq3A_161 = arith.cmpi eq, %get3A_159, %eq3A_160 : vector<16xi32>
      %jit3A = arith.constant 1.000000e+00 : f32
      %broadcast_in_dim3A_162 = vector.broadcast %jit3A : f32 to vector<16xf32>
      %select_n3A = arith.select %eq3A_161, %get3A_155, %broadcast_in_dim3A_162 : vector<16xi1>, vector<16xf32>
      %get3A_163 = arith.constant 24 : index
      %get3A_164 = tpu.vector_load %arg15[%get3A_163] {strides = array<i32>} : memref<64xf32, #tpu.memory_space<vmem>>, vector<16xf32>,
      %get3A_165 = vector.shape_cast %get3A_164 : vector<16xf32> to vector<16xf32>
      %get3A_166 = arith.index_cast %scan3A_58 : i32 to index
      %get3A_167 = arith.constant 16 : index
      %get3A_168 = tpu.vector_load %arg12[%get3A_166, %get3A_167] {strides = array<i32>} : memref<2x1280xi32, #tpu.memory_space<vmem>>, vector<1x16xi32>,
      %get3A_169 = vector.shape_cast %get3A_168 : vector<1x16xi32> to vector<16xi32>
      %eq3A_170 = arith.constant 0 : i32
      %eq3A_171 = vector.broadcast %eq3A_170 : i32 to vector<16xi32>
      %eq3A_172 = arith.cmpi eq, %get3A_169, %eq3A_171 : vector<16xi32>
      %jit3A_173 = arith.constant 1.000000e+00 : f32
      %broadcast_in_dim3A_174 = vector.broadcast %jit3A_173 : f32 to vector<16xf32>
      %select_n3A_175 = arith.select %eq3A_172, %get3A_165, %broadcast_in_dim3A_174 : vector<16xi1>, vector<16xf32>
      %min3A = arith.minimumf %select_n3A, %select_n3A_175 : vector<16xf32>
      %get3A_176 = arith.constant 32 : index
      %get3A_177 = tpu.vector_load %arg15[%get3A_176] {strides = array<i32>} : memref<64xf32, #tpu.memory_space<vmem>>, vector<16xf32>,
      %get3A_178 = vector.shape_cast %get3A_177 : vector<16xf32> to vector<16xf32>
      %get3A_179 = arith.index_cast %scan3A_58 : i32 to index
      %get3A_180 = arith.constant 24 : index
      %get3A_181 = tpu.vector_load %arg12[%get3A_179, %get3A_180] {strides = array<i32>} : memref<2x1280xi32, #tpu.memory_space<vmem>>, vector<1x16xi32>,
      %get3A_182 = vector.shape_cast %get3A_181 : vector<1x16xi32> to vector<16xi32>
      %eq3A_183 = arith.constant 0 : i32
      %eq3A_184 = vector.broadcast %eq3A_183 : i32 to vector<16xi32>
      %eq3A_185 = arith.cmpi eq, %get3A_182, %eq3A_184 : vector<16xi32>
      %jit3A_186 = arith.constant 1.000000e+00 : f32
      %broadcast_in_dim3A_187 = vector.broadcast %jit3A_186 : f32 to vector<16xf32>
      %select_n3A_188 = arith.select %eq3A_185, %get3A_178, %broadcast_in_dim3A_187 : vector<16xi1>, vector<16xf32>
      %min3A_189 = arith.minimumf %min3A, %select_n3A_188 : vector<16xf32>
      %add3A_190 = arith.constant 8 : i32
      %add3A_191 = arith.addi %add3A_190, %scan3A_58 : i32
      %swap3A_192 = arith.constant 0 : i32
      %swap3A_193 = arith.index_cast %add3A_191 : i32 to index
      %swap3A_194 = arith.index_cast %swap3A_192 : i32 to index
      %swap3A_195 = arith.constant 0 : index
      %swap3A_196 = tpu.vector_load %arg13[%swap3A_193, %swap3A_194, %swap3A_195] {strides = array<i32>} : memref<10x4x128xf32, #tpu.memory_space<vmem>>, vector<1x1x16xf32>,
      %swap3A_197 = vector.shape_cast %swap3A_196 : vector<1x1x16xf32> to vector<16xf32>
      %swap3A_198 = vector.shape_cast %min3A_189 : vector<16xf32> to vector<1x1x16xf32>
      tpu.vector_store %arg13[%swap3A_193, %swap3A_194, %swap3A_195], %swap3A_198 {strides = array<i32>} : memref<10x4x128xf32, #tpu.memory_space<vmem>>, vector<1x1x16xf32>,
      %get3A_199 = arith.constant 8 : index
      %get3A_200 = tpu.vector_load %arg15[%get3A_199] {strides = array<i32>} : memref<64xf32, #tpu.memory_space<vmem>>, vector<16xf32>,
      %get3A_201 = vector.shape_cast %get3A_200 : vector<16xf32> to vector<16xf32>
      %get3A_202 = arith.index_cast %scan3A_58 : i32 to index
      %get3A_203 = arith.constant 40 : index
      %get3A_204 = tpu.vector_load %arg12[%get3A_202, %get3A_203] {strides = array<i32>} : memref<2x1280xi32, #tpu.memory_space<vmem>>, vector<1x16xi32>,
      %get3A_205 = vector.shape_cast %get3A_204 : vector<1x16xi32> to vector<16xi32>
      %eq3A_206 = arith.constant 0 : i32
      %eq3A_207 = vector.broadcast %eq3A_206 : i32 to vector<16xi32>
      %eq3A_208 = arith.cmpi eq, %get3A_205, %eq3A_207 : vector<16xi32>
      %jit3A_209 = arith.constant 1.000000e+00 : f32
      %broadcast_in_dim3A_210 = vector.broadcast %jit3A_209 : f32 to vector<16xf32>
      %select_n3A_211 = arith.select %eq3A_208, %get3A_201, %broadcast_in_dim3A_210 : vector<16xi1>, vector<16xf32>
      %get3A_212 = arith.constant 24 : index
      %get3A_213 = tpu.vector_load %arg15[%get3A_212] {strides = array<i32>} : memref<64xf32, #tpu.memory_space<vmem>>, vector<16xf32>,
      %get3A_214 = vector.shape_cast %get3A_213 : vector<16xf32> to vector<16xf32>
      %get3A_215 = arith.index_cast %scan3A_58 : i32 to index
      %get3A_216 = arith.constant 56 : index
      %get3A_217 = tpu.vector_load %arg12[%get3A_215, %get3A_216] {strides = array<i32>} : memref<2x1280xi32, #tpu.memory_space<vmem>>, vector<1x16xi32>,
      %get3A_218 = vector.shape_cast %get3A_217 : vector<1x16xi32> to vector<16xi32>
      %eq3A_219 = arith.constant 0 : i32
      %eq3A_220 = vector.broadcast %eq3A_219 : i32 to vector<16xi32>
      %eq3A_221 = arith.cmpi eq, %get3A_218, %eq3A_220 : vector<16xi32>
      %jit3A_222 = arith.constant 1.000000e+00 : f32
      %broadcast_in_dim3A_223 = vector.broadcast %jit3A_222 : f32 to vector<16xf32>
      %select_n3A_224 = arith.select %eq3A_221, %get3A_214, %broadcast_in_dim3A_223 : vector<16xi1>, vector<16xf32>
      %min3A_225 = arith.minimumf %select_n3A_211, %select_n3A_224 : vector<16xf32>
      %get3A_226 = arith.constant 32 : index
      %get3A_227 = tpu.vector_load %arg15[%get3A_226] {strides = array<i32>} : memref<64xf32, #tpu.memory_space<vmem>>, vector<16xf32>,
      %get3A_228 = vector.shape_cast %get3A_227 : vector<16xf32> to vector<16xf32>
      %get3A_229 = arith.index_cast %scan3A_58 : i32 to index
      %get3A_230 = arith.constant 64 : index
      %get3A_231 = tpu.vector_load %arg12[%get3A_229, %get3A_230] {strides = array<i32>} : memref<2x1280xi32, #tpu.memory_space<vmem>>, vector<1x16xi32>,
      %get3A_232 = vector.shape_cast %get3A_231 : vector<1x16xi32> to vector<16xi32>
      %eq3A_233 = arith.constant 0 : i32
      %eq3A_234 = vector.broadcast %eq3A_233 : i32 to vector<16xi32>
      %eq3A_235 = arith.cmpi eq, %get3A_232, %eq3A_234 : vector<16xi32>
      %jit3A_236 = arith.constant 1.000000e+00 : f32
      %broadcast_in_dim3A_237 = vector.broadcast %jit3A_236 : f32 to vector<16xf32>
      %select_n3A_238 = arith.select %eq3A_235, %get3A_228, %broadcast_in_dim3A_237 : vector<16xi1>, vector<16xf32>
      %min3A_239 = arith.minimumf %min3A_225, %select_n3A_238 : vector<16xf32>
      %add3A_240 = arith.constant 8 : i32
      %add3A_241 = arith.addi %add3A_240, %scan3A_58 : i32
      %swap3A_242 = arith.constant 0 : i32
      %swap3A_243 = arith.index_cast %add3A_241 : i32 to index
      %swap3A_244 = arith.index_cast %swap3A_242 : i32 to index
      %swap3A_245 = arith.constant 16 : index
      %swap3A_246 = tpu.vector_load %arg13[%swap3A_243, %swap3A_244, %swap3A_245] {strides = array<i32>} : memref<10x4x128xf32, #tpu.memory_space<vmem>>, vector<1x1x16xf32>,
      %swap3A_247 = vector.shape_cast %swap3A_246 : vector<1x1x16xf32> to vector<16xf32>
      %swap3A_248 = vector.shape_cast %min3A_239 : vector<16xf32> to vector<1x1x16xf32>
      tpu.vector_store %arg13[%swap3A_243, %swap3A_244, %swap3A_245], %swap3A_248 {strides = array<i32>} : memref<10x4x128xf32, #tpu.memory_space<vmem>>, vector<1x1x16xf32>,
      %get3A_249 = arith.constant 8 : index
      %get3A_250 = tpu.vector_load %arg15[%get3A_249] {strides = array<i32>} : memref<64xf32, #tpu.memory_space<vmem>>, vector<16xf32>,
      %get3A_251 = vector.shape_cast %get3A_250 : vector<16xf32> to vector<16xf32>
      %get3A_252 = arith.index_cast %scan3A_58 : i32 to index
      %get3A_253 = arith.constant 80 : index
      %get3A_254 = tpu.vector_load %arg12[%get3A_252, %get3A_253] {strides = array<i32>} : memref<2x1280xi32, #tpu.memory_space<vmem>>, vector<1x16xi32>,
      %get3A_255 = vector.shape_cast %get3A_254 : vector<1x16xi32> to vector<16xi32>
      %eq3A_256 = arith.constant 0 : i32
      %eq3A_257 = vector.broadcast %eq3A_256 : i32 to vector<16xi32>
      %eq3A_258 = arith.cmpi eq, %get3A_255, %eq3A_257 : vector<16xi32>
      %jit3A_259 = arith.constant 1.000000e+00 : f32
      %broadcast_in_dim3A_260 = vector.broadcast %jit3A_259 : f32 to vector<16xf32>
      %select_n3A_261 = arith.select %eq3A_258, %get3A_251, %broadcast_in_dim3A_260 : vector<16xi1>, vector<16xf32>
      %get3A_262 = arith.constant 24 : index
      %get3A_263 = tpu.vector_load %arg15[%get3A_262] {strides = array<i32>} : memref<64xf32, #tpu.memory_space<vmem>>, vector<16xf32>,
      %get3A_264 = vector.shape_cast %get3A_263 : vector<16xf32> to vector<16xf32>
      %get3A_265 = arith.index_cast %scan3A_58 : i32 to index
      %get3A_266 = arith.constant 96 : index
      %get3A_267 = tpu.vector_load %arg12[%get3A_265, %get3A_266] {strides = array<i32>} : memref<2x1280xi32, #tpu.memory_space<vmem>>, vector<1x16xi32>,
      %get3A_268 = vector.shape_cast %get3A_267 : vector<1x16xi32> to vector<16xi32>
      %eq3A_269 = arith.constant 0 : i32
      %eq3A_270 = vector.broadcast %eq3A_269 : i32 to vector<16xi32>
      %eq3A_271 = arith.cmpi eq, %get3A_268, %eq3A_270 : vector<16xi32>
      %jit3A_272 = arith.constant 1.000000e+00 : f32
      %broadcast_in_dim3A_273 = vector.broadcast %jit3A_272 : f32 to vector<16xf32>
      %select_n3A_274 = arith.select %eq3A_271, %get3A_264, %broadcast_in_dim3A_273 : vector<16xi1>, vector<16xf32>
      %min3A_275 = arith.minimumf %select_n3A_261, %select_n3A_274 : vector<16xf32>
      %get3A_276 = arith.constant 32 : index
      %get3A_277 = tpu.vector_load %arg15[%get3A_276] {strides = array<i32>} : memref<64xf32, #tpu.memory_space<vmem>>, vector<16xf32>,
      %get3A_278 = vector.shape_cast %get3A_277 : vector<16xf32> to vector<16xf32>
      %get3A_279 = arith.index_cast %scan3A_58 : i32 to index
      %get3A_280 = arith.constant 104 : index
      %get3A_281 = tpu.vector_load %arg12[%get3A_279, %get3A_280] {strides = array<i32>} : memref<2x1280xi32, #tpu.memory_space<vmem>>, vector<1x16xi32>,
      %get3A_282 = vector.shape_cast %get3A_281 : vector<1x16xi32> to vector<16xi32>
      %eq3A_283 = arith.constant 0 : i32
      %eq3A_284 = vector.broadcast %eq3A_283 : i32 to vector<16xi32>
      %eq3A_285 = arith.cmpi eq, %get3A_282, %eq3A_284 : vector<16xi32>
      %jit3A_286 = arith.constant 1.000000e+00 : f32
      %broadcast_in_dim3A_287 = vector.broadcast %jit3A_286 : f32 to vector<16xf32>
      %select_n3A_288 = arith.select %eq3A_285, %get3A_278, %broadcast_in_dim3A_287 : vector<16xi1>, vector<16xf32>
      %min3A_289 = arith.minimumf %min3A_275, %select_n3A_288 : vector<16xf32>
      %add3A_290 = arith.constant 8 : i32
      %add3A_291 = arith.addi %add3A_290, %scan3A_58 : i32
      %swap3A_292 = arith.constant 0 : i32
      %swap3A_293 = arith.index_cast %add3A_291 : i32 to index
      %swap3A_294 = arith.index_cast %swap3A_292 : i32 to index
      %swap3A_295 = arith.constant 32 : index
      %swap3A_296 = tpu.vector_load %arg13[%swap3A_293, %swap3A_294, %swap3A_295] {strides = array<i32>} : memref<10x4x128xf32, #tpu.memory_space<vmem>>, vector<1x1x16xf32>,
      %swap3A_297 = vector.shape_cast %swap3A_296 : vector<1x1x16xf32> to vector<16xf32>
      %swap3A_298 = vector.shape_cast %min3A_289 : vector<16xf32> to vector<1x1x16xf32>
      tpu.vector_store %arg13[%swap3A_293, %swap3A_294, %swap3A_295], %swap3A_298 {strides = array<i32>} : memref<10x4x128xf32, #tpu.memory_space<vmem>>, vector<1x1x16xf32>,
      %get3A_299 = arith.constant 0 : index
      %get3A_300 = tpu.vector_load %arg15[%get3A_299] {strides = array<i32>} : memref<64xf32, #tpu.memory_space<vmem>>, vector<16xf32>,
      %get3A_301 = vector.shape_cast %get3A_300 : vector<16xf32> to vector<16xf32>
      %get3A_302 = arith.index_cast %scan3A_58 : i32 to index
      %get3A_303 = arith.constant 112 : index
      %get3A_304 = tpu.vector_load %arg12[%get3A_302, %get3A_303] {strides = array<i32>} : memref<2x1280xi32, #tpu.memory_space<vmem>>, vector<1x16xi32>,
      %get3A_305 = vector.shape_cast %get3A_304 : vector<1x16xi32> to vector<16xi32>
      %eq3A_306 = arith.constant 0 : i32
      %eq3A_307 = vector.broadcast %eq3A_306 : i32 to vector<16xi32>
      %eq3A_308 = arith.cmpi eq, %get3A_305, %eq3A_307 : vector<16xi32>
      %jit3A_309 = arith.constant 1.000000e+00 : f32
      %broadcast_in_dim3A_310 = vector.broadcast %jit3A_309 : f32 to vector<16xf32>
      %select_n3A_311 = arith.select %eq3A_308, %get3A_301, %broadcast_in_dim3A_310 : vector<16xi1>, vector<16xf32>
      %get3A_312 = arith.constant 16 : index
      %get3A_313 = tpu.vector_load %arg15[%get3A_312] {strides = array<i32>} : memref<64xf32, #tpu.memory_space<vmem>>, vector<16xf32>,
      %get3A_314 = vector.shape_cast %get3A_313 : vector<16xf32> to vector<16xf32>
      %get3A_315 = arith.index_cast %scan3A_58 : i32 to index
      %get3A_316 = arith.constant 128 : index
      %get3A_317 = tpu.vector_load %arg12[%get3A_315, %get3A_316] {strides = array<i32>} : memref<2x1280xi32, #tpu.memory_space<vmem>>, vector<1x16xi32>,
      %get3A_318 = vector.shape_cast %get3A_317 : vector<1x16xi32> to vector<16xi32>
      %eq3A_319 = arith.constant 0 : i32
      %eq3A_320 = vector.broadcast %eq3A_319 : i32 to vector<16xi32>
      %eq3A_321 = arith.cmpi eq, %get3A_318, %eq3A_320 : vector<16xi32>
      %jit3A_322 = arith.constant 1.000000e+00 : f32
      %broadcast_in_dim3A_323 = vector.broadcast %jit3A_322 : f32 to vector<16xf32>
      %select_n3A_324 = arith.select %eq3A_321, %get3A_314, %broadcast_in_dim3A_323 : vector<16xi1>, vector<16xf32>
      %min3A_325 = arith.minimumf %select_n3A_311, %select_n3A_324 : vector<16xf32>
      %get3A_326 = arith.constant 24 : index
      %get3A_327 = tpu.vector_load %arg15[%get3A_326] {strides = array<i32>} : memref<64xf32, #tpu.memory_space<vmem>>, vector<16xf32>,
      %get3A_328 = vector.shape_cast %get3A_327 : vector<16xf32> to vector<16xf32>
      %get3A_329 = arith.index_cast %scan3A_58 : i32 to index
      %get3A_330 = arith.constant 136 : index
      %get3A_331 = tpu.vector_load %arg12[%get3A_329, %get3A_330] {strides = array<i32>} : memref<2x1280xi32, #tpu.memory_space<vmem>>, vector<1x16xi32>,
      %get3A_332 = vector.shape_cast %get3A_331 : vector<1x16xi32> to vector<16xi32>
      %eq3A_333 = arith.constant 0 : i32
      %eq3A_334 = vector.broadcast %eq3A_333 : i32 to vector<16xi32>
      %eq3A_335 = arith.cmpi eq, %get3A_332, %eq3A_334 : vector<16xi32>
      %jit3A_336 = arith.constant 1.000000e+00 : f32
      %broadcast_in_dim3A_337 = vector.broadcast %jit3A_336 : f32 to vector<16xf32>
      %select_n3A_338 = arith.select %eq3A_335, %get3A_328, %broadcast_in_dim3A_337 : vector<16xi1>, vector<16xf32>
      %min3A_339 = arith.minimumf %min3A_325, %select_n3A_338 : vector<16xf32>
      %get3A_340 = arith.constant 32 : index
      %get3A_341 = tpu.vector_load %arg15[%get3A_340] {strides = array<i32>} : memref<64xf32, #tpu.memory_space<vmem>>, vector<16xf32>,
      %get3A_342 = vector.shape_cast %get3A_341 : vector<16xf32> to vector<16xf32>
      %get3A_343 = arith.index_cast %scan3A_58 : i32 to index
      %get3A_344 = arith.constant 144 : index
      %get3A_345 = tpu.vector_load %arg12[%get3A_343, %get3A_344] {strides = array<i32>} : memref<2x1280xi32, #tpu.memory_space<vmem>>, vector<1x16xi32>,
      %get3A_346 = vector.shape_cast %get3A_345 : vector<1x16xi32> to vector<16xi32>
      %eq3A_347 = arith.constant 0 : i32
      %eq3A_348 = vector.broadcast %eq3A_347 : i32 to vector<16xi32>
      %eq3A_349 = arith.cmpi eq, %get3A_346, %eq3A_348 : vector<16xi32>
      %jit3A_350 = arith.constant 1.000000e+00 : f32
      %broadcast_in_dim3A_351 = vector.broadcast %jit3A_350 : f32 to vector<16xf32>
      %select_n3A_352 = arith.select %eq3A_349, %get3A_342, %broadcast_in_dim3A_351 : vector<16xi1>, vector<16xf32>
      %min3A_353 = arith.minimumf %min3A_339, %select_n3A_352 : vector<16xf32>
      %add3A_354 = arith.constant 8 : i32
      %add3A_355 = arith.addi %add3A_354, %scan3A_58 : i32
      %swap3A_356 = arith.constant 0 : i32
      %swap3A_357 = arith.index_cast %add3A_355 : i32 to index
      %swap3A_358 = arith.index_cast %swap3A_356 : i32 to index
      %swap3A_359 = arith.constant 48 : index
      %swap3A_360 = tpu.vector_load %arg13[%swap3A_357, %swap3A_358, %swap3A_359] {strides = array<i32>} : memref<10x4x128xf32, #tpu.memory_space<vmem>>, vector<1x1x16xf32>,
      %swap3A_361 = vector.shape_cast %swap3A_360 : vector<1x1x16xf32> to vector<16xf32>
      %swap3A_362 = vector.shape_cast %min3A_353 : vector<16xf32> to vector<1x1x16xf32>
      tpu.vector_store %arg13[%swap3A_357, %swap3A_358, %swap3A_359], %swap3A_362 {strides = array<i32>} : memref<10x4x128xf32, #tpu.memory_space<vmem>>, vector<1x1x16xf32>,
      %get3A_363 = arith.constant 8 : index
      %get3A_364 = tpu.vector_load %arg15[%get3A_363] {strides = array<i32>} : memref<64xf32, #tpu.memory_space<vmem>>, vector<16xf32>,
      %get3A_365 = vector.shape_cast %get3A_364 : vector<16xf32> to vector<16xf32>
      %get3A_366 = arith.index_cast %scan3A_58 : i32 to index
      %get3A_367 = arith.constant 160 : index
      %get3A_368 = tpu.vector_load %arg12[%get3A_366, %get3A_367] {strides = array<i32>} : memref<2x1280xi32, #tpu.memory_space<vmem>>, vector<1x16xi32>,
      %get3A_369 = vector.shape_cast %get3A_368 : vector<1x16xi32> to vector<16xi32>
      %eq3A_370 = arith.constant 0 : i32
      %eq3A_371 = vector.broadcast %eq3A_370 : i32 to vector<16xi32>
      %eq3A_372 = arith.cmpi eq, %get3A_369, %eq3A_371 : vector<16xi32>
      %jit3A_373 = arith.constant 1.000000e+00 : f32
      %broadcast_in_dim3A_374 = vector.broadcast %jit3A_373 : f32 to vector<16xf32>
      %select_n3A_375 = arith.select %eq3A_372, %get3A_365, %broadcast_in_dim3A_374 : vector<16xi1>, vector<16xf32>
      %get3A_376 = arith.constant 24 : index
      %get3A_377 = tpu.vector_load %arg15[%get3A_376] {strides = array<i32>} : memref<64xf32, #tpu.memory_space<vmem>>, vector<16xf32>,
      %get3A_378 = vector.shape_cast %get3A_377 : vector<16xf32> to vector<16xf32>
      %get3A_379 = arith.index_cast %scan3A_58 : i32 to index
      %get3A_380 = arith.constant 176 : index
      %get3A_381 = tpu.vector_load %arg12[%get3A_379, %get3A_380] {strides = array<i32>} : memref<2x1280xi32, #tpu.memory_space<vmem>>, vector<1x16xi32>,
      %get3A_382 = vector.shape_cast %get3A_381 : vector<1x16xi32> to vector<16xi32>
      %eq3A_383 = arith.constant 0 : i32
      %eq3A_384 = vector.broadcast %eq3A_383 : i32 to vector<16xi32>
      %eq3A_385 = arith.cmpi eq, %get3A_382, %eq3A_384 : vector<16xi32>
      %jit3A_386 = arith.constant 1.000000e+00 : f32
      %broadcast_in_dim3A_387 = vector.broadcast %jit3A_386 : f32 to vector<16xf32>
      %select_n3A_388 = arith.select %eq3A_385, %get3A_378, %broadcast_in_dim3A_387 : vector<16xi1>, vector<16xf32>
      %min3A_389 = arith.minimumf %select_n3A_375, %select_n3A_388 : vector<16xf32>
      %get3A_390 = arith.constant 32 : index
      %get3A_391 = tpu.vector_load %arg15[%get3A_390] {strides = array<i32>} : memref<64xf32, #tpu.memory_space<vmem>>, vector<16xf32>,
      %get3A_392 = vector.shape_cast %get3A_391 : vector<16xf32> to vector<16xf32>
      %get3A_393 = arith.index_cast %scan3A_58 : i32 to index
      %get3A_394 = arith.constant 184 : index
      %get3A_395 = tpu.vector_load %arg12[%get3A_393, %get3A_394] {strides = array<i32>} : memref<2x1280xi32, #tpu.memory_space<vmem>>, vector<1x16xi32>,
      %get3A_396 = vector.shape_cast %get3A_395 : vector<1x16xi32> to vector<16xi32>
      %eq3A_397 = arith.constant 0 : i32
      %eq3A_398 = vector.broadcast %eq3A_397 : i32 to vector<16xi32>
      %eq3A_399 = arith.cmpi eq, %get3A_396, %eq3A_398 : vector<16xi32>
      %jit3A_400 = arith.constant 1.000000e+00 : f32
      %broadcast_in_dim3A_401 = vector.broadcast %jit3A_400 : f32 to vector<16xf32>
      %select_n3A_402 = arith.select %eq3A_399, %get3A_392, %broadcast_in_dim3A_401 : vector<16xi1>, vector<16xf32>
      %min3A_403 = arith.minimumf %min3A_389, %select_n3A_402 : vector<16xf32>
      %add3A_404 = arith.constant 8 : i32
      %add3A_405 = arith.addi %add3A_404, %scan3A_58 : i32
      %swap3A_406 = arith.constant 0 : i32
      %swap3A_407 = arith.index_cast %add3A_405 : i32 to index
      %swap3A_408 = arith.index_cast %swap3A_406 : i32 to index
      %swap3A_409 = arith.constant 64 : index
      %swap3A_410 = tpu.vector_load %arg13[%swap3A_407, %swap3A_408, %swap3A_409] {strides = array<i32>} : memref<10x4x128xf32, #tpu.memory_space<vmem>>, vector<1x1x16xf32>,
      %swap3A_411 = vector.shape_cast %swap3A_410 : vector<1x1x16xf32> to vector<16xf32>
      %swap3A_412 = vector.shape_cast %min3A_403 : vector<16xf32> to vector<1x1x16xf32>
      tpu.vector_store %arg13[%swap3A_407, %swap3A_408, %swap3A_409], %swap3A_412 {strides = array<i32>} : memref<10x4x128xf32, #tpu.memory_space<vmem>>, vector<1x1x16xf32>,
      %get3A_413 = arith.constant 8 : index
      %get3A_414 = tpu.vector_load %arg15[%get3A_413] {strides = array<i32>} : memref<64xf32, #tpu.memory_space<vmem>>, vector<16xf32>,
      %get3A_415 = vector.shape_cast %get3A_414 : vector<16xf32> to vector<16xf32>
      %get3A_416 = arith.index_cast %scan3A_58 : i32 to index
      %get3A_417 = arith.constant 200 : index
      %get3A_418 = tpu.vector_load %arg12[%get3A_416, %get3A_417] {strides = array<i32>} : memref<2x1280xi32, #tpu.memory_space<vmem>>, vector<1x16xi32>,
      %get3A_419 = vector.shape_cast %get3A_418 : vector<1x16xi32> to vector<16xi32>
      %eq3A_420 = arith.constant 0 : i32
      %eq3A_421 = vector.broadcast %eq3A_420 : i32 to vector<16xi32>
      %eq3A_422 = arith.cmpi eq, %get3A_419, %eq3A_421 : vector<16xi32>
      %jit3A_423 = arith.constant 1.000000e+00 : f32
      %broadcast_in_dim3A_424 = vector.broadcast %jit3A_423 : f32 to vector<16xf32>
      %select_n3A_425 = arith.select %eq3A_422, %get3A_415, %broadcast_in_dim3A_424 : vector<16xi1>, vector<16xf32>
      %get3A_426 = arith.constant 24 : index
      %get3A_427 = tpu.vector_load %arg15[%get3A_426] {strides = array<i32>} : memref<64xf32, #tpu.memory_space<vmem>>, vector<16xf32>,
      %get3A_428 = vector.shape_cast %get3A_427 : vector<16xf32> to vector<16xf32>
      %get3A_429 = arith.index_cast %scan3A_58 : i32 to index
      %get3A_430 = arith.constant 216 : index
      %get3A_431 = tpu.vector_load %arg12[%get3A_429, %get3A_430] {strides = array<i32>} : memref<2x1280xi32, #tpu.memory_space<vmem>>, vector<1x16xi32>,
      %get3A_432 = vector.shape_cast %get3A_431 : vector<1x16xi32> to vector<16xi32>
      %eq3A_433 = arith.constant 0 : i32
      %eq3A_434 = vector.broadcast %eq3A_433 : i32 to vector<16xi32>
      %eq3A_435 = arith.cmpi eq, %get3A_432, %eq3A_434 : vector<16xi32>
      %jit3A_436 = arith.constant 1.000000e+00 : f32
      %broadcast_in_dim3A_437 = vector.broadcast %jit3A_436 : f32 to vector<16xf32>
      %select_n3A_438 = arith.select %eq3A_435, %get3A_428, %broadcast_in_dim3A_437 : vector<16xi1>, vector<16xf32>
      %min3A_439 = arith.minimumf %select_n3A_425, %select_n3A_438 : vector<16xf32>
      %get3A_440 = arith.constant 32 : index
      %get3A_441 = tpu.vector_load %arg15[%get3A_440] {strides = array<i32>} : memref<64xf32, #tpu.memory_space<vmem>>, vector<16xf32>,
      %get3A_442 = vector.shape_cast %get3A_441 : vector<16xf32> to vector<16xf32>
      %get3A_443 = arith.index_cast %scan3A_58 : i32 to index
      %get3A_444 = arith.constant 224 : index
      %get3A_445 = tpu.vector_load %arg12[%get3A_443, %get3A_444] {strides = array<i32>} : memref<2x1280xi32, #tpu.memory_space<vmem>>, vector<1x16xi32>,
      %get3A_446 = vector.shape_cast %get3A_445 : vector<1x16xi32> to vector<16xi32>
      %eq3A_447 = arith.constant 0 : i32
      %eq3A_448 = vector.broadcast %eq3A_447 : i32 to vector<16xi32>
      %eq3A_449 = arith.cmpi eq, %get3A_446, %eq3A_448 : vector<16xi32>
      %jit3A_450 = arith.constant 1.000000e+00 : f32
      %broadcast_in_dim3A_451 = vector.broadcast %jit3A_450 : f32 to vector<16xf32>
      %select_n3A_452 = arith.select %eq3A_449, %get3A_442, %broadcast_in_dim3A_451 : vector<16xi1>, vector<16xf32>
      %min3A_453 = arith.minimumf %min3A_439, %select_n3A_452 : vector<16xf32>
      %add3A_454 = arith.constant 8 : i32
      %add3A_455 = arith.addi %add3A_454, %scan3A_58 : i32
      %swap3A_456 = arith.constant 0 : i32
      %swap3A_457 = arith.index_cast %add3A_455 : i32 to index
      %swap3A_458 = arith.index_cast %swap3A_456 : i32 to index
      %swap3A_459 = arith.constant 80 : index
      %swap3A_460 = tpu.vector_load %arg13[%swap3A_457, %swap3A_458, %swap3A_459] {strides = array<i32>} : memref<10x4x128xf32, #tpu.memory_space<vmem>>, vector<1x1x16xf32>,
      %swap3A_461 = vector.shape_cast %swap3A_460 : vector<1x1x16xf32> to vector<16xf32>
      %swap3A_462 = vector.shape_cast %min3A_453 : vector<16xf32> to vector<1x1x16xf32>
      tpu.vector_store %arg13[%swap3A_457, %swap3A_458, %swap3A_459], %swap3A_462 {strides = array<i32>} : memref<10x4x128xf32, #tpu.memory_space<vmem>>, vector<1x1x16xf32>,
      %get3A_463 = arith.constant 8 : index
      %get3A_464 = tpu.vector_load %arg15[%get3A_463] {strides = array<i32>} : memref<64xf32, #tpu.memory_space<vmem>>, vector<16xf32>,
      %get3A_465 = vector.shape_cast %get3A_464 : vector<16xf32> to vector<16xf32>
      %get3A_466 = arith.index_cast %scan3A_58 : i32 to index
      %get3A_467 = arith.constant 240 : index
      %get3A_468 = tpu.vector_load %arg12[%get3A_466, %get3A_467] {strides = array<i32>} : memref<2x1280xi32, #tpu.memory_space<vmem>>, vector<1x16xi32>,
      %get3A_469 = vector.shape_cast %get3A_468 : vector<1x16xi32> to vector<16xi32>
      %eq3A_470 = arith.constant 0 : i32
      %eq3A_471 = vector.broadcast %eq3A_470 : i32 to vector<16xi32>
      %eq3A_472 = arith.cmpi eq, %get3A_469, %eq3A_471 : vector<16xi32>
      %jit3A_473 = arith.constant 1.000000e+00 : f32
      %broadcast_in_dim3A_474 = vector.broadcast %jit3A_473 : f32 to vector<16xf32>
      %select_n3A_475 = arith.select %eq3A_472, %get3A_465, %broadcast_in_dim3A_474 : vector<16xi1>, vector<16xf32>
      %get3A_476 = arith.constant 24 : index
      %get3A_477 = tpu.vector_load %arg15[%get3A_476] {strides = array<i32>} : memref<64xf32, #tpu.memory_space<vmem>>, vector<16xf32>,
      %get3A_478 = vector.shape_cast %get3A_477 : vector<16xf32> to vector<16xf32>
      %get3A_479 = arith.index_cast %scan3A_58 : i32 to index
      %get3A_480 = arith.constant 256 : index
      %get3A_481 = tpu.vector_load %arg12[%get3A_479, %get3A_480] {strides = array<i32>} : memref<2x1280xi32, #tpu.memory_space<vmem>>, vector<1x16xi32>,
      %get3A_482 = vector.shape_cast %get3A_481 : vector<1x16xi32> to vector<16xi32>
      %eq3A_483 = arith.constant 0 : i32
      %eq3A_484 = vector.broadcast %eq3A_483 : i32 to vector<16xi32>
      %eq3A_485 = arith.cmpi eq, %get3A_482, %eq3A_484 : vector<16xi32>
      %jit3A_486 = arith.constant 1.000000e+00 : f32
      %broadcast_in_dim3A_487 = vector.broadcast %jit3A_486 : f32 to vector<16xf32>
      %select_n3A_488 = arith.select %eq3A_485, %get3A_478, %broadcast_in_dim3A_487 : vector<16xi1>, vector<16xf32>
      %min3A_489 = arith.minimumf %select_n3A_475, %select_n3A_488 : vector<16xf32>
      %get3A_490 = arith.constant 32 : index
      %get3A_491 = tpu.vector_load %arg15[%get3A_490] {strides = array<i32>} : memref<64xf32, #tpu.memory_space<vmem>>, vector<16xf32>,
      %get3A_492 = vector.shape_cast %get3A_491 : vector<16xf32> to vector<16xf32>
      %get3A_493 = arith.index_cast %scan3A_58 : i32 to index
      %get3A_494 = arith.constant 264 : index
      %get3A_495 = tpu.vector_load %arg12[%get3A_493, %get3A_494] {strides = array<i32>} : memref<2x1280xi32, #tpu.memory_space<vmem>>, vector<1x16xi32>,
      %get3A_496 = vector.shape_cast %get3A_495 : vector<1x16xi32> to vector<16xi32>
      %eq3A_497 = arith.constant 0 : i32
      %eq3A_498 = vector.broadcast %eq3A_497 : i32 to vector<16xi32>
      %eq3A_499 = arith.cmpi eq, %get3A_496, %eq3A_498 : vector<16xi32>
      %jit3A_500 = arith.constant 1.000000e+00 : f32
      %broadcast_in_dim3A_501 = vector.broadcast %jit3A_500 : f32 to vector<16xf32>
      %select_n3A_502 = arith.select %eq3A_499, %get3A_492, %broadcast_in_dim3A_501 : vector<16xi1>, vector<16xf32>
      %min3A_503 = arith.minimumf %min3A_489, %select_n3A_502 : vector<16xf32>
      %add3A_504 = arith.constant 8 : i32
      %add3A_505 = arith.addi %add3A_504, %scan3A_58 : i32
      %swap3A_506 = arith.constant 0 : i32
      %swap3A_507 = arith.index_cast %add3A_505 : i32 to index
      %swap3A_508 = arith.index_cast %swap3A_506 : i32 to index
      %swap3A_509 = arith.constant 96 : index
      %swap3A_510 = tpu.vector_load %arg13[%swap3A_507, %swap3A_508, %swap3A_509] {strides = array<i32>} : memref<10x4x128xf32, #tpu.memory_space<vmem>>, vector<1x1x16xf32>,
      %swap3A_511 = vector.shape_cast %swap3A_510 : vector<1x1x16xf32> to vector<16xf32>
      %swap3A_512 = vector.shape_cast %min3A_503 : vector<16xf32> to vector<1x1x16xf32>
      tpu.vector_store %arg13[%swap3A_507, %swap3A_508, %swap3A_509], %swap3A_512 {strides = array<i32>} : memref<10x4x128xf32, #tpu.memory_space<vmem>>, vector<1x1x16xf32>,
      %get3A_513 = arith.constant 8 : index
      %get3A_514 = tpu.vector_load %arg15[%get3A_513] {strides = array<i32>} : memref<64xf32, #tpu.memory_space<vmem>>, vector<16xf32>,
      %get3A_515 = vector.shape_cast %get3A_514 : vector<16xf32> to vector<16xf32>
      %get3A_516 = arith.index_cast %scan3A_58 : i32 to index
      %get3A_517 = arith.constant 280 : index
      %get3A_518 = tpu.vector_load %arg12[%get3A_516, %get3A_517] {strides = array<i32>} : memref<2x1280xi32, #tpu.memory_space<vmem>>, vector<1x16xi32>,
      %get3A_519 = vector.shape_cast %get3A_518 : vector<1x16xi32> to vector<16xi32>
      %eq3A_520 = arith.constant 0 : i32
      %eq3A_521 = vector.broadcast %eq3A_520 : i32 to vector<16xi32>
      %eq3A_522 = arith.cmpi eq, %get3A_519, %eq3A_521 : vector<16xi32>
      %jit3A_523 = arith.constant 1.000000e+00 : f32
      %broadcast_in_dim3A_524 = vector.broadcast %jit3A_523 : f32 to vector<16xf32>
      %select_n3A_525 = arith.select %eq3A_522, %get3A_515, %broadcast_in_dim3A_524 : vector<16xi1>, vector<16xf32>
      %get3A_526 = arith.constant 24 : index
      %get3A_527 = tpu.vector_load %arg15[%get3A_526] {strides = array<i32>} : memref<64xf32, #tpu.memory_space<vmem>>, vector<16xf32>,
      %get3A_528 = vector.shape_cast %get3A_527 : vector<16xf32> to vector<16xf32>
      %get3A_529 = arith.index_cast %scan3A_58 : i32 to index
      %get3A_530 = arith.constant 296 : index
      %get3A_531 = tpu.vector_load %arg12[%get3A_529, %get3A_530] {strides = array<i32>} : memref<2x1280xi32, #tpu.memory_space<vmem>>, vector<1x16xi32>,
      %get3A_532 = vector.shape_cast %get3A_531 : vector<1x16xi32> to vector<16xi32>
      %eq3A_533 = arith.constant 0 : i32
      %eq3A_534 = vector.broadcast %eq3A_533 : i32 to vector<16xi32>
      %eq3A_535 = arith.cmpi eq, %get3A_532, %eq3A_534 : vector<16xi32>
      %jit3A_536 = arith.constant 1.000000e+00 : f32
      %broadcast_in_dim3A_537 = vector.broadcast %jit3A_536 : f32 to vector<16xf32>
      %select_n3A_538 = arith.select %eq3A_535, %get3A_528, %broadcast_in_dim3A_537 : vector<16xi1>, vector<16xf32>
      %min3A_539 = arith.minimumf %select_n3A_525, %select_n3A_538 : vector<16xf32>
      %get3A_540 = arith.constant 32 : index
      %get3A_541 = tpu.vector_load %arg15[%get3A_540] {strides = array<i32>} : memref<64xf32, #tpu.memory_space<vmem>>, vector<16xf32>,
      %get3A_542 = vector.shape_cast %get3A_541 : vector<16xf32> to vector<16xf32>
      %get3A_543 = arith.index_cast %scan3A_58 : i32 to index
      %get3A_544 = arith.constant 304 : index
      %get3A_545 = tpu.vector_load %arg12[%get3A_543, %get3A_544] {strides = array<i32>} : memref<2x1280xi32, #tpu.memory_space<vmem>>, vector<1x16xi32>,
      %get3A_546 = vector.shape_cast %get3A_545 : vector<1x16xi32> to vector<16xi32>
      %eq3A_547 = arith.constant 0 : i32
      %eq3A_548 = vector.broadcast %eq3A_547 : i32 to vector<16xi32>
      %eq3A_549 = arith.cmpi eq, %get3A_546, %eq3A_548 : vector<16xi32>
      %jit3A_550 = arith.constant 1.000000e+00 : f32
      %broadcast_in_dim3A_551 = vector.broadcast %jit3A_550 : f32 to vector<16xf32>
      %select_n3A_552 = arith.select %eq3A_549, %get3A_542, %broadcast_in_dim3A_551 : vector<16xi1>, vector<16xf32>
      %min3A_553 = arith.minimumf %min3A_539, %select_n3A_552 : vector<16xf32>
      %add3A_554 = arith.constant 8 : i32
      %add3A_555 = arith.addi %add3A_554, %scan3A_58 : i32
      %swap3A_556 = arith.constant 0 : i32
      %swap3A_557 = arith.index_cast %add3A_555 : i32 to index
      %swap3A_558 = arith.index_cast %swap3A_556 : i32 to index
      %swap3A_559 = arith.constant 112 : index
      %swap3A_560 = tpu.vector_load %arg13[%swap3A_557, %swap3A_558, %swap3A_559] {strides = array<i32>} : memref<10x4x128xf32, #tpu.memory_space<vmem>>, vector<1x1x16xf32>,
      %swap3A_561 = vector.shape_cast %swap3A_560 : vector<1x1x16xf32> to vector<16xf32>
      %swap3A_562 = vector.shape_cast %min3A_553 : vector<16xf32> to vector<1x1x16xf32>
      tpu.vector_store %arg13[%swap3A_557, %swap3A_558, %swap3A_559], %swap3A_562 {strides = array<i32>} : memref<10x4x128xf32, #tpu.memory_space<vmem>>, vector<1x1x16xf32>,
      %get3A_563 = arith.constant 8 : index
      %get3A_564 = tpu.vector_load %arg15[%get3A_563] {strides = array<i32>} : memref<64xf32, #tpu.memory_space<vmem>>, vector<16xf32>,
      %get3A_565 = vector.shape_cast %get3A_564 : vector<16xf32> to vector<16xf32>
      %get3A_566 = arith.index_cast %scan3A_58 : i32 to index
      %get3A_567 = arith.constant 320 : index
      %get3A_568 = tpu.vector_load %arg12[%get3A_566, %get3A_567] {strides = array<i32>} : memref<2x1280xi32, #tpu.memory_space<vmem>>, vector<1x16xi32>,
      %get3A_569 = vector.shape_cast %get3A_568 : vector<1x16xi32> to vector<16xi32>
      %eq3A_570 = arith.constant 0 : i32
      %eq3A_571 = vector.broadcast %eq3A_570 : i32 to vector<16xi32>
      %eq3A_572 = arith.cmpi eq, %get3A_569, %eq3A_571 : vector<16xi32>
      %jit3A_573 = arith.constant 1.000000e+00 : f32
      %broadcast_in_dim3A_574 = vector.broadcast %jit3A_573 : f32 to vector<16xf32>
      %select_n3A_575 = arith.select %eq3A_572, %get3A_565, %broadcast_in_dim3A_574 : vector<16xi1>, vector<16xf32>
      %get3A_576 = arith.constant 24 : index
      %get3A_577 = tpu.vector_load %arg15[%get3A_576] {strides = array<i32>} : memref<64xf32, #tpu.memory_space<vmem>>, vector<16xf32>,
      %get3A_578 = vector.shape_cast %get3A_577 : vector<16xf32> to vector<16xf32>
      %get3A_579 = arith.index_cast %scan3A_58 : i32 to index
      %get3A_580 = arith.constant 336 : index
      %get3A_581 = tpu.vector_load %arg12[%get3A_579, %get3A_580] {strides = array<i32>} : memref<2x1280xi32, #tpu.memory_space<vmem>>, vector<1x16xi32>,
      %get3A_582 = vector.shape_cast %get3A_581 : vector<1x16xi32> to vector<16xi32>
      %eq3A_583 = arith.constant 0 : i32
      %eq3A_584 = vector.broadcast %eq3A_583 : i32 to vector<16xi32>
      %eq3A_585 = arith.cmpi eq, %get3A_582, %eq3A_584 : vector<16xi32>
      %jit3A_586 = arith.constant 1.000000e+00 : f32
      %broadcast_in_dim3A_587 = vector.broadcast %jit3A_586 : f32 to vector<16xf32>
      %select_n3A_588 = arith.select %eq3A_585, %get3A_578, %broadcast_in_dim3A_587 : vector<16xi1>, vector<16xf32>
      %min3A_589 = arith.minimumf %select_n3A_575, %select_n3A_588 : vector<16xf32>
      %get3A_590 = arith.constant 32 : index
      %get3A_591 = tpu.vector_load %arg15[%get3A_590] {strides = array<i32>} : memref<64xf32, #tpu.memory_space<vmem>>, vector<16xf32>,
      %get3A_592 = vector.shape_cast %get3A_591 : vector<16xf32> to vector<16xf32>
      %get3A_593 = arith.index_cast %scan3A_58 : i32 to index
      %get3A_594 = arith.constant 344 : index
      %get3A_595 = tpu.vector_load %arg12[%get3A_593, %get3A_594] {strides = array<i32>} : memref<2x1280xi32, #tpu.memory_space<vmem>>, vector<1x16xi32>,
      %get3A_596 = vector.shape_cast %get3A_595 : vector<1x16xi32> to vector<16xi32>
      %eq3A_597 = arith.constant 0 : i32
      %eq3A_598 = vector.broadcast %eq3A_597 : i32 to vector<16xi32>
      %eq3A_599 = arith.cmpi eq, %get3A_596, %eq3A_598 : vector<16xi32>
      %jit3A_600 = arith.constant 1.000000e+00 : f32
      %broadcast_in_dim3A_601 = vector.broadcast %jit3A_600 : f32 to vector<16xf32>
      %select_n3A_602 = arith.select %eq3A_599, %get3A_592, %broadcast_in_dim3A_601 : vector<16xi1>, vector<16xf32>
      %min3A_603 = arith.minimumf %min3A_589, %select_n3A_602 : vector<16xf32>
      %add3A_604 = arith.constant 8 : i32
      %add3A_605 = arith.addi %add3A_604, %scan3A_58 : i32
      %swap3A_606 = arith.constant 1 : i32
      %swap3A_607 = arith.index_cast %add3A_605 : i32 to index
      %swap3A_608 = arith.index_cast %swap3A_606 : i32 to index
      %swap3A_609 = arith.constant 0 : index
      %swap3A_610 = tpu.vector_load %arg13[%swap3A_607, %swap3A_608, %swap3A_609] {strides = array<i32>} : memref<10x4x128xf32, #tpu.memory_space<vmem>>, vector<1x1x16xf32>,
      %swap3A_611 = vector.shape_cast %swap3A_610 : vector<1x1x16xf32> to vector<16xf32>
      %swap3A_612 = vector.shape_cast %min3A_603 : vector<16xf32> to vector<1x1x16xf32>
      tpu.vector_store %arg13[%swap3A_607, %swap3A_608, %swap3A_609], %swap3A_612 {strides = array<i32>} : memref<10x4x128xf32, #tpu.memory_space<vmem>>, vector<1x1x16xf32>,
      %get3A_613 = arith.constant 8 : index
      %get3A_614 = tpu.vector_load %arg15[%get3A_613] {strides = array<i32>} : memref<64xf32, #tpu.memory_space<vmem>>, vector<16xf32>,
      %get3A_615 = vector.shape_cast %get3A_614 : vector<16xf32> to vector<16xf32>
      %get3A_616 = arith.index_cast %scan3A_58 : i32 to index
      %get3A_617 = arith.constant 360 : index
      %get3A_618 = tpu.vector_load %arg12[%get3A_616, %get3A_617] {strides = array<i32>} : memref<2x1280xi32, #tpu.memory_space<vmem>>, vector<1x16xi32>,
      %get3A_619 = vector.shape_cast %get3A_618 : vector<1x16xi32> to vector<16xi32>
      %eq3A_620 = arith.constant 0 : i32
      %eq3A_621 = vector.broadcast %eq3A_620 : i32 to vector<16xi32>
      %eq3A_622 = arith.cmpi eq, %get3A_619, %eq3A_621 : vector<16xi32>
      %jit3A_623 = arith.constant 1.000000e+00 : f32
      %broadcast_in_dim3A_624 = vector.broadcast %jit3A_623 : f32 to vector<16xf32>
      %select_n3A_625 = arith.select %eq3A_622, %get3A_615, %broadcast_in_dim3A_624 : vector<16xi1>, vector<16xf32>
      %get3A_626 = arith.constant 16 : index
      %get3A_627 = tpu.vector_load %arg15[%get3A_626] {strides = array<i32>} : memref<64xf32, #tpu.memory_space<vmem>>, vector<16xf32>,
      %get3A_628 = vector.shape_cast %get3A_627 : vector<16xf32> to vector<16xf32>
      %get3A_629 = arith.index_cast %scan3A_58 : i32 to index
      %get3A_630 = arith.constant 368 : index
      %get3A_631 = tpu.vector_load %arg12[%get3A_629, %get3A_630] {strides = array<i32>} : memref<2x1280xi32, #tpu.memory_space<vmem>>, vector<1x16xi32>,
      %get3A_632 = vector.shape_cast %get3A_631 : vector<1x16xi32> to vector<16xi32>
      %eq3A_633 = arith.constant 0 : i32
      %eq3A_634 = vector.broadcast %eq3A_633 : i32 to vector<16xi32>
      %eq3A_635 = arith.cmpi eq, %get3A_632, %eq3A_634 : vector<16xi32>
      %jit3A_636 = arith.constant 1.000000e+00 : f32
      %broadcast_in_dim3A_637 = vector.broadcast %jit3A_636 : f32 to vector<16xf32>
      %select_n3A_638 = arith.select %eq3A_635, %get3A_628, %broadcast_in_dim3A_637 : vector<16xi1>, vector<16xf32>
      %min3A_639 = arith.minimumf %select_n3A_625, %select_n3A_638 : vector<16xf32>
      %get3A_640 = arith.constant 32 : index
      %get3A_641 = tpu.vector_load %arg15[%get3A_640] {strides = array<i32>} : memref<64xf32, #tpu.memory_space<vmem>>, vector<16xf32>,
      %get3A_642 = vector.shape_cast %get3A_641 : vector<16xf32> to vector<16xf32>
      %get3A_643 = arith.index_cast %scan3A_58 : i32 to index
      %get3A_644 = arith.constant 384 : index
      %get3A_645 = tpu.vector_load %arg12[%get3A_643, %get3A_644] {strides = array<i32>} : memref<2x1280xi32, #tpu.memory_space<vmem>>, vector<1x16xi32>,
      %get3A_646 = vector.shape_cast %get3A_645 : vector<1x16xi32> to vector<16xi32>
      %eq3A_647 = arith.constant 0 : i32
      %eq3A_648 = vector.broadcast %eq3A_647 : i32 to vector<16xi32>
      %eq3A_649 = arith.cmpi eq, %get3A_646, %eq3A_648 : vector<16xi32>
      %jit3A_650 = arith.constant 1.000000e+00 : f32
      %broadcast_in_dim3A_651 = vector.broadcast %jit3A_650 : f32 to vector<16xf32>
      %select_n3A_652 = arith.select %eq3A_649, %get3A_642, %broadcast_in_dim3A_651 : vector<16xi1>, vector<16xf32>
      %min3A_653 = arith.minimumf %min3A_639, %select_n3A_652 : vector<16xf32>
      %get3A_654 = arith.constant 32 : index
      %get3A_655 = tpu.vector_load %arg15[%get3A_654] {strides = array<i32>} : memref<64xf32, #tpu.memory_space<vmem>>, vector<16xf32>,
      %get3A_656 = vector.shape_cast %get3A_655 : vector<16xf32> to vector<16xf32>
      %get3A_657 = arith.index_cast %scan3A_58 : i32 to index
      %get3A_658 = arith.constant 384 : index
      %get3A_659 = tpu.vector_load %arg12[%get3A_657, %get3A_658] {strides = array<i32>} : memref<2x1280xi32, #tpu.memory_space<vmem>>, vector<1x16xi32>,
      %get3A_660 = vector.shape_cast %get3A_659 : vector<1x16xi32> to vector<16xi32>
      %eq3A_661 = arith.constant 0 : i32
      %eq3A_662 = vector.broadcast %eq3A_661 : i32 to vector<16xi32>
      %eq3A_663 = arith.cmpi eq, %get3A_660, %eq3A_662 : vector<16xi32>
      %jit3A_664 = arith.constant 1.000000e+00 : f32
      %broadcast_in_dim3A_665 = vector.broadcast %jit3A_664 : f32 to vector<16xf32>
      %select_n3A_666 = arith.select %eq3A_663, %get3A_656, %broadcast_in_dim3A_665 : vector<16xi1>, vector<16xf32>
      %min3A_667 = arith.minimumf %min3A_653, %select_n3A_666 : vector<16xf32>
      %add3A_668 = arith.constant 8 : i32
      %add3A_669 = arith.addi %add3A_668, %scan3A_58 : i32
      %swap3A_670 = arith.constant 1 : i32
      %swap3A_671 = arith.index_cast %add3A_669 : i32 to index
      %swap3A_672 = arith.index_cast %swap3A_670 : i32 to index
      %swap3A_673 = arith.constant 16 : index
      %swap3A_674 = tpu.vector_load %arg13[%swap3A_671, %swap3A_672, %swap3A_673] {strides = array<i32>} : memref<10x4x128xf32, #tpu.memory_space<vmem>>, vector<1x1x16xf32>,
      %swap3A_675 = vector.shape_cast %swap3A_674 : vector<1x1x16xf32> to vector<16xf32>
      %swap3A_676 = vector.shape_cast %min3A_667 : vector<16xf32> to vector<1x1x16xf32>
      tpu.vector_store %arg13[%swap3A_671, %swap3A_672, %swap3A_673], %swap3A_676 {strides = array<i32>} : memref<10x4x128xf32, #tpu.memory_space<vmem>>, vector<1x1x16xf32>,
      %get3A_677 = arith.constant 8 : index
      %get3A_678 = tpu.vector_load %arg15[%get3A_677] {strides = array<i32>} : memref<64xf32, #tpu.memory_space<vmem>>, vector<16xf32>,
      %get3A_679 = vector.shape_cast %get3A_678 : vector<16xf32> to vector<16xf32>
      %get3A_680 = arith.index_cast %scan3A_58 : i32 to index
      %get3A_681 = arith.constant 400 : index
      %get3A_682 = tpu.vector_load %arg12[%get3A_680, %get3A_681] {strides = array<i32>} : memref<2x1280xi32, #tpu.memory_space<vmem>>, vector<1x16xi32>,
      %get3A_683 = vector.shape_cast %get3A_682 : vector<1x16xi32> to vector<16xi32>
      %eq3A_684 = arith.constant 0 : i32
      %eq3A_685 = vector.broadcast %eq3A_684 : i32 to vector<16xi32>
      %eq3A_686 = arith.cmpi eq, %get3A_683, %eq3A_685 : vector<16xi32>
      %jit3A_687 = arith.constant 1.000000e+00 : f32
      %broadcast_in_dim3A_688 = vector.broadcast %jit3A_687 : f32 to vector<16xf32>
      %select_n3A_689 = arith.select %eq3A_686, %get3A_679, %broadcast_in_dim3A_688 : vector<16xi1>, vector<16xf32>
      %get3A_690 = arith.constant 24 : index
      %get3A_691 = tpu.vector_load %arg15[%get3A_690] {strides = array<i32>} : memref<64xf32, #tpu.memory_space<vmem>>, vector<16xf32>,
      %get3A_692 = vector.shape_cast %get3A_691 : vector<16xf32> to vector<16xf32>
      %get3A_693 = arith.index_cast %scan3A_58 : i32 to index
      %get3A_694 = arith.constant 416 : index
      %get3A_695 = tpu.vector_load %arg12[%get3A_693, %get3A_694] {strides = array<i32>} : memref<2x1280xi32, #tpu.memory_space<vmem>>, vector<1x16xi32>,
      %get3A_696 = vector.shape_cast %get3A_695 : vector<1x16xi32> to vector<16xi32>
      %eq3A_697 = arith.constant 0 : i32
      %eq3A_698 = vector.broadcast %eq3A_697 : i32 to vector<16xi32>
      %eq3A_699 = arith.cmpi eq, %get3A_696, %eq3A_698 : vector<16xi32>
      %jit3A_700 = arith.constant 1.000000e+00 : f32
      %broadcast_in_dim3A_701 = vector.broadcast %jit3A_700 : f32 to vector<16xf32>
      %select_n3A_702 = arith.select %eq3A_699, %get3A_692, %broadcast_in_dim3A_701 : vector<16xi1>, vector<16xf32>
      %min3A_703 = arith.minimumf %select_n3A_689, %select_n3A_702 : vector<16xf32>
      %get3A_704 = arith.constant 32 : index
      %get3A_705 = tpu.vector_load %arg15[%get3A_704] {strides = array<i32>} : memref<64xf32, #tpu.memory_space<vmem>>, vector<16xf32>,
      %get3A_706 = vector.shape_cast %get3A_705 : vector<16xf32> to vector<16xf32>
      %get3A_707 = arith.index_cast %scan3A_58 : i32 to index
      %get3A_708 = arith.constant 424 : index
      %get3A_709 = tpu.vector_load %arg12[%get3A_707, %get3A_708] {strides = array<i32>} : memref<2x1280xi32, #tpu.memory_space<vmem>>, vector<1x16xi32>,
      %get3A_710 = vector.shape_cast %get3A_709 : vector<1x16xi32> to vector<16xi32>
      %eq3A_711 = arith.constant 0 : i32
      %eq3A_712 = vector.broadcast %eq3A_711 : i32 to vector<16xi32>
      %eq3A_713 = arith.cmpi eq, %get3A_710, %eq3A_712 : vector<16xi32>
      %jit3A_714 = arith.constant 1.000000e+00 : f32
      %broadcast_in_dim3A_715 = vector.broadcast %jit3A_714 : f32 to vector<16xf32>
      %select_n3A_716 = arith.select %eq3A_713, %get3A_706, %broadcast_in_dim3A_715 : vector<16xi1>, vector<16xf32>
      %min3A_717 = arith.minimumf %min3A_703, %select_n3A_716 : vector<16xf32>
      %add3A_718 = arith.constant 8 : i32
      %add3A_719 = arith.addi %add3A_718, %scan3A_58 : i32
      %swap3A_720 = arith.constant 1 : i32
      %swap3A_721 = arith.index_cast %add3A_719 : i32 to index
      %swap3A_722 = arith.index_cast %swap3A_720 : i32 to index
      %swap3A_723 = arith.constant 32 : index
      %swap3A_724 = tpu.vector_load %arg13[%swap3A_721, %swap3A_722, %swap3A_723] {strides = array<i32>} : memref<10x4x128xf32, #tpu.memory_space<vmem>>, vector<1x1x16xf32>,
      %swap3A_725 = vector.shape_cast %swap3A_724 : vector<1x1x16xf32> to vector<16xf32>
      %swap3A_726 = vector.shape_cast %min3A_717 : vector<16xf32> to vector<1x1x16xf32>
      tpu.vector_store %arg13[%swap3A_721, %swap3A_722, %swap3A_723], %swap3A_726 {strides = array<i32>} : memref<10x4x128xf32, #tpu.memory_space<vmem>>, vector<1x1x16xf32>,
      %get3A_727 = arith.constant 8 : index
      %get3A_728 = tpu.vector_load %arg15[%get3A_727] {strides = array<i32>} : memref<64xf32, #tpu.memory_space<vmem>>, vector<16xf32>,
      %get3A_729 = vector.shape_cast %get3A_728 : vector<16xf32> to vector<16xf32>
      %get3A_730 = arith.index_cast %scan3A_58 : i32 to index
      %get3A_731 = arith.constant 440 : index
      %get3A_732 = tpu.vector_load %arg12[%get3A_730, %get3A_731] {strides = array<i32>} : memref<2x1280xi32, #tpu.memory_space<vmem>>, vector<1x16xi32>,
      %get3A_733 = vector.shape_cast %get3A_732 : vector<1x16xi32> to vector<16xi32>
      %eq3A_734 = arith.constant 0 : i32
      %eq3A_735 = vector.broadcast %eq3A_734 : i32 to vector<16xi32>
      %eq3A_736 = arith.cmpi eq, %get3A_733, %eq3A_735 : vector<16xi32>
      %jit3A_737 = arith.constant 1.000000e+00 : f32
      %broadcast_in_dim3A_738 = vector.broadcast %jit3A_737 : f32 to vector<16xf32>
      %select_n3A_739 = arith.select %eq3A_736, %get3A_729, %broadcast_in_dim3A_738 : vector<16xi1>, vector<16xf32>
      %get3A_740 = arith.constant 24 : index
      %get3A_741 = tpu.vector_load %arg15[%get3A_740] {strides = array<i32>} : memref<64xf32, #tpu.memory_space<vmem>>, vector<16xf32>,
      %get3A_742 = vector.shape_cast %get3A_741 : vector<16xf32> to vector<16xf32>
      %get3A_743 = arith.index_cast %scan3A_58 : i32 to index
      %get3A_744 = arith.constant 456 : index
      %get3A_745 = tpu.vector_load %arg12[%get3A_743, %get3A_744] {strides = array<i32>} : memref<2x1280xi32, #tpu.memory_space<vmem>>, vector<1x16xi32>,
      %get3A_746 = vector.shape_cast %get3A_745 : vector<1x16xi32> to vector<16xi32>
      %eq3A_747 = arith.constant 0 : i32
      %eq3A_748 = vector.broadcast %eq3A_747 : i32 to vector<16xi32>
      %eq3A_749 = arith.cmpi eq, %get3A_746, %eq3A_748 : vector<16xi32>
      %jit3A_750 = arith.constant 1.000000e+00 : f32
      %broadcast_in_dim3A_751 = vector.broadcast %jit3A_750 : f32 to vector<16xf32>
      %select_n3A_752 = arith.select %eq3A_749, %get3A_742, %broadcast_in_dim3A_751 : vector<16xi1>, vector<16xf32>
      %min3A_753 = arith.minimumf %select_n3A_739, %select_n3A_752 : vector<16xf32>
      %get3A_754 = arith.constant 32 : index
      %get3A_755 = tpu.vector_load %arg15[%get3A_754] {strides = array<i32>} : memref<64xf32, #tpu.memory_space<vmem>>, vector<16xf32>,
      %get3A_756 = vector.shape_cast %get3A_755 : vector<16xf32> to vector<16xf32>
      %get3A_757 = arith.index_cast %scan3A_58 : i32 to index
      %get3A_758 = arith.constant 464 : index
      %get3A_759 = tpu.vector_load %arg12[%get3A_757, %get3A_758] {strides = array<i32>} : memref<2x1280xi32, #tpu.memory_space<vmem>>, vector<1x16xi32>,
      %get3A_760 = vector.shape_cast %get3A_759 : vector<1x16xi32> to vector<16xi32>
      %eq3A_761 = arith.constant 0 : i32
      %eq3A_762 = vector.broadcast %eq3A_761 : i32 to vector<16xi32>
      %eq3A_763 = arith.cmpi eq, %get3A_760, %eq3A_762 : vector<16xi32>
      %jit3A_764 = arith.constant 1.000000e+00 : f32
      %broadcast_in_dim3A_765 = vector.broadcast %jit3A_764 : f32 to vector<16xf32>
      %select_n3A_766 = arith.select %eq3A_763, %get3A_756, %broadcast_in_dim3A_765 : vector<16xi1>, vector<16xf32>
      %min3A_767 = arith.minimumf %min3A_753, %select_n3A_766 : vector<16xf32>
      %add3A_768 = arith.constant 8 : i32
      %add3A_769 = arith.addi %add3A_768, %scan3A_58 : i32
      %swap3A_770 = arith.constant 1 : i32
      %swap3A_771 = arith.index_cast %add3A_769 : i32 to index
      %swap3A_772 = arith.index_cast %swap3A_770 : i32 to index
      %swap3A_773 = arith.constant 48 : index
      %swap3A_774 = tpu.vector_load %arg13[%swap3A_771, %swap3A_772, %swap3A_773] {strides = array<i32>} : memref<10x4x128xf32, #tpu.memory_space<vmem>>, vector<1x1x16xf32>,
      %swap3A_775 = vector.shape_cast %swap3A_774 : vector<1x1x16xf32> to vector<16xf32>
      %swap3A_776 = vector.shape_cast %min3A_767 : vector<16xf32> to vector<1x1x16xf32>
      tpu.vector_store %arg13[%swap3A_771, %swap3A_772, %swap3A_773], %swap3A_776 {strides = array<i32>} : memref<10x4x128xf32, #tpu.memory_space<vmem>>, vector<1x1x16xf32>,
      %get3A_777 = arith.constant 8 : index
      %get3A_778 = tpu.vector_load %arg15[%get3A_777] {strides = array<i32>} : memref<64xf32, #tpu.memory_space<vmem>>, vector<16xf32>,
      %get3A_779 = vector.shape_cast %get3A_778 : vector<16xf32> to vector<16xf32>
      %get3A_780 = arith.index_cast %scan3A_58 : i32 to index
      %get3A_781 = arith.constant 480 : index
      %get3A_782 = tpu.vector_load %arg12[%get3A_780, %get3A_781] {strides = array<i32>} : memref<2x1280xi32, #tpu.memory_space<vmem>>, vector<1x16xi32>,
      %get3A_783 = vector.shape_cast %get3A_782 : vector<1x16xi32> to vector<16xi32>
      %eq3A_784 = arith.constant 0 : i32
      %eq3A_785 = vector.broadcast %eq3A_784 : i32 to vector<16xi32>
      %eq3A_786 = arith.cmpi eq, %get3A_783, %eq3A_785 : vector<16xi32>
      %jit3A_787 = arith.constant 1.000000e+00 : f32
      %broadcast_in_dim3A_788 = vector.broadcast %jit3A_787 : f32 to vector<16xf32>
      %select_n3A_789 = arith.select %eq3A_786, %get3A_779, %broadcast_in_dim3A_788 : vector<16xi1>, vector<16xf32>
      %get3A_790 = arith.constant 24 : index
      %get3A_791 = tpu.vector_load %arg15[%get3A_790] {strides = array<i32>} : memref<64xf32, #tpu.memory_space<vmem>>, vector<16xf32>,
      %get3A_792 = vector.shape_cast %get3A_791 : vector<16xf32> to vector<16xf32>
      %get3A_793 = arith.index_cast %scan3A_58 : i32 to index
      %get3A_794 = arith.constant 496 : index
      %get3A_795 = tpu.vector_load %arg12[%get3A_793, %get3A_794] {strides = array<i32>} : memref<2x1280xi32, #tpu.memory_space<vmem>>, vector<1x16xi32>,
      %get3A_796 = vector.shape_cast %get3A_795 : vector<1x16xi32> to vector<16xi32>
      %eq3A_797 = arith.constant 0 : i32
      %eq3A_798 = vector.broadcast %eq3A_797 : i32 to vector<16xi32>
      %eq3A_799 = arith.cmpi eq, %get3A_796, %eq3A_798 : vector<16xi32>
      %jit3A_800 = arith.constant 1.000000e+00 : f32
      %broadcast_in_dim3A_801 = vector.broadcast %jit3A_800 : f32 to vector<16xf32>
      %select_n3A_802 = arith.select %eq3A_799, %get3A_792, %broadcast_in_dim3A_801 : vector<16xi1>, vector<16xf32>
      %min3A_803 = arith.minimumf %select_n3A_789, %select_n3A_802 : vector<16xf32>
      %get3A_804 = arith.constant 24 : index
      %get3A_805 = tpu.vector_load %arg15[%get3A_804] {strides = array<i32>} : memref<64xf32, #tpu.memory_space<vmem>>, vector<16xf32>,
      %get3A_806 = vector.shape_cast %get3A_805 : vector<16xf32> to vector<16xf32>
      %get3A_807 = arith.index_cast %scan3A_58 : i32 to index
      %get3A_808 = arith.constant 496 : index
      %get3A_809 = tpu.vector_load %arg12[%get3A_807, %get3A_808] {strides = array<i32>} : memref<2x1280xi32, #tpu.memory_space<vmem>>, vector<1x16xi32>,
      %get3A_810 = vector.shape_cast %get3A_809 : vector<1x16xi32> to vector<16xi32>
      %eq3A_811 = arith.constant 0 : i32
      %eq3A_812 = vector.broadcast %eq3A_811 : i32 to vector<16xi32>
      %eq3A_813 = arith.cmpi eq, %get3A_810, %eq3A_812 : vector<16xi32>
      %jit3A_814 = arith.constant 1.000000e+00 : f32
      %broadcast_in_dim3A_815 = vector.broadcast %jit3A_814 : f32 to vector<16xf32>
      %select_n3A_816 = arith.select %eq3A_813, %get3A_806, %broadcast_in_dim3A_815 : vector<16xi1>, vector<16xf32>
      %min3A_817 = arith.minimumf %min3A_803, %select_n3A_816 : vector<16xf32>
      %get3A_818 = arith.constant 40 : index
      %get3A_819 = tpu.vector_load %arg15[%get3A_818] {strides = array<i32>} : memref<64xf32, #tpu.memory_space<vmem>>, vector<16xf32>,
      %get3A_820 = vector.shape_cast %get3A_819 : vector<16xf32> to vector<16xf32>
      %get3A_821 = arith.index_cast %scan3A_58 : i32 to index
      %get3A_822 = arith.constant 512 : index
      %get3A_823 = tpu.vector_load %arg12[%get3A_821, %get3A_822] {strides = array<i32>} : memref<2x1280xi32, #tpu.memory_space<vmem>>, vector<1x16xi32>,
      %get3A_824 = vector.shape_cast %get3A_823 : vector<1x16xi32> to vector<16xi32>
      %eq3A_825 = arith.constant 0 : i32
      %eq3A_826 = vector.broadcast %eq3A_825 : i32 to vector<16xi32>
      %eq3A_827 = arith.cmpi eq, %get3A_824, %eq3A_826 : vector<16xi32>
      %jit3A_828 = arith.constant 1.000000e+00 : f32
      %broadcast_in_dim3A_829 = vector.broadcast %jit3A_828 : f32 to vector<16xf32>
      %select_n3A_830 = arith.select %eq3A_827, %get3A_820, %broadcast_in_dim3A_829 : vector<16xi1>, vector<16xf32>
      %min3A_831 = arith.minimumf %min3A_817, %select_n3A_830 : vector<16xf32>
      %add3A_832 = arith.constant 8 : i32
      %add3A_833 = arith.addi %add3A_832, %scan3A_58 : i32
      %swap3A_834 = arith.constant 1 : i32
      %swap3A_835 = arith.index_cast %add3A_833 : i32 to index
      %swap3A_836 = arith.index_cast %swap3A_834 : i32 to index
      %swap3A_837 = arith.constant 64 : index
      %swap3A_838 = tpu.vector_load %arg13[%swap3A_835, %swap3A_836, %swap3A_837] {strides = array<i32>} : memref<10x4x128xf32, #tpu.memory_space<vmem>>, vector<1x1x16xf32>,
      %swap3A_839 = vector.shape_cast %swap3A_838 : vector<1x1x16xf32> to vector<16xf32>
      %swap3A_840 = vector.shape_cast %min3A_831 : vector<16xf32> to vector<1x1x16xf32>
      tpu.vector_store %arg13[%swap3A_835, %swap3A_836, %swap3A_837], %swap3A_840 {strides = array<i32>} : memref<10x4x128xf32, #tpu.memory_space<vmem>>, vector<1x1x16xf32>,
      %get3A_841 = arith.constant 8 : index
      %get3A_842 = tpu.vector_load %arg15[%get3A_841] {strides = array<i32>} : memref<64xf32, #tpu.memory_space<vmem>>, vector<16xf32>,
      %get3A_843 = vector.shape_cast %get3A_842 : vector<16xf32> to vector<16xf32>
      %get3A_844 = arith.index_cast %scan3A_58 : i32 to index
      %get3A_845 = arith.constant 520 : index
      %get3A_846 = tpu.vector_load %arg12[%get3A_844, %get3A_845] {strides = array<i32>} : memref<2x1280xi32, #tpu.memory_space<vmem>>, vector<1x16xi32>,
      %get3A_847 = vector.shape_cast %get3A_846 : vector<1x16xi32> to vector<16xi32>
      %eq3A_848 = arith.constant 0 : i32
      %eq3A_849 = vector.broadcast %eq3A_848 : i32 to vector<16xi32>
      %eq3A_850 = arith.cmpi eq, %get3A_847, %eq3A_849 : vector<16xi32>
      %jit3A_851 = arith.constant 1.000000e+00 : f32
      %broadcast_in_dim3A_852 = vector.broadcast %jit3A_851 : f32 to vector<16xf32>
      %select_n3A_853 = arith.select %eq3A_850, %get3A_843, %broadcast_in_dim3A_852 : vector<16xi1>, vector<16xf32>
      %get3A_854 = arith.constant 24 : index
      %get3A_855 = tpu.vector_load %arg15[%get3A_854] {strides = array<i32>} : memref<64xf32, #tpu.memory_space<vmem>>, vector<16xf32>,
      %get3A_856 = vector.shape_cast %get3A_855 : vector<16xf32> to vector<16xf32>
      %get3A_857 = arith.index_cast %scan3A_58 : i32 to index
      %get3A_858 = arith.constant 536 : index
      %get3A_859 = tpu.vector_load %arg12[%get3A_857, %get3A_858] {strides = array<i32>} : memref<2x1280xi32, #tpu.memory_space<vmem>>, vector<1x16xi32>,
      %get3A_860 = vector.shape_cast %get3A_859 : vector<1x16xi32> to vector<16xi32>
      %eq3A_861 = arith.constant 0 : i32
      %eq3A_862 = vector.broadcast %eq3A_861 : i32 to vector<16xi32>
      %eq3A_863 = arith.cmpi eq, %get3A_860, %eq3A_862 : vector<16xi32>
      %jit3A_864 = arith.constant 1.000000e+00 : f32
      %broadcast_in_dim3A_865 = vector.broadcast %jit3A_864 : f32 to vector<16xf32>
      %select_n3A_866 = arith.select %eq3A_863, %get3A_856, %broadcast_in_dim3A_865 : vector<16xi1>, vector<16xf32>
      %min3A_867 = arith.minimumf %select_n3A_853, %select_n3A_866 : vector<16xf32>
      %get3A_868 = arith.constant 32 : index
      %get3A_869 = tpu.vector_load %arg15[%get3A_868] {strides = array<i32>} : memref<64xf32, #tpu.memory_space<vmem>>, vector<16xf32>,
      %get3A_870 = vector.shape_cast %get3A_869 : vector<16xf32> to vector<16xf32>
      %get3A_871 = arith.index_cast %scan3A_58 : i32 to index
      %get3A_872 = arith.constant 544 : index
      %get3A_873 = tpu.vector_load %arg12[%get3A_871, %get3A_872] {strides = array<i32>} : memref<2x1280xi32, #tpu.memory_space<vmem>>, vector<1x16xi32>,
      %get3A_874 = vector.shape_cast %get3A_873 : vector<1x16xi32> to vector<16xi32>
      %eq3A_875 = arith.constant 0 : i32
      %eq3A_876 = vector.broadcast %eq3A_875 : i32 to vector<16xi32>
      %eq3A_877 = arith.cmpi eq, %get3A_874, %eq3A_876 : vector<16xi32>
      %jit3A_878 = arith.constant 1.000000e+00 : f32
      %broadcast_in_dim3A_879 = vector.broadcast %jit3A_878 : f32 to vector<16xf32>
      %select_n3A_880 = arith.select %eq3A_877, %get3A_870, %broadcast_in_dim3A_879 : vector<16xi1>, vector<16xf32>
      %min3A_881 = arith.minimumf %min3A_867, %select_n3A_880 : vector<16xf32>
      %add3A_882 = arith.constant 8 : i32
      %add3A_883 = arith.addi %add3A_882, %scan3A_58 : i32
      %swap3A_884 = arith.constant 1 : i32
      %swap3A_885 = arith.index_cast %add3A_883 : i32 to index
      %swap3A_886 = arith.index_cast %swap3A_884 : i32 to index
      %swap3A_887 = arith.constant 80 : index
      %swap3A_888 = tpu.vector_load %arg13[%swap3A_885, %swap3A_886, %swap3A_887] {strides = array<i32>} : memref<10x4x128xf32, #tpu.memory_space<vmem>>, vector<1x1x16xf32>,
      %swap3A_889 = vector.shape_cast %swap3A_888 : vector<1x1x16xf32> to vector<16xf32>
      %swap3A_890 = vector.shape_cast %min3A_881 : vector<16xf32> to vector<1x1x16xf32>
      tpu.vector_store %arg13[%swap3A_885, %swap3A_886, %swap3A_887], %swap3A_890 {strides = array<i32>} : memref<10x4x128xf32, #tpu.memory_space<vmem>>, vector<1x1x16xf32>,
      %get3A_891 = arith.constant 8 : index
      %get3A_892 = tpu.vector_load %arg15[%get3A_891] {strides = array<i32>} : memref<64xf32, #tpu.memory_space<vmem>>, vector<16xf32>,
      %get3A_893 = vector.shape_cast %get3A_892 : vector<16xf32> to vector<16xf32>
      %get3A_894 = arith.index_cast %scan3A_58 : i32 to index
      %get3A_895 = arith.constant 560 : index
      %get3A_896 = tpu.vector_load %arg12[%get3A_894, %get3A_895] {strides = array<i32>} : memref<2x1280xi32, #tpu.memory_space<vmem>>, vector<1x16xi32>,
      %get3A_897 = vector.shape_cast %get3A_896 : vector<1x16xi32> to vector<16xi32>
      %eq3A_898 = arith.constant 0 : i32
      %eq3A_899 = vector.broadcast %eq3A_898 : i32 to vector<16xi32>
      %eq3A_900 = arith.cmpi eq, %get3A_897, %eq3A_899 : vector<16xi32>
      %jit3A_901 = arith.constant 1.000000e+00 : f32
      %broadcast_in_dim3A_902 = vector.broadcast %jit3A_901 : f32 to vector<16xf32>
      %select_n3A_903 = arith.select %eq3A_900, %get3A_893, %broadcast_in_dim3A_902 : vector<16xi1>, vector<16xf32>
      %get3A_904 = arith.constant 24 : index
      %get3A_905 = tpu.vector_load %arg15[%get3A_904] {strides = array<i32>} : memref<64xf32, #tpu.memory_space<vmem>>, vector<16xf32>,
      %get3A_906 = vector.shape_cast %get3A_905 : vector<16xf32> to vector<16xf32>
      %get3A_907 = arith.index_cast %scan3A_58 : i32 to index
      %get3A_908 = arith.constant 576 : index
      %get3A_909 = tpu.vector_load %arg12[%get3A_907, %get3A_908] {strides = array<i32>} : memref<2x1280xi32, #tpu.memory_space<vmem>>, vector<1x16xi32>,
      %get3A_910 = vector.shape_cast %get3A_909 : vector<1x16xi32> to vector<16xi32>
      %eq3A_911 = arith.constant 0 : i32
      %eq3A_912 = vector.broadcast %eq3A_911 : i32 to vector<16xi32>
      %eq3A_913 = arith.cmpi eq, %get3A_910, %eq3A_912 : vector<16xi32>
      %jit3A_914 = arith.constant 1.000000e+00 : f32
      %broadcast_in_dim3A_915 = vector.broadcast %jit3A_914 : f32 to vector<16xf32>
      %select_n3A_916 = arith.select %eq3A_913, %get3A_906, %broadcast_in_dim3A_915 : vector<16xi1>, vector<16xf32>
      %min3A_917 = arith.minimumf %select_n3A_903, %select_n3A_916 : vector<16xf32>
      %get3A_918 = arith.constant 32 : index
      %get3A_919 = tpu.vector_load %arg15[%get3A_918] {strides = array<i32>} : memref<64xf32, #tpu.memory_space<vmem>>, vector<16xf32>,
      %get3A_920 = vector.shape_cast %get3A_919 : vector<16xf32> to vector<16xf32>
      %get3A_921 = arith.index_cast %scan3A_58 : i32 to index
      %get3A_922 = arith.constant 584 : index
      %get3A_923 = tpu.vector_load %arg12[%get3A_921, %get3A_922] {strides = array<i32>} : memref<2x1280xi32, #tpu.memory_space<vmem>>, vector<1x16xi32>,
      %get3A_924 = vector.shape_cast %get3A_923 : vector<1x16xi32> to vector<16xi32>
      %eq3A_925 = arith.constant 0 : i32
      %eq3A_926 = vector.broadcast %eq3A_925 : i32 to vector<16xi32>
      %eq3A_927 = arith.cmpi eq, %get3A_924, %eq3A_926 : vector<16xi32>
      %jit3A_928 = arith.constant 1.000000e+00 : f32
      %broadcast_in_dim3A_929 = vector.broadcast %jit3A_928 : f32 to vector<16xf32>
      %select_n3A_930 = arith.select %eq3A_927, %get3A_920, %broadcast_in_dim3A_929 : vector<16xi1>, vector<16xf32>
      %min3A_931 = arith.minimumf %min3A_917, %select_n3A_930 : vector<16xf32>
      %add3A_932 = arith.constant 8 : i32
      %add3A_933 = arith.addi %add3A_932, %scan3A_58 : i32
      %swap3A_934 = arith.constant 1 : i32
      %swap3A_935 = arith.index_cast %add3A_933 : i32 to index
      %swap3A_936 = arith.index_cast %swap3A_934 : i32 to index
      %swap3A_937 = arith.constant 96 : index
      %swap3A_938 = tpu.vector_load %arg13[%swap3A_935, %swap3A_936, %swap3A_937] {strides = array<i32>} : memref<10x4x128xf32, #tpu.memory_space<vmem>>, vector<1x1x16xf32>,
      %swap3A_939 = vector.shape_cast %swap3A_938 : vector<1x1x16xf32> to vector<16xf32>
      %swap3A_940 = vector.shape_cast %min3A_931 : vector<16xf32> to vector<1x1x16xf32>
      tpu.vector_store %arg13[%swap3A_935, %swap3A_936, %swap3A_937], %swap3A_940 {strides = array<i32>} : memref<10x4x128xf32, #tpu.memory_space<vmem>>, vector<1x1x16xf32>,
      %get3A_941 = arith.constant 8 : index
      %get3A_942 = tpu.vector_load %arg15[%get3A_941] {strides = array<i32>} : memref<64xf32, #tpu.memory_space<vmem>>, vector<16xf32>,
      %get3A_943 = vector.shape_cast %get3A_942 : vector<16xf32> to vector<16xf32>
      %get3A_944 = arith.index_cast %scan3A_58 : i32 to index
      %get3A_945 = arith.constant 600 : index
      %get3A_946 = tpu.vector_load %arg12[%get3A_944, %get3A_945] {strides = array<i32>} : memref<2x1280xi32, #tpu.memory_space<vmem>>, vector<1x16xi32>,
      %get3A_947 = vector.shape_cast %get3A_946 : vector<1x16xi32> to vector<16xi32>
      %eq3A_948 = arith.constant 0 : i32
      %eq3A_949 = vector.broadcast %eq3A_948 : i32 to vector<16xi32>
      %eq3A_950 = arith.cmpi eq, %get3A_947, %eq3A_949 : vector<16xi32>
      %jit3A_951 = arith.constant 1.000000e+00 : f32
      %broadcast_in_dim3A_952 = vector.broadcast %jit3A_951 : f32 to vector<16xf32>
      %select_n3A_953 = arith.select %eq3A_950, %get3A_943, %broadcast_in_dim3A_952 : vector<16xi1>, vector<16xf32>
      %get3A_954 = arith.constant 24 : index
      %get3A_955 = tpu.vector_load %arg15[%get3A_954] {strides = array<i32>} : memref<64xf32, #tpu.memory_space<vmem>>, vector<16xf32>,
      %get3A_956 = vector.shape_cast %get3A_955 : vector<16xf32> to vector<16xf32>
      %get3A_957 = arith.index_cast %scan3A_58 : i32 to index
      %get3A_958 = arith.constant 616 : index
      %get3A_959 = tpu.vector_load %arg12[%get3A_957, %get3A_958] {strides = array<i32>} : memref<2x1280xi32, #tpu.memory_space<vmem>>, vector<1x16xi32>,
      %get3A_960 = vector.shape_cast %get3A_959 : vector<1x16xi32> to vector<16xi32>
      %eq3A_961 = arith.constant 0 : i32
      %eq3A_962 = vector.broadcast %eq3A_961 : i32 to vector<16xi32>
      %eq3A_963 = arith.cmpi eq, %get3A_960, %eq3A_962 : vector<16xi32>
      %jit3A_964 = arith.constant 1.000000e+00 : f32
      %broadcast_in_dim3A_965 = vector.broadcast %jit3A_964 : f32 to vector<16xf32>
      %select_n3A_966 = arith.select %eq3A_963, %get3A_956, %broadcast_in_dim3A_965 : vector<16xi1>, vector<16xf32>
      %min3A_967 = arith.minimumf %select_n3A_953, %select_n3A_966 : vector<16xf32>
      %get3A_968 = arith.constant 32 : index
      %get3A_969 = tpu.vector_load %arg15[%get3A_968] {strides = array<i32>} : memref<64xf32, #tpu.memory_space<vmem>>, vector<16xf32>,
      %get3A_970 = vector.shape_cast %get3A_969 : vector<16xf32> to vector<16xf32>
      %get3A_971 = arith.index_cast %scan3A_58 : i32 to index
      %get3A_972 = arith.constant 624 : index
      %get3A_973 = tpu.vector_load %arg12[%get3A_971, %get3A_972] {strides = array<i32>} : memref<2x1280xi32, #tpu.memory_space<vmem>>, vector<1x16xi32>,
      %get3A_974 = vector.shape_cast %get3A_973 : vector<1x16xi32> to vector<16xi32>
      %eq3A_975 = arith.constant 0 : i32
      %eq3A_976 = vector.broadcast %eq3A_975 : i32 to vector<16xi32>
      %eq3A_977 = arith.cmpi eq, %get3A_974, %eq3A_976 : vector<16xi32>
      %jit3A_978 = arith.constant 1.000000e+00 : f32
      %broadcast_in_dim3A_979 = vector.broadcast %jit3A_978 : f32 to vector<16xf32>
      %select_n3A_980 = arith.select %eq3A_977, %get3A_970, %broadcast_in_dim3A_979 : vector<16xi1>, vector<16xf32>
      %min3A_981 = arith.minimumf %min3A_967, %select_n3A_980 : vector<16xf32>
      %add3A_982 = arith.constant 8 : i32
      %add3A_983 = arith.addi %add3A_982, %scan3A_58 : i32
      %swap3A_984 = arith.constant 1 : i32
      %swap3A_985 = arith.index_cast %add3A_983 : i32 to index
      %swap3A_986 = arith.index_cast %swap3A_984 : i32 to index
      %swap3A_987 = arith.constant 112 : index
      %swap3A_988 = tpu.vector_load %arg13[%swap3A_985, %swap3A_986, %swap3A_987] {strides = array<i32>} : memref<10x4x128xf32, #tpu.memory_space<vmem>>, vector<1x1x16xf32>,
      %swap3A_989 = vector.shape_cast %swap3A_988 : vector<1x1x16xf32> to vector<16xf32>
      %swap3A_990 = vector.shape_cast %min3A_981 : vector<16xf32> to vector<1x1x16xf32>
      tpu.vector_store %arg13[%swap3A_985, %swap3A_986, %swap3A_987], %swap3A_990 {strides = array<i32>} : memref<10x4x128xf32, #tpu.memory_space<vmem>>, vector<1x1x16xf32>,
      %get3A_991 = arith.constant 8 : index
      %get3A_992 = tpu.vector_load %arg15[%get3A_991] {strides = array<i32>} : memref<64xf32, #tpu.memory_space<vmem>>, vector<16xf32>,
      %get3A_993 = vector.shape_cast %get3A_992 : vector<16xf32> to vector<16xf32>
      %get3A_994 = arith.index_cast %scan3A_58 : i32 to index
      %get3A_995 = arith.constant 640 : index
      %get3A_996 = tpu.vector_load %arg12[%get3A_994, %get3A_995] {strides = array<i32>} : memref<2x1280xi32, #tpu.memory_space<vmem>>, vector<1x16xi32>,
      %get3A_997 = vector.shape_cast %get3A_996 : vector<1x16xi32> to vector<16xi32>
      %eq3A_998 = arith.constant 0 : i32
      %eq3A_999 = vector.broadcast %eq3A_998 : i32 to vector<16xi32>
      %eq3A_1000 = arith.cmpi eq, %get3A_997, %eq3A_999 : vector<16xi32>
      %jit3A_1001 = arith.constant 1.000000e+00 : f32
      %broadcast_in_dim3A_1002 = vector.broadcast %jit3A_1001 : f32 to vector<16xf32>
      %select_n3A_1003 = arith.select %eq3A_1000, %get3A_993, %broadcast_in_dim3A_1002 : vector<16xi1>, vector<16xf32>
      %get3A_1004 = arith.constant 24 : index
      %get3A_1005 = tpu.vector_load %arg15[%get3A_1004] {strides = array<i32>} : memref<64xf32, #tpu.memory_space<vmem>>, vector<16xf32>,
      %get3A_1006 = vector.shape_cast %get3A_1005 : vector<16xf32> to vector<16xf32>
      %get3A_1007 = arith.index_cast %scan3A_58 : i32 to index
      %get3A_1008 = arith.constant 656 : index
      %get3A_1009 = tpu.vector_load %arg12[%get3A_1007, %get3A_1008] {strides = array<i32>} : memref<2x1280xi32, #tpu.memory_space<vmem>>, vector<1x16xi32>,
      %get3A_1010 = vector.shape_cast %get3A_1009 : vector<1x16xi32> to vector<16xi32>
      %eq3A_1011 = arith.constant 0 : i32
      %eq3A_1012 = vector.broadcast %eq3A_1011 : i32 to vector<16xi32>
      %eq3A_1013 = arith.cmpi eq, %get3A_1010, %eq3A_1012 : vector<16xi32>
      %jit3A_1014 = arith.constant 1.000000e+00 : f32
      %broadcast_in_dim3A_1015 = vector.broadcast %jit3A_1014 : f32 to vector<16xf32>
      %select_n3A_1016 = arith.select %eq3A_1013, %get3A_1006, %broadcast_in_dim3A_1015 : vector<16xi1>, vector<16xf32>
      %min3A_1017 = arith.minimumf %select_n3A_1003, %select_n3A_1016 : vector<16xf32>
      %get3A_1018 = arith.constant 32 : index
      %get3A_1019 = tpu.vector_load %arg15[%get3A_1018] {strides = array<i32>} : memref<64xf32, #tpu.memory_space<vmem>>, vector<16xf32>,
      %get3A_1020 = vector.shape_cast %get3A_1019 : vector<16xf32> to vector<16xf32>
      %get3A_1021 = arith.index_cast %scan3A_58 : i32 to index
      %get3A_1022 = arith.constant 664 : index
      %get3A_1023 = tpu.vector_load %arg12[%get3A_1021, %get3A_1022] {strides = array<i32>} : memref<2x1280xi32, #tpu.memory_space<vmem>>, vector<1x16xi32>,
      %get3A_1024 = vector.shape_cast %get3A_1023 : vector<1x16xi32> to vector<16xi32>
      %eq3A_1025 = arith.constant 0 : i32
      %eq3A_1026 = vector.broadcast %eq3A_1025 : i32 to vector<16xi32>
      %eq3A_1027 = arith.cmpi eq, %get3A_1024, %eq3A_1026 : vector<16xi32>
      %jit3A_1028 = arith.constant 1.000000e+00 : f32
      %broadcast_in_dim3A_1029 = vector.broadcast %jit3A_1028 : f32 to vector<16xf32>
      %select_n3A_1030 = arith.select %eq3A_1027, %get3A_1020, %broadcast_in_dim3A_1029 : vector<16xi1>, vector<16xf32>
      %min3A_1031 = arith.minimumf %min3A_1017, %select_n3A_1030 : vector<16xf32>
      %add3A_1032 = arith.constant 8 : i32
      %add3A_1033 = arith.addi %add3A_1032, %scan3A_58 : i32
      %swap3A_1034 = arith.constant 2 : i32
      %swap3A_1035 = arith.index_cast %add3A_1033 : i32 to index
      %swap3A_1036 = arith.index_cast %swap3A_1034 : i32 to index
      %swap3A_1037 = arith.constant 0 : index
      %swap3A_1038 = tpu.vector_load %arg13[%swap3A_1035, %swap3A_1036, %swap3A_1037] {strides = array<i32>} : memref<10x4x128xf32, #tpu.memory_space<vmem>>, vector<1x1x16xf32>,
      %swap3A_1039 = vector.shape_cast %swap3A_1038 : vector<1x1x16xf32> to vector<16xf32>
      %swap3A_1040 = vector.shape_cast %min3A_1031 : vector<16xf32> to vector<1x1x16xf32>
      tpu.vector_store %arg13[%swap3A_1035, %swap3A_1036, %swap3A_1037], %swap3A_1040 {strides = array<i32>} : memref<10x4x128xf32, #tpu.memory_space<vmem>>, vector<1x1x16xf32>,
      %get3A_1041 = arith.constant 8 : index
      %get3A_1042 = tpu.vector_load %arg15[%get3A_1041] {strides = array<i32>} : memref<64xf32, #tpu.memory_space<vmem>>, vector<16xf32>,
      %get3A_1043 = vector.shape_cast %get3A_1042 : vector<16xf32> to vector<16xf32>
      %get3A_1044 = arith.index_cast %scan3A_58 : i32 to index
      %get3A_1045 = arith.constant 680 : index
      %get3A_1046 = tpu.vector_load %arg12[%get3A_1044, %get3A_1045] {strides = array<i32>} : memref<2x1280xi32, #tpu.memory_space<vmem>>, vector<1x16xi32>,
      %get3A_1047 = vector.shape_cast %get3A_1046 : vector<1x16xi32> to vector<16xi32>
      %eq3A_1048 = arith.constant 0 : i32
      %eq3A_1049 = vector.broadcast %eq3A_1048 : i32 to vector<16xi32>
      %eq3A_1050 = arith.cmpi eq, %get3A_1047, %eq3A_1049 : vector<16xi32>
      %jit3A_1051 = arith.constant 1.000000e+00 : f32
      %broadcast_in_dim3A_1052 = vector.broadcast %jit3A_1051 : f32 to vector<16xf32>
      %select_n3A_1053 = arith.select %eq3A_1050, %get3A_1043, %broadcast_in_dim3A_1052 : vector<16xi1>, vector<16xf32>
      %get3A_1054 = arith.constant 24 : index
      %get3A_1055 = tpu.vector_load %arg15[%get3A_1054] {strides = array<i32>} : memref<64xf32, #tpu.memory_space<vmem>>, vector<16xf32>,
      %get3A_1056 = vector.shape_cast %get3A_1055 : vector<16xf32> to vector<16xf32>
      %get3A_1057 = arith.index_cast %scan3A_58 : i32 to index
      %get3A_1058 = arith.constant 696 : index
      %get3A_1059 = tpu.vector_load %arg12[%get3A_1057, %get3A_1058] {strides = array<i32>} : memref<2x1280xi32, #tpu.memory_space<vmem>>, vector<1x16xi32>,
      %get3A_1060 = vector.shape_cast %get3A_1059 : vector<1x16xi32> to vector<16xi32>
      %eq3A_1061 = arith.constant 0 : i32
      %eq3A_1062 = vector.broadcast %eq3A_1061 : i32 to vector<16xi32>
      %eq3A_1063 = arith.cmpi eq, %get3A_1060, %eq3A_1062 : vector<16xi32>
      %jit3A_1064 = arith.constant 1.000000e+00 : f32
      %broadcast_in_dim3A_1065 = vector.broadcast %jit3A_1064 : f32 to vector<16xf32>
      %select_n3A_1066 = arith.select %eq3A_1063, %get3A_1056, %broadcast_in_dim3A_1065 : vector<16xi1>, vector<16xf32>
      %min3A_1067 = arith.minimumf %select_n3A_1053, %select_n3A_1066 : vector<16xf32>
      %get3A_1068 = arith.constant 32 : index
      %get3A_1069 = tpu.vector_load %arg15[%get3A_1068] {strides = array<i32>} : memref<64xf32, #tpu.memory_space<vmem>>, vector<16xf32>,
      %get3A_1070 = vector.shape_cast %get3A_1069 : vector<16xf32> to vector<16xf32>
      %get3A_1071 = arith.index_cast %scan3A_58 : i32 to index
      %get3A_1072 = arith.constant 704 : index
      %get3A_1073 = tpu.vector_load %arg12[%get3A_1071, %get3A_1072] {strides = array<i32>} : memref<2x1280xi32, #tpu.memory_space<vmem>>, vector<1x16xi32>,
      %get3A_1074 = vector.shape_cast %get3A_1073 : vector<1x16xi32> to vector<16xi32>
      %eq3A_1075 = arith.constant 0 : i32
      %eq3A_1076 = vector.broadcast %eq3A_1075 : i32 to vector<16xi32>
      %eq3A_1077 = arith.cmpi eq, %get3A_1074, %eq3A_1076 : vector<16xi32>
      %jit3A_1078 = arith.constant 1.000000e+00 : f32
      %broadcast_in_dim3A_1079 = vector.broadcast %jit3A_1078 : f32 to vector<16xf32>
      %select_n3A_1080 = arith.select %eq3A_1077, %get3A_1070, %broadcast_in_dim3A_1079 : vector<16xi1>, vector<16xf32>
      %min3A_1081 = arith.minimumf %min3A_1067, %select_n3A_1080 : vector<16xf32>
      %add3A_1082 = arith.constant 8 : i32
      %add3A_1083 = arith.addi %add3A_1082, %scan3A_58 : i32
      %swap3A_1084 = arith.constant 2 : i32
      %swap3A_1085 = arith.index_cast %add3A_1083 : i32 to index
      %swap3A_1086 = arith.index_cast %swap3A_1084 : i32 to index
      %swap3A_1087 = arith.constant 16 : index
      %swap3A_1088 = tpu.vector_load %arg13[%swap3A_1085, %swap3A_1086, %swap3A_1087] {strides = array<i32>} : memref<10x4x128xf32, #tpu.memory_space<vmem>>, vector<1x1x16xf32>,
      %swap3A_1089 = vector.shape_cast %swap3A_1088 : vector<1x1x16xf32> to vector<16xf32>
      %swap3A_1090 = vector.shape_cast %min3A_1081 : vector<16xf32> to vector<1x1x16xf32>
      tpu.vector_store %arg13[%swap3A_1085, %swap3A_1086, %swap3A_1087], %swap3A_1090 {strides = array<i32>} : memref<10x4x128xf32, #tpu.memory_space<vmem>>, vector<1x1x16xf32>,
      %get3A_1091 = arith.constant 8 : index
      %get3A_1092 = tpu.vector_load %arg15[%get3A_1091] {strides = array<i32>} : memref<64xf32, #tpu.memory_space<vmem>>, vector<16xf32>,
      %get3A_1093 = vector.shape_cast %get3A_1092 : vector<16xf32> to vector<16xf32>
      %get3A_1094 = arith.index_cast %scan3A_58 : i32 to index
      %get3A_1095 = arith.constant 720 : index
      %get3A_1096 = tpu.vector_load %arg12[%get3A_1094, %get3A_1095] {strides = array<i32>} : memref<2x1280xi32, #tpu.memory_space<vmem>>, vector<1x16xi32>,
      %get3A_1097 = vector.shape_cast %get3A_1096 : vector<1x16xi32> to vector<16xi32>
      %eq3A_1098 = arith.constant 0 : i32
      %eq3A_1099 = vector.broadcast %eq3A_1098 : i32 to vector<16xi32>
      %eq3A_1100 = arith.cmpi eq, %get3A_1097, %eq3A_1099 : vector<16xi32>
      %jit3A_1101 = arith.constant 1.000000e+00 : f32
      %broadcast_in_dim3A_1102 = vector.broadcast %jit3A_1101 : f32 to vector<16xf32>
      %select_n3A_1103 = arith.select %eq3A_1100, %get3A_1093, %broadcast_in_dim3A_1102 : vector<16xi1>, vector<16xf32>
      %get3A_1104 = arith.constant 24 : index
      %get3A_1105 = tpu.vector_load %arg15[%get3A_1104] {strides = array<i32>} : memref<64xf32, #tpu.memory_space<vmem>>, vector<16xf32>,
      %get3A_1106 = vector.shape_cast %get3A_1105 : vector<16xf32> to vector<16xf32>
      %get3A_1107 = arith.index_cast %scan3A_58 : i32 to index
      %get3A_1108 = arith.constant 736 : index
      %get3A_1109 = tpu.vector_load %arg12[%get3A_1107, %get3A_1108] {strides = array<i32>} : memref<2x1280xi32, #tpu.memory_space<vmem>>, vector<1x16xi32>,
      %get3A_1110 = vector.shape_cast %get3A_1109 : vector<1x16xi32> to vector<16xi32>
      %eq3A_1111 = arith.constant 0 : i32
      %eq3A_1112 = vector.broadcast %eq3A_1111 : i32 to vector<16xi32>
      %eq3A_1113 = arith.cmpi eq, %get3A_1110, %eq3A_1112 : vector<16xi32>
      %jit3A_1114 = arith.constant 1.000000e+00 : f32
      %broadcast_in_dim3A_1115 = vector.broadcast %jit3A_1114 : f32 to vector<16xf32>
      %select_n3A_1116 = arith.select %eq3A_1113, %get3A_1106, %broadcast_in_dim3A_1115 : vector<16xi1>, vector<16xf32>
      %min3A_1117 = arith.minimumf %select_n3A_1103, %select_n3A_1116 : vector<16xf32>
      %get3A_1118 = arith.constant 32 : index
      %get3A_1119 = tpu.vector_load %arg15[%get3A_1118] {strides = array<i32>} : memref<64xf32, #tpu.memory_space<vmem>>, vector<16xf32>,
      %get3A_1120 = vector.shape_cast %get3A_1119 : vector<16xf32> to vector<16xf32>
      %get3A_1121 = arith.index_cast %scan3A_58 : i32 to index
      %get3A_1122 = arith.constant 744 : index
      %get3A_1123 = tpu.vector_load %arg12[%get3A_1121, %get3A_1122] {strides = array<i32>} : memref<2x1280xi32, #tpu.memory_space<vmem>>, vector<1x16xi32>,
      %get3A_1124 = vector.shape_cast %get3A_1123 : vector<1x16xi32> to vector<16xi32>
      %eq3A_1125 = arith.constant 0 : i32
      %eq3A_1126 = vector.broadcast %eq3A_1125 : i32 to vector<16xi32>
      %eq3A_1127 = arith.cmpi eq, %get3A_1124, %eq3A_1126 : vector<16xi32>
      %jit3A_1128 = arith.constant 1.000000e+00 : f32
      %broadcast_in_dim3A_1129 = vector.broadcast %jit3A_1128 : f32 to vector<16xf32>
      %select_n3A_1130 = arith.select %eq3A_1127, %get3A_1120, %broadcast_in_dim3A_1129 : vector<16xi1>, vector<16xf32>
      %min3A_1131 = arith.minimumf %min3A_1117, %select_n3A_1130 : vector<16xf32>
      %add3A_1132 = arith.constant 8 : i32
      %add3A_1133 = arith.addi %add3A_1132, %scan3A_58 : i32
      %swap3A_1134 = arith.constant 2 : i32
      %swap3A_1135 = arith.index_cast %add3A_1133 : i32 to index
      %swap3A_1136 = arith.index_cast %swap3A_1134 : i32 to index
      %swap3A_1137 = arith.constant 32 : index
      %swap3A_1138 = tpu.vector_load %arg13[%swap3A_1135, %swap3A_1136, %swap3A_1137] {strides = array<i32>} : memref<10x4x128xf32, #tpu.memory_space<vmem>>, vector<1x1x16xf32>,
      %swap3A_1139 = vector.shape_cast %swap3A_1138 : vector<1x1x16xf32> to vector<16xf32>
      %swap3A_1140 = vector.shape_cast %min3A_1131 : vector<16xf32> to vector<1x1x16xf32>
      tpu.vector_store %arg13[%swap3A_1135, %swap3A_1136, %swap3A_1137], %swap3A_1140 {strides = array<i32>} : memref<10x4x128xf32, #tpu.memory_space<vmem>>, vector<1x1x16xf32>,
      %get3A_1141 = arith.constant 0 : index
      %get3A_1142 = tpu.vector_load %arg15[%get3A_1141] {strides = array<i32>} : memref<64xf32, #tpu.memory_space<vmem>>, vector<16xf32>,
      %get3A_1143 = vector.shape_cast %get3A_1142 : vector<16xf32> to vector<16xf32>
      %get3A_1144 = arith.index_cast %scan3A_58 : i32 to index
      %get3A_1145 = arith.constant 752 : index
      %get3A_1146 = tpu.vector_load %arg12[%get3A_1144, %get3A_1145] {strides = array<i32>} : memref<2x1280xi32, #tpu.memory_space<vmem>>, vector<1x16xi32>,
      %get3A_1147 = vector.shape_cast %get3A_1146 : vector<1x16xi32> to vector<16xi32>
      %eq3A_1148 = arith.constant 0 : i32
      %eq3A_1149 = vector.broadcast %eq3A_1148 : i32 to vector<16xi32>
      %eq3A_1150 = arith.cmpi eq, %get3A_1147, %eq3A_1149 : vector<16xi32>
      %jit3A_1151 = arith.constant 1.000000e+00 : f32
      %broadcast_in_dim3A_1152 = vector.broadcast %jit3A_1151 : f32 to vector<16xf32>
      %select_n3A_1153 = arith.select %eq3A_1150, %get3A_1143, %broadcast_in_dim3A_1152 : vector<16xi1>, vector<16xf32>
      %get3A_1154 = arith.constant 16 : index
      %get3A_1155 = tpu.vector_load %arg15[%get3A_1154] {strides = array<i32>} : memref<64xf32, #tpu.memory_space<vmem>>, vector<16xf32>,
      %get3A_1156 = vector.shape_cast %get3A_1155 : vector<16xf32> to vector<16xf32>
      %get3A_1157 = arith.index_cast %scan3A_58 : i32 to index
      %get3A_1158 = arith.constant 768 : index
      %get3A_1159 = tpu.vector_load %arg12[%get3A_1157, %get3A_1158] {strides = array<i32>} : memref<2x1280xi32, #tpu.memory_space<vmem>>, vector<1x16xi32>,
      %get3A_1160 = vector.shape_cast %get3A_1159 : vector<1x16xi32> to vector<16xi32>
      %eq3A_1161 = arith.constant 0 : i32
      %eq3A_1162 = vector.broadcast %eq3A_1161 : i32 to vector<16xi32>
      %eq3A_1163 = arith.cmpi eq, %get3A_1160, %eq3A_1162 : vector<16xi32>
      %jit3A_1164 = arith.constant 1.000000e+00 : f32
      %broadcast_in_dim3A_1165 = vector.broadcast %jit3A_1164 : f32 to vector<16xf32>
      %select_n3A_1166 = arith.select %eq3A_1163, %get3A_1156, %broadcast_in_dim3A_1165 : vector<16xi1>, vector<16xf32>
      %min3A_1167 = arith.minimumf %select_n3A_1153, %select_n3A_1166 : vector<16xf32>
      %get3A_1168 = arith.constant 24 : index
      %get3A_1169 = tpu.vector_load %arg15[%get3A_1168] {strides = array<i32>} : memref<64xf32, #tpu.memory_space<vmem>>, vector<16xf32>,
      %get3A_1170 = vector.shape_cast %get3A_1169 : vector<16xf32> to vector<16xf32>
      %get3A_1171 = arith.index_cast %scan3A_58 : i32 to index
      %get3A_1172 = arith.constant 776 : index
      %get3A_1173 = tpu.vector_load %arg12[%get3A_1171, %get3A_1172] {strides = array<i32>} : memref<2x1280xi32, #tpu.memory_space<vmem>>, vector<1x16xi32>,
      %get3A_1174 = vector.shape_cast %get3A_1173 : vector<1x16xi32> to vector<16xi32>
      %eq3A_1175 = arith.constant 0 : i32
      %eq3A_1176 = vector.broadcast %eq3A_1175 : i32 to vector<16xi32>
      %eq3A_1177 = arith.cmpi eq, %get3A_1174, %eq3A_1176 : vector<16xi32>
      %jit3A_1178 = arith.constant 1.000000e+00 : f32
      %broadcast_in_dim3A_1179 = vector.broadcast %jit3A_1178 : f32 to vector<16xf32>
      %select_n3A_1180 = arith.select %eq3A_1177, %get3A_1170, %broadcast_in_dim3A_1179 : vector<16xi1>, vector<16xf32>
      %min3A_1181 = arith.minimumf %min3A_1167, %select_n3A_1180 : vector<16xf32>
      %get3A_1182 = arith.constant 32 : index
      %get3A_1183 = tpu.vector_load %arg15[%get3A_1182] {strides = array<i32>} : memref<64xf32, #tpu.memory_space<vmem>>, vector<16xf32>,
      %get3A_1184 = vector.shape_cast %get3A_1183 : vector<16xf32> to vector<16xf32>
      %get3A_1185 = arith.index_cast %scan3A_58 : i32 to index
      %get3A_1186 = arith.constant 784 : index
      %get3A_1187 = tpu.vector_load %arg12[%get3A_1185, %get3A_1186] {strides = array<i32>} : memref<2x1280xi32, #tpu.memory_space<vmem>>, vector<1x16xi32>,
      %get3A_1188 = vector.shape_cast %get3A_1187 : vector<1x16xi32> to vector<16xi32>
      %eq3A_1189 = arith.constant 0 : i32
      %eq3A_1190 = vector.broadcast %eq3A_1189 : i32 to vector<16xi32>
      %eq3A_1191 = arith.cmpi eq, %get3A_1188, %eq3A_1190 : vector<16xi32>
      %jit3A_1192 = arith.constant 1.000000e+00 : f32
      %broadcast_in_dim3A_1193 = vector.broadcast %jit3A_1192 : f32 to vector<16xf32>
      %select_n3A_1194 = arith.select %eq3A_1191, %get3A_1184, %broadcast_in_dim3A_1193 : vector<16xi1>, vector<16xf32>
      %min3A_1195 = arith.minimumf %min3A_1181, %select_n3A_1194 : vector<16xf32>
      %add3A_1196 = arith.constant 8 : i32
      %add3A_1197 = arith.addi %add3A_1196, %scan3A_58 : i32
      %swap3A_1198 = arith.constant 2 : i32
      %swap3A_1199 = arith.index_cast %add3A_1197 : i32 to index
      %swap3A_1200 = arith.index_cast %swap3A_1198 : i32 to index
      %swap3A_1201 = arith.constant 48 : index
      %swap3A_1202 = tpu.vector_load %arg13[%swap3A_1199, %swap3A_1200, %swap3A_1201] {strides = array<i32>} : memref<10x4x128xf32, #tpu.memory_space<vmem>>, vector<1x1x16xf32>,
      %swap3A_1203 = vector.shape_cast %swap3A_1202 : vector<1x1x16xf32> to vector<16xf32>
      %swap3A_1204 = vector.shape_cast %min3A_1195 : vector<16xf32> to vector<1x1x16xf32>
      tpu.vector_store %arg13[%swap3A_1199, %swap3A_1200, %swap3A_1201], %swap3A_1204 {strides = array<i32>} : memref<10x4x128xf32, #tpu.memory_space<vmem>>, vector<1x1x16xf32>,
      %get3A_1205 = arith.constant 8 : index
      %get3A_1206 = tpu.vector_load %arg15[%get3A_1205] {strides = array<i32>} : memref<64xf32, #tpu.memory_space<vmem>>, vector<16xf32>,
      %get3A_1207 = vector.shape_cast %get3A_1206 : vector<16xf32> to vector<16xf32>
      %get3A_1208 = arith.index_cast %scan3A_58 : i32 to index
      %get3A_1209 = arith.constant 800 : index
      %get3A_1210 = tpu.vector_load %arg12[%get3A_1208, %get3A_1209] {strides = array<i32>} : memref<2x1280xi32, #tpu.memory_space<vmem>>, vector<1x16xi32>,
      %get3A_1211 = vector.shape_cast %get3A_1210 : vector<1x16xi32> to vector<16xi32>
      %eq3A_1212 = arith.constant 0 : i32
      %eq3A_1213 = vector.broadcast %eq3A_1212 : i32 to vector<16xi32>
      %eq3A_1214 = arith.cmpi eq, %get3A_1211, %eq3A_1213 : vector<16xi32>
      %jit3A_1215 = arith.constant 1.000000e+00 : f32
      %broadcast_in_dim3A_1216 = vector.broadcast %jit3A_1215 : f32 to vector<16xf32>
      %select_n3A_1217 = arith.select %eq3A_1214, %get3A_1207, %broadcast_in_dim3A_1216 : vector<16xi1>, vector<16xf32>
      %get3A_1218 = arith.constant 24 : index
      %get3A_1219 = tpu.vector_load %arg15[%get3A_1218] {strides = array<i32>} : memref<64xf32, #tpu.memory_space<vmem>>, vector<16xf32>,
      %get3A_1220 = vector.shape_cast %get3A_1219 : vector<16xf32> to vector<16xf32>
      %get3A_1221 = arith.index_cast %scan3A_58 : i32 to index
      %get3A_1222 = arith.constant 816 : index
      %get3A_1223 = tpu.vector_load %arg12[%get3A_1221, %get3A_1222] {strides = array<i32>} : memref<2x1280xi32, #tpu.memory_space<vmem>>, vector<1x16xi32>,
      %get3A_1224 = vector.shape_cast %get3A_1223 : vector<1x16xi32> to vector<16xi32>
      %eq3A_1225 = arith.constant 0 : i32
      %eq3A_1226 = vector.broadcast %eq3A_1225 : i32 to vector<16xi32>
      %eq3A_1227 = arith.cmpi eq, %get3A_1224, %eq3A_1226 : vector<16xi32>
      %jit3A_1228 = arith.constant 1.000000e+00 : f32
      %broadcast_in_dim3A_1229 = vector.broadcast %jit3A_1228 : f32 to vector<16xf32>
      %select_n3A_1230 = arith.select %eq3A_1227, %get3A_1220, %broadcast_in_dim3A_1229 : vector<16xi1>, vector<16xf32>
      %min3A_1231 = arith.minimumf %select_n3A_1217, %select_n3A_1230 : vector<16xf32>
      %get3A_1232 = arith.constant 32 : index
      %get3A_1233 = tpu.vector_load %arg15[%get3A_1232] {strides = array<i32>} : memref<64xf32, #tpu.memory_space<vmem>>, vector<16xf32>,
      %get3A_1234 = vector.shape_cast %get3A_1233 : vector<16xf32> to vector<16xf32>
      %get3A_1235 = arith.index_cast %scan3A_58 : i32 to index
      %get3A_1236 = arith.constant 824 : index
      %get3A_1237 = tpu.vector_load %arg12[%get3A_1235, %get3A_1236] {strides = array<i32>} : memref<2x1280xi32, #tpu.memory_space<vmem>>, vector<1x16xi32>,
      %get3A_1238 = vector.shape_cast %get3A_1237 : vector<1x16xi32> to vector<16xi32>
      %eq3A_1239 = arith.constant 0 : i32
      %eq3A_1240 = vector.broadcast %eq3A_1239 : i32 to vector<16xi32>
      %eq3A_1241 = arith.cmpi eq, %get3A_1238, %eq3A_1240 : vector<16xi32>
      %jit3A_1242 = arith.constant 1.000000e+00 : f32
      %broadcast_in_dim3A_1243 = vector.broadcast %jit3A_1242 : f32 to vector<16xf32>
      %select_n3A_1244 = arith.select %eq3A_1241, %get3A_1234, %broadcast_in_dim3A_1243 : vector<16xi1>, vector<16xf32>
      %min3A_1245 = arith.minimumf %min3A_1231, %select_n3A_1244 : vector<16xf32>
      %add3A_1246 = arith.constant 8 : i32
      %add3A_1247 = arith.addi %add3A_1246, %scan3A_58 : i32
      %swap3A_1248 = arith.constant 2 : i32
      %swap3A_1249 = arith.index_cast %add3A_1247 : i32 to index
      %swap3A_1250 = arith.index_cast %swap3A_1248 : i32 to index
      %swap3A_1251 = arith.constant 64 : index
      %swap3A_1252 = tpu.vector_load %arg13[%swap3A_1249, %swap3A_1250, %swap3A_1251] {strides = array<i32>} : memref<10x4x128xf32, #tpu.memory_space<vmem>>, vector<1x1x16xf32>,
      %swap3A_1253 = vector.shape_cast %swap3A_1252 : vector<1x1x16xf32> to vector<16xf32>
      %swap3A_1254 = vector.shape_cast %min3A_1245 : vector<16xf32> to vector<1x1x16xf32>
      tpu.vector_store %arg13[%swap3A_1249, %swap3A_1250, %swap3A_1251], %swap3A_1254 {strides = array<i32>} : memref<10x4x128xf32, #tpu.memory_space<vmem>>, vector<1x1x16xf32>,
      %get3A_1255 = arith.constant 8 : index
      %get3A_1256 = tpu.vector_load %arg15[%get3A_1255] {strides = array<i32>} : memref<64xf32, #tpu.memory_space<vmem>>, vector<16xf32>,
      %get3A_1257 = vector.shape_cast %get3A_1256 : vector<16xf32> to vector<16xf32>
      %get3A_1258 = arith.index_cast %scan3A_58 : i32 to index
      %get3A_1259 = arith.constant 840 : index
      %get3A_1260 = tpu.vector_load %arg12[%get3A_1258, %get3A_1259] {strides = array<i32>} : memref<2x1280xi32, #tpu.memory_space<vmem>>, vector<1x16xi32>,
      %get3A_1261 = vector.shape_cast %get3A_1260 : vector<1x16xi32> to vector<16xi32>
      %eq3A_1262 = arith.constant 0 : i32
      %eq3A_1263 = vector.broadcast %eq3A_1262 : i32 to vector<16xi32>
      %eq3A_1264 = arith.cmpi eq, %get3A_1261, %eq3A_1263 : vector<16xi32>
      %jit3A_1265 = arith.constant 1.000000e+00 : f32
      %broadcast_in_dim3A_1266 = vector.broadcast %jit3A_1265 : f32 to vector<16xf32>
      %select_n3A_1267 = arith.select %eq3A_1264, %get3A_1257, %broadcast_in_dim3A_1266 : vector<16xi1>, vector<16xf32>
      %get3A_1268 = arith.constant 24 : index
      %get3A_1269 = tpu.vector_load %arg15[%get3A_1268] {strides = array<i32>} : memref<64xf32, #tpu.memory_space<vmem>>, vector<16xf32>,
      %get3A_1270 = vector.shape_cast %get3A_1269 : vector<16xf32> to vector<16xf32>
      %get3A_1271 = arith.index_cast %scan3A_58 : i32 to index
      %get3A_1272 = arith.constant 856 : index
      %get3A_1273 = tpu.vector_load %arg12[%get3A_1271, %get3A_1272] {strides = array<i32>} : memref<2x1280xi32, #tpu.memory_space<vmem>>, vector<1x16xi32>,
      %get3A_1274 = vector.shape_cast %get3A_1273 : vector<1x16xi32> to vector<16xi32>
      %eq3A_1275 = arith.constant 0 : i32
      %eq3A_1276 = vector.broadcast %eq3A_1275 : i32 to vector<16xi32>
      %eq3A_1277 = arith.cmpi eq, %get3A_1274, %eq3A_1276 : vector<16xi32>
      %jit3A_1278 = arith.constant 1.000000e+00 : f32
      %broadcast_in_dim3A_1279 = vector.broadcast %jit3A_1278 : f32 to vector<16xf32>
      %select_n3A_1280 = arith.select %eq3A_1277, %get3A_1270, %broadcast_in_dim3A_1279 : vector<16xi1>, vector<16xf32>
      %min3A_1281 = arith.minimumf %select_n3A_1267, %select_n3A_1280 : vector<16xf32>
      %get3A_1282 = arith.constant 32 : index
      %get3A_1283 = tpu.vector_load %arg15[%get3A_1282] {strides = array<i32>} : memref<64xf32, #tpu.memory_space<vmem>>, vector<16xf32>,
      %get3A_1284 = vector.shape_cast %get3A_1283 : vector<16xf32> to vector<16xf32>
      %get3A_1285 = arith.index_cast %scan3A_58 : i32 to index
      %get3A_1286 = arith.constant 864 : index
      %get3A_1287 = tpu.vector_load %arg12[%get3A_1285, %get3A_1286] {strides = array<i32>} : memref<2x1280xi32, #tpu.memory_space<vmem>>, vector<1x16xi32>,
      %get3A_1288 = vector.shape_cast %get3A_1287 : vector<1x16xi32> to vector<16xi32>
      %eq3A_1289 = arith.constant 0 : i32
      %eq3A_1290 = vector.broadcast %eq3A_1289 : i32 to vector<16xi32>
      %eq3A_1291 = arith.cmpi eq, %get3A_1288, %eq3A_1290 : vector<16xi32>
      %jit3A_1292 = arith.constant 1.000000e+00 : f32
      %broadcast_in_dim3A_1293 = vector.broadcast %jit3A_1292 : f32 to vector<16xf32>
      %select_n3A_1294 = arith.select %eq3A_1291, %get3A_1284, %broadcast_in_dim3A_1293 : vector<16xi1>, vector<16xf32>
      %min3A_1295 = arith.minimumf %min3A_1281, %select_n3A_1294 : vector<16xf32>
      %add3A_1296 = arith.constant 8 : i32
      %add3A_1297 = arith.addi %add3A_1296, %scan3A_58 : i32
      %swap3A_1298 = arith.constant 2 : i32
      %swap3A_1299 = arith.index_cast %add3A_1297 : i32 to index
      %swap3A_1300 = arith.index_cast %swap3A_1298 : i32 to index
      %swap3A_1301 = arith.constant 80 : index
      %swap3A_1302 = tpu.vector_load %arg13[%swap3A_1299, %swap3A_1300, %swap3A_1301] {strides = array<i32>} : memref<10x4x128xf32, #tpu.memory_space<vmem>>, vector<1x1x16xf32>,
      %swap3A_1303 = vector.shape_cast %swap3A_1302 : vector<1x1x16xf32> to vector<16xf32>
      %swap3A_1304 = vector.shape_cast %min3A_1295 : vector<16xf32> to vector<1x1x16xf32>
      tpu.vector_store %arg13[%swap3A_1299, %swap3A_1300, %swap3A_1301], %swap3A_1304 {strides = array<i32>} : memref<10x4x128xf32, #tpu.memory_space<vmem>>, vector<1x1x16xf32>,
      %get3A_1305 = arith.constant 8 : index
      %get3A_1306 = tpu.vector_load %arg15[%get3A_1305] {strides = array<i32>} : memref<64xf32, #tpu.memory_space<vmem>>, vector<16xf32>,
      %get3A_1307 = vector.shape_cast %get3A_1306 : vector<16xf32> to vector<16xf32>
      %get3A_1308 = arith.index_cast %scan3A_58 : i32 to index
      %get3A_1309 = arith.constant 880 : index
      %get3A_1310 = tpu.vector_load %arg12[%get3A_1308, %get3A_1309] {strides = array<i32>} : memref<2x1280xi32, #tpu.memory_space<vmem>>, vector<1x16xi32>,
      %get3A_1311 = vector.shape_cast %get3A_1310 : vector<1x16xi32> to vector<16xi32>
      %eq3A_1312 = arith.constant 0 : i32
      %eq3A_1313 = vector.broadcast %eq3A_1312 : i32 to vector<16xi32>
      %eq3A_1314 = arith.cmpi eq, %get3A_1311, %eq3A_1313 : vector<16xi32>
      %jit3A_1315 = arith.constant 1.000000e+00 : f32
      %broadcast_in_dim3A_1316 = vector.broadcast %jit3A_1315 : f32 to vector<16xf32>
      %select_n3A_1317 = arith.select %eq3A_1314, %get3A_1307, %broadcast_in_dim3A_1316 : vector<16xi1>, vector<16xf32>
      %get3A_1318 = arith.constant 24 : index
      %get3A_1319 = tpu.vector_load %arg15[%get3A_1318] {strides = array<i32>} : memref<64xf32, #tpu.memory_space<vmem>>, vector<16xf32>,
      %get3A_1320 = vector.shape_cast %get3A_1319 : vector<16xf32> to vector<16xf32>
      %get3A_1321 = arith.index_cast %scan3A_58 : i32 to index
      %get3A_1322 = arith.constant 896 : index
      %get3A_1323 = tpu.vector_load %arg12[%get3A_1321, %get3A_1322] {strides = array<i32>} : memref<2x1280xi32, #tpu.memory_space<vmem>>, vector<1x16xi32>,
      %get3A_1324 = vector.shape_cast %get3A_1323 : vector<1x16xi32> to vector<16xi32>
      %eq3A_1325 = arith.constant 0 : i32
      %eq3A_1326 = vector.broadcast %eq3A_1325 : i32 to vector<16xi32>
      %eq3A_1327 = arith.cmpi eq, %get3A_1324, %eq3A_1326 : vector<16xi32>
      %jit3A_1328 = arith.constant 1.000000e+00 : f32
      %broadcast_in_dim3A_1329 = vector.broadcast %jit3A_1328 : f32 to vector<16xf32>
      %select_n3A_1330 = arith.select %eq3A_1327, %get3A_1320, %broadcast_in_dim3A_1329 : vector<16xi1>, vector<16xf32>
      %min3A_1331 = arith.minimumf %select_n3A_1317, %select_n3A_1330 : vector<16xf32>
      %get3A_1332 = arith.constant 32 : index
      %get3A_1333 = tpu.vector_load %arg15[%get3A_1332] {strides = array<i32>} : memref<64xf32, #tpu.memory_space<vmem>>, vector<16xf32>,
      %get3A_1334 = vector.shape_cast %get3A_1333 : vector<16xf32> to vector<16xf32>
      %get3A_1335 = arith.index_cast %scan3A_58 : i32 to index
      %get3A_1336 = arith.constant 904 : index
      %get3A_1337 = tpu.vector_load %arg12[%get3A_1335, %get3A_1336] {strides = array<i32>} : memref<2x1280xi32, #tpu.memory_space<vmem>>, vector<1x16xi32>,
      %get3A_1338 = vector.shape_cast %get3A_1337 : vector<1x16xi32> to vector<16xi32>
      %eq3A_1339 = arith.constant 0 : i32
      %eq3A_1340 = vector.broadcast %eq3A_1339 : i32 to vector<16xi32>
      %eq3A_1341 = arith.cmpi eq, %get3A_1338, %eq3A_1340 : vector<16xi32>
      %jit3A_1342 = arith.constant 1.000000e+00 : f32
      %broadcast_in_dim3A_1343 = vector.broadcast %jit3A_1342 : f32 to vector<16xf32>
      %select_n3A_1344 = arith.select %eq3A_1341, %get3A_1334, %broadcast_in_dim3A_1343 : vector<16xi1>, vector<16xf32>
      %min3A_1345 = arith.minimumf %min3A_1331, %select_n3A_1344 : vector<16xf32>
      %add3A_1346 = arith.constant 8 : i32
      %add3A_1347 = arith.addi %add3A_1346, %scan3A_58 : i32
      %swap3A_1348 = arith.constant 2 : i32
      %swap3A_1349 = arith.index_cast %add3A_1347 : i32 to index
      %swap3A_1350 = arith.index_cast %swap3A_1348 : i32 to index
      %swap3A_1351 = arith.constant 96 : index
      %swap3A_1352 = tpu.vector_load %arg13[%swap3A_1349, %swap3A_1350, %swap3A_1351] {strides = array<i32>} : memref<10x4x128xf32, #tpu.memory_space<vmem>>, vector<1x1x16xf32>,
      %swap3A_1353 = vector.shape_cast %swap3A_1352 : vector<1x1x16xf32> to vector<16xf32>
      %swap3A_1354 = vector.shape_cast %min3A_1345 : vector<16xf32> to vector<1x1x16xf32>
      tpu.vector_store %arg13[%swap3A_1349, %swap3A_1350, %swap3A_1351], %swap3A_1354 {strides = array<i32>} : memref<10x4x128xf32, #tpu.memory_space<vmem>>, vector<1x1x16xf32>,
      %get3A_1355 = arith.constant 8 : index
      %get3A_1356 = tpu.vector_load %arg15[%get3A_1355] {strides = array<i32>} : memref<64xf32, #tpu.memory_space<vmem>>, vector<16xf32>,
      %get3A_1357 = vector.shape_cast %get3A_1356 : vector<16xf32> to vector<16xf32>
      %get3A_1358 = arith.index_cast %scan3A_58 : i32 to index
      %get3A_1359 = arith.constant 920 : index
      %get3A_1360 = tpu.vector_load %arg12[%get3A_1358, %get3A_1359] {strides = array<i32>} : memref<2x1280xi32, #tpu.memory_space<vmem>>, vector<1x16xi32>,
      %get3A_1361 = vector.shape_cast %get3A_1360 : vector<1x16xi32> to vector<16xi32>
      %eq3A_1362 = arith.constant 0 : i32
      %eq3A_1363 = vector.broadcast %eq3A_1362 : i32 to vector<16xi32>
      %eq3A_1364 = arith.cmpi eq, %get3A_1361, %eq3A_1363 : vector<16xi32>
      %jit3A_1365 = arith.constant 1.000000e+00 : f32
      %broadcast_in_dim3A_1366 = vector.broadcast %jit3A_1365 : f32 to vector<16xf32>
      %select_n3A_1367 = arith.select %eq3A_1364, %get3A_1357, %broadcast_in_dim3A_1366 : vector<16xi1>, vector<16xf32>
      %get3A_1368 = arith.constant 24 : index
      %get3A_1369 = tpu.vector_load %arg15[%get3A_1368] {strides = array<i32>} : memref<64xf32, #tpu.memory_space<vmem>>, vector<16xf32>,
      %get3A_1370 = vector.shape_cast %get3A_1369 : vector<16xf32> to vector<16xf32>
      %get3A_1371 = arith.index_cast %scan3A_58 : i32 to index
      %get3A_1372 = arith.constant 936 : index
      %get3A_1373 = tpu.vector_load %arg12[%get3A_1371, %get3A_1372] {strides = array<i32>} : memref<2x1280xi32, #tpu.memory_space<vmem>>, vector<1x16xi32>,
      %get3A_1374 = vector.shape_cast %get3A_1373 : vector<1x16xi32> to vector<16xi32>
      %eq3A_1375 = arith.constant 0 : i32
      %eq3A_1376 = vector.broadcast %eq3A_1375 : i32 to vector<16xi32>
      %eq3A_1377 = arith.cmpi eq, %get3A_1374, %eq3A_1376 : vector<16xi32>
      %jit3A_1378 = arith.constant 1.000000e+00 : f32
      %broadcast_in_dim3A_1379 = vector.broadcast %jit3A_1378 : f32 to vector<16xf32>
      %select_n3A_1380 = arith.select %eq3A_1377, %get3A_1370, %broadcast_in_dim3A_1379 : vector<16xi1>, vector<16xf32>
      %min3A_1381 = arith.minimumf %select_n3A_1367, %select_n3A_1380 : vector<16xf32>
      %get3A_1382 = arith.constant 32 : index
      %get3A_1383 = tpu.vector_load %arg15[%get3A_1382] {strides = array<i32>} : memref<64xf32, #tpu.memory_space<vmem>>, vector<16xf32>,
      %get3A_1384 = vector.shape_cast %get3A_1383 : vector<16xf32> to vector<16xf32>
      %get3A_1385 = arith.index_cast %scan3A_58 : i32 to index
      %get3A_1386 = arith.constant 944 : index
      %get3A_1387 = tpu.vector_load %arg12[%get3A_1385, %get3A_1386] {strides = array<i32>} : memref<2x1280xi32, #tpu.memory_space<vmem>>, vector<1x16xi32>,
      %get3A_1388 = vector.shape_cast %get3A_1387 : vector<1x16xi32> to vector<16xi32>
      %eq3A_1389 = arith.constant 0 : i32
      %eq3A_1390 = vector.broadcast %eq3A_1389 : i32 to vector<16xi32>
      %eq3A_1391 = arith.cmpi eq, %get3A_1388, %eq3A_1390 : vector<16xi32>
      %jit3A_1392 = arith.constant 1.000000e+00 : f32
      %broadcast_in_dim3A_1393 = vector.broadcast %jit3A_1392 : f32 to vector<16xf32>
      %select_n3A_1394 = arith.select %eq3A_1391, %get3A_1384, %broadcast_in_dim3A_1393 : vector<16xi1>, vector<16xf32>
      %min3A_1395 = arith.minimumf %min3A_1381, %select_n3A_1394 : vector<16xf32>
      %add3A_1396 = arith.constant 8 : i32
      %add3A_1397 = arith.addi %add3A_1396, %scan3A_58 : i32
      %swap3A_1398 = arith.constant 2 : i32
      %swap3A_1399 = arith.index_cast %add3A_1397 : i32 to index
      %swap3A_1400 = arith.index_cast %swap3A_1398 : i32 to index
      %swap3A_1401 = arith.constant 112 : index
      %swap3A_1402 = tpu.vector_load %arg13[%swap3A_1399, %swap3A_1400, %swap3A_1401] {strides = array<i32>} : memref<10x4x128xf32, #tpu.memory_space<vmem>>, vector<1x1x16xf32>,
      %swap3A_1403 = vector.shape_cast %swap3A_1402 : vector<1x1x16xf32> to vector<16xf32>
      %swap3A_1404 = vector.shape_cast %min3A_1395 : vector<16xf32> to vector<1x1x16xf32>
      tpu.vector_store %arg13[%swap3A_1399, %swap3A_1400, %swap3A_1401], %swap3A_1404 {strides = array<i32>} : memref<10x4x128xf32, #tpu.memory_space<vmem>>, vector<1x1x16xf32>,
      %get3A_1405 = arith.constant 8 : index
      %get3A_1406 = tpu.vector_load %arg15[%get3A_1405] {strides = array<i32>} : memref<64xf32, #tpu.memory_space<vmem>>, vector<16xf32>,
      %get3A_1407 = vector.shape_cast %get3A_1406 : vector<16xf32> to vector<16xf32>
      %get3A_1408 = arith.index_cast %scan3A_58 : i32 to index
      %get3A_1409 = arith.constant 960 : index
      %get3A_1410 = tpu.vector_load %arg12[%get3A_1408, %get3A_1409] {strides = array<i32>} : memref<2x1280xi32, #tpu.memory_space<vmem>>, vector<1x16xi32>,
      %get3A_1411 = vector.shape_cast %get3A_1410 : vector<1x16xi32> to vector<16xi32>
      %eq3A_1412 = arith.constant 0 : i32
      %eq3A_1413 = vector.broadcast %eq3A_1412 : i32 to vector<16xi32>
      %eq3A_1414 = arith.cmpi eq, %get3A_1411, %eq3A_1413 : vector<16xi32>
      %jit3A_1415 = arith.constant 1.000000e+00 : f32
      %broadcast_in_dim3A_1416 = vector.broadcast %jit3A_1415 : f32 to vector<16xf32>
      %select_n3A_1417 = arith.select %eq3A_1414, %get3A_1407, %broadcast_in_dim3A_1416 : vector<16xi1>, vector<16xf32>
      %get3A_1418 = arith.constant 24 : index
      %get3A_1419 = tpu.vector_load %arg15[%get3A_1418] {strides = array<i32>} : memref<64xf32, #tpu.memory_space<vmem>>, vector<16xf32>,
      %get3A_1420 = vector.shape_cast %get3A_1419 : vector<16xf32> to vector<16xf32>
      %get3A_1421 = arith.index_cast %scan3A_58 : i32 to index
      %get3A_1422 = arith.constant 976 : index
      %get3A_1423 = tpu.vector_load %arg12[%get3A_1421, %get3A_1422] {strides = array<i32>} : memref<2x1280xi32, #tpu.memory_space<vmem>>, vector<1x16xi32>,
      %get3A_1424 = vector.shape_cast %get3A_1423 : vector<1x16xi32> to vector<16xi32>
      %eq3A_1425 = arith.constant 0 : i32
      %eq3A_1426 = vector.broadcast %eq3A_1425 : i32 to vector<16xi32>
      %eq3A_1427 = arith.cmpi eq, %get3A_1424, %eq3A_1426 : vector<16xi32>
      %jit3A_1428 = arith.constant 1.000000e+00 : f32
      %broadcast_in_dim3A_1429 = vector.broadcast %jit3A_1428 : f32 to vector<16xf32>
      %select_n3A_1430 = arith.select %eq3A_1427, %get3A_1420, %broadcast_in_dim3A_1429 : vector<16xi1>, vector<16xf32>
      %min3A_1431 = arith.minimumf %select_n3A_1417, %select_n3A_1430 : vector<16xf32>
      %get3A_1432 = arith.constant 32 : index
      %get3A_1433 = tpu.vector_load %arg15[%get3A_1432] {strides = array<i32>} : memref<64xf32, #tpu.memory_space<vmem>>, vector<16xf32>,
      %get3A_1434 = vector.shape_cast %get3A_1433 : vector<16xf32> to vector<16xf32>
      %get3A_1435 = arith.index_cast %scan3A_58 : i32 to index
      %get3A_1436 = arith.constant 984 : index
      %get3A_1437 = tpu.vector_load %arg12[%get3A_1435, %get3A_1436] {strides = array<i32>} : memref<2x1280xi32, #tpu.memory_space<vmem>>, vector<1x16xi32>,
      %get3A_1438 = vector.shape_cast %get3A_1437 : vector<1x16xi32> to vector<16xi32>
      %eq3A_1439 = arith.constant 0 : i32
      %eq3A_1440 = vector.broadcast %eq3A_1439 : i32 to vector<16xi32>
      %eq3A_1441 = arith.cmpi eq, %get3A_1438, %eq3A_1440 : vector<16xi32>
      %jit3A_1442 = arith.constant 1.000000e+00 : f32
      %broadcast_in_dim3A_1443 = vector.broadcast %jit3A_1442 : f32 to vector<16xf32>
      %select_n3A_1444 = arith.select %eq3A_1441, %get3A_1434, %broadcast_in_dim3A_1443 : vector<16xi1>, vector<16xf32>
      %min3A_1445 = arith.minimumf %min3A_1431, %select_n3A_1444 : vector<16xf32>
      %add3A_1446 = arith.constant 8 : i32
      %add3A_1447 = arith.addi %add3A_1446, %scan3A_58 : i32
      %swap3A_1448 = arith.constant 3 : i32
      %swap3A_1449 = arith.index_cast %add3A_1447 : i32 to index
      %swap3A_1450 = arith.index_cast %swap3A_1448 : i32 to index
      %swap3A_1451 = arith.constant 0 : index
      %swap3A_1452 = tpu.vector_load %arg13[%swap3A_1449, %swap3A_1450, %swap3A_1451] {strides = array<i32>} : memref<10x4x128xf32, #tpu.memory_space<vmem>>, vector<1x1x16xf32>,
      %swap3A_1453 = vector.shape_cast %swap3A_1452 : vector<1x1x16xf32> to vector<16xf32>
      %swap3A_1454 = vector.shape_cast %min3A_1445 : vector<16xf32> to vector<1x1x16xf32>
      tpu.vector_store %arg13[%swap3A_1449, %swap3A_1450, %swap3A_1451], %swap3A_1454 {strides = array<i32>} : memref<10x4x128xf32, #tpu.memory_space<vmem>>, vector<1x1x16xf32>,
      %get3A_1455 = arith.constant 8 : index
      %get3A_1456 = tpu.vector_load %arg15[%get3A_1455] {strides = array<i32>} : memref<64xf32, #tpu.memory_space<vmem>>, vector<16xf32>,
      %get3A_1457 = vector.shape_cast %get3A_1456 : vector<16xf32> to vector<16xf32>
      %get3A_1458 = arith.index_cast %scan3A_58 : i32 to index
      %get3A_1459 = arith.constant 1000 : index
      %get3A_1460 = tpu.vector_load %arg12[%get3A_1458, %get3A_1459] {strides = array<i32>} : memref<2x1280xi32, #tpu.memory_space<vmem>>, vector<1x16xi32>,
      %get3A_1461 = vector.shape_cast %get3A_1460 : vector<1x16xi32> to vector<16xi32>
      %eq3A_1462 = arith.constant 0 : i32
      %eq3A_1463 = vector.broadcast %eq3A_1462 : i32 to vector<16xi32>
      %eq3A_1464 = arith.cmpi eq, %get3A_1461, %eq3A_1463 : vector<16xi32>
      %jit3A_1465 = arith.constant 1.000000e+00 : f32
      %broadcast_in_dim3A_1466 = vector.broadcast %jit3A_1465 : f32 to vector<16xf32>
      %select_n3A_1467 = arith.select %eq3A_1464, %get3A_1457, %broadcast_in_dim3A_1466 : vector<16xi1>, vector<16xf32>
      %get3A_1468 = arith.constant 16 : index
      %get3A_1469 = tpu.vector_load %arg15[%get3A_1468] {strides = array<i32>} : memref<64xf32, #tpu.memory_space<vmem>>, vector<16xf32>,
      %get3A_1470 = vector.shape_cast %get3A_1469 : vector<16xf32> to vector<16xf32>
      %get3A_1471 = arith.index_cast %scan3A_58 : i32 to index
      %get3A_1472 = arith.constant 1008 : index
      %get3A_1473 = tpu.vector_load %arg12[%get3A_1471, %get3A_1472] {strides = array<i32>} : memref<2x1280xi32, #tpu.memory_space<vmem>>, vector<1x16xi32>,
      %get3A_1474 = vector.shape_cast %get3A_1473 : vector<1x16xi32> to vector<16xi32>
      %eq3A_1475 = arith.constant 0 : i32
      %eq3A_1476 = vector.broadcast %eq3A_1475 : i32 to vector<16xi32>
      %eq3A_1477 = arith.cmpi eq, %get3A_1474, %eq3A_1476 : vector<16xi32>
      %jit3A_1478 = arith.constant 1.000000e+00 : f32
      %broadcast_in_dim3A_1479 = vector.broadcast %jit3A_1478 : f32 to vector<16xf32>
      %select_n3A_1480 = arith.select %eq3A_1477, %get3A_1470, %broadcast_in_dim3A_1479 : vector<16xi1>, vector<16xf32>
      %min3A_1481 = arith.minimumf %select_n3A_1467, %select_n3A_1480 : vector<16xf32>
      %get3A_1482 = arith.constant 32 : index
      %get3A_1483 = tpu.vector_load %arg15[%get3A_1482] {strides = array<i32>} : memref<64xf32, #tpu.memory_space<vmem>>, vector<16xf32>,
      %get3A_1484 = vector.shape_cast %get3A_1483 : vector<16xf32> to vector<16xf32>
      %get3A_1485 = arith.index_cast %scan3A_58 : i32 to index
      %get3A_1486 = arith.constant 1024 : index
      %get3A_1487 = tpu.vector_load %arg12[%get3A_1485, %get3A_1486] {strides = array<i32>} : memref<2x1280xi32, #tpu.memory_space<vmem>>, vector<1x16xi32>,
      %get3A_1488 = vector.shape_cast %get3A_1487 : vector<1x16xi32> to vector<16xi32>
      %eq3A_1489 = arith.constant 0 : i32
      %eq3A_1490 = vector.broadcast %eq3A_1489 : i32 to vector<16xi32>
      %eq3A_1491 = arith.cmpi eq, %get3A_1488, %eq3A_1490 : vector<16xi32>
      %jit3A_1492 = arith.constant 1.000000e+00 : f32
      %broadcast_in_dim3A_1493 = vector.broadcast %jit3A_1492 : f32 to vector<16xf32>
      %select_n3A_1494 = arith.select %eq3A_1491, %get3A_1484, %broadcast_in_dim3A_1493 : vector<16xi1>, vector<16xf32>
      %min3A_1495 = arith.minimumf %min3A_1481, %select_n3A_1494 : vector<16xf32>
      %get3A_1496 = arith.constant 32 : index
      %get3A_1497 = tpu.vector_load %arg15[%get3A_1496] {strides = array<i32>} : memref<64xf32, #tpu.memory_space<vmem>>, vector<16xf32>,
      %get3A_1498 = vector.shape_cast %get3A_1497 : vector<16xf32> to vector<16xf32>
      %get3A_1499 = arith.index_cast %scan3A_58 : i32 to index
      %get3A_1500 = arith.constant 1024 : index
      %get3A_1501 = tpu.vector_load %arg12[%get3A_1499, %get3A_1500] {strides = array<i32>} : memref<2x1280xi32, #tpu.memory_space<vmem>>, vector<1x16xi32>,
      %get3A_1502 = vector.shape_cast %get3A_1501 : vector<1x16xi32> to vector<16xi32>
      %eq3A_1503 = arith.constant 0 : i32
      %eq3A_1504 = vector.broadcast %eq3A_1503 : i32 to vector<16xi32>
      %eq3A_1505 = arith.cmpi eq, %get3A_1502, %eq3A_1504 : vector<16xi32>
      %jit3A_1506 = arith.constant 1.000000e+00 : f32
      %broadcast_in_dim3A_1507 = vector.broadcast %jit3A_1506 : f32 to vector<16xf32>
      %select_n3A_1508 = arith.select %eq3A_1505, %get3A_1498, %broadcast_in_dim3A_1507 : vector<16xi1>, vector<16xf32>
      %min3A_1509 = arith.minimumf %min3A_1495, %select_n3A_1508 : vector<16xf32>
      %add3A_1510 = arith.constant 8 : i32
      %add3A_1511 = arith.addi %add3A_1510, %scan3A_58 : i32
      %swap3A_1512 = arith.constant 3 : i32
      %swap3A_1513 = arith.index_cast %add3A_1511 : i32 to index
      %swap3A_1514 = arith.index_cast %swap3A_1512 : i32 to index
      %swap3A_1515 = arith.constant 16 : index
      %swap3A_1516 = tpu.vector_load %arg13[%swap3A_1513, %swap3A_1514, %swap3A_1515] {strides = array<i32>} : memref<10x4x128xf32, #tpu.memory_space<vmem>>, vector<1x1x16xf32>,
      %swap3A_1517 = vector.shape_cast %swap3A_1516 : vector<1x1x16xf32> to vector<16xf32>
      %swap3A_1518 = vector.shape_cast %min3A_1509 : vector<16xf32> to vector<1x1x16xf32>
      tpu.vector_store %arg13[%swap3A_1513, %swap3A_1514, %swap3A_1515], %swap3A_1518 {strides = array<i32>} : memref<10x4x128xf32, #tpu.memory_space<vmem>>, vector<1x1x16xf32>,
      %get3A_1519 = arith.constant 8 : index
      %get3A_1520 = tpu.vector_load %arg15[%get3A_1519] {strides = array<i32>} : memref<64xf32, #tpu.memory_space<vmem>>, vector<16xf32>,
      %get3A_1521 = vector.shape_cast %get3A_1520 : vector<16xf32> to vector<16xf32>
      %get3A_1522 = arith.index_cast %scan3A_58 : i32 to index
      %get3A_1523 = arith.constant 1040 : index
      %get3A_1524 = tpu.vector_load %arg12[%get3A_1522, %get3A_1523] {strides = array<i32>} : memref<2x1280xi32, #tpu.memory_space<vmem>>, vector<1x16xi32>,
      %get3A_1525 = vector.shape_cast %get3A_1524 : vector<1x16xi32> to vector<16xi32>
      %eq3A_1526 = arith.constant 0 : i32
      %eq3A_1527 = vector.broadcast %eq3A_1526 : i32 to vector<16xi32>
      %eq3A_1528 = arith.cmpi eq, %get3A_1525, %eq3A_1527 : vector<16xi32>
      %jit3A_1529 = arith.constant 1.000000e+00 : f32
      %broadcast_in_dim3A_1530 = vector.broadcast %jit3A_1529 : f32 to vector<16xf32>
      %select_n3A_1531 = arith.select %eq3A_1528, %get3A_1521, %broadcast_in_dim3A_1530 : vector<16xi1>, vector<16xf32>
      %get3A_1532 = arith.constant 24 : index
      %get3A_1533 = tpu.vector_load %arg15[%get3A_1532] {strides = array<i32>} : memref<64xf32, #tpu.memory_space<vmem>>, vector<16xf32>,
      %get3A_1534 = vector.shape_cast %get3A_1533 : vector<16xf32> to vector<16xf32>
      %get3A_1535 = arith.index_cast %scan3A_58 : i32 to index
      %get3A_1536 = arith.constant 1056 : index
      %get3A_1537 = tpu.vector_load %arg12[%get3A_1535, %get3A_1536] {strides = array<i32>} : memref<2x1280xi32, #tpu.memory_space<vmem>>, vector<1x16xi32>,
      %get3A_1538 = vector.shape_cast %get3A_1537 : vector<1x16xi32> to vector<16xi32>
      %eq3A_1539 = arith.constant 0 : i32
      %eq3A_1540 = vector.broadcast %eq3A_1539 : i32 to vector<16xi32>
      %eq3A_1541 = arith.cmpi eq, %get3A_1538, %eq3A_1540 : vector<16xi32>
      %jit3A_1542 = arith.constant 1.000000e+00 : f32
      %broadcast_in_dim3A_1543 = vector.broadcast %jit3A_1542 : f32 to vector<16xf32>
      %select_n3A_1544 = arith.select %eq3A_1541, %get3A_1534, %broadcast_in_dim3A_1543 : vector<16xi1>, vector<16xf32>
      %min3A_1545 = arith.minimumf %select_n3A_1531, %select_n3A_1544 : vector<16xf32>
      %get3A_1546 = arith.constant 32 : index
      %get3A_1547 = tpu.vector_load %arg15[%get3A_1546] {strides = array<i32>} : memref<64xf32, #tpu.memory_space<vmem>>, vector<16xf32>,
      %get3A_1548 = vector.shape_cast %get3A_1547 : vector<16xf32> to vector<16xf32>
      %get3A_1549 = arith.index_cast %scan3A_58 : i32 to index
      %get3A_1550 = arith.constant 1064 : index
      %get3A_1551 = tpu.vector_load %arg12[%get3A_1549, %get3A_1550] {strides = array<i32>} : memref<2x1280xi32, #tpu.memory_space<vmem>>, vector<1x16xi32>,
      %get3A_1552 = vector.shape_cast %get3A_1551 : vector<1x16xi32> to vector<16xi32>
      %eq3A_1553 = arith.constant 0 : i32
      %eq3A_1554 = vector.broadcast %eq3A_1553 : i32 to vector<16xi32>
      %eq3A_1555 = arith.cmpi eq, %get3A_1552, %eq3A_1554 : vector<16xi32>
      %jit3A_1556 = arith.constant 1.000000e+00 : f32
      %broadcast_in_dim3A_1557 = vector.broadcast %jit3A_1556 : f32 to vector<16xf32>
      %select_n3A_1558 = arith.select %eq3A_1555, %get3A_1548, %broadcast_in_dim3A_1557 : vector<16xi1>, vector<16xf32>
      %min3A_1559 = arith.minimumf %min3A_1545, %select_n3A_1558 : vector<16xf32>
      %add3A_1560 = arith.constant 8 : i32
      %add3A_1561 = arith.addi %add3A_1560, %scan3A_58 : i32
      %swap3A_1562 = arith.constant 3 : i32
      %swap3A_1563 = arith.index_cast %add3A_1561 : i32 to index
      %swap3A_1564 = arith.index_cast %swap3A_1562 : i32 to index
      %swap3A_1565 = arith.constant 32 : index
      %swap3A_1566 = tpu.vector_load %arg13[%swap3A_1563, %swap3A_1564, %swap3A_1565] {strides = array<i32>} : memref<10x4x128xf32, #tpu.memory_space<vmem>>, vector<1x1x16xf32>,
      %swap3A_1567 = vector.shape_cast %swap3A_1566 : vector<1x1x16xf32> to vector<16xf32>
      %swap3A_1568 = vector.shape_cast %min3A_1559 : vector<16xf32> to vector<1x1x16xf32>
      tpu.vector_store %arg13[%swap3A_1563, %swap3A_1564, %swap3A_1565], %swap3A_1568 {strides = array<i32>} : memref<10x4x128xf32, #tpu.memory_space<vmem>>, vector<1x1x16xf32>,
      %get3A_1569 = arith.constant 8 : index
      %get3A_1570 = tpu.vector_load %arg15[%get3A_1569] {strides = array<i32>} : memref<64xf32, #tpu.memory_space<vmem>>, vector<16xf32>,
      %get3A_1571 = vector.shape_cast %get3A_1570 : vector<16xf32> to vector<16xf32>
      %get3A_1572 = arith.index_cast %scan3A_58 : i32 to index
      %get3A_1573 = arith.constant 1080 : index
      %get3A_1574 = tpu.vector_load %arg12[%get3A_1572, %get3A_1573] {strides = array<i32>} : memref<2x1280xi32, #tpu.memory_space<vmem>>, vector<1x16xi32>,
      %get3A_1575 = vector.shape_cast %get3A_1574 : vector<1x16xi32> to vector<16xi32>
      %eq3A_1576 = arith.constant 0 : i32
      %eq3A_1577 = vector.broadcast %eq3A_1576 : i32 to vector<16xi32>
      %eq3A_1578 = arith.cmpi eq, %get3A_1575, %eq3A_1577 : vector<16xi32>
      %jit3A_1579 = arith.constant 1.000000e+00 : f32
      %broadcast_in_dim3A_1580 = vector.broadcast %jit3A_1579 : f32 to vector<16xf32>
      %select_n3A_1581 = arith.select %eq3A_1578, %get3A_1571, %broadcast_in_dim3A_1580 : vector<16xi1>, vector<16xf32>
      %get3A_1582 = arith.constant 24 : index
      %get3A_1583 = tpu.vector_load %arg15[%get3A_1582] {strides = array<i32>} : memref<64xf32, #tpu.memory_space<vmem>>, vector<16xf32>,
      %get3A_1584 = vector.shape_cast %get3A_1583 : vector<16xf32> to vector<16xf32>
      %get3A_1585 = arith.index_cast %scan3A_58 : i32 to index
      %get3A_1586 = arith.constant 1096 : index
      %get3A_1587 = tpu.vector_load %arg12[%get3A_1585, %get3A_1586] {strides = array<i32>} : memref<2x1280xi32, #tpu.memory_space<vmem>>, vector<1x16xi32>,
      %get3A_1588 = vector.shape_cast %get3A_1587 : vector<1x16xi32> to vector<16xi32>
      %eq3A_1589 = arith.constant 0 : i32
      %eq3A_1590 = vector.broadcast %eq3A_1589 : i32 to vector<16xi32>
      %eq3A_1591 = arith.cmpi eq, %get3A_1588, %eq3A_1590 : vector<16xi32>
      %jit3A_1592 = arith.constant 1.000000e+00 : f32
      %broadcast_in_dim3A_1593 = vector.broadcast %jit3A_1592 : f32 to vector<16xf32>
      %select_n3A_1594 = arith.select %eq3A_1591, %get3A_1584, %broadcast_in_dim3A_1593 : vector<16xi1>, vector<16xf32>
      %min3A_1595 = arith.minimumf %select_n3A_1581, %select_n3A_1594 : vector<16xf32>
      %get3A_1596 = arith.constant 32 : index
      %get3A_1597 = tpu.vector_load %arg15[%get3A_1596] {strides = array<i32>} : memref<64xf32, #tpu.memory_space<vmem>>, vector<16xf32>,
      %get3A_1598 = vector.shape_cast %get3A_1597 : vector<16xf32> to vector<16xf32>
      %get3A_1599 = arith.index_cast %scan3A_58 : i32 to index
      %get3A_1600 = arith.constant 1104 : index
      %get3A_1601 = tpu.vector_load %arg12[%get3A_1599, %get3A_1600] {strides = array<i32>} : memref<2x1280xi32, #tpu.memory_space<vmem>>, vector<1x16xi32>,
      %get3A_1602 = vector.shape_cast %get3A_1601 : vector<1x16xi32> to vector<16xi32>
      %eq3A_1603 = arith.constant 0 : i32
      %eq3A_1604 = vector.broadcast %eq3A_1603 : i32 to vector<16xi32>
      %eq3A_1605 = arith.cmpi eq, %get3A_1602, %eq3A_1604 : vector<16xi32>
      %jit3A_1606 = arith.constant 1.000000e+00 : f32
      %broadcast_in_dim3A_1607 = vector.broadcast %jit3A_1606 : f32 to vector<16xf32>
      %select_n3A_1608 = arith.select %eq3A_1605, %get3A_1598, %broadcast_in_dim3A_1607 : vector<16xi1>, vector<16xf32>
      %min3A_1609 = arith.minimumf %min3A_1595, %select_n3A_1608 : vector<16xf32>
      %add3A_1610 = arith.constant 8 : i32
      %add3A_1611 = arith.addi %add3A_1610, %scan3A_58 : i32
      %swap3A_1612 = arith.constant 3 : i32
      %swap3A_1613 = arith.index_cast %add3A_1611 : i32 to index
      %swap3A_1614 = arith.index_cast %swap3A_1612 : i32 to index
      %swap3A_1615 = arith.constant 48 : index
      %swap3A_1616 = tpu.vector_load %arg13[%swap3A_1613, %swap3A_1614, %swap3A_1615] {strides = array<i32>} : memref<10x4x128xf32, #tpu.memory_space<vmem>>, vector<1x1x16xf32>,
      %swap3A_1617 = vector.shape_cast %swap3A_1616 : vector<1x1x16xf32> to vector<16xf32>
      %swap3A_1618 = vector.shape_cast %min3A_1609 : vector<16xf32> to vector<1x1x16xf32>
      tpu.vector_store %arg13[%swap3A_1613, %swap3A_1614, %swap3A_1615], %swap3A_1618 {strides = array<i32>} : memref<10x4x128xf32, #tpu.memory_space<vmem>>, vector<1x1x16xf32>,
      %get3A_1619 = arith.constant 8 : index
      %get3A_1620 = tpu.vector_load %arg15[%get3A_1619] {strides = array<i32>} : memref<64xf32, #tpu.memory_space<vmem>>, vector<16xf32>,
      %get3A_1621 = vector.shape_cast %get3A_1620 : vector<16xf32> to vector<16xf32>
      %get3A_1622 = arith.index_cast %scan3A_58 : i32 to index
      %get3A_1623 = arith.constant 1120 : index
      %get3A_1624 = tpu.vector_load %arg12[%get3A_1622, %get3A_1623] {strides = array<i32>} : memref<2x1280xi32, #tpu.memory_space<vmem>>, vector<1x16xi32>,
      %get3A_1625 = vector.shape_cast %get3A_1624 : vector<1x16xi32> to vector<16xi32>
      %eq3A_1626 = arith.constant 0 : i32
      %eq3A_1627 = vector.broadcast %eq3A_1626 : i32 to vector<16xi32>
      %eq3A_1628 = arith.cmpi eq, %get3A_1625, %eq3A_1627 : vector<16xi32>
      %jit3A_1629 = arith.constant 1.000000e+00 : f32
      %broadcast_in_dim3A_1630 = vector.broadcast %jit3A_1629 : f32 to vector<16xf32>
      %select_n3A_1631 = arith.select %eq3A_1628, %get3A_1621, %broadcast_in_dim3A_1630 : vector<16xi1>, vector<16xf32>
      %get3A_1632 = arith.constant 24 : index
      %get3A_1633 = tpu.vector_load %arg15[%get3A_1632] {strides = array<i32>} : memref<64xf32, #tpu.memory_space<vmem>>, vector<16xf32>,
      %get3A_1634 = vector.shape_cast %get3A_1633 : vector<16xf32> to vector<16xf32>
      %get3A_1635 = arith.index_cast %scan3A_58 : i32 to index
      %get3A_1636 = arith.constant 1136 : index
      %get3A_1637 = tpu.vector_load %arg12[%get3A_1635, %get3A_1636] {strides = array<i32>} : memref<2x1280xi32, #tpu.memory_space<vmem>>, vector<1x16xi32>,
      %get3A_1638 = vector.shape_cast %get3A_1637 : vector<1x16xi32> to vector<16xi32>
      %eq3A_1639 = arith.constant 0 : i32
      %eq3A_1640 = vector.broadcast %eq3A_1639 : i32 to vector<16xi32>
      %eq3A_1641 = arith.cmpi eq, %get3A_1638, %eq3A_1640 : vector<16xi32>
      %jit3A_1642 = arith.constant 1.000000e+00 : f32
      %broadcast_in_dim3A_1643 = vector.broadcast %jit3A_1642 : f32 to vector<16xf32>
      %select_n3A_1644 = arith.select %eq3A_1641, %get3A_1634, %broadcast_in_dim3A_1643 : vector<16xi1>, vector<16xf32>
      %min3A_1645 = arith.minimumf %select_n3A_1631, %select_n3A_1644 : vector<16xf32>
      %get3A_1646 = arith.constant 24 : index
      %get3A_1647 = tpu.vector_load %arg15[%get3A_1646] {strides = array<i32>} : memref<64xf32, #tpu.memory_space<vmem>>, vector<16xf32>,
      %get3A_1648 = vector.shape_cast %get3A_1647 : vector<16xf32> to vector<16xf32>
      %get3A_1649 = arith.index_cast %scan3A_58 : i32 to index
      %get3A_1650 = arith.constant 1136 : index
      %get3A_1651 = tpu.vector_load %arg12[%get3A_1649, %get3A_1650] {strides = array<i32>} : memref<2x1280xi32, #tpu.memory_space<vmem>>, vector<1x16xi32>,
      %get3A_1652 = vector.shape_cast %get3A_1651 : vector<1x16xi32> to vector<16xi32>
      %eq3A_1653 = arith.constant 0 : i32
      %eq3A_1654 = vector.broadcast %eq3A_1653 : i32 to vector<16xi32>
      %eq3A_1655 = arith.cmpi eq, %get3A_1652, %eq3A_1654 : vector<16xi32>
      %jit3A_1656 = arith.constant 1.000000e+00 : f32
      %broadcast_in_dim3A_1657 = vector.broadcast %jit3A_1656 : f32 to vector<16xf32>
      %select_n3A_1658 = arith.select %eq3A_1655, %get3A_1648, %broadcast_in_dim3A_1657 : vector<16xi1>, vector<16xf32>
      %min3A_1659 = arith.minimumf %min3A_1645, %select_n3A_1658 : vector<16xf32>
      %get3A_1660 = arith.constant 40 : index
      %get3A_1661 = tpu.vector_load %arg15[%get3A_1660] {strides = array<i32>} : memref<64xf32, #tpu.memory_space<vmem>>, vector<16xf32>,
      %get3A_1662 = vector.shape_cast %get3A_1661 : vector<16xf32> to vector<16xf32>
      %get3A_1663 = arith.index_cast %scan3A_58 : i32 to index
      %get3A_1664 = arith.constant 1152 : index
      %get3A_1665 = tpu.vector_load %arg12[%get3A_1663, %get3A_1664] {strides = array<i32>} : memref<2x1280xi32, #tpu.memory_space<vmem>>, vector<1x16xi32>,
      %get3A_1666 = vector.shape_cast %get3A_1665 : vector<1x16xi32> to vector<16xi32>
      %eq3A_1667 = arith.constant 0 : i32
      %eq3A_1668 = vector.broadcast %eq3A_1667 : i32 to vector<16xi32>
      %eq3A_1669 = arith.cmpi eq, %get3A_1666, %eq3A_1668 : vector<16xi32>
      %jit3A_1670 = arith.constant 1.000000e+00 : f32
      %broadcast_in_dim3A_1671 = vector.broadcast %jit3A_1670 : f32 to vector<16xf32>
      %select_n3A_1672 = arith.select %eq3A_1669, %get3A_1662, %broadcast_in_dim3A_1671 : vector<16xi1>, vector<16xf32>
      %min3A_1673 = arith.minimumf %min3A_1659, %select_n3A_1672 : vector<16xf32>
      %add3A_1674 = arith.constant 8 : i32
      %add3A_1675 = arith.addi %add3A_1674, %scan3A_58 : i32
      %swap3A_1676 = arith.constant 3 : i32
      %swap3A_1677 = arith.index_cast %add3A_1675 : i32 to index
      %swap3A_1678 = arith.index_cast %swap3A_1676 : i32 to index
      %swap3A_1679 = arith.constant 64 : index
      %swap3A_1680 = tpu.vector_load %arg13[%swap3A_1677, %swap3A_1678, %swap3A_1679] {strides = array<i32>} : memref<10x4x128xf32, #tpu.memory_space<vmem>>, vector<1x1x16xf32>,
      %swap3A_1681 = vector.shape_cast %swap3A_1680 : vector<1x1x16xf32> to vector<16xf32>
      %swap3A_1682 = vector.shape_cast %min3A_1673 : vector<16xf32> to vector<1x1x16xf32>
      tpu.vector_store %arg13[%swap3A_1677, %swap3A_1678, %swap3A_1679], %swap3A_1682 {strides = array<i32>} : memref<10x4x128xf32, #tpu.memory_space<vmem>>, vector<1x1x16xf32>,
      %get3A_1683 = arith.constant 8 : index
      %get3A_1684 = tpu.vector_load %arg15[%get3A_1683] {strides = array<i32>} : memref<64xf32, #tpu.memory_space<vmem>>, vector<16xf32>,
      %get3A_1685 = vector.shape_cast %get3A_1684 : vector<16xf32> to vector<16xf32>
      %get3A_1686 = arith.index_cast %scan3A_58 : i32 to index
      %get3A_1687 = arith.constant 1160 : index
      %get3A_1688 = tpu.vector_load %arg12[%get3A_1686, %get3A_1687] {strides = array<i32>} : memref<2x1280xi32, #tpu.memory_space<vmem>>, vector<1x16xi32>,
      %get3A_1689 = vector.shape_cast %get3A_1688 : vector<1x16xi32> to vector<16xi32>
      %eq3A_1690 = arith.constant 0 : i32
      %eq3A_1691 = vector.broadcast %eq3A_1690 : i32 to vector<16xi32>
      %eq3A_1692 = arith.cmpi eq, %get3A_1689, %eq3A_1691 : vector<16xi32>
      %jit3A_1693 = arith.constant 1.000000e+00 : f32
      %broadcast_in_dim3A_1694 = vector.broadcast %jit3A_1693 : f32 to vector<16xf32>
      %select_n3A_1695 = arith.select %eq3A_1692, %get3A_1685, %broadcast_in_dim3A_1694 : vector<16xi1>, vector<16xf32>
      %get3A_1696 = arith.constant 24 : index
      %get3A_1697 = tpu.vector_load %arg15[%get3A_1696] {strides = array<i32>} : memref<64xf32, #tpu.memory_space<vmem>>, vector<16xf32>,
      %get3A_1698 = vector.shape_cast %get3A_1697 : vector<16xf32> to vector<16xf32>
      %get3A_1699 = arith.index_cast %scan3A_58 : i32 to index
      %get3A_1700 = arith.constant 1176 : index
      %get3A_1701 = tpu.vector_load %arg12[%get3A_1699, %get3A_1700] {strides = array<i32>} : memref<2x1280xi32, #tpu.memory_space<vmem>>, vector<1x16xi32>,
      %get3A_1702 = vector.shape_cast %get3A_1701 : vector<1x16xi32> to vector<16xi32>
      %eq3A_1703 = arith.constant 0 : i32
      %eq3A_1704 = vector.broadcast %eq3A_1703 : i32 to vector<16xi32>
      %eq3A_1705 = arith.cmpi eq, %get3A_1702, %eq3A_1704 : vector<16xi32>
      %jit3A_1706 = arith.constant 1.000000e+00 : f32
      %broadcast_in_dim3A_1707 = vector.broadcast %jit3A_1706 : f32 to vector<16xf32>
      %select_n3A_1708 = arith.select %eq3A_1705, %get3A_1698, %broadcast_in_dim3A_1707 : vector<16xi1>, vector<16xf32>
      %min3A_1709 = arith.minimumf %select_n3A_1695, %select_n3A_1708 : vector<16xf32>
      %get3A_1710 = arith.constant 32 : index
      %get3A_1711 = tpu.vector_load %arg15[%get3A_1710] {strides = array<i32>} : memref<64xf32, #tpu.memory_space<vmem>>, vector<16xf32>,
      %get3A_1712 = vector.shape_cast %get3A_1711 : vector<16xf32> to vector<16xf32>
      %get3A_1713 = arith.index_cast %scan3A_58 : i32 to index
      %get3A_1714 = arith.constant 1184 : index
      %get3A_1715 = tpu.vector_load %arg12[%get3A_1713, %get3A_1714] {strides = array<i32>} : memref<2x1280xi32, #tpu.memory_space<vmem>>, vector<1x16xi32>,
      %get3A_1716 = vector.shape_cast %get3A_1715 : vector<1x16xi32> to vector<16xi32>
      %eq3A_1717 = arith.constant 0 : i32
      %eq3A_1718 = vector.broadcast %eq3A_1717 : i32 to vector<16xi32>
      %eq3A_1719 = arith.cmpi eq, %get3A_1716, %eq3A_1718 : vector<16xi32>
      %jit3A_1720 = arith.constant 1.000000e+00 : f32
      %broadcast_in_dim3A_1721 = vector.broadcast %jit3A_1720 : f32 to vector<16xf32>
      %select_n3A_1722 = arith.select %eq3A_1719, %get3A_1712, %broadcast_in_dim3A_1721 : vector<16xi1>, vector<16xf32>
      %min3A_1723 = arith.minimumf %min3A_1709, %select_n3A_1722 : vector<16xf32>
      %add3A_1724 = arith.constant 8 : i32
      %add3A_1725 = arith.addi %add3A_1724, %scan3A_58 : i32
      %swap3A_1726 = arith.constant 3 : i32
      %swap3A_1727 = arith.index_cast %add3A_1725 : i32 to index
      %swap3A_1728 = arith.index_cast %swap3A_1726 : i32 to index
      %swap3A_1729 = arith.constant 80 : index
      %swap3A_1730 = tpu.vector_load %arg13[%swap3A_1727, %swap3A_1728, %swap3A_1729] {strides = array<i32>} : memref<10x4x128xf32, #tpu.memory_space<vmem>>, vector<1x1x16xf32>,
      %swap3A_1731 = vector.shape_cast %swap3A_1730 : vector<1x1x16xf32> to vector<16xf32>
      %swap3A_1732 = vector.shape_cast %min3A_1723 : vector<16xf32> to vector<1x1x16xf32>
      tpu.vector_store %arg13[%swap3A_1727, %swap3A_1728, %swap3A_1729], %swap3A_1732 {strides = array<i32>} : memref<10x4x128xf32, #tpu.memory_space<vmem>>, vector<1x1x16xf32>,
      %get3A_1733 = arith.constant 8 : index
      %get3A_1734 = tpu.vector_load %arg15[%get3A_1733] {strides = array<i32>} : memref<64xf32, #tpu.memory_space<vmem>>, vector<16xf32>,
      %get3A_1735 = vector.shape_cast %get3A_1734 : vector<16xf32> to vector<16xf32>
      %get3A_1736 = arith.index_cast %scan3A_58 : i32 to index
      %get3A_1737 = arith.constant 1200 : index
      %get3A_1738 = tpu.vector_load %arg12[%get3A_1736, %get3A_1737] {strides = array<i32>} : memref<2x1280xi32, #tpu.memory_space<vmem>>, vector<1x16xi32>,
      %get3A_1739 = vector.shape_cast %get3A_1738 : vector<1x16xi32> to vector<16xi32>
      %eq3A_1740 = arith.constant 0 : i32
      %eq3A_1741 = vector.broadcast %eq3A_1740 : i32 to vector<16xi32>
      %eq3A_1742 = arith.cmpi eq, %get3A_1739, %eq3A_1741 : vector<16xi32>
      %jit3A_1743 = arith.constant 1.000000e+00 : f32
      %broadcast_in_dim3A_1744 = vector.broadcast %jit3A_1743 : f32 to vector<16xf32>
      %select_n3A_1745 = arith.select %eq3A_1742, %get3A_1735, %broadcast_in_dim3A_1744 : vector<16xi1>, vector<16xf32>
      %get3A_1746 = arith.constant 24 : index
      %get3A_1747 = tpu.vector_load %arg15[%get3A_1746] {strides = array<i32>} : memref<64xf32, #tpu.memory_space<vmem>>, vector<16xf32>,
      %get3A_1748 = vector.shape_cast %get3A_1747 : vector<16xf32> to vector<16xf32>
      %get3A_1749 = arith.index_cast %scan3A_58 : i32 to index
      %get3A_1750 = arith.constant 1216 : index
      %get3A_1751 = tpu.vector_load %arg12[%get3A_1749, %get3A_1750] {strides = array<i32>} : memref<2x1280xi32, #tpu.memory_space<vmem>>, vector<1x16xi32>,
      %get3A_1752 = vector.shape_cast %get3A_1751 : vector<1x16xi32> to vector<16xi32>
      %eq3A_1753 = arith.constant 0 : i32
      %eq3A_1754 = vector.broadcast %eq3A_1753 : i32 to vector<16xi32>
      %eq3A_1755 = arith.cmpi eq, %get3A_1752, %eq3A_1754 : vector<16xi32>
      %jit3A_1756 = arith.constant 1.000000e+00 : f32
      %broadcast_in_dim3A_1757 = vector.broadcast %jit3A_1756 : f32 to vector<16xf32>
      %select_n3A_1758 = arith.select %eq3A_1755, %get3A_1748, %broadcast_in_dim3A_1757 : vector<16xi1>, vector<16xf32>
      %min3A_1759 = arith.minimumf %select_n3A_1745, %select_n3A_1758 : vector<16xf32>
      %get3A_1760 = arith.constant 32 : index
      %get3A_1761 = tpu.vector_load %arg15[%get3A_1760] {strides = array<i32>} : memref<64xf32, #tpu.memory_space<vmem>>, vector<16xf32>,
      %get3A_1762 = vector.shape_cast %get3A_1761 : vector<16xf32> to vector<16xf32>
      %get3A_1763 = arith.index_cast %scan3A_58 : i32 to index
      %get3A_1764 = arith.constant 1224 : index
      %get3A_1765 = tpu.vector_load %arg12[%get3A_1763, %get3A_1764] {strides = array<i32>} : memref<2x1280xi32, #tpu.memory_space<vmem>>, vector<1x16xi32>,
      %get3A_1766 = vector.shape_cast %get3A_1765 : vector<1x16xi32> to vector<16xi32>
      %eq3A_1767 = arith.constant 0 : i32
      %eq3A_1768 = vector.broadcast %eq3A_1767 : i32 to vector<16xi32>
      %eq3A_1769 = arith.cmpi eq, %get3A_1766, %eq3A_1768 : vector<16xi32>
      %jit3A_1770 = arith.constant 1.000000e+00 : f32
      %broadcast_in_dim3A_1771 = vector.broadcast %jit3A_1770 : f32 to vector<16xf32>
      %select_n3A_1772 = arith.select %eq3A_1769, %get3A_1762, %broadcast_in_dim3A_1771 : vector<16xi1>, vector<16xf32>
      %min3A_1773 = arith.minimumf %min3A_1759, %select_n3A_1772 : vector<16xf32>
      %add3A_1774 = arith.constant 8 : i32
      %add3A_1775 = arith.addi %add3A_1774, %scan3A_58 : i32
      %swap3A_1776 = arith.constant 3 : i32
      %swap3A_1777 = arith.index_cast %add3A_1775 : i32 to index
      %swap3A_1778 = arith.index_cast %swap3A_1776 : i32 to index
      %swap3A_1779 = arith.constant 96 : index
      %swap3A_1780 = tpu.vector_load %arg13[%swap3A_1777, %swap3A_1778, %swap3A_1779] {strides = array<i32>} : memref<10x4x128xf32, #tpu.memory_space<vmem>>, vector<1x1x16xf32>,
      %swap3A_1781 = vector.shape_cast %swap3A_1780 : vector<1x1x16xf32> to vector<16xf32>
      %swap3A_1782 = vector.shape_cast %min3A_1773 : vector<16xf32> to vector<1x1x16xf32>
      tpu.vector_store %arg13[%swap3A_1777, %swap3A_1778, %swap3A_1779], %swap3A_1782 {strides = array<i32>} : memref<10x4x128xf32, #tpu.memory_space<vmem>>, vector<1x1x16xf32>,
      %get3A_1783 = arith.constant 8 : index
      %get3A_1784 = tpu.vector_load %arg15[%get3A_1783] {strides = array<i32>} : memref<64xf32, #tpu.memory_space<vmem>>, vector<16xf32>,
      %get3A_1785 = vector.shape_cast %get3A_1784 : vector<16xf32> to vector<16xf32>
      %get3A_1786 = arith.index_cast %scan3A_58 : i32 to index
      %get3A_1787 = arith.constant 1240 : index
      %get3A_1788 = tpu.vector_load %arg12[%get3A_1786, %get3A_1787] {strides = array<i32>} : memref<2x1280xi32, #tpu.memory_space<vmem>>, vector<1x16xi32>,
      %get3A_1789 = vector.shape_cast %get3A_1788 : vector<1x16xi32> to vector<16xi32>
      %eq3A_1790 = arith.constant 0 : i32
      %eq3A_1791 = vector.broadcast %eq3A_1790 : i32 to vector<16xi32>
      %eq3A_1792 = arith.cmpi eq, %get3A_1789, %eq3A_1791 : vector<16xi32>
      %jit3A_1793 = arith.constant 1.000000e+00 : f32
      %broadcast_in_dim3A_1794 = vector.broadcast %jit3A_1793 : f32 to vector<16xf32>
      %select_n3A_1795 = arith.select %eq3A_1792, %get3A_1785, %broadcast_in_dim3A_1794 : vector<16xi1>, vector<16xf32>
      %get3A_1796 = arith.constant 24 : index
      %get3A_1797 = tpu.vector_load %arg15[%get3A_1796] {strides = array<i32>} : memref<64xf32, #tpu.memory_space<vmem>>, vector<16xf32>,
      %get3A_1798 = vector.shape_cast %get3A_1797 : vector<16xf32> to vector<16xf32>
      %get3A_1799 = arith.index_cast %scan3A_58 : i32 to index
      %get3A_1800 = arith.constant 1256 : index
      %get3A_1801 = tpu.vector_load %arg12[%get3A_1799, %get3A_1800] {strides = array<i32>} : memref<2x1280xi32, #tpu.memory_space<vmem>>, vector<1x16xi32>,
      %get3A_1802 = vector.shape_cast %get3A_1801 : vector<1x16xi32> to vector<16xi32>
      %eq3A_1803 = arith.constant 0 : i32
      %eq3A_1804 = vector.broadcast %eq3A_1803 : i32 to vector<16xi32>
      %eq3A_1805 = arith.cmpi eq, %get3A_1802, %eq3A_1804 : vector<16xi32>
      %jit3A_1806 = arith.constant 1.000000e+00 : f32
      %broadcast_in_dim3A_1807 = vector.broadcast %jit3A_1806 : f32 to vector<16xf32>
      %select_n3A_1808 = arith.select %eq3A_1805, %get3A_1798, %broadcast_in_dim3A_1807 : vector<16xi1>, vector<16xf32>
      %min3A_1809 = arith.minimumf %select_n3A_1795, %select_n3A_1808 : vector<16xf32>
      %get3A_1810 = arith.constant 32 : index
      %get3A_1811 = tpu.vector_load %arg15[%get3A_1810] {strides = array<i32>} : memref<64xf32, #tpu.memory_space<vmem>>, vector<16xf32>,
      %get3A_1812 = vector.shape_cast %get3A_1811 : vector<16xf32> to vector<16xf32>
      %get3A_1813 = arith.index_cast %scan3A_58 : i32 to index
      %get3A_1814 = arith.constant 1264 : index
      %get3A_1815 = tpu.vector_load %arg12[%get3A_1813, %get3A_1814] {strides = array<i32>} : memref<2x1280xi32, #tpu.memory_space<vmem>>, vector<1x16xi32>,
      %get3A_1816 = vector.shape_cast %get3A_1815 : vector<1x16xi32> to vector<16xi32>
      %eq3A_1817 = arith.constant 0 : i32
      %eq3A_1818 = vector.broadcast %eq3A_1817 : i32 to vector<16xi32>
      %eq3A_1819 = arith.cmpi eq, %get3A_1816, %eq3A_1818 : vector<16xi32>
      %jit3A_1820 = arith.constant 1.000000e+00 : f32
      %broadcast_in_dim3A_1821 = vector.broadcast %jit3A_1820 : f32 to vector<16xf32>
      %select_n3A_1822 = arith.select %eq3A_1819, %get3A_1812, %broadcast_in_dim3A_1821 : vector<16xi1>, vector<16xf32>
      %min3A_1823 = arith.minimumf %min3A_1809, %select_n3A_1822 : vector<16xf32>
      %add3A_1824 = arith.constant 8 : i32
      %add3A_1825 = arith.addi %add3A_1824, %scan3A_58 : i32
      %swap3A_1826 = arith.constant 3 : i32
      %swap3A_1827 = arith.index_cast %add3A_1825 : i32 to index
      %swap3A_1828 = arith.index_cast %swap3A_1826 : i32 to index
      %swap3A_1829 = arith.constant 112 : index
      %swap3A_1830 = tpu.vector_load %arg13[%swap3A_1827, %swap3A_1828, %swap3A_1829] {strides = array<i32>} : memref<10x4x128xf32, #tpu.memory_space<vmem>>, vector<1x1x16xf32>,
      %swap3A_1831 = vector.shape_cast %swap3A_1830 : vector<1x1x16xf32> to vector<16xf32>
      %swap3A_1832 = vector.shape_cast %min3A_1823 : vector<16xf32> to vector<1x1x16xf32>
      tpu.vector_store %arg13[%swap3A_1827, %swap3A_1828, %swap3A_1829], %swap3A_1832 {strides = array<i32>} : memref<10x4x128xf32, #tpu.memory_space<vmem>>, vector<1x1x16xf32>,
    }
    %scan3A_57 = arith.constant 2 : i32
    "tpu.region"() ({
      %run_scoped3A = tpu.sem_alloc : memref<!tpu.dma_semaphore, #tpu.memory_space<semaphore_mem>>
      %dma_start3A_58 = arith.constant 0 : i32
      %dma_start3A_59 = arith.constant 0 : i32
      %dma_start3A_60 = arith.constant 0 : i32
      %dma_start3A_61 = tpu.memref_slice %arg6[%add3A, %dma_start3A_58, %dma_start3A_59, %dma_start3A_60] : memref<32x10x4x128xf32, #tpu.memory_space<hbm>> -> memref<1x10x4x128xf32, #tpu.memory_space<hbm>>
      %dma_start3A_62 = tpu.memref_squeeze %dma_start3A_61 : memref<1x10x4x128xf32, #tpu.memory_space<hbm>> -> memref<10x4x128xf32, #tpu.memory_space<hbm>>
      %dma_start3A_63 = arith.constant 0 : i32
      %dma_start3A_64 = arith.constant 0 : i32
      %dma_start3A_65 = arith.constant 0 : i32
      %dma_start3A_66 = tpu.memref_slice %arg6[%add3A, %dma_start3A_63, %dma_start3A_64, %dma_start3A_65] : memref<32x10x4x128xf32, #tpu.memory_space<hbm>> -> memref<1x10x4x128xf32, #tpu.memory_space<hbm>>
      %dma_start3A_67 = tpu.memref_squeeze %dma_start3A_66 : memref<1x10x4x128xf32, #tpu.memory_space<hbm>> -> memref<10x4x128xf32, #tpu.memory_space<hbm>>
      tpu.enqueue_dma source(%arg13 : memref<10x4x128xf32, #tpu.memory_space<vmem>>) target(%dma_start3A_67 : memref<10x4x128xf32, #tpu.memory_space<hbm>>) target_semaphore(%run_scoped3A : memref<!tpu.dma_semaphore, #tpu.memory_space<semaphore_mem>>)
      %dma_wait3A_68 = arith.constant 0 : i32
      %dma_wait3A_69 = arith.constant 0 : i32
      %dma_wait3A_70 = arith.constant 0 : i32
      %dma_wait3A_71 = tpu.memref_slice %arg6[%add3A, %dma_wait3A_68, %dma_wait3A_69, %dma_wait3A_70] : memref<32x10x4x128xf32, #tpu.memory_space<hbm>> -> memref<1x10x4x128xf32, #tpu.memory_space<hbm>>
      %dma_wait3A_72 = tpu.memref_squeeze %dma_wait3A_71 : memref<1x10x4x128xf32, #tpu.memory_space<hbm>> -> memref<10x4x128xf32, #tpu.memory_space<hbm>>
      %dma_wait3A_73 = arith.constant 0 : i32
      %dma_wait3A_74 = arith.constant 0 : i32
      %dma_wait3A_75 = arith.constant 0 : i32
      %dma_wait3A_76 = tpu.memref_slice %arg6[%add3A, %dma_wait3A_73, %dma_wait3A_74, %dma_wait3A_75] : memref<32x10x4x128xf32, #tpu.memory_space<hbm>> -> memref<1x10x4x128xf32, #tpu.memory_space<hbm>>
      %dma_wait3A_77 = tpu.memref_squeeze %dma_wait3A_76 : memref<1x10x4x128xf32, #tpu.memory_space<hbm>> -> memref<10x4x128xf32, #tpu.memory_space<hbm>>
      tpu.wait_dma2 semaphore(%run_scoped3A : memref<!tpu.dma_semaphore, #tpu.memory_space<semaphore_mem>>) src(%arg13 : memref<10x4x128xf32, #tpu.memory_space<vmem>>) dst(%dma_wait3A_77 : memref<10x4x128xf32, #tpu.memory_space<hbm>>)
      tpu.yield
    }) : () -> ()
    return
  }
}

module attributes {stable_mosaic.version = 14 : i64} {
  func.func @_finish_body(%arg0: memref<16x20x32x16xf32, #tpu.memory_space<vmem>>, %arg1: memref<16x128x32xf32, #tpu.memory_space<vmem>>, %arg2: memref<16x20x1xi32, #tpu.memory_space<vmem>>, %arg3: memref<16x1xi32, #tpu.memory_space<vmem>>, %arg4: memref<1x1xf32, #tpu.memory_space<vmem>>) attributes {dimension_semantics = [], scalar_prefetch = 0 : i64, scratch_operands = 0 : i64, tpu.core_type = #tpu.core_type<tc>} {
    %scan3A = arith.constant 0.000000e+00 : f32
    %scan3A_0 = arith.constant 0 : i32
    %scan3A_1 = arith.constant 16 : i32
    %scan3A_2 = arith.addi %scan3A_0, %scan3A_1 : i32
    %scan3A_3 = arith.constant 1 : i32
    %scan3A_4 = scf.for %scan3A_16 = %scan3A_0 to %scan3A_2 step %scan3A_3 iter_args(%scan3A_17 = %scan3A) -> (f32)  : i32 {
      %iota3A = tpu.iota {dimensions = array<i32: 1>} : vector<20x128xi32>
      %get3A = arith.index_cast %scan3A_16 : i32 to index
      %get3A_18 = arith.constant 0 : index
      %get3A_19 = arith.constant 0 : index
      %get3A_20 = vector.load %arg2[%get3A, %get3A_18, %get3A_19] : memref<16x20x1xi32, #tpu.memory_space<vmem>>, vector<1x20x1xi32>
      %get3A_21 = vector.shape_cast %get3A_20 : vector<1x20x1xi32> to vector<20x1xi32>
      %eq3A = vector.broadcast %get3A_21 : vector<20x1xi32> to vector<20x128xi32>
      %eq3A_22 = arith.cmpi eq, %iota3A, %eq3A : vector<20x128xi32>
      %convert_element_type3A_23 = arith.extui %eq3A_22 : vector<20x128xi1> to vector<20x128xi32>
      %convert_element_type3A_24 = arith.sitofp %convert_element_type3A_23 : vector<20x128xi32> to vector<20x128xf32>
      %get3A_25 = arith.index_cast %scan3A_16 : i32 to index
      %get3A_26 = arith.constant 0 : index
      %get3A_27 = arith.constant 0 : index
      %get3A_28 = vector.load %arg1[%get3A_25, %get3A_26, %get3A_27] : memref<16x128x32xf32, #tpu.memory_space<vmem>>, vector<1x128x32xf32>
      %get3A_29 = vector.shape_cast %get3A_28 : vector<1x128x32xf32> to vector<128x32xf32>
      %dot_general3A = arith.constant dense<0.000000e+00> : vector<20x32xf32>
      %dot_general3A_30 = tpu.matmul %convert_element_type3A_24, %get3A_29, %dot_general3A {dimension_numbers = #tpu.dot_dimension_numbers<[1], [0], [0], [1], [0, 0, 1, 1], [], []>, transpose_lhs_hint = false} : vector<20x128xf32>, vector<128x32xf32>, vector<20x32xf32> -> vector<20x32xf32>
      %get3A_31 = arith.index_cast %scan3A_16 : i32 to index
      %get3A_32 = arith.constant 0 : index
      %get3A_33 = arith.constant 0 : index
      %get3A_34 = arith.constant 0 : index
      %get3A_35 = vector.load %arg0[%get3A_31, %get3A_32, %get3A_33, %get3A_34] : memref<16x20x32x16xf32, #tpu.memory_space<vmem>>, vector<1x20x32x16xf32>
      %get3A_36 = vector.shape_cast %get3A_35 : vector<1x20x32x16xf32> to vector<20x32x16xf32>
      %reduce_min3A = arith.constant dense<0x7F800000> : vector<20x32xf32>
      %reduce_min3A_37 = vector.multi_reduction <minimumf>, %get3A_36, %reduce_min3A [2] : vector<20x32x16xf32> to vector<20x32xf32>
      %log3A = math.log %reduce_min3A_37 : vector<20x32xf32>
      %sub3A = arith.subf %dot_general3A_30, %log3A : vector<20x32xf32>
      %max3A_38 = arith.constant 0.000000e+00 : f32
      %max3A_39 = vector.broadcast %max3A_38 : f32 to vector<20x32xf32>
      %max3A_40 = arith.maximumf %sub3A, %max3A_39 : vector<20x32xf32>
      %iota3A_41 = tpu.iota {dimensions = array<i32: 0>} : vector<20x1xi32>
      %get3A_42 = arith.index_cast %scan3A_16 : i32 to index
      %get3A_43 = arith.constant 0 : index
      %get3A_44 = vector.load %arg3[%get3A_42, %get3A_43] : memref<16x1xi32, #tpu.memory_space<vmem>>, vector<1x1xi32>
      %get3A_45 = vector.shape_cast %get3A_44 : vector<1x1xi32> to vector<1xi32>
      %broadcast_in_dim3A_46 = vector.shape_cast %get3A_45 : vector<1xi32> to vector<1x1xi32>
      %lt3A = vector.broadcast %broadcast_in_dim3A_46 : vector<1x1xi32> to vector<20x1xi32>
      %lt3A_47 = arith.cmpi slt, %iota3A_41, %lt3A : vector<20x1xi32>
      %jit3A = arith.constant 0.000000e+00 : f32
      %broadcast_in_dim3A_48 = vector.shape_cast %lt3A_47 : vector<20x1xi1> to vector<20x1xi1>
      %broadcast_in_dim3A_49 = vector.broadcast %broadcast_in_dim3A_48 : vector<20x1xi1> to vector<20x32xi1>
      %broadcast_in_dim3A_50 = vector.broadcast %jit3A : f32 to vector<20x32xf32>
      %select_n3A = arith.select %broadcast_in_dim3A_49, %max3A_40, %broadcast_in_dim3A_50 : vector<20x32xi1>, vector<20x32xf32>
      %reduce_sum3A = vector.shape_cast %select_n3A : vector<20x32xf32> to vector<1x20x32xf32>
      %reduce_sum3A_51 = arith.constant dense<0.000000e+00> : vector<1xf32>
      %reduce_sum3A_52 = vector.multi_reduction <add>, %reduce_sum3A, %reduce_sum3A_51 [1, 2] : vector<1x20x32xf32> to vector<1xf32>
      %reduce_sum3A_53 = vector.shape_cast %reduce_sum3A_52 : vector<1xf32> to vector<1x1x1xf32>
      %reduce_sum3A_54 = vector.extract %reduce_sum3A_53[0, 0, 0] : f32 from vector<1x1x1xf32>
      %add3A = arith.addf %scan3A_17, %reduce_sum3A_54 : f32
      scf.yield %add3A : f32
    }
    %scan3A_5 = arith.constant 16 : i32
    %scan3A_6 = arith.constant 0 : i32
    %scan3A_7 = arith.constant 0 : i32
    %scan3A_8 = arith.constant 16 : i32
    %scan3A_9 = arith.addi %scan3A_7, %scan3A_8 : i32
    %scan3A_10 = arith.constant 1 : i32
    %scan3A_11 = scf.for %scan3A_16 = %scan3A_7 to %scan3A_9 step %scan3A_10 iter_args(%scan3A_17 = %scan3A_6) -> (i32)  : i32 {
      %get3A = arith.index_cast %scan3A_16 : i32 to index
      %get3A_18 = arith.constant 0 : index
      %get3A_19 = vector.load %arg3[%get3A, %get3A_18] : memref<16x1xi32, #tpu.memory_space<vmem>>, vector<1x1xi32>
      %get3A_20 = vector.extract %get3A_19[0, 0] : i32 from vector<1x1xi32>
      %add3A = arith.addi %scan3A_17, %get3A_20 : i32
      scf.yield %add3A : i32
    }
    %scan3A_12 = arith.constant 16 : i32
    %max3A = arith.constant 1 : i32
    %max3A_13 = arith.maxsi %scan3A_11, %max3A : i32
    %convert_element_type3A = arith.sitofp %max3A_13 : i32 to f32
    %div3A = arith.divf %scan3A_4, %convert_element_type3A : f32
    %broadcast_in_dim3A = vector.broadcast %div3A : f32 to vector<1x1xf32>
    %swap3A = arith.constant 0 : index
    %swap3A_14 = arith.constant 0 : index
    %swap3A_15 = vector.load %arg4[%swap3A, %swap3A_14] : memref<1x1xf32, #tpu.memory_space<vmem>>, vector<1x1xf32>
    tpu.vector_store %arg4[%swap3A, %swap3A_14], %broadcast_in_dim3A {strides = array<i32>} : memref<1x1xf32, #tpu.memory_space<vmem>>, vector<1x1xf32>,
    return
  }
}

</mosaic_0001>

<sc_bundles>
// kernel: _frame_role_loss.4.cloned.1.call-start
scs
__scs_entry_jumppad:
0x0: {  	(pc) =	sbr.rel $0x88, $3  }
0x1: {  	(tag) =	ssettag $0x0;
	lr =	simm.s32 $0x1  }
0x2: {  	[smem:$0x3F9B] =	sst lr;
	_ =	strace $0xD0000000  }
0x3: {  	_ = 	snop  }
0x4: {  	_ = 	snop  }
0x5: {  	_ = 	snop  }
0x6: {  	_ = 	snop  }
0x7: {  	_ = 	snop  }
__scs_overlays_trampoline_lowered:
0x8: {  	[smem:$0x3FAA] =	sst s0  }
0x9: {  	[smem:$0x3FAB] =	sst s1  }
0xa: {  	[smem:$0x3FAC] =	sst s2  }
0xb: {  	[smem:$0x3FAD] =	sst s3  }
0xc: {  	[smem:$0x3FAE] =	sst s4  }
0xd: {  	[smem:$0x3FAF] =	sst s5  }
0xe: {  	[smem:$0x3FB0] =	sst s6  }
0xf: {  	[smem:$0x3FB1] =	sst s7  }
0x10: {  	[smem:$0x3FB2] =	sst s8  }
0x11: {  	[smem:$0x3FB3] =	sst s9;
	s0 =	simm.s32 @!p0 $0x0  }
0x12: {  	s1 =	sld [smem:$0x3F99];
	s0 =	simm.s32 @p0 $0x1  }
0x13: {  	[smem:$0x3FB4] =	sst s0;
	s0 =	simm.s32 @!p1 $0x0  }
0x14: {  	s2 =	sld [smem:$0x3F98];
	s0 =	simm.s32 @p1 $0x1  }
0x15: {  	[smem:$0x3FB5] =	sst s0;
	s0 =	simm.s32 @!p2 $0x0  }
0x16: {  	s3 =	sld [smem:$0x3FDB];
	s0 =	simm.s32 @p2 $0x1  }
0x17: {  	s4 =	simm.s32 $0x1BF5;
	[smem:$0x3FB7] =	sst s0  }
0x18: {  	s0 =	sld [smem:$0x3F9A];
	_ =	swait.ge [sflag:s4], $0x0  }
0x19: {  	s7 =	sld [smem:$0x3F9B]  }
0x1a: {  	s8 =	sadd.s32 $0xFFFFE003, lr  }
0x1b: {  	s9 =	sadd.s32 $0xFFFFFEF7, lr;
	s5 =	simm.s32 $0xFFFFFFFF;
	p2 =	slt.u32 s8, $0xFFFFF086  }
0x1c: {  	p1 =	slt.u32 s9, $0xF7A;
	s5 =	simm.s32 @!p2 $0x0  }
0x1d: {  	s5 =	simm.s32 @p1 $0x1;
	p0 =	seq.s32 s7, s2  }
0x1e: {  	s7 =	smul.u32 @!p0 $0xF7A, s2;
	p2 =	seq.s32 @!p0 s5, $0x0  }
0x1f: {  	s9 =	smul.u32 $0xF7A, s1;
	s8 =	simm.s32 @!p0 $0x1BF5;
	p2 =	por !p2, p0  }
0x20: {  	[sflag:s8] =	ssyncset.s32 @!p0 $0xFFFFF086;
	s6 =	sadd.s32 @!p0 s3, s7;
	s7 =	simm.s32 @!p0 $0x108  }
0x21: {  	s3 =	sadd.s32 s3, s9;
	s6 =	sadd.s32 @!p0 $0x88, s6;
	s7 =	simm.s32 @p2 $0x1082  }
0x22: {  	[simem:s7], [sflag:s8] =	dma.local @!p0 [hbm:s6], $0xF7A  }
0x23: {  	s9 =	sor.u32 $0xD0000000, s2;
	s6 =	simm.s32 $0x108;
	_ =	swait.ge @!p0 [sflag:s8], $0x0  }
0x24: {  	s3 =	sadd.s32 $0x88, s3;
	s6 =	simm.s32 @!p1 $0x1082;
	[sflag:s4] =	ssyncset.s32 $0xFFFFF086  }
0x25: {  	[simem:s6], [sflag:s4] =	dma.local [hbm:s3], $0xF7A  }
0x26: {  	[smem:$0x3F9B] =	sst s1;
	(tag) =	ssettag s2;
	_ =	strace s9  }
0x27: {  	s1 =	sld [smem:$0x3FAB]  }
0x28: {  	s2 =	sld [smem:$0x3FAC]  }
0x29: {  	s4 =	sld [smem:$0x3FAE]  }
0x2a: {  	p0 =	seq.s32 s5, $0x0;
	s5 =	sld [smem:$0x3FAF]  }
0x2b: {  	s6 =	sld [smem:$0x3FB0]  }
0x2c: {  	s7 =	sld [smem:$0x3FB1]  }
0x2d: {  	s3 =	simm.s32 $0x108;
	s8 =	sld [smem:$0x3FB2]  }
0x2e: {  	s3 =	simm.s32 @!p0 $0x1082;
	s9 =	sld [smem:$0x3FB3]  }
0x2f: {  	lr =	sadd.s32 s0, s3;
	s0 =	sld [smem:$0x3FAA]  }
0x30: {  	s3 =	sld [smem:$0x3FAD]  }
0x31: {  	[smem:$0x3FB6] =	sst s10  }
0x32: {  	s10 =	sld [smem:$0x3FB4];
	_ =	sdelay $0x3  }
0x33: {  	p0 =	seq.s32 s10, $0x1;
	s10 =	sld [smem:$0x3FB6];
	_ =	sdelay $0x3  }
0x34: {  	[smem:$0x3FB6] =	sst s10  }
0x35: {  	s10 =	sld [smem:$0x3FB5];
	_ =	sdelay $0x3  }
0x36: {  	p1 =	seq.s32 s10, $0x1;
	s10 =	sld [smem:$0x3FB6];
	_ =	sdelay $0x3  }
0x37: {  	[smem:$0x3FB6] =	sst s10  }
0x38: {  	s10 =	sld [smem:$0x3FB7]  }
0x39: {  	_ = 	snop;
	(pc) =	sbr.ind lr, $3  }
0x3a: {  	_ = 	snop  }
0x3b: {  	_ = 	snop  }
0x3c: {  	p2 =	seq.s32 s10, $0x1;
	s10 =	sld [smem:$0x3FB6]  }
0x3d: {  	_ =	shalt  }
0x3e: {  	_ =	shalt  }
0x3f: {  	_ =	shalt  }
0x40: {  	_ =	shalt  }
0x41: {  	_ =	shalt  }
0x42: {  	_ =	shalt  }
0x43: {  	_ =	shalt  }
0x44: {  	_ =	shalt  }
0x45: {  	_ =	shalt  }
0x46: {  	_ =	shalt  }
0x47: {  	_ =	shalt  }
0x48: {  	_ =	shalt  }
0x49: {  	_ =	shalt  }
0x4a: {  	_ =	shalt  }
0x4b: {  	_ =	shalt  }
0x4c: {  	_ =	shalt  }
0x4d: {  	_ =	shalt  }
0x4e: {  	_ =	shalt  }
0x4f: {  	_ =	shalt  }
0x50: {  	_ =	shalt  }
0x51: {  	_ =	shalt  }
0x52: {  	_ =	shalt  }
0x53: {  	_ =	shalt  }
0x54: {  	_ =	shalt  }
0x55: {  	_ =	shalt  }
0x56: {  	_ =	shalt  }
0x57: {  	_ =	shalt  }
0x58: {  	_ =	shalt  }
0x59: {  	_ =	shalt  }
0x5a: {  	_ =	shalt  }
0x5b: {  	_ =	shalt  }
0x5c: {  	_ =	shalt  }
0x5d: {  	_ =	shalt  }
0x5e: {  	_ =	shalt  }
0x5f: {  	_ =	shalt  }
0x60: {  	_ =	shalt  }
0x61: {  	_ =	shalt  }
0x62: {  	_ =	shalt  }
0x63: {  	_ =	shalt  }
0x64: {  	_ =	shalt  }
0x65: {  	_ =	shalt  }
0x66: {  	_ =	shalt  }
0x67: {  	_ =	shalt  }
0x68: {  	_ =	shalt  }
0x69: {  	_ =	shalt  }
0x6a: {  	_ =	shalt  }
0x6b: {  	_ =	shalt  }
0x6c: {  	_ =	shalt  }
0x6d: {  	_ =	shalt  }
0x6e: {  	_ =	shalt  }
0x6f: {  	_ =	shalt  }
0x70: {  	_ =	shalt  }
0x71: {  	_ =	shalt  }
0x72: {  	_ =	shalt  }
0x73: {  	_ =	shalt  }
0x74: {  	_ =	shalt  }
0x75: {  	_ =	shalt  }
0x76: {  	_ =	shalt  }
0x77: {  	_ =	shalt  }
0x78: {  	_ =	shalt  }
0x79: {  	_ =	shalt  }
0x7a: {  	_ =	shalt  }
0x7b: {  	_ =	shalt  }
0x7c: {  	_ =	shalt  }
0x7d: {  	_ =	shalt  }
0x7e: {  	_ =	shalt  }
0x7f: {  	_ =	shalt  }
0x80: {  	_ =	shalt  }
0x81: {  	_ =	shalt  }
0x82: {  	_ =	shalt  }
0x83: {  	_ =	shalt  }
0x84: {  	_ =	shalt  }
0x85: {  	_ =	shalt  }
0x86: {  	_ =	shalt  }
0x87: {  	_ =	shalt  }
.Lfunc_end0:
.L_simem_size_0:
called_computation.1_lowered:
.L_overlay_start_0:
0x88: {  	s2 =	sld [smem:$0x3FD9]  }
0x89: {  	s3 =	sld [smem:$0x3FFE];
	_ =	sdelay $0x1  }
0x8a: {  	s1 =	srdreg.scid  }
0x8b: {  	s0 =	sand.u32 $0x1, s1  }
0x8c: {  	s16 =	sshll.u32 s0, $0xA;
	s2 =	sadd.s32 s3, s2  }
0x8d: {  	s2 =	sadd.s32 s2, s16  }
0x8e: {  	[smem:$0x3FC2] =	sst s2  }
0x8f: {  	_ = 	snop  }
0x90: {  	(tm) =	ssettm $0x1  }
0x91: {  	s17 =	sld [smem:$0x3FFB];
	_ =	sdelay $0x3  }
0x92: {  	_ =	strace s17  }
0x93: {  	s2 =	sld [smem:$0x3FFC];
	_ =	sdelay $0x3  }
0x94: {  	_ =	strace s2  }
0x95: {  	s2 =	sld [smem:$0x3FFD];
	_ =	sdelay $0x3  }
0x96: {  	_ =	strace s2  }
0x97: {  	_ =	strace $0x8FFFFFFF  }
0x98: {  	s18 =	sld [smem:$0x3FDB];
	_ =	sdelay $0x1  }
0x99: {  	s19 =	simm.s32 $_scs_section_size  }
0x9a: {  	s4 =	simm.s32 $_size__tile_overlayer_lowered;
	s5 =	simm.s32 $_tile_overlayer_lowered  }
0x9b: {  	s22 =	simm.s32 $0x1BFF;
	s21 =	sshll.u32 s5, $0x1;
	s2 =	sadd.s32 s19, s18  }
0x9c: {  	s6 =	simm.s32 $0x0;
	s20 =	sshll.u32 s4, $0x1;
	s4 =	sadd.s32 s21, s2  }
0x9d: {  	[timem:s6], [sflag:s22] =	dma.local [hbm:s4], s20  }
0x9e: {  	_ =	swait.ge [sflag:s22], s20  }
0x9f: {  	s3 =	ssub.s32 $0x0, s20;
	[sflag:s22] =	ssyncset.done $0x0  }
0xa0: {  	[sflag:s22] =	ssyncadd.s32 s3;
	_ =	sdelay $0x1  }
0xa1: {  	s23 =	simm.s32 $0x1B8B  }
0xa2: {  	_ =	swait.ge [sflag:s23], $0x1  }
0xa3: {  	[sflag:s23] =	ssyncset.done $0x0  }
0xa4: {  	s25 =	simm.s32 $0x1B8E;
	s24 =	sld [smem:$0x3FFE];
	[sflag:s23] =	ssyncadd.s32 $0xFFFFFFFF  }
0xa5: {  	s26 =	simm.s32 $execute0_lowered;
	[smem:$0x3FD2] =	sst s25  }
0xa6: {  	s4 =	sshll.u32 s26, $0x1;
	_ =	strace $0x80000049;
	[dreg:$0x1] =	wrdreg $0xFFFFFFFF  }
0xa7: {  	s28 =	simm.s32 $_size_execute0_lowered;
	s2 =	sadd.s32 s2, s4;
	[dreg:$0x0] =	wrdreg $0x0  }
0xa8: {  	s4 =	sshll.u32 s28, $0x1;
	[dreg:$0x2] =	wrdreg s2  }
0xa9: {  	[dreg:$0x3] =	wrdreg s4  }
0xaa: {  	[dreg:$0x4] =	wrdreg $0xC0  }
0xab: {  	_ =	task [dreg:s6], $0x5FFFF  }
0xac: {  	[dreg:$0x1] =	wrdreg $0xFFFFFFFF  }
0xad: {  	[dreg:$0x0] =	wrdreg $0x60  }
0xae: {  	[dreg:$0x2] =	wrdreg s24  }
0xaf: {  	[dreg:$0x3] =	wrdreg $0x9  }
0xb0: {  	_ =	task.clear_ibuf [dreg:s6], $0x4FFFF;
	_ =	strace $0x90000049  }
0xb1: {  	s29 =	simm.s32 $0x9;
	_ =	strace $0x8000004B  }
0xb2: {  	_ =	swait.ge [sflag:s29], $0x1  }
0xb3: {  	[sflag:s29] =	ssyncadd.s32 $0xFFFFFFFF  }
0xb4: {  	_ =	strace $0x9000004B  }
0xb5: {  	_ =	sfence  }
0xb6: {  	s30 =	sld [smem:$0x0];
	_ =	sdelay $0x2  }
0xb7: {  	s31 =	sshll.u32 s1, $0xD;
	s1 =	sshrl.u32 s1, $0x2  }
0xb8: {  	s3 =	sand.u32 $0x4000, s31;
	s1 =	sadd.s32 s1, s30  }
0xb9: {  	s0 =	sor.u32 s3, s0;
	s1 =	sshll.u32 s1, $0x11  }
0xba: {  	s0 =	sor.u32 s1, s0  }
0xbb: {  	s0 =	sadd.s32 $0x8F2B, s0  }
0xbc: {  	[sflag:s0] =	ssyncadd.remote.s32 $0x1  }
0xbd: {  	_ =	sfence.sel $0xFFFF  }
0xbe: {  	[dreg:$0x0] =	wrdreg $0xFFFFFFFF;
	(pc) =	sbr.abs _section_cstart, $3  }
0xbf: {  	[dreg:$0x1] =	wrdreg $0xFFFFFFFF  }
0xc0: {  	_ =	task.clear_ibuf [dreg:s6], $0x2FFFF;
	_ =	strace $0x9FFFFFFF  }
0xc1: {  	(tm) =	ssettm $0x7FFFFFFF  }
tec
execute0_lowered:
.L_overlay_start_1:
0x0: {  	(tag) =	ssettag $0x1  }
0x1: {  	s0 =	rddreg [dreg:$0x0];
	s2 =	simm.s32 $0x0  }
0x2: {  	[smem:$0x7FF] =	sst s2;
	s7 =	sadd.s32 $0x346600, s0  }
0x3: {  	s10 =	sadd.s32 $0x346800, s0;
	_ =	strace $0x8000004A;
	[dreg:$0x2] =	wrdreg s7  }
0x4: {  	s12 =	sadd.s32 $0x3100, s0;
	[dreg:$0x3] =	wrdreg s10  }
0x5: {  	s13 =	sadd.s32 $0x3200, s0;
	[dreg:$0x4] =	wrdreg s12  }
0x6: {  	s14 =	sadd.s32 $0x3500, s0;
	[dreg:$0x5] =	wrdreg s13  }
0x7: {  	s15 =	sadd.s32 $0x3600, s0;
	[dreg:$0x6] =	wrdreg s14  }
0x8: {  	s16 =	sadd.s32 $0x3700, s0;
	[dreg:$0x7] =	wrdreg s15  }
0x9: {  	s1 =	srdreg.scid;
	s17 =	sadd.s32 $0x3900, s0;
	[dreg:$0x8] =	wrdreg s16  }
0xa: {  	s3 =	stileid.u32;
	s18 =	sadd.s32 $0x3A00, s0;
	[dreg:$0x9] =	wrdreg s17  }
0xb: {  	s9 =	simm.s32 $0x3;
	s19 =	sadd.s32 $0x3B00, s0;
	[dreg:$0xa] =	wrdreg s18  }
0xc: {  	s1 =	sand.u32 $0x1, s1;
	s20 =	sadd.s32 $0x3D00, s0;
	[dreg:$0xb] =	wrdreg s19  }
0xd: {  	s4 =	sshll.u32 s3, $0x1;
	s21 =	sadd.s32 $0x3E00, s0;
	[dreg:$0xc] =	wrdreg s20  }
0xe: {  	s3 =	sadd.s32 $0x3000, s0;
	s22 =	sadd.s32 $0x3F00, s0;
	[dreg:$0xd] =	wrdreg s21  }
0xf: {  	s23 =	sadd.s32 $0x4100, s0;
	s24 =	sadd.s32 $0x4200, s0;
	[dreg:$0xe] =	wrdreg s22  }
0x10: {  	s25 =	sadd.s32 $0x283100, s0;
	s26 =	sadd.s32 $0x3300, s0;
	[dreg:$0xf] =	wrdreg s23  }
0x11: {  	s28 =	sadd.s32 $0x283200, s0;
	s29 =	sadd.s32 $0x283300, s0;
	[dreg:$0x10] =	wrdreg s24  }
0x12: {  	s30 =	sadd.s32 $0x4300, s0;
	s31 =	sadd.s32 $0x283400, s0;
	[dreg:$0x11] =	wrdreg s25  }
0x13: {  	s5 =	sor.u32 s1, s4;
	s4 =	sadd.s32 $0x283000, s0;
	[dreg:$0x12] =	wrdreg s26  }
0x14: {  	v0 =	vimm.s32 $0xFEDCBA98;
	s1 =	ssub.s32 $0x2, s1;
	s10 =	sadd.s32 $0x3400, s0;
	[dreg:$0x13] =	wrdreg s28  }
0x15: {  	v3 =	vlaneseq.u32;
	v1 =	vimm.s32 $0x76543210;
	v2 =	vunpack.c.l.s4.s8 v0;
	s14 =	sadd.s32 $0x3800, s0;
	s18 =	sadd.s32 $0x3C00, s0;
	[dreg:$0x14] =	wrdreg s29  }
0x16: {  	vm0 =	vmmov $0xffff;
	v4 =	vshrl.u32 v3, $0x3;
	v5 =	vunpack.c.l.s4.s8 v1;
	s22 =	sadd.s32 $0x4000, s0;
	[dreg:$0x15] =	wrdreg s30;
	s12 =	simm.s32 $0x2  }
0x17: {  	vm1 =	vmmov $0xf;
	v1 =	vmul.u32 $0x8, v4;
	s6 =	smul.u32 $0x280, s5;
	s11 =	sshrl.u32 s1, $0x1;
	s7 =	sshll.u32 s5, $0x7;
	v4 =	vunpack.c.0.s8.s32 v2  }
0x18: {  	vm2 =	vmmov $0xff;
	v0 =	vand.u32 $0x7, v3;
	s13 =	simm.s32 $0x0;
	v5 =	vunpack.c.0.s8.s32 v5;
	s1 =	ssub.s32 s1, s11;
	s5 =	sor.u32 $0x8, s7  }
0x19: {  	v2 =	vand.u32 $0x1, v3;
	v3 =	vshrl.u32 v3, $0x1;
	s8 =	sor.u32 $0x1008, s7;
	s11 =	simm.s32 $0x1;
	s6 =	sadd.s32 s6, s0;
	v6 =	vand.u32 $0xF, v4  }
0x1a: {  	v3 =	vmul.u32 $0x8, v3;
	s1 =	smax.u32 s1, $0x1;
	v4 =	vimm.f32 $1.000000000e+00;
	s0 =	sadd.s32 $0x143000, s6;
	s6 =	sor.u32 $0x1000, s7;
	v5 =	vcombine.low v6, v5  }
.LBB2_1:
0x1b: {  	s15 =	rddreg [dreg:$0x2]  }
0x1c: {  	[tilespmem:s2], [sflag:$0x3] =	stream.linear.gather [hbm4b:s15+s2], $0x1000, $0x38;
	[tilespmem:$0x12F00] =	vst v63  }
0x1d: {  	_ =	swait.ge [sflag:s9], $0x1000  }
0x1e: {  	[sflag:s9] =	ssyncset.done $0x0  }
0x1f: {  	s16 =	simm.s32 $0x1000;
	s26 =	rddreg [dreg:$0x3];
	[sflag:s9] =	ssyncadd.s32 $0xFFFFF000  }
0x20: {  	[tilespmem:s16], [sflag:$0x3] =	stream.linear.gather [hbm4b:s26+s2], $0x1000, $0x38;
	[tilespmem:$0x12F00] =	vst v63  }
0x21: {  	_ =	swait.ge [sflag:s9], $0x1000  }
0x22: {  	[sflag:s9] =	ssyncset.done $0x0  }
0x23: {  	[sflag:s9] =	ssyncadd.s32 $0xFFFFF000  }
0x24: {  	v6 =	vld.msk [tilespmem:s7+$0x0], $0xff;
	_ =	sdelay $0x4  }
0x25: {  	v7 =	vshrl.u32 v6, $0x3  }
0x26: {  	v7 =	vmul.u32 $0x140, v7  }
0x27: {  	v6 =	vand.u32 $0x7, v6  }
0x28: {  	v6 =	vor.u32 v6, v7  }
0x29: {  	v6 =	vperm.xlane v6, v0;
	_ =	sdelay $0x1  }
0x2a: {  	v6 =	vadd.s32 v1, v6;
	_ =	sdelay $0x3  }
0x2b: {  	s28 =	simm.s32 $0x2000  }
0x2c: {  	[tilespmem:s28], [sflag:$0x1] =	stream.indirect_vreg.gather [hbm4b:s3+s2], $0x80, v6, vm0, $0xb8;
	[tilespmem:$0x12F00] =	vst v63  }
0x2d: {  	s30 =	simm.s32 $0x2800;
	s29 =	rddreg [dreg:$0x4]  }
0x2e: {  	[tilespmem:s30], [sflag:$0x1] =	stream.indirect_vreg.gather [hbm4b:s29+s2], $0x80, v6, vm0, $0xb8;
	[tilespmem:$0x12F00] =	vst v63  }
0x2f: {  	s19 =	simm.s32 $0x3000;
	s17 =	rddreg [dreg:$0x5]  }
0x30: {  	[tilespmem:s19], [sflag:$0x1] =	stream.indirect_vreg.gather [hbm4b:s17+s2], $0x80, v6, vm0, $0xb8;
	[tilespmem:$0x12F00] =	vst v63  }
0x31: {  	s21 =	simm.s32 $0x3800;
	s20 =	rddreg [dreg:$0x12]  }
0x32: {  	[tilespmem:s21], [sflag:$0x1] =	stream.indirect_vreg.gather [hbm4b:s20+s2], $0x80, v6, vm0, $0xb8;
	[tilespmem:$0x12F00] =	vst v63  }
0x33: {  	s23 =	simm.s32 $0x4000  }
0x34: {  	[tilespmem:s23], [sflag:$0x1] =	stream.indirect_vreg.gather [hbm4b:s10+s2], $0x80, v6, vm0, $0xb8;
	[tilespmem:$0x12F00] =	vst v63  }
0x35: {  	s25 =	simm.s32 $0x4800;
	s24 =	rddreg [dreg:$0x6]  }
0x36: {  	[tilespmem:s25], [sflag:$0x1] =	stream.indirect_vreg.gather [hbm4b:s24+s2], $0x80, v6, vm0, $0xb8;
	[tilespmem:$0x12F00] =	vst v63  }
0x37: {  	s26 =	rddreg [dreg:$0x7];
	s28 =	simm.s32 $0x5000  }
0x38: {  	[tilespmem:s28], [sflag:$0x1] =	stream.indirect_vreg.gather [hbm4b:s26+s2], $0x80, v6, vm0, $0xb8;
	[tilespmem:$0x12F00] =	vst v63  }
0x39: {  	s29 =	rddreg [dreg:$0x8];
	s30 =	simm.s32 $0x5800  }
0x3a: {  	[tilespmem:s30], [sflag:$0x1] =	stream.indirect_vreg.gather [hbm4b:s29+s2], $0x80, v6, vm0, $0xb8;
	[tilespmem:$0x12F00] =	vst v63  }
0x3b: {  	s16 =	simm.s32 $0x6000  }
0x3c: {  	[tilespmem:s16], [sflag:$0x1] =	stream.indirect_vreg.gather [hbm4b:s14+s2], $0x80, v6, vm0, $0xb8;
	[tilespmem:$0x12F00] =	vst v63  }
0x3d: {  	s17 =	rddreg [dreg:$0x9];
	s19 =	simm.s32 $0x6800  }
0x3e: {  	[tilespmem:s19], [sflag:$0x1] =	stream.indirect_vreg.gather [hbm4b:s17+s2], $0x80, v6, vm0, $0xb8;
	[tilespmem:$0x12F00] =	vst v63  }
0x3f: {  	s20 =	rddreg [dreg:$0xa];
	s21 =	simm.s32 $0x7000  }
0x40: {  	[tilespmem:s21], [sflag:$0x1] =	stream.indirect_vreg.gather [hbm4b:s20+s2], $0x80, v6, vm0, $0xb8;
	[tilespmem:$0x12F00] =	vst v63  }
0x41: {  	s23 =	rddreg [dreg:$0xb];
	s24 =	simm.s32 $0x7800  }
0x42: {  	[tilespmem:s24], [sflag:$0x1] =	stream.indirect_vreg.gather [hbm4b:s23+s2], $0x80, v6, vm0, $0xb8;
	[tilespmem:$0x12F00] =	vst v63  }
0x43: {  	s25 =	simm.s32 $0x8000  }
0x44: {  	[tilespmem:s25], [sflag:$0x1] =	stream.indirect_vreg.gather [hbm4b:s18+s2], $0x80, v6, vm0, $0xb8;
	[tilespmem:$0x12F00] =	vst v63  }
0x45: {  	s26 =	rddreg [dreg:$0xc];
	s28 =	simm.s32 $0x8800  }
0x46: {  	[tilespmem:s28], [sflag:$0x1] =	stream.indirect_vreg.gather [hbm4b:s26+s2], $0x80, v6, vm0, $0xb8;
	[tilespmem:$0x12F00] =	vst v63  }
0x47: {  	s29 =	rddreg [dreg:$0xd];
	s30 =	simm.s32 $0x9000  }
0x48: {  	[tilespmem:s30], [sflag:$0x1] =	stream.indirect_vreg.gather [hbm4b:s29+s2], $0x80, v6, vm0, $0xb8;
	[tilespmem:$0x12F00] =	vst v63  }
0x49: {  	s16 =	rddreg [dreg:$0xe];
	s17 =	simm.s32 $0x9800  }
0x4a: {  	[tilespmem:s17], [sflag:$0x1] =	stream.indirect_vreg.gather [hbm4b:s16+s2], $0x80, v6, vm0, $0xb8;
	[tilespmem:$0x12F00] =	vst v63  }
0x4b: {  	s19 =	simm.s32 $0xA000  }
0x4c: {  	[tilespmem:s19], [sflag:$0x1] =	stream.indirect_vreg.gather [hbm4b:s22+s2], $0x80, v6, vm0, $0xb8;
	[tilespmem:$0x12F00] =	vst v63  }
0x4d: {  	s20 =	rddreg [dreg:$0xf];
	s21 =	simm.s32 $0xA800  }
0x4e: {  	[tilespmem:s21], [sflag:$0x1] =	stream.indirect_vreg.gather [hbm4b:s20+s2], $0x80, v6, vm0, $0xb8;
	[tilespmem:$0x12F00] =	vst v63  }
0x4f: {  	s23 =	rddreg [dreg:$0x10];
	s24 =	simm.s32 $0xB000  }
0x50: {  	[tilespmem:s24], [sflag:$0x1] =	stream.indirect_vreg.gather [hbm4b:s23+s2], $0x80, v6, vm0, $0xb8;
	[tilespmem:$0x12F00] =	vst v63  }
0x51: {  	s25 =	rddreg [dreg:$0x15];
	s26 =	simm.s32 $0xB800  }
0x52: {  	[tilespmem:s26], [sflag:$0x1] =	stream.indirect_vreg.gather [hbm4b:s25+s2], $0x80, v6, vm0, $0xb8;
	[tilespmem:$0x12F00] =	vst v63  }
0x53: {  	v6 =	vld.msk [tilespmem:s5+$0x0], $0x3;
	_ =	sdelay $0x4  }
0x54: {  	v7 =	vshrl.u32 v6, $0x3  }
0x55: {  	v7 =	vmul.u32 $0x140, v7  }
0x56: {  	v6 =	vand.u32 $0x7, v6  }
0x57: {  	v6 =	vor.u32 v6, v7  }
0x58: {  	v6 =	vperm.xlane v6, v2;
	_ =	sdelay $0x1  }
0x59: {  	v6 =	vadd.s32 v3, v6;
	_ =	sdelay $0x3  }
0x5a: {  	s28 =	simm.s32 $0xC000  }
0x5b: {  	[tilespmem:s28], [sflag:$0x1] =	stream.indirect_vreg.gather [hbm4b:s3+s2], $0x80, v6, vm0, $0xb8;
	[tilespmem:$0x12F00] =	vst v63  }
0x5c: {  	s29 =	simm.s32 $0xC800  }
0x5d: {  	[tilespmem:s29], [sflag:$0x1] =	stream.indirect_vreg.gather [hbm4b:s10+s2], $0x80, v6, vm0, $0xb8;
	[tilespmem:$0x12F00] =	vst v63  }
0x5e: {  	s30 =	simm.s32 $0xD000  }
0x5f: {  	[tilespmem:s30], [sflag:$0x1] =	stream.indirect_vreg.gather [hbm4b:s14+s2], $0x80, v6, vm0, $0xb8;
	[tilespmem:$0x12F00] =	vst v63  }
0x60: {  	s16 =	simm.s32 $0xD800  }
0x61: {  	[tilespmem:s16], [sflag:$0x1] =	stream.indirect_vreg.gather [hbm4b:s18+s2], $0x80, v6, vm0, $0xb8;
	[tilespmem:$0x12F00] =	vst v63  }
0x62: {  	s17 =	simm.s32 $0xE000  }
0x63: {  	[tilespmem:s17], [sflag:$0x1] =	stream.indirect_vreg.gather [hbm4b:s22+s2], $0x80, v6, vm0, $0xb8;
	[tilespmem:$0x12F00] =	vst v63  }
0x64: {  	v6 =	vld.msk [tilespmem:s6+$0x0], $0xff;
	_ =	sdelay $0x4  }
0x65: {  	v7 =	vshrl.u32 v6, $0x3  }
0x66: {  	v7 =	vmul.u32 $0x50, v7  }
0x67: {  	v6 =	vand.u32 $0x7, v6  }
0x68: {  	v6 =	vor.u32 v6, v7  }
0x69: {  	v6 =	vperm.xlane v6, v0;
	_ =	sdelay $0x1  }
0x6a: {  	v6 =	vadd.s32 v1, v6;
	_ =	sdelay $0x3  }
0x6b: {  	s19 =	simm.s32 $0xE800  }
0x6c: {  	[tilespmem:s19], [sflag:$0x2] =	stream.indirect_vreg.gather [hbm4b:s4+s2], $0x80, v6, vm0, $0xb8;
	[tilespmem:$0x12F00] =	vst v63  }
0x6d: {  	s20 =	rddreg [dreg:$0x11];
	s21 =	simm.s32 $0xF000  }
0x6e: {  	[tilespmem:s21], [sflag:$0x2] =	stream.indirect_vreg.gather [hbm4b:s20+s2], $0x80, v6, vm0, $0xb8;
	[tilespmem:$0x12F00] =	vst v63  }
0x6f: {  	s23 =	rddreg [dreg:$0x13];
	s24 =	simm.s32 $0xF800  }
0x70: {  	[tilespmem:s24], [sflag:$0x2] =	stream.indirect_vreg.gather [hbm4b:s23+s2], $0x80, v6, vm0, $0xb8;
	[tilespmem:$0x12F00] =	vst v63  }
0x71: {  	s25 =	rddreg [dreg:$0x14];
	s26 =	simm.s32 $0x10000  }
0x72: {  	[tilespmem:s26], [sflag:$0x2] =	stream.indirect_vreg.gather [hbm4b:s25+s2], $0x80, v6, vm0, $0xb8;
	[tilespmem:$0x12F00] =	vst v63  }
0x73: {  	s28 =	simm.s32 $0x10800  }
0x74: {  	[tilespmem:s28], [sflag:$0x2] =	stream.indirect_vreg.gather [hbm4b:s31+s2], $0x80, v6, vm0, $0xb8;
	[tilespmem:$0x12F00] =	vst v63  }
0x75: {  	v6 =	vld.msk [tilespmem:s8+$0x0], $0x3;
	_ =	sdelay $0x4  }
0x76: {  	v7 =	vshrl.u32 v6, $0x3  }
0x77: {  	v7 =	vmul.u32 $0x50, v7  }
0x78: {  	v6 =	vand.u32 $0x7, v6  }
0x79: {  	v6 =	vor.u32 v6, v7  }
0x7a: {  	v6 =	vperm.xlane v6, v2;
	_ =	sdelay $0x1  }
0x7b: {  	v6 =	vadd.s32 v3, v6;
	_ =	sdelay $0x3  }
0x7c: {  	s29 =	simm.s32 $0x11000  }
0x7d: {  	[tilespmem:s29], [sflag:$0x2] =	stream.indirect_vreg.gather [hbm4b:s4+s2], $0x80, v6, vm0, $0xb8;
	[tilespmem:$0x12F00] =	vst v63  }
0x7e: {  	s30 =	simm.s32 $0x11800  }
0x7f: {  	[tilespmem:s30], [sflag:$0x2] =	stream.indirect_vreg.gather [hbm4b:s31+s2], $0x80, v6, vm1, $0xb8;
	[tilespmem:$0x12F00] =	vst v63  }
0x80: {  	_ =	swait.ge [sflag:s11], $0xA000  }
0x81: {  	[sflag:s11] =	ssyncset.done $0x0  }
0x82: {  	[sflag:s11] =	ssyncadd.s32 $0xFFFF6000  }
0x83: {  	_ =	swait.ge [sflag:s11], $0x2800  }
0x84: {  	[sflag:s11] =	ssyncset.done $0x0  }
0x85: {  	[sflag:s11] =	ssyncadd.s32 $0xFFFFD800  }
0x86: {  	_ =	swait.ge [sflag:s12], $0x2800  }
0x87: {  	[sflag:s12] =	ssyncset.done $0x0  }
0x88: {  	[sflag:s12] =	ssyncadd.s32 $0xFFFFD800  }
0x89: {  	_ =	swait.ge [sflag:s12], $0xA00  }
0x8a: {  	[sflag:s12] =	ssyncset.done $0x0  }
0x8b: {  	s15 =	simm.s32 $0x0;
	[sflag:s12] =	ssyncadd.s32 $0xFFFFF600  }
.LBB2_2:
0x8c: {  	s16 =	sshll.u32 s15, $0x7  }
0x8d: {  	s17 =	simm.s32 $0x0;
	s20 =	simm.s32 $0x80;
	s21 =	simm.s32 $0x100  }
0x8e: {  	s23 =	simm.s32 $0x180;
	s24 =	simm.s32 $0x40;
	s25 =	simm.s32 $0x200;
	v6 =	vmov s16  }
0x8f: {  	s26 =	simm.s32 $0x10;
	s28 =	simm.s32 $0x20;
	s29 =	simm.s32 $0x280  }
0x90: {  	s30 =	simm.s32 $0x30;
	s19 =	sand.u32 $0xFC00, s17;
	s20 =	sand.u32 $0x1FC00, s20  }
0x91: {  	s21 =	sand.u32 $0x1FC00, s21;
	s24 =	sand.u32 $0x70, s24;
	s25 =	sand.u32 $0x1FC00, s25  }
0x92: {  	s23 =	sand.u32 $0x1FC00, s23;
	s26 =	sand.u32 $0x70, s26;
	s24 =	sor.u32 s24, s25  }
0x93: {  	s28 =	sand.u32 $0x70, s28;
	s17 =	sand.u32 $0x70, s17;
	s20 =	sor.u32 s26, s20;
	v8 =	vld.idx.msk [tilespmem:v6+s24+$0x2000 ss:$0x1], $0xffff  }
0x94: {  	s26 =	sor.u32 s17, s19;
	s21 =	sor.u32 s28, s21;
	s17 =	sand.u32 $0xFC00, s29  }
0x95: {  	s28 =	simm.s32 $0x300;
	s29 =	simm.s32 $0x380;
	s19 =	simm.s32 $0x50;
	v10 =	vld.idx.msk [tilespmem:v6+s20+$0x2000 ss:$0x1], $0xffff  }
0x96: {  	s25 =	simm.s32 $0x480;
	s24 =	sand.u32 $0x70, s30;
	v14 =	vld.idx.msk [tilespmem:v6+s21+$0x2000 ss:$0x1], $0xffff;
	s20 =	sand.u32 $0x1FC00, s28  }
0x97: {  	v7 =	vimm.f32 $-3.000000010e+38;
	v13 =	vimm.f32 $-3.000000010e+38;
	s30 =	simm.s32 $0x400;
	v11 =	vld.idx.msk [tilespmem:v6+s26+$0x2000 ss:$0x1], $0xffff;
	s26 =	simm.s32 $0x90;
	s24 =	sor.u32 s24, s23  }
0x98: {  	v12 =	vimm.f32 $-3.000000010e+38;
	s23 =	sand.u32 $0x1FC00, s29;
	s21 =	sand.u32 $0x1FC00, s30;
	v15 =	vld.idx.msk [tilespmem:v6+s24+$0x2000 ss:$0x1], $0xffff;
	s24 =	simm.s32 $0x500;
	v9 =	vmax.f32 v7, v8;
	v8 =	vimm.f32 $-3.000000010e+38  }
.LBB2_3:
0x99: {  	p0 =	sne.s32 s24, $0x9D80  }
0x9a: {  	s26 =	sand.u32 $0x70, s26;
	s25 =	sand.u32 $0x1FC00, s25;
	s28 =	sadd.s32 $0x10, s19  }
0x9b: {  	s29 =	sadd.s32 $0x20, s19;
	v7 =	vmax.f32 v7, v10;
	s25 =	sor.u32 s26, s25;
	s26 =	sand.u32 $0x70, s28  }
0x9c: {  	s28 =	sand.u32 $0x70, s29;
	s29 =	sadd.s32 $0x30, s19;
	v13 =	vmax.f32 v13, v14;
	v16 =	vld.idx.msk [tilespmem:v6+s25+$0x2000 ss:$0x1], $0xffff;
	s25 =	sand.u32 $0x70, s19  }
0x9d: {  	s20 =	sor.u32 s26, s20;
	s26 =	sand.u32 $0x70, s29;
	v12 =	vmax.f32 v12, v15;
	s25 =	sor.u32 s25, s17  }
.Ltmp0:
0x9e: {  	s21 =	sor.u32 s26, s21;
	v8 =	vmax.f32 v8, v11;
	v10 =	vld.idx.msk [tilespmem:v6+s20+$0x2000 ss:$0x1], $0xffff;
	s20 =	sor.u32 s28, s23;
	(pc) =	sbr.rel @p0 .LBB2_3-.Ltmp0, $4  }
0x9f: {  	s17 =	sand.u32 $0xFC00, s24;
	s23 =	sadd.s32 $0x80, s24;
	v14 =	vld.idx.msk [tilespmem:v6+s20+$0x2000 ss:$0x1], $0xffff  }
0xa0: {  	s26 =	sadd.s32 $0x180, s24;
	s20 =	sand.u32 $0x1FC00, s23;
	s23 =	sadd.s32 $0x100, s24;
	v15 =	vld.idx.msk [tilespmem:v6+s21+$0x2000 ss:$0x1], $0xffff  }
0xa1: {  	s19 =	sadd.s32 $0x50, s19;
	s23 =	sand.u32 $0x1FC00, s23;
	s21 =	sand.u32 $0x1FC00, s26;
	v11 =	vld.idx.msk [tilespmem:v6+s25+$0x2000 ss:$0x1], $0xffff  }
0xa2: {  	s26 =	sadd.s32 $0x40, s19;
	s25 =	sadd.s32 $0x200, s24;
	s24 =	sadd.s32 $0x280, s24;
	v9 =	vmax.f32 v9, v16  }
0xa3: {  	_ = 	snop  }
0xa4: {  	s24 =	sadd.s32 $0x20, s19  }
0xa5: {  	s28 =	sadd.s32 $0x30, s19;
	s24 =	sand.u32 $0x70, s24  }
0xa6: {  	s26 =	sand.u32 $0x70, s26;
	s28 =	sand.u32 $0x70, s28;
	s23 =	sor.u32 s24, s23  }
0xa7: {  	s29 =	sand.u32 $0x1FC00, s25;
	s30 =	sadd.s32 $0x10, s19;
	s21 =	sor.u32 s28, s21;
	v16 =	vld.idx.msk [tilespmem:v6+s23+$0x2000 ss:$0x1], $0xffff  }
0xa8: {  	s26 =	sor.u32 s26, s29;
	s28 =	sand.u32 $0x70, s30;
	v17 =	vld.idx.msk [tilespmem:v6+s21+$0x2000 ss:$0x1], $0xffff  }
0xa9: {  	v18 =	vld.idx.msk [tilespmem:v6+s26+$0x2000 ss:$0x1], $0xffff;
	s20 =	sor.u32 s28, s20  }
0xaa: {  	v19 =	vld.idx.msk [tilespmem:v6+s20+$0x2000 ss:$0x1], $0xffff  }
0xab: {  	s29 =	sand.u32 $0x70, s19;
	v13 =	vmax.f32 v13, v14  }
0xac: {  	s17 =	sor.u32 s29, s17;
	v12 =	vmax.f32 v12, v15;
	v13 =	vmax.f32 v13, v16  }
0xad: {  	v6 =	vld.idx.msk [tilespmem:v6+s17+$0x2000 ss:$0x1], $0xffff;
	v12 =	vmax.f32 v12, v17;
	[tilespmem:$0x12E20] =	vst v13  }
0xae: {  	v7 =	vmax.f32 v7, v10;
	v9 =	vmax.f32 v9, v18;
	[tilespmem:$0x12E30] =	vst v12  }
0xaf: {  	[tilespmem:$0x12E40] =	vst v9;
	v7 =	vmax.f32 v7, v19;
	v47 =	vld [tilespmem:$0x12E28]  }
0xb0: {  	[tilespmem:$0x12E10] =	vst v7;
	v12 =	vld [tilespmem:$0x12E38]  }
0xb1: {  	v13 =	vld [tilespmem:$0x12E18]  }
0xb2: {  	v8 =	vmax.f32 v8, v11  }
0xb3: {  	v6 =	vmax.f32 v8, v6  }
0xb4: {  	v8 =	vmax.f32 v6, v47  }
0xb5: {  	v7 =	vmax.f32 v7, v12;
	v8 =	vmul.f32 $1.442695020e+00, v8  }
0xb6: {  	v9 =	vmax.f32 v13, v9;
	v7 =	vmul.f32 $1.442695020e+00, v7  }
0xb7: {  	v48 =	vmul.f32 $1.442695020e+00, v9;
	(erf) = vpow2.f32 v8  }
0xb8: {  	(erf) = vpow2.f32 v7  }
0xb9: {  	(erf) = vpow2.f32 v48;
	_ =	sdelay $0x6  }
0xba: {  	v7 =	vpop (erf)  }
0xbb: {  	[tilespmem:$0x12E00] =	vst v6;
	v49 =	vpop (erf);
	v6 =	vsub.f32 $1.000000000e+00, v7  }
0xbc: {  	[tilespmem:$0x12E80] =	vst v4;
	v7 =	vsub.f32 $1.000000000e+00, v49;
	v50 =	vpop (erf)  }
0xbd: {  	[tilespmem:$0x12EB0] =	vst v4;
	v6 =	vmax.f32 v6, $9.999999970e-07;
	v8 =	vsub.f32 $1.000000000e+00, v50  }
0xbe: {  	[tilespmem:$0x12E88] =	vst v6;
	v7 =	vmax.f32 v7, $9.999999970e-07  }
0xbf: {  	[tilespmem:$0x12E98] =	vst v7;
	v7 =	vmax.f32 v8, $9.999999970e-07  }
0xc0: {  	[tilespmem:$0x12EA0] =	vst v7  }
0xc1: {  	v51 =	vld [tilespmem:s16+$0xE810]  }
0xc2: {  	v52 =	vld.msk [tilespmem:s16+$0xE820], $0xff;
	_ =	sdelay $0x1  }
0xc3: {  	v53 =	vld [tilespmem:s16+$0xE800]  }
0xc4: {  	v54 =	vld [tilespmem:$0x12E98]  }
0xc5: {  	v7 =	vperm.xlane v7, v5  }
0xc6: {  	vm3 =	veq.s32 v51, $0x0;
	vm4 =	veq.s32 v52, $0x0  }
0xc7: {  	v8 =	vnsel vm3, $0x3F800000, v7;
	v7 =	vnsel vm4, $0x3F800000, v7  }
0xc8: {  	vm13 =	veq.s32 v53, $0x0;
	v8 =	vperm.xlane v8, v5;
	v7 =	vperm.xlane v7, v5  }
0xc9: {  	v6 =	vnsel vm13, $0x3F800000, v6;
	v55 =	vnsel vm3, $0x3F800000, v54  }
0xca: {  	s30 =	sshll.u32 s15, $0x9;
	v6 =	vmin.f32 v6, v55;
	v7 =	vsel vm2, v8, v7  }
0xcb: {  	s17 =	sand.u32 $0x3FFFFE00, s30;
	v6 =	vmin.f32 v6, v7  }
0xcc: {  	[tilespmem:s17+$0x11A00] =	vst v6  }
0xcd: {  	v6 =	vld [tilespmem:$0x12E88]  }
0xce: {  	v7 =	vld [tilespmem:s16+$0xE820]  }
0xcf: {  	v56 =	vld.msk [tilespmem:s16+$0xE830], $0xff  }
0xd0: {  	v57 =	vld [tilespmem:$0x12E98]  }
0xd1: {  	v58 =	vld [tilespmem:s16+$0xE830]  }
0xd2: {  	v59 =	vld.msk [tilespmem:s16+$0xE840], $0xff  }
0xd3: {  	v60 =	vld [tilespmem:s16+$0xE840]  }
0xd4: {  	v61 =	vld [tilespmem:$0x12EA0];
	_ =	sdelay $0x1  }
0xd5: {  	v6 =	vperm.xlane v6, v5  }
0xd6: {  	vm3 =	veq.s32 v7, $0x0;
	vm14 =	veq.s32 v56, $0x0;
	v62 =	vperm.xlane v57, v5  }
0xd7: {  	vm15 =	veq.s32 v58, $0x0;
	v7 =	vnsel vm3, $0x3F800000, v6;
	vm3 =	veq.s32 v60, $0x0  }
0xd8: {  	v6 =	vnsel vm14, $0x3F800000, v6;
	v63 =	vnsel vm3, $0x3F800000, v61;
	vm3 =	veq.s32 v59, $0x0  }
0xd9: {  	v10 =	vnsel vm15, $0x3F800000, v62;
	v8 =	vnsel vm3, $0x3F800000, v62;
	v9 =	vperm.xlane v63, v5  }
0xda: {  	v7 =	vmin.f32 v7, v10;
	v6 =	vmin.f32 v6, v8  }
0xdb: {  	v7 =	vmin.f32 v7, v9;
	v6 =	vmin.f32 v6, v9  }
0xdc: {  	v7 =	vperm.xlane v7, v5;
	v6 =	vperm.xlane v6, v5;
	_ =	sdelay $0x1  }
0xdd: {  	v6 =	vsel vm2, v7, v6  }
0xde: {  	[tilespmem:s17+$0x11A10] =	vst v6  }
0xdf: {  	v6 =	vld [tilespmem:s16+$0xE860]  }
0xe0: {  	v7 =	vld [tilespmem:$0x12EA0]  }
0xe1: {  	v12 =	vld.msk [tilespmem:s16+$0xE870], $0xff  }
0xe2: {  	v13 =	vld [tilespmem:$0x12E88]  }
0xe3: {  	v14 =	vld [tilespmem:s16+$0xE850]  }
0xe4: {  	v15 =	vld [tilespmem:$0x12E98]  }
0xe5: {  	v7 =	vperm.xlane v7, v5  }
0xe6: {  	vm3 =	veq.s32 v6, $0x0;
	vm8 =	veq.s32 v12, $0x0  }
0xe7: {  	v6 =	vnsel vm3, $0x3F800000, v7;
	v7 =	vnsel vm8, $0x3F800000, v7  }
0xe8: {  	vm9 =	veq.s32 v14, $0x0;
	v6 =	vperm.xlane v6, v5;
	v7 =	vperm.xlane v7, v5  }
0xe9: {  	v16 =	vnsel vm9, $0x3F800000, v13;
	v17 =	vnsel vm3, $0x3F800000, v15  }
0xea: {  	v8 =	vmin.f32 v16, v17;
	v6 =	vsel vm2, v6, v7  }
0xeb: {  	v6 =	vmin.f32 v8, v6  }
0xec: {  	[tilespmem:s17+$0x11A20] =	vst v6  }
0xed: {  	v6 =	vld [tilespmem:s16+$0xEC00]  }
0xee: {  	v7 =	vld [tilespmem:$0x12E98]  }
0xef: {  	v18 =	vld.msk [tilespmem:s16+$0xEC10], $0xff  }
0xf0: {  	v19 =	vld [tilespmem:$0x12E80]  }
0xf1: {  	v20 =	vld [tilespmem:s16+$0xE870]  }
0xf2: {  	v21 =	vld [tilespmem:$0x12E90]  }
0xf3: {  	v22 =	vld [tilespmem:s16+$0xEC10];
	v7 =	vperm.xlane v7, v5  }
0xf4: {  	vm3 =	veq.s32 v6, $0x0;
	vm10 =	veq.s32 v18, $0x0;
	v6 =	vld [tilespmem:$0x12EA0]  }
0xf5: {  	v23 =	vnsel vm3, $0x3F800000, v7;
	v7 =	vnsel vm10, $0x3F800000, v7  }
0xf6: {  	vm11 =	veq.s32 v20, $0x0;
	v8 =	vperm.xlane v23, v5;
	v7 =	vperm.xlane v7, v5  }
0xf7: {  	v9 =	vnsel vm11, $0x3F800000, v19;
	v24 =	vnsel vm3, $0x3F800000, v21  }
0xf8: {  	v9 =	vmin.f32 v9, v24;
	vm3 =	veq.s32 v22, $0x0;
	v7 =	vsel vm2, v8, v7  }
0xf9: {  	v6 =	vnsel vm3, $0x3F800000, v6;
	v7 =	vmin.f32 v9, v7  }
0xfa: {  	v6 =	vmin.f32 v7, v6  }
0xfb: {  	[tilespmem:s17+$0x11A30] =	vst v6  }
0xfc: {  	v6 =	vld [tilespmem:s16+$0xEC30]  }
0xfd: {  	v7 =	vld [tilespmem:$0x12EA0]  }
0xfe: {  	v25 =	vld.msk [tilespmem:s16+$0xEC40], $0xff  }
0xff: {  	v26 =	vld [tilespmem:$0x12E88]  }
0x100: {  	v27 =	vld [tilespmem:s16+$0xEC20]  }
0x101: {  	v28 =	vld [tilespmem:$0x12E98]  }
0x102: {  	v7 =	vperm.xlane v7, v5  }
0x103: {  	vm3 =	veq.s32 v6, $0x0;
	vm12 =	veq.s32 v25, $0x0  }
0x104: {  	v6 =	vnsel vm3, $0x3F800000, v7;
	v7 =	vnsel vm12, $0x3F800000, v7  }
0x105: {  	vm13 =	veq.s32 v27, $0x0;
	v6 =	vperm.xlane v6, v5;
	v7 =	vperm.xlane v7, v5  }
0x106: {  	v29 =	vnsel vm13, $0x3F800000, v26;
	v30 =	vnsel vm3, $0x3F800000, v28  }
0x107: {  	v8 =	vmin.f32 v29, v30;
	v6 =	vsel vm2, v6, v7  }
0x108: {  	v6 =	vmin.f32 v8, v6  }
0x109: {  	[tilespmem:s17+$0x11A40] =	vst v6  }
0x10a: {  	v6 =	vld [tilespmem:$0x12E88]  }
0x10b: {  	v7 =	vld [tilespmem:s16+$0xEC40]  }
0x10c: {  	v31 =	vld.msk [tilespmem:s16+$0xEC50], $0xff  }
0x10d: {  	v32 =	vld [tilespmem:$0x12E98]  }
0x10e: {  	v33 =	vld [tilespmem:s16+$0xEC50]  }
0x10f: {  	v34 =	vld.msk [tilespmem:s16+$0xEC60], $0xff  }
0x110: {  	v35 =	vld [tilespmem:s16+$0xEC60]  }
0x111: {  	v36 =	vld [tilespmem:$0x12EA0];
	_ =	sdelay $0x1  }
0x112: {  	v6 =	vperm.xlane v6, v5  }
0x113: {  	vm3 =	veq.s32 v7, $0x0;
	vm14 =	veq.s32 v31, $0x0;
	v37 =	vperm.xlane v32, v5  }
0x114: {  	vm15 =	veq.s32 v33, $0x0;
	v7 =	vnsel vm3, $0x3F800000, v6;
	vm3 =	veq.s32 v35, $0x0  }
0x115: {  	v6 =	vnsel vm14, $0x3F800000, v6;
	v38 =	vnsel vm3, $0x3F800000, v36;
	vm3 =	veq.s32 v34, $0x0  }
0x116: {  	v10 =	vnsel vm15, $0x3F800000, v37;
	v8 =	vnsel vm3, $0x3F800000, v37;
	v9 =	vperm.xlane v38, v5  }
0x117: {  	v7 =	vmin.f32 v7, v10;
	v6 =	vmin.f32 v6, v8  }
0x118: {  	v7 =	vmin.f32 v7, v9;
	v6 =	vmin.f32 v6, v9  }
0x119: {  	v7 =	vperm.xlane v7, v5;
	v6 =	vperm.xlane v6, v5;
	_ =	sdelay $0x1  }
0x11a: {  	v6 =	vsel vm2, v7, v6  }
0x11b: {  	[tilespmem:s17+$0x11A50] =	vst v6  }
0x11c: {  	v6 =	vld [tilespmem:s16+$0xF000]  }
0x11d: {  	v7 =	vld [tilespmem:$0x12EA0]  }
0x11e: {  	v39 =	vld.msk [tilespmem:s16+$0xF010], $0xff  }
0x11f: {  	v40 =	vld [tilespmem:$0x12E88]  }
0x120: {  	v41 =	vld [tilespmem:s16+$0xEC70]  }
0x121: {  	v42 =	vld [tilespmem:$0x12E98]  }
0x122: {  	v7 =	vperm.xlane v7, v5  }
0x123: {  	vm3 =	veq.s32 v6, $0x0;
	vm8 =	veq.s32 v39, $0x0  }
0x124: {  	v6 =	vnsel vm3, $0x3F800000, v7;
	v7 =	vnsel vm8, $0x3F800000, v7  }
0x125: {  	vm9 =	veq.s32 v41, $0x0;
	v6 =	vperm.xlane v6, v5;
	v7 =	vperm.xlane v7, v5  }
0x126: {  	v43 =	vnsel vm9, $0x3F800000, v40;
	v44 =	vnsel vm3, $0x3F800000, v42  }
0x127: {  	v8 =	vmin.f32 v43, v44;
	v6 =	vsel vm2, v6, v7  }
0x128: {  	v6 =	vmin.f32 v8, v6  }
0x129: {  	[tilespmem:s17+$0x11A60] =	vst v6  }
0x12a: {  	v6 =	vld [tilespmem:$0x12E88]  }
0x12b: {  	v7 =	vld [tilespmem:s16+$0xF010]  }
0x12c: {  	v45 =	vld.msk [tilespmem:s16+$0xF020], $0xff  }
0x12d: {  	v46 =	vld [tilespmem:$0x12E98]  }
0x12e: {  	v47 =	vld [tilespmem:s16+$0xF020]  }
0x12f: {  	v48 =	vld.msk [tilespmem:s16+$0xF030], $0xff  }
0x130: {  	v49 =	vld [tilespmem:s16+$0xF030]  }
0x131: {  	v50 =	vld [tilespmem:$0x12EA0];
	_ =	sdelay $0x1  }
0x132: {  	v6 =	vperm.xlane v6, v5  }
0x133: {  	vm3 =	veq.s32 v7, $0x0;
	vm10 =	veq.s32 v45, $0x0;
	v51 =	vperm.xlane v46, v5  }
0x134: {  	vm11 =	veq.s32 v47, $0x0;
	v7 =	vnsel vm3, $0x3F800000, v6;
	vm3 =	veq.s32 v49, $0x0  }
0x135: {  	v6 =	vnsel vm10, $0x3F800000, v6;
	v52 =	vnsel vm3, $0x3F800000, v50;
	vm3 =	veq.s32 v48, $0x0  }
0x136: {  	v10 =	vnsel vm11, $0x3F800000, v51;
	v8 =	vnsel vm3, $0x3F800000, v51;
	v9 =	vperm.xlane v52, v5  }
0x137: {  	v7 =	vmin.f32 v7, v10;
	v6 =	vmin.f32 v6, v8  }
0x138: {  	v7 =	vmin.f32 v7, v9;
	v6 =	vmin.f32 v6, v9  }
0x139: {  	v7 =	vperm.xlane v7, v5;
	v6 =	vperm.xlane v6, v5;
	_ =	sdelay $0x1  }
0x13a: {  	v6 =	vsel vm2, v7, v6  }
0x13b: {  	[tilespmem:s17+$0x11A70] =	vst v6  }
0x13c: {  	v6 =	vld [tilespmem:s16+$0xF050]  }
0x13d: {  	v7 =	vld [tilespmem:$0x12EA0]  }
0x13e: {  	v53 =	vld.msk [tilespmem:s16+$0xF060], $0xff  }
0x13f: {  	v54 =	vld [tilespmem:$0x12E88]  }
0x140: {  	v55 =	vld [tilespmem:s16+$0xF040]  }
0x141: {  	v56 =	vld [tilespmem:$0x12E98]  }
0x142: {  	v7 =	vperm.xlane v7, v5  }
0x143: {  	vm3 =	veq.s32 v6, $0x0;
	vm12 =	veq.s32 v53, $0x0  }
0x144: {  	v6 =	vnsel vm3, $0x3F800000, v7;
	v7 =	vnsel vm12, $0x3F800000, v7  }
0x145: {  	vm13 =	veq.s32 v55, $0x0;
	v6 =	vperm.xlane v6, v5;
	v7 =	vperm.xlane v7, v5  }
0x146: {  	v57 =	vnsel vm13, $0x3F800000, v54;
	v58 =	vnsel vm3, $0x3F800000, v56  }
0x147: {  	v8 =	vmin.f32 v57, v58;
	v6 =	vsel vm2, v6, v7  }
0x148: {  	v6 =	vmin.f32 v8, v6  }
0x149: {  	[tilespmem:s17+$0x11A80] =	vst v6  }
0x14a: {  	v6 =	vld [tilespmem:$0x12E88]  }
0x14b: {  	v7 =	vld [tilespmem:s16+$0xF060]  }
0x14c: {  	v59 =	vld.msk [tilespmem:s16+$0xF070], $0xff  }
0x14d: {  	v60 =	vld [tilespmem:$0x12E90]  }
0x14e: {  	v61 =	vld [tilespmem:s16+$0xF070]  }
0x14f: {  	v62 =	vld [tilespmem:s16+$0xF400]  }
0x150: {  	v63 =	vld [tilespmem:$0x12EA0];
	_ =	sdelay $0x2  }
0x151: {  	v6 =	vperm.xlane v6, v5;
	vm3 =	veq.s32 v61, $0x0  }
0x152: {  	vm14 =	veq.s32 v7, $0x0;
	v7 =	vnsel vm3, $0x3F800000, v60;
	vm3 =	veq.s32 v62, $0x0  }
0x153: {  	v14 =	vnsel vm3, $0x3F800000, v63;
	vm3 =	veq.s32 v59, $0x0;
	v7 =	vperm.xlane v7, v5  }
0x154: {  	v15 =	vnsel vm14, $0x3F800000, v6;
	v6 =	vnsel vm3, $0x3F800000, v6;
	v9 =	vperm.xlane v14, v5  }
0x155: {  	v8 =	vmin.f32 v15, v7;
	v6 =	vmin.f32 v6, v7  }
0x156: {  	v7 =	vmin.f32 v8, v9;
	v6 =	vmin.f32 v6, v9  }
0x157: {  	v7 =	vperm.xlane v7, v5;
	v6 =	vperm.xlane v6, v5;
	_ =	sdelay $0x1  }
0x158: {  	v6 =	vsel vm2, v7, v6  }
0x159: {  	[tilespmem:s17+$0x11A90] =	vst v6  }
0x15a: {  	v6 =	vld [tilespmem:s16+$0xF420]  }
0x15b: {  	v7 =	vld [tilespmem:$0x12EA0]  }
0x15c: {  	v16 =	vld.msk [tilespmem:s16+$0xF430], $0xff  }
0x15d: {  	v17 =	vld [tilespmem:$0x12E88]  }
0x15e: {  	v18 =	vld [tilespmem:s16+$0xF410]  }
0x15f: {  	v19 =	vld [tilespmem:$0x12E98]  }
0x160: {  	v7 =	vperm.xlane v7, v5  }
0x161: {  	vm3 =	veq.s32 v6, $0x0;
	vm15 =	veq.s32 v16, $0x0  }
0x162: {  	v6 =	vnsel vm3, $0x3F800000, v7;
	v7 =	vnsel vm15, $0x3F800000, v7  }
0x163: {  	vm8 =	veq.s32 v18, $0x0;
	v6 =	vperm.xlane v6, v5;
	v7 =	vperm.xlane v7, v5  }
0x164: {  	v20 =	vnsel vm8, $0x3F800000, v17;
	v21 =	vnsel vm3, $0x3F800000, v19  }
0x165: {  	v8 =	vmin.f32 v20, v21;
	v6 =	vsel vm2, v6, v7  }
0x166: {  	v6 =	vmin.f32 v8, v6  }
0x167: {  	[tilespmem:s17+$0x11AA0] =	vst v6  }
0x168: {  	v6 =	vld [tilespmem:$0x12E88]  }
0x169: {  	v7 =	vld [tilespmem:s16+$0xF430]  }
0x16a: {  	v22 =	vld.msk [tilespmem:s16+$0xF440], $0xff  }
0x16b: {  	v23 =	vld [tilespmem:$0x12E98]  }
0x16c: {  	v24 =	vld [tilespmem:s16+$0xF440]  }
0x16d: {  	v25 =	vld.msk [tilespmem:s16+$0xF450], $0xff  }
0x16e: {  	v26 =	vld [tilespmem:s16+$0xF450]  }
0x16f: {  	v27 =	vld [tilespmem:$0x12EA0];
	_ =	sdelay $0x1  }
0x170: {  	v6 =	vperm.xlane v6, v5  }
0x171: {  	vm3 =	veq.s32 v7, $0x0;
	vm9 =	veq.s32 v22, $0x0;
	v28 =	vperm.xlane v23, v5  }
0x172: {  	vm10 =	veq.s32 v24, $0x0;
	v7 =	vnsel vm3, $0x3F800000, v6;
	vm3 =	veq.s32 v26, $0x0  }
0x173: {  	v6 =	vnsel vm9, $0x3F800000, v6;
	v29 =	vnsel vm3, $0x3F800000, v27;
	vm3 =	veq.s32 v25, $0x0  }
0x174: {  	v10 =	vnsel vm10, $0x3F800000, v28;
	v8 =	vnsel vm3, $0x3F800000, v28;
	v9 =	vperm.xlane v29, v5  }
0x175: {  	v7 =	vmin.f32 v7, v10;
	v6 =	vmin.f32 v6, v8  }
0x176: {  	v7 =	vmin.f32 v7, v9;
	v6 =	vmin.f32 v6, v9  }
0x177: {  	v7 =	vperm.xlane v7, v5;
	v6 =	vperm.xlane v6, v5;
	_ =	sdelay $0x1  }
0x178: {  	v6 =	vsel vm2, v7, v6  }
0x179: {  	[tilespmem:s17+$0x11AB0] =	vst v6  }
0x17a: {  	v6 =	vld [tilespmem:$0x12E88]  }
0x17b: {  	v7 =	vld [tilespmem:s16+$0xF460]  }
0x17c: {  	v30 =	vld [tilespmem:$0x12E98]  }
0x17d: {  	v31 =	vld [tilespmem:s16+$0xF470]  }
0x17e: {  	v32 =	vld [tilespmem:s16+$0xF800]  }
0x17f: {  	v33 =	vld [tilespmem:$0x12EA8];
	_ =	sdelay $0x2  }
0x180: {  	vm3 =	veq.s32 v7, $0x0;
	vm11 =	veq.s32 v31, $0x0  }
0x181: {  	v6 =	vnsel vm3, $0x3F800000, v6;
	v7 =	vnsel vm11, $0x3F800000, v30;
	vm3 =	veq.s32 v32, $0x0  }
0x182: {  	v6 =	vmin.f32 v6, v7;
	v7 =	vnsel vm3, $0x3F800000, v33  }
0x183: {  	v6 =	vmin.f32 v6, v7  }
0x184: {  	[tilespmem:s17+$0x11AC0] =	vst v6  }
0x185: {  	v6 =	vld [tilespmem:$0x12E88]  }
0x186: {  	v7 =	vld [tilespmem:s16+$0xF800]  }
0x187: {  	v34 =	vld.msk [tilespmem:s16+$0xF810], $0xff  }
0x188: {  	v35 =	vld [tilespmem:$0x12E98]  }
0x189: {  	v36 =	vld [tilespmem:s16+$0xF810]  }
0x18a: {  	v37 =	vld.msk [tilespmem:s16+$0xF820], $0xff  }
0x18b: {  	v38 =	vld [tilespmem:s16+$0xF820]  }
0x18c: {  	v39 =	vld [tilespmem:$0x12EA0];
	_ =	sdelay $0x1  }
0x18d: {  	v6 =	vperm.xlane v6, v5  }
0x18e: {  	vm3 =	veq.s32 v7, $0x0;
	vm12 =	veq.s32 v34, $0x0;
	v40 =	vperm.xlane v35, v5  }
0x18f: {  	vm13 =	veq.s32 v36, $0x0;
	v7 =	vnsel vm3, $0x3F800000, v6;
	vm3 =	veq.s32 v38, $0x0  }
0x190: {  	v6 =	vnsel vm12, $0x3F800000, v6;
	v41 =	vnsel vm3, $0x3F800000, v39;
	vm3 =	veq.s32 v37, $0x0  }
0x191: {  	v10 =	vnsel vm13, $0x3F800000, v40;
	v8 =	vnsel vm3, $0x3F800000, v40;
	v9 =	vperm.xlane v41, v5  }
0x192: {  	v7 =	vmin.f32 v7, v10;
	v6 =	vmin.f32 v6, v8  }
0x193: {  	v7 =	vmin.f32 v7, v9;
	v6 =	vmin.f32 v6, v9  }
0x194: {  	v7 =	vperm.xlane v7, v5;
	v6 =	vperm.xlane v6, v5;
	_ =	sdelay $0x1  }
0x195: {  	v6 =	vsel vm2, v7, v6  }
0x196: {  	[tilespmem:s17+$0x11AD0] =	vst v6  }
0x197: {  	v6 =	vld [tilespmem:s16+$0xF840]  }
0x198: {  	v7 =	vld [tilespmem:$0x12EA0]  }
0x199: {  	v42 =	vld.msk [tilespmem:s16+$0xF850], $0xff  }
0x19a: {  	v43 =	vld [tilespmem:$0x12E88]  }
0x19b: {  	v44 =	vld [tilespmem:s16+$0xF830]  }
0x19c: {  	v45 =	vld [tilespmem:$0x12E98]  }
0x19d: {  	v7 =	vperm.xlane v7, v5  }
0x19e: {  	vm3 =	veq.s32 v6, $0x0;
	vm14 =	veq.s32 v42, $0x0  }
0x19f: {  	v6 =	vnsel vm3, $0x3F800000, v7;
	v7 =	vnsel vm14, $0x3F800000, v7  }
0x1a0: {  	vm15 =	veq.s32 v44, $0x0;
	v6 =	vperm.xlane v6, v5;
	v7 =	vperm.xlane v7, v5  }
0x1a1: {  	v46 =	vnsel vm15, $0x3F800000, v43;
	v47 =	vnsel vm3, $0x3F800000, v45  }
0x1a2: {  	v8 =	vmin.f32 v46, v47;
	v6 =	vsel vm2, v6, v7  }
0x1a3: {  	v6 =	vmin.f32 v8, v6  }
0x1a4: {  	[tilespmem:s17+$0x11AE0] =	vst v6  }
0x1a5: {  	v6 =	vld [tilespmem:$0x12E88]  }
0x1a6: {  	v7 =	vld [tilespmem:s16+$0xF850]  }
0x1a7: {  	v48 =	vld.msk [tilespmem:s16+$0xF860], $0xff  }
0x1a8: {  	v49 =	vld [tilespmem:$0x12E98]  }
0x1a9: {  	v50 =	vld [tilespmem:s16+$0xF860]  }
0x1aa: {  	v51 =	vld.msk [tilespmem:s16+$0xF870], $0xff  }
0x1ab: {  	v52 =	vld [tilespmem:s16+$0xF870]  }
0x1ac: {  	v53 =	vld [tilespmem:$0x12EA0];
	_ =	sdelay $0x1  }
0x1ad: {  	v6 =	vperm.xlane v6, v5  }
0x1ae: {  	vm3 =	veq.s32 v7, $0x0;
	vm8 =	veq.s32 v48, $0x0;
	v54 =	vperm.xlane v49, v5  }
0x1af: {  	vm9 =	veq.s32 v50, $0x0;
	v7 =	vnsel vm3, $0x3F800000, v6;
	vm3 =	veq.s32 v52, $0x0  }
0x1b0: {  	v6 =	vnsel vm8, $0x3F800000, v6;
	v55 =	vnsel vm3, $0x3F800000, v53;
	vm3 =	veq.s32 v51, $0x0  }
0x1b1: {  	v10 =	vnsel vm9, $0x3F800000, v54;
	v8 =	vnsel vm3, $0x3F800000, v54;
	v9 =	vperm.xlane v55, v5  }
0x1b2: {  	v7 =	vmin.f32 v7, v10;
	v6 =	vmin.f32 v6, v8  }
0x1b3: {  	v7 =	vmin.f32 v7, v9;
	v6 =	vmin.f32 v6, v9  }
0x1b4: {  	v7 =	vperm.xlane v7, v5;
	v6 =	vperm.xlane v6, v5;
	_ =	sdelay $0x1  }
0x1b5: {  	v6 =	vsel vm2, v7, v6  }
0x1b6: {  	[tilespmem:s17+$0x11AF0] =	vst v6  }
0x1b7: {  	v6 =	vld [tilespmem:s16+$0xFC10]  }
0x1b8: {  	v7 =	vld [tilespmem:$0x12EA0]  }
0x1b9: {  	v56 =	vld.msk [tilespmem:s16+$0xFC20], $0xff  }
0x1ba: {  	v57 =	vld [tilespmem:$0x12E88]  }
0x1bb: {  	v58 =	vld [tilespmem:s16+$0xFC00]  }
0x1bc: {  	v59 =	vld [tilespmem:$0x12E98]  }
0x1bd: {  	v7 =	vperm.xlane v7, v5  }
0x1be: {  	vm3 =	veq.s32 v6, $0x0;
	vm10 =	veq.s32 v56, $0x0  }
0x1bf: {  	v6 =	vnsel vm3, $0x3F800000, v7;
	v7 =	vnsel vm10, $0x3F800000, v7  }
0x1c0: {  	vm11 =	veq.s32 v58, $0x0;
	v6 =	vperm.xlane v6, v5;
	v7 =	vperm.xlane v7, v5  }
0x1c1: {  	v60 =	vnsel vm11, $0x3F800000, v57;
	v61 =	vnsel vm3, $0x3F800000, v59  }
0x1c2: {  	v8 =	vmin.f32 v60, v61;
	v6 =	vsel vm2, v6, v7  }
0x1c3: {  	v6 =	vmin.f32 v8, v6  }
0x1c4: {  	[tilespmem:s17+$0x11B00] =	vst v6  }
0x1c5: {  	v6 =	vld [tilespmem:$0x12E88]  }
0x1c6: {  	v7 =	vld [tilespmem:s16+$0xFC20]  }
0x1c7: {  	v62 =	vld.msk [tilespmem:s16+$0xFC30], $0xff  }
0x1c8: {  	v63 =	vld [tilespmem:$0x12E98]  }
0x1c9: {  	v16 =	vld [tilespmem:s16+$0xFC30]  }
0x1ca: {  	v17 =	vld.msk [tilespmem:s16+$0xFC40], $0xff  }
0x1cb: {  	v18 =	vld [tilespmem:s16+$0xFC40]  }
0x1cc: {  	v19 =	vld [tilespmem:$0x12EA0];
	_ =	sdelay $0x1  }
0x1cd: {  	v6 =	vperm.xlane v6, v5  }
0x1ce: {  	vm3 =	veq.s32 v7, $0x0;
	vm12 =	veq.s32 v62, $0x0;
	v20 =	vperm.xlane v63, v5  }
0x1cf: {  	vm13 =	veq.s32 v16, $0x0;
	v7 =	vnsel vm3, $0x3F800000, v6;
	vm3 =	veq.s32 v18, $0x0  }
0x1d0: {  	v6 =	vnsel vm12, $0x3F800000, v6;
	v21 =	vnsel vm3, $0x3F800000, v19;
	vm3 =	veq.s32 v17, $0x0  }
0x1d1: {  	v10 =	vnsel vm13, $0x3F800000, v20;
	v8 =	vnsel vm3, $0x3F800000, v20;
	v9 =	vperm.xlane v21, v5  }
0x1d2: {  	v7 =	vmin.f32 v7, v10;
	v6 =	vmin.f32 v6, v8  }
0x1d3: {  	v7 =	vmin.f32 v7, v9;
	v6 =	vmin.f32 v6, v9  }
0x1d4: {  	v7 =	vperm.xlane v7, v5;
	v6 =	vperm.xlane v6, v5;
	_ =	sdelay $0x1  }
0x1d5: {  	v6 =	vsel vm2, v7, v6  }
0x1d6: {  	[tilespmem:s17+$0x11B10] =	vst v6  }
0x1d7: {  	v6 =	vld [tilespmem:s16+$0xFC60]  }
0x1d8: {  	v7 =	vld [tilespmem:$0x12EA0]  }
0x1d9: {  	v22 =	vld.msk [tilespmem:s16+$0xFC70], $0xff  }
0x1da: {  	v23 =	vld [tilespmem:$0x12E88]  }
0x1db: {  	v24 =	vld [tilespmem:s16+$0xFC50]  }
0x1dc: {  	v25 =	vld [tilespmem:$0x12E98]  }
0x1dd: {  	v7 =	vperm.xlane v7, v5  }
0x1de: {  	vm3 =	veq.s32 v6, $0x0;
	vm14 =	veq.s32 v22, $0x0  }
0x1df: {  	v6 =	vnsel vm3, $0x3F800000, v7;
	v7 =	vnsel vm14, $0x3F800000, v7  }
0x1e0: {  	vm15 =	veq.s32 v24, $0x0;
	v6 =	vperm.xlane v6, v5;
	v7 =	vperm.xlane v7, v5  }
0x1e1: {  	v26 =	vnsel vm15, $0x3F800000, v23;
	v27 =	vnsel vm3, $0x3F800000, v25  }
0x1e2: {  	v8 =	vmin.f32 v26, v27;
	v6 =	vsel vm2, v6, v7  }
0x1e3: {  	v6 =	vmin.f32 v8, v6  }
0x1e4: {  	[tilespmem:s17+$0x11B20] =	vst v6  }
0x1e5: {  	v6 =	vld [tilespmem:s16+$0x10000]  }
0x1e6: {  	v7 =	vld [tilespmem:$0x12E98]  }
0x1e7: {  	v28 =	vld.msk [tilespmem:s16+$0x10010], $0xff  }
0x1e8: {  	v29 =	vld [tilespmem:$0x12E80]  }
0x1e9: {  	v30 =	vld [tilespmem:s16+$0xFC70]  }
0x1ea: {  	v31 =	vld [tilespmem:$0x12E90]  }
0x1eb: {  	v32 =	vld [tilespmem:s16+$0x10010];
	v7 =	vperm.xlane v7, v5  }
0x1ec: {  	vm3 =	veq.s32 v6, $0x0;
	vm8 =	veq.s32 v28, $0x0;
	v6 =	vld [tilespmem:$0x12EA0]  }
0x1ed: {  	v33 =	vnsel vm3, $0x3F800000, v7;
	v7 =	vnsel vm8, $0x3F800000, v7  }
0x1ee: {  	vm9 =	veq.s32 v30, $0x0;
	v8 =	vperm.xlane v33, v5;
	v7 =	vperm.xlane v7, v5  }
0x1ef: {  	v9 =	vnsel vm9, $0x3F800000, v29;
	v34 =	vnsel vm3, $0x3F800000, v31  }
0x1f0: {  	v9 =	vmin.f32 v9, v34;
	vm3 =	veq.s32 v32, $0x0;
	v7 =	vsel vm2, v8, v7  }
0x1f1: {  	v6 =	vnsel vm3, $0x3F800000, v6;
	v7 =	vmin.f32 v9, v7  }
0x1f2: {  	v6 =	vmin.f32 v7, v6  }
0x1f3: {  	[tilespmem:s17+$0x11B30] =	vst v6  }
0x1f4: {  	v6 =	vld [tilespmem:s16+$0x10030]  }
0x1f5: {  	v7 =	vld [tilespmem:$0x12EA0]  }
0x1f6: {  	v35 =	vld.msk [tilespmem:s16+$0x10040], $0xff  }
0x1f7: {  	v36 =	vld [tilespmem:$0x12E88]  }
0x1f8: {  	v37 =	vld [tilespmem:s16+$0x10020]  }
0x1f9: {  	v38 =	vld [tilespmem:$0x12E98]  }
0x1fa: {  	v7 =	vperm.xlane v7, v5  }
0x1fb: {  	vm3 =	veq.s32 v6, $0x0;
	vm10 =	veq.s32 v35, $0x0  }
0x1fc: {  	v6 =	vnsel vm3, $0x3F800000, v7;
	v7 =	vnsel vm10, $0x3F800000, v7  }
0x1fd: {  	vm11 =	veq.s32 v37, $0x0;
	v6 =	vperm.xlane v6, v5;
	v7 =	vperm.xlane v7, v5  }
0x1fe: {  	v39 =	vnsel vm11, $0x3F800000, v36;
	v40 =	vnsel vm3, $0x3F800000, v38  }
0x1ff: {  	v8 =	vmin.f32 v39, v40;
	v6 =	vsel vm2, v6, v7  }
0x200: {  	v6 =	vmin.f32 v8, v6  }
0x201: {  	[tilespmem:s17+$0x11B40] =	vst v6  }
0x202: {  	v6 =	vld [tilespmem:$0x12E88]  }
0x203: {  	v7 =	vld [tilespmem:s16+$0x10040]  }
0x204: {  	v41 =	vld.msk [tilespmem:s16+$0x10050], $0xff  }
0x205: {  	v42 =	vld [tilespmem:$0x12E98]  }
0x206: {  	v43 =	vld [tilespmem:s16+$0x10050]  }
0x207: {  	v44 =	vld.msk [tilespmem:s16+$0x10060], $0xff  }
0x208: {  	v45 =	vld [tilespmem:s16+$0x10060]  }
0x209: {  	v46 =	vld [tilespmem:$0x12EA0];
	_ =	sdelay $0x1  }
0x20a: {  	v6 =	vperm.xlane v6, v5  }
0x20b: {  	vm3 =	veq.s32 v7, $0x0;
	vm12 =	veq.s32 v41, $0x0;
	v47 =	vperm.xlane v42, v5  }
0x20c: {  	vm13 =	veq.s32 v43, $0x0;
	v7 =	vnsel vm3, $0x3F800000, v6;
	vm3 =	veq.s32 v45, $0x0  }
0x20d: {  	v6 =	vnsel vm12, $0x3F800000, v6;
	v48 =	vnsel vm3, $0x3F800000, v46;
	vm3 =	veq.s32 v44, $0x0  }
0x20e: {  	v10 =	vnsel vm13, $0x3F800000, v47;
	v8 =	vnsel vm3, $0x3F800000, v47;
	v9 =	vperm.xlane v48, v5  }
0x20f: {  	v7 =	vmin.f32 v7, v10;
	v6 =	vmin.f32 v6, v8  }
0x210: {  	v7 =	vmin.f32 v7, v9;
	v6 =	vmin.f32 v6, v9  }
0x211: {  	v7 =	vperm.xlane v7, v5;
	v6 =	vperm.xlane v6, v5;
	_ =	sdelay $0x1  }
0x212: {  	v6 =	vsel vm2, v7, v6  }
0x213: {  	[tilespmem:s17+$0x11B50] =	vst v6  }
0x214: {  	v6 =	vld [tilespmem:s16+$0x10400]  }
0x215: {  	v7 =	vld [tilespmem:$0x12EA0]  }
0x216: {  	v49 =	vld.msk [tilespmem:s16+$0x10410], $0xff  }
0x217: {  	v50 =	vld [tilespmem:$0x12E88]  }
0x218: {  	v51 =	vld [tilespmem:s16+$0x10070]  }
0x219: {  	v52 =	vld [tilespmem:$0x12E98]  }
0x21a: {  	v7 =	vperm.xlane v7, v5  }
0x21b: {  	vm3 =	veq.s32 v6, $0x0;
	vm14 =	veq.s32 v49, $0x0  }
0x21c: {  	v6 =	vnsel vm3, $0x3F800000, v7;
	v7 =	vnsel vm14, $0x3F800000, v7  }
0x21d: {  	vm15 =	veq.s32 v51, $0x0;
	v6 =	vperm.xlane v6, v5;
	v7 =	vperm.xlane v7, v5  }
0x21e: {  	v53 =	vnsel vm15, $0x3F800000, v50;
	v54 =	vnsel vm3, $0x3F800000, v52  }
0x21f: {  	v8 =	vmin.f32 v53, v54;
	v6 =	vsel vm2, v6, v7  }
0x220: {  	v6 =	vmin.f32 v8, v6  }
0x221: {  	[tilespmem:s17+$0x11B60] =	vst v6  }
0x222: {  	v6 =	vld [tilespmem:$0x12E88]  }
0x223: {  	v7 =	vld [tilespmem:s16+$0x10410]  }
0x224: {  	v55 =	vld.msk [tilespmem:s16+$0x10420], $0xff  }
0x225: {  	v56 =	vld [tilespmem:$0x12E98]  }
0x226: {  	v57 =	vld [tilespmem:s16+$0x10420]  }
0x227: {  	v58 =	vld.msk [tilespmem:s16+$0x10430], $0xff  }
0x228: {  	v59 =	vld [tilespmem:s16+$0x10430]  }
0x229: {  	v60 =	vld [tilespmem:$0x12EA0];
	_ =	sdelay $0x1  }
0x22a: {  	v6 =	vperm.xlane v6, v5  }
0x22b: {  	vm3 =	veq.s32 v7, $0x0;
	vm8 =	veq.s32 v55, $0x0;
	v61 =	vperm.xlane v56, v5  }
0x22c: {  	vm9 =	veq.s32 v57, $0x0;
	v7 =	vnsel vm3, $0x3F800000, v6;
	vm3 =	veq.s32 v59, $0x0  }
0x22d: {  	v6 =	vnsel vm8, $0x3F800000, v6;
	v62 =	vnsel vm3, $0x3F800000, v60;
	vm3 =	veq.s32 v58, $0x0  }
0x22e: {  	v10 =	vnsel vm9, $0x3F800000, v61;
	v8 =	vnsel vm3, $0x3F800000, v61;
	v9 =	vperm.xlane v62, v5  }
0x22f: {  	v7 =	vmin.f32 v7, v10;
	v6 =	vmin.f32 v6, v8  }
0x230: {  	v7 =	vmin.f32 v7, v9;
	v6 =	vmin.f32 v6, v9  }
0x231: {  	v7 =	vperm.xlane v7, v5;
	v6 =	vperm.xlane v6, v5;
	_ =	sdelay $0x1  }
0x232: {  	v6 =	vsel vm2, v7, v6  }
0x233: {  	[tilespmem:s17+$0x11B70] =	vst v6  }
0x234: {  	v6 =	vld [tilespmem:s16+$0x10450]  }
0x235: {  	v7 =	vld [tilespmem:$0x12EA0]  }
0x236: {  	v63 =	vld.msk [tilespmem:s16+$0x10460], $0xff  }
0x237: {  	v12 =	vld [tilespmem:$0x12E88]  }
0x238: {  	v13 =	vld [tilespmem:s16+$0x10440]  }
0x239: {  	v14 =	vld [tilespmem:$0x12E98]  }
0x23a: {  	v7 =	vperm.xlane v7, v5  }
0x23b: {  	vm3 =	veq.s32 v6, $0x0;
	vm10 =	veq.s32 v63, $0x0  }
0x23c: {  	v6 =	vnsel vm3, $0x3F800000, v7;
	v7 =	vnsel vm10, $0x3F800000, v7  }
0x23d: {  	vm11 =	veq.s32 v13, $0x0;
	v6 =	vperm.xlane v6, v5;
	v7 =	vperm.xlane v7, v5  }
0x23e: {  	v15 =	vnsel vm11, $0x3F800000, v12;
	v16 =	vnsel vm3, $0x3F800000, v14  }
0x23f: {  	v8 =	vmin.f32 v15, v16;
	v6 =	vsel vm2, v6, v7  }
0x240: {  	v6 =	vmin.f32 v8, v6  }
0x241: {  	[tilespmem:s17+$0x11B80] =	vst v6  }
0x242: {  	v6 =	vld [tilespmem:$0x12E88]  }
0x243: {  	v7 =	vld [tilespmem:s16+$0x10460]  }
0x244: {  	v17 =	vld.msk [tilespmem:s16+$0x10470], $0xff  }
0x245: {  	v18 =	vld [tilespmem:$0x12E90]  }
0x246: {  	v19 =	vld [tilespmem:s16+$0x10470]  }
0x247: {  	v20 =	vld [tilespmem:s16+$0x10800]  }
0x248: {  	v21 =	vld [tilespmem:$0x12EA0];
	_ =	sdelay $0x2  }
0x249: {  	v6 =	vperm.xlane v6, v5;
	vm3 =	veq.s32 v19, $0x0  }
0x24a: {  	vm12 =	veq.s32 v7, $0x0;
	v7 =	vnsel vm3, $0x3F800000, v18;
	vm3 =	veq.s32 v20, $0x0  }
0x24b: {  	v22 =	vnsel vm3, $0x3F800000, v21;
	vm3 =	veq.s32 v17, $0x0;
	v7 =	vperm.xlane v7, v5  }
0x24c: {  	v23 =	vnsel vm12, $0x3F800000, v6;
	v6 =	vnsel vm3, $0x3F800000, v6;
	v9 =	vperm.xlane v22, v5  }
0x24d: {  	v8 =	vmin.f32 v23, v7;
	v6 =	vmin.f32 v6, v7  }
0x24e: {  	v7 =	vmin.f32 v8, v9;
	v6 =	vmin.f32 v6, v9  }
0x24f: {  	v7 =	vperm.xlane v7, v5;
	v6 =	vperm.xlane v6, v5;
	_ =	sdelay $0x1  }
0x250: {  	v6 =	vsel vm2, v7, v6  }
0x251: {  	[tilespmem:s17+$0x11B90] =	vst v6  }
0x252: {  	v6 =	vld [tilespmem:s16+$0x10820]  }
0x253: {  	v7 =	vld [tilespmem:$0x12EA0]  }
0x254: {  	v24 =	vld.msk [tilespmem:s16+$0x10830], $0xff  }
0x255: {  	v25 =	vld [tilespmem:$0x12E88]  }
0x256: {  	v26 =	vld [tilespmem:s16+$0x10810]  }
0x257: {  	v27 =	vld [tilespmem:$0x12E98]  }
0x258: {  	v7 =	vperm.xlane v7, v5  }
0x259: {  	vm3 =	veq.s32 v6, $0x0;
	vm13 =	veq.s32 v24, $0x0  }
0x25a: {  	v6 =	vnsel vm3, $0x3F800000, v7;
	v7 =	vnsel vm13, $0x3F800000, v7  }
0x25b: {  	vm14 =	veq.s32 v26, $0x0;
	v6 =	vperm.xlane v6, v5;
	v7 =	vperm.xlane v7, v5  }
0x25c: {  	v28 =	vnsel vm14, $0x3F800000, v25;
	v29 =	vnsel vm3, $0x3F800000, v27  }
0x25d: {  	v8 =	vmin.f32 v28, v29;
	v6 =	vsel vm2, v6, v7  }
0x25e: {  	v6 =	vmin.f32 v8, v6  }
0x25f: {  	[tilespmem:s17+$0x11BA0] =	vst v6  }
0x260: {  	v6 =	vld [tilespmem:$0x12E88]  }
0x261: {  	v7 =	vld [tilespmem:s16+$0x10830]  }
0x262: {  	v30 =	vld.msk [tilespmem:s16+$0x10840], $0xff  }
0x263: {  	v31 =	vld [tilespmem:$0x12E98]  }
0x264: {  	v32 =	vld [tilespmem:s16+$0x10840]  }
0x265: {  	v33 =	vld.msk [tilespmem:s16+$0x10850], $0xff  }
0x266: {  	v34 =	vld [tilespmem:s16+$0x10850]  }
0x267: {  	v35 =	vld [tilespmem:$0x12EA0];
	_ =	sdelay $0x1  }
0x268: {  	v6 =	vperm.xlane v6, v5  }
0x269: {  	vm3 =	veq.s32 v7, $0x0;
	vm15 =	veq.s32 v30, $0x0;
	v36 =	vperm.xlane v31, v5  }
0x26a: {  	vm8 =	veq.s32 v32, $0x0;
	v7 =	vnsel vm3, $0x3F800000, v6;
	vm3 =	veq.s32 v34, $0x0  }
0x26b: {  	v6 =	vnsel vm15, $0x3F800000, v6;
	v37 =	vnsel vm3, $0x3F800000, v35;
	vm3 =	veq.s32 v33, $0x0  }
0x26c: {  	v10 =	vnsel vm8, $0x3F800000, v36;
	v8 =	vnsel vm3, $0x3F800000, v36;
	v9 =	vperm.xlane v37, v5  }
0x26d: {  	v7 =	vmin.f32 v7, v10;
	v6 =	vmin.f32 v6, v8  }
0x26e: {  	v7 =	vmin.f32 v7, v9;
	v6 =	vmin.f32 v6, v9  }
0x26f: {  	v7 =	vperm.xlane v7, v5;
	v6 =	vperm.xlane v6, v5;
	_ =	sdelay $0x1  }
0x270: {  	v6 =	vsel vm2, v7, v6  }
0x271: {  	[tilespmem:s17+$0x11BB0] =	vst v6  }
0x272: {  	v6 =	vld [tilespmem:$0x12E88]  }
0x273: {  	v7 =	vld [tilespmem:s16+$0x10860]  }
0x274: {  	v38 =	vld [tilespmem:$0x12E98]  }
0x275: {  	v39 =	vld [tilespmem:s16+$0x10870]  }
0x276: {  	v40 =	vld [tilespmem:s16+$0x10C00]  }
0x277: {  	v41 =	vld [tilespmem:$0x12EA8];
	_ =	sdelay $0x2  }
0x278: {  	vm3 =	veq.s32 v7, $0x0;
	vm9 =	veq.s32 v39, $0x0  }
0x279: {  	v6 =	vnsel vm3, $0x3F800000, v6;
	v7 =	vnsel vm9, $0x3F800000, v38;
	vm3 =	veq.s32 v40, $0x0  }
0x27a: {  	v6 =	vmin.f32 v6, v7;
	v7 =	vnsel vm3, $0x3F800000, v41  }
0x27b: {  	v6 =	vmin.f32 v6, v7  }
0x27c: {  	[tilespmem:s17+$0x11BC0] =	vst v6  }
0x27d: {  	v6 =	vld [tilespmem:$0x12E88]  }
0x27e: {  	v7 =	vld [tilespmem:s16+$0x10C00]  }
0x27f: {  	v42 =	vld.msk [tilespmem:s16+$0x10C10], $0xff  }
0x280: {  	v43 =	vld [tilespmem:$0x12E98]  }
0x281: {  	v44 =	vld [tilespmem:s16+$0x10C10]  }
0x282: {  	v45 =	vld.msk [tilespmem:s16+$0x10C20], $0xff  }
0x283: {  	v46 =	vld [tilespmem:s16+$0x10C20]  }
0x284: {  	v47 =	vld [tilespmem:$0x12EA0];
	_ =	sdelay $0x1  }
0x285: {  	v6 =	vperm.xlane v6, v5  }
0x286: {  	vm3 =	veq.s32 v7, $0x0;
	vm10 =	veq.s32 v42, $0x0;
	v48 =	vperm.xlane v43, v5  }
0x287: {  	vm11 =	veq.s32 v44, $0x0;
	v7 =	vnsel vm3, $0x3F800000, v6;
	vm3 =	veq.s32 v46, $0x0  }
0x288: {  	v6 =	vnsel vm10, $0x3F800000, v6;
	v49 =	vnsel vm3, $0x3F800000, v47;
	vm3 =	veq.s32 v45, $0x0  }
0x289: {  	v10 =	vnsel vm11, $0x3F800000, v48;
	v8 =	vnsel vm3, $0x3F800000, v48;
	v9 =	vperm.xlane v49, v5  }
0x28a: {  	v7 =	vmin.f32 v7, v10;
	v6 =	vmin.f32 v6, v8  }
0x28b: {  	v7 =	vmin.f32 v7, v9;
	v6 =	vmin.f32 v6, v9  }
0x28c: {  	v7 =	vperm.xlane v7, v5;
	v6 =	vperm.xlane v6, v5;
	_ =	sdelay $0x1  }
0x28d: {  	v6 =	vsel vm2, v7, v6  }
0x28e: {  	[tilespmem:s17+$0x11BD0] =	vst v6  }
0x28f: {  	v6 =	vld [tilespmem:s16+$0x10C40]  }
0x290: {  	v7 =	vld [tilespmem:$0x12EA0]  }
0x291: {  	v50 =	vld.msk [tilespmem:s16+$0x10C50], $0xff  }
0x292: {  	v51 =	vld [tilespmem:$0x12E88]  }
0x293: {  	v52 =	vld [tilespmem:s16+$0x10C30]  }
0x294: {  	v53 =	vld [tilespmem:$0x12E98]  }
0x295: {  	v7 =	vperm.xlane v7, v5  }
0x296: {  	vm3 =	veq.s32 v6, $0x0;
	vm12 =	veq.s32 v50, $0x0  }
0x297: {  	v6 =	vnsel vm3, $0x3F800000, v7;
	v7 =	vnsel vm12, $0x3F800000, v7  }
0x298: {  	vm13 =	veq.s32 v52, $0x0;
	v6 =	vperm.xlane v6, v5;
	v7 =	vperm.xlane v7, v5  }
0x299: {  	v54 =	vnsel vm13, $0x3F800000, v51;
	v55 =	vnsel vm3, $0x3F800000, v53  }
0x29a: {  	v8 =	vmin.f32 v54, v55;
	v6 =	vsel vm2, v6, v7  }
0x29b: {  	v6 =	vmin.f32 v8, v6  }
0x29c: {  	[tilespmem:s17+$0x11BE0] =	vst v6  }
0x29d: {  	v6 =	vld [tilespmem:$0x12E88]  }
0x29e: {  	v7 =	vld [tilespmem:s16+$0x10C50]  }
0x29f: {  	v56 =	vld.msk [tilespmem:s16+$0x10C60], $0xff  }
0x2a0: {  	v57 =	vld [tilespmem:$0x12E98]  }
0x2a1: {  	v58 =	vld [tilespmem:s16+$0x10C60]  }
0x2a2: {  	v59 =	vld.msk [tilespmem:s16+$0x10C70], $0xff  }
0x2a3: {  	v60 =	vld [tilespmem:s16+$0x10C70]  }
0x2a4: {  	v61 =	vld [tilespmem:$0x12EA0];
	_ =	sdelay $0x1  }
0x2a5: {  	v6 =	vperm.xlane v6, v5  }
0x2a6: {  	vm3 =	veq.s32 v7, $0x0;
	vm14 =	veq.s32 v56, $0x0;
	v62 =	vperm.xlane v57, v5  }
0x2a7: {  	vm15 =	veq.s32 v58, $0x0;
	v7 =	vnsel vm3, $0x3F800000, v6;
	vm3 =	veq.s32 v60, $0x0  }
0x2a8: {  	v6 =	vnsel vm14, $0x3F800000, v6;
	v63 =	vnsel vm3, $0x3F800000, v61;
	vm3 =	veq.s32 v59, $0x0  }
0x2a9: {  	s15 =	sadd.s32 $0x1, s15;
	v10 =	vnsel vm15, $0x3F800000, v62;
	v8 =	vnsel vm3, $0x3F800000, v62;
	v9 =	vperm.xlane v63, v5  }
0x2aa: {  	p0 =	sne.s32 s15, $0x8;
	v7 =	vmin.f32 v7, v10;
	v6 =	vmin.f32 v6, v8  }
.Ltmp1:
0x2ab: {  	v7 =	vmin.f32 v7, v9;
	v6 =	vmin.f32 v6, v9;
	(pc) =	sbr.rel @p0 .LBB2_2-.Ltmp1, $3  }
0x2ac: {  	v7 =	vperm.xlane v7, v5;
	v6 =	vperm.xlane v6, v5;
	_ =	sdelay $0x1  }
0x2ad: {  	v6 =	vsel vm2, v7, v6  }
0x2ae: {  	[tilespmem:s17+$0x11BF0] =	vst v6  }
0x2af: {  	s15 =	simm.s32 $0x0;
	p1 =	por $0x1, $0x1;
	s17 =	simm.s32 $0x0  }
.LBB2_6:
0x2b0: {  	s16 =	sshll.u32 s17, $0x7;
	s19 =	simm.s32 $0x20  }
0x2b1: {  	s20 =	sand.u32 $0x3F00, s15;
	s23 =	simm.s32 $0x40;
	s24 =	simm.s32 $0x60;
	v6 =	vmov s16  }
0x2b2: {  	s25 =	simm.s32 $0x80;
	s28 =	simm.s32 $0x10;
	s30 =	simm.s32 $0x30  }
0x2b3: {  	s29 =	sand.u32 $0x70, s15;
	p0 =	por p1, p1;
	s21 =	sand.u32 $0x7F00, s19  }
0x2b4: {  	s26 =	sand.u32 $0x7F00, s23;
	s23 =	sand.u32 $0x70, s23;
	s25 =	sand.u32 $0x7F00, s25  }
0x2b5: {  	s24 =	sand.u32 $0x7F00, s24;
	s28 =	sand.u32 $0x70, s28;
	s23 =	sor.u32 s23, s25  }
0x2b6: {  	s19 =	sand.u32 $0x70, s19;
	s25 =	simm.s32 $0xA0;
	s21 =	sor.u32 s28, s21;
	v8 =	vld.idx.msk [tilespmem:v6+s23+$0xC000 ss:$0x1], $0xffff  }
0x2b7: {  	s28 =	sor.u32 s29, s20;
	s29 =	simm.s32 $0xE0;
	s20 =	simm.s32 $0x50  }
0x2b8: {  	s23 =	sand.u32 $0x70, s30;
	s30 =	sor.u32 s19, s26;
	v10 =	vld.idx.msk [tilespmem:v6+s21+$0xC000 ss:$0x1], $0xffff;
	s19 =	sand.u32 $0x3F00, s25  }
0x2b9: {  	s26 =	simm.s32 $0xC0;
	v11 =	vld.idx.msk [tilespmem:v6+s28+$0xC000 ss:$0x1], $0xffff;
	s28 =	simm.s32 $0x90;
	s25 =	simm.s32 $0x140  }
0x2ba: {  	v7 =	vimm.f32 $-3.000000010e+38;
	v13 =	vimm.f32 $-3.000000010e+38;
	s23 =	sor.u32 s23, s24;
	v14 =	vld.idx.msk [tilespmem:v6+s30+$0xC000 ss:$0x1], $0xffff;
	s21 =	sand.u32 $0x7F00, s26;
	s30 =	simm.s32 $0x100  }
0x2bb: {  	v12 =	vimm.f32 $-3.000000010e+38;
	s24 =	sand.u32 $0x7F00, s29;
	s26 =	simm.s32 $0x120;
	v15 =	vld.idx.msk [tilespmem:v6+s23+$0xC000 ss:$0x1], $0xffff;
	s23 =	sand.u32 $0x7F00, s30;
	v9 =	vmax.f32 v7, v8;
	v8 =	vimm.f32 $-3.000000010e+38  }
.LBB2_7:
0x2bc: {  	p1 =	sne.s32 s25, $0x2760  }
0x2bd: {  	s28 =	sand.u32 $0x70, s28;
	s26 =	sand.u32 $0x7F00, s26;
	s29 =	sadd.s32 $0x10, s20  }
0x2be: {  	s30 =	sadd.s32 $0x20, s20;
	v7 =	vmax.f32 v7, v10;
	s26 =	sor.u32 s28, s26;
	s28 =	sand.u32 $0x70, s29  }
0x2bf: {  	s29 =	sand.u32 $0x70, s30;
	s30 =	sadd.s32 $0x30, s20;
	v13 =	vmax.f32 v13, v14;
	v16 =	vld.idx.msk [tilespmem:v6+s26+$0xC000 ss:$0x1], $0xffff;
	s26 =	sand.u32 $0x70, s20  }
0x2c0: {  	s21 =	sor.u32 s28, s21;
	s28 =	sand.u32 $0x70, s30;
	v12 =	vmax.f32 v12, v15;
	s26 =	sor.u32 s26, s19  }
.Ltmp2:
0x2c1: {  	s23 =	sor.u32 s28, s23;
	v8 =	vmax.f32 v8, v11;
	v10 =	vld.idx.msk [tilespmem:v6+s21+$0xC000 ss:$0x1], $0xffff;
	s21 =	sor.u32 s29, s24;
	(pc) =	sbr.rel @p1 .LBB2_7-.Ltmp2, $4  }
0x2c2: {  	s19 =	sand.u32 $0x3F00, s25;
	s24 =	sadd.s32 $0x20, s25;
	v14 =	vld.idx.msk [tilespmem:v6+s21+$0xC000 ss:$0x1], $0xffff  }
0x2c3: {  	s28 =	sadd.s32 $0x60, s25;
	s21 =	sand.u32 $0x7F00, s24;
	s24 =	sadd.s32 $0x40, s25;
	v15 =	vld.idx.msk [tilespmem:v6+s23+$0xC000 ss:$0x1], $0xffff  }
0x2c4: {  	s20 =	sadd.s32 $0x50, s20;
	s24 =	sand.u32 $0x7F00, s24;
	s23 =	sand.u32 $0x7F00, s28;
	v11 =	vld.idx.msk [tilespmem:v6+s26+$0xC000 ss:$0x1], $0xffff  }
0x2c5: {  	s28 =	sadd.s32 $0x40, s20;
	s26 =	sadd.s32 $0x80, s25;
	s25 =	sadd.s32 $0xA0, s25;
	v9 =	vmax.f32 v9, v16  }
0x2c6: {  	_ = 	snop  }
0x2c7: {  	s25 =	sadd.s32 $0x20, s20  }
0x2c8: {  	s29 =	sadd.s32 $0x30, s20;
	s25 =	sand.u32 $0x70, s25  }
0x2c9: {  	s28 =	sand.u32 $0x70, s28;
	s29 =	sand.u32 $0x70, s29;
	s24 =	sor.u32 s25, s24  }
0x2ca: {  	s26 =	sand.u32 $0x7F00, s26;
	s30 =	sadd.s32 $0x10, s20;
	s23 =	sor.u32 s29, s23;
	v16 =	vld.idx.msk [tilespmem:v6+s24+$0xC000 ss:$0x1], $0xffff  }
0x2cb: {  	s28 =	sor.u32 s28, s26;
	s29 =	sand.u32 $0x70, s30;
	v17 =	vld.idx.msk [tilespmem:v6+s23+$0xC000 ss:$0x1], $0xffff  }
0x2cc: {  	v18 =	vld.idx.msk [tilespmem:v6+s28+$0xC000 ss:$0x1], $0xffff;
	s21 =	sor.u32 s29, s21  }
0x2cd: {  	v19 =	vld.idx.msk [tilespmem:v6+s21+$0xC000 ss:$0x1], $0xffff  }
0x2ce: {  	v13 =	vmax.f32 v13, v14;
	s30 =	sand.u32 $0x70, s20  }
0x2cf: {  	v12 =	vmax.f32 v12, v15;
	s19 =	sor.u32 s30, s19;
	v13 =	vmax.f32 v13, v16  }
0x2d0: {  	v6 =	vld.idx.msk [tilespmem:v6+s19+$0xC000 ss:$0x1], $0xffff;
	v12 =	vmax.f32 v12, v17;
	[tilespmem:$0x12E20] =	vst v13  }
0x2d1: {  	v7 =	vmax.f32 v7, v10;
	v9 =	vmax.f32 v9, v18;
	[tilespmem:$0x12E30] =	vst v12  }
0x2d2: {  	[tilespmem:$0x12E40] =	vst v9;
	v7 =	vmax.f32 v7, v19;
	v47 =	vld [tilespmem:$0x12E28]  }
0x2d3: {  	[tilespmem:$0x12E10] =	vst v7;
	v12 =	vld [tilespmem:$0x12E38]  }
0x2d4: {  	v13 =	vld [tilespmem:$0x12E18]  }
0x2d5: {  	v8 =	vmax.f32 v8, v11  }
0x2d6: {  	v6 =	vmax.f32 v8, v6  }
0x2d7: {  	v8 =	vmax.f32 v6, v47  }
0x2d8: {  	v7 =	vmax.f32 v7, v12;
	v8 =	vmul.f32 $1.442695020e+00, v8  }
0x2d9: {  	v9 =	vmax.f32 v13, v9;
	v7 =	vmul.f32 $1.442695020e+00, v7  }
0x2da: {  	v48 =	vmul.f32 $1.442695020e+00, v9;
	(erf) = vpow2.f32 v8  }
0x2db: {  	(erf) = vpow2.f32 v7  }
0x2dc: {  	(erf) = vpow2.f32 v48;
	_ =	sdelay $0x6  }
0x2dd: {  	v7 =	vpop (erf)  }
0x2de: {  	[tilespmem:$0x12E00] =	vst v6;
	v49 =	vpop (erf);
	v6 =	vsub.f32 $1.000000000e+00, v7  }
0x2df: {  	[tilespmem:$0x12E80] =	vst v4;
	v7 =	vsub.f32 $1.000000000e+00, v49;
	v50 =	vpop (erf)  }
0x2e0: {  	[tilespmem:$0x12EB0] =	vst v4;
	v6 =	vmax.f32 v6, $9.999999970e-07;
	v8 =	vsub.f32 $1.000000000e+00, v50  }
0x2e1: {  	[tilespmem:$0x12E88] =	vst v6;
	v7 =	vmax.f32 v7, $9.999999970e-07  }
0x2e2: {  	[tilespmem:$0x12E98] =	vst v7;
	v7 =	vmax.f32 v8, $9.999999970e-07  }
0x2e3: {  	[tilespmem:$0x12EA0] =	vst v7  }
0x2e4: {  	v51 =	vld [tilespmem:s16+$0x11010]  }
0x2e5: {  	v52 =	vld.msk [tilespmem:s16+$0x11020], $0xff;
	_ =	sdelay $0x1  }
0x2e6: {  	v53 =	vld [tilespmem:s16+$0x11000]  }
0x2e7: {  	v54 =	vld [tilespmem:$0x12E98]  }
0x2e8: {  	v7 =	vperm.xlane v7, v5  }
0x2e9: {  	vm3 =	veq.s32 v51, $0x0;
	vm4 =	veq.s32 v52, $0x0  }
0x2ea: {  	v8 =	vnsel vm3, $0x3F800000, v7;
	v7 =	vnsel vm4, $0x3F800000, v7  }
0x2eb: {  	vm13 =	veq.s32 v53, $0x0;
	v8 =	vperm.xlane v8, v5;
	v7 =	vperm.xlane v7, v5  }
0x2ec: {  	v6 =	vnsel vm13, $0x3F800000, v6;
	v55 =	vnsel vm3, $0x3F800000, v54  }
0x2ed: {  	s17 =	sshll.u32 s17, $0x9;
	v6 =	vmin.f32 v6, v55;
	v7 =	vsel vm2, v8, v7  }
0x2ee: {  	s17 =	sand.u32 $0x3FFFFE00, s17;
	v6 =	vmin.f32 v6, v7  }
0x2ef: {  	[tilespmem:s17+$0x12A00] =	vst v6  }
0x2f0: {  	v6 =	vld [tilespmem:$0x12E88]  }
0x2f1: {  	v7 =	vld [tilespmem:s16+$0x11020]  }
0x2f2: {  	v56 =	vld.msk [tilespmem:s16+$0x11030], $0xff  }
0x2f3: {  	v57 =	vld [tilespmem:$0x12E98]  }
0x2f4: {  	v58 =	vld [tilespmem:s16+$0x11030]  }
0x2f5: {  	v59 =	vld.msk [tilespmem:s16+$0x11040], $0xff  }
0x2f6: {  	v60 =	vld [tilespmem:s16+$0x11040]  }
0x2f7: {  	v61 =	vld [tilespmem:$0x12EA0];
	_ =	sdelay $0x1  }
0x2f8: {  	v6 =	vperm.xlane v6, v5  }
0x2f9: {  	vm3 =	veq.s32 v7, $0x0;
	vm14 =	veq.s32 v56, $0x0;
	v62 =	vperm.xlane v57, v5  }
0x2fa: {  	vm15 =	veq.s32 v58, $0x0;
	v7 =	vnsel vm3, $0x3F800000, v6;
	vm3 =	veq.s32 v60, $0x0  }
0x2fb: {  	v6 =	vnsel vm14, $0x3F800000, v6;
	v63 =	vnsel vm3, $0x3F800000, v61;
	vm3 =	veq.s32 v59, $0x0  }
0x2fc: {  	v10 =	vnsel vm15, $0x3F800000, v62;
	v8 =	vnsel vm3, $0x3F800000, v62;
	v9 =	vperm.xlane v63, v5  }
0x2fd: {  	v7 =	vmin.f32 v7, v10;
	v6 =	vmin.f32 v6, v8  }
0x2fe: {  	v7 =	vmin.f32 v7, v9;
	v6 =	vmin.f32 v6, v9  }
0x2ff: {  	v7 =	vperm.xlane v7, v5;
	v6 =	vperm.xlane v6, v5;
	_ =	sdelay $0x1  }
0x300: {  	v6 =	vsel vm2, v7, v6  }
0x301: {  	[tilespmem:s17+$0x12A10] =	vst v6  }
0x302: {  	v6 =	vld [tilespmem:s16+$0x11060]  }
0x303: {  	v7 =	vld [tilespmem:$0x12EA0]  }
0x304: {  	v12 =	vld.msk [tilespmem:s16+$0x11070], $0xff  }
0x305: {  	v13 =	vld [tilespmem:$0x12E88]  }
0x306: {  	v14 =	vld [tilespmem:s16+$0x11050]  }
0x307: {  	v15 =	vld [tilespmem:$0x12E98]  }
0x308: {  	v7 =	vperm.xlane v7, v5  }
0x309: {  	vm3 =	veq.s32 v6, $0x0;
	vm8 =	veq.s32 v12, $0x0  }
0x30a: {  	v6 =	vnsel vm3, $0x3F800000, v7;
	v7 =	vnsel vm8, $0x3F800000, v7  }
0x30b: {  	vm9 =	veq.s32 v14, $0x0;
	v6 =	vperm.xlane v6, v5;
	v7 =	vperm.xlane v7, v5  }
0x30c: {  	v16 =	vnsel vm9, $0x3F800000, v13;
	v17 =	vnsel vm3, $0x3F800000, v15  }
0x30d: {  	v8 =	vmin.f32 v16, v17;
	v6 =	vsel vm2, v6, v7  }
0x30e: {  	v6 =	vmin.f32 v8, v6  }
0x30f: {  	[tilespmem:s17+$0x12A20] =	vst v6  }
0x310: {  	v6 =	vld [tilespmem:s16+$0x11100]  }
0x311: {  	v7 =	vld [tilespmem:$0x12E98]  }
0x312: {  	v18 =	vld.msk [tilespmem:s16+$0x11110], $0xff  }
0x313: {  	v19 =	vld [tilespmem:$0x12E80]  }
0x314: {  	v20 =	vld [tilespmem:s16+$0x11070]  }
0x315: {  	v21 =	vld [tilespmem:$0x12E90]  }
0x316: {  	v22 =	vld [tilespmem:s16+$0x11110];
	v7 =	vperm.xlane v7, v5  }
0x317: {  	vm3 =	veq.s32 v6, $0x0;
	vm10 =	veq.s32 v18, $0x0;
	v6 =	vld [tilespmem:$0x12EA0]  }
0x318: {  	v23 =	vnsel vm3, $0x3F800000, v7;
	v7 =	vnsel vm10, $0x3F800000, v7  }
0x319: {  	vm11 =	veq.s32 v20, $0x0;
	v8 =	vperm.xlane v23, v5;
	v7 =	vperm.xlane v7, v5  }
0x31a: {  	v9 =	vnsel vm11, $0x3F800000, v19;
	v24 =	vnsel vm3, $0x3F800000, v21  }
0x31b: {  	v9 =	vmin.f32 v9, v24;
	vm3 =	veq.s32 v22, $0x0;
	v7 =	vsel vm2, v8, v7  }
0x31c: {  	v6 =	vnsel vm3, $0x3F800000, v6;
	v7 =	vmin.f32 v9, v7  }
0x31d: {  	v6 =	vmin.f32 v7, v6  }
0x31e: {  	[tilespmem:s17+$0x12A30] =	vst v6  }
0x31f: {  	v6 =	vld [tilespmem:s16+$0x11130]  }
0x320: {  	v7 =	vld [tilespmem:$0x12EA0]  }
0x321: {  	v25 =	vld.msk [tilespmem:s16+$0x11140], $0xff  }
0x322: {  	v26 =	vld [tilespmem:$0x12E88]  }
0x323: {  	v27 =	vld [tilespmem:s16+$0x11120]  }
0x324: {  	v28 =	vld [tilespmem:$0x12E98]  }
0x325: {  	v7 =	vperm.xlane v7, v5  }
0x326: {  	vm3 =	veq.s32 v6, $0x0;
	vm12 =	veq.s32 v25, $0x0  }
0x327: {  	v6 =	vnsel vm3, $0x3F800000, v7;
	v7 =	vnsel vm12, $0x3F800000, v7  }
0x328: {  	vm13 =	veq.s32 v27, $0x0;
	v6 =	vperm.xlane v6, v5;
	v7 =	vperm.xlane v7, v5  }
0x329: {  	v29 =	vnsel vm13, $0x3F800000, v26;
	v30 =	vnsel vm3, $0x3F800000, v28  }
0x32a: {  	v8 =	vmin.f32 v29, v30;
	v6 =	vsel vm2, v6, v7  }
0x32b: {  	v6 =	vmin.f32 v8, v6  }
0x32c: {  	[tilespmem:s17+$0x12A40] =	vst v6  }
0x32d: {  	v6 =	vld [tilespmem:$0x12E88]  }
0x32e: {  	v7 =	vld [tilespmem:s16+$0x11140]  }
0x32f: {  	v31 =	vld.msk [tilespmem:s16+$0x11150], $0xff  }
0x330: {  	v32 =	vld [tilespmem:$0x12E98]  }
0x331: {  	v33 =	vld [tilespmem:s16+$0x11150]  }
0x332: {  	v34 =	vld.msk [tilespmem:s16+$0x11160], $0xff  }
0x333: {  	v35 =	vld [tilespmem:s16+$0x11160]  }
0x334: {  	v36 =	vld [tilespmem:$0x12EA0];
	_ =	sdelay $0x1  }
0x335: {  	v6 =	vperm.xlane v6, v5  }
0x336: {  	vm3 =	veq.s32 v7, $0x0;
	vm14 =	veq.s32 v31, $0x0;
	v37 =	vperm.xlane v32, v5  }
0x337: {  	vm15 =	veq.s32 v33, $0x0;
	v7 =	vnsel vm3, $0x3F800000, v6;
	vm3 =	veq.s32 v35, $0x0  }
0x338: {  	v6 =	vnsel vm14, $0x3F800000, v6;
	v38 =	vnsel vm3, $0x3F800000, v36;
	vm3 =	veq.s32 v34, $0x0  }
0x339: {  	v10 =	vnsel vm15, $0x3F800000, v37;
	v8 =	vnsel vm3, $0x3F800000, v37;
	v9 =	vperm.xlane v38, v5  }
0x33a: {  	v7 =	vmin.f32 v7, v10;
	v6 =	vmin.f32 v6, v8  }
0x33b: {  	v7 =	vmin.f32 v7, v9;
	v6 =	vmin.f32 v6, v9  }
0x33c: {  	v7 =	vperm.xlane v7, v5;
	v6 =	vperm.xlane v6, v5;
	_ =	sdelay $0x1  }
0x33d: {  	v6 =	vsel vm2, v7, v6  }
0x33e: {  	[tilespmem:s17+$0x12A50] =	vst v6  }
0x33f: {  	v6 =	vld [tilespmem:s16+$0x11200]  }
0x340: {  	v7 =	vld [tilespmem:$0x12EA0]  }
0x341: {  	v39 =	vld.msk [tilespmem:s16+$0x11210], $0xff  }
0x342: {  	v40 =	vld [tilespmem:$0x12E88]  }
0x343: {  	v41 =	vld [tilespmem:s16+$0x11170]  }
0x344: {  	v42 =	vld [tilespmem:$0x12E98]  }
0x345: {  	v7 =	vperm.xlane v7, v5  }
0x346: {  	vm3 =	veq.s32 v6, $0x0;
	vm8 =	veq.s32 v39, $0x0  }
0x347: {  	v6 =	vnsel vm3, $0x3F800000, v7;
	v7 =	vnsel vm8, $0x3F800000, v7  }
0x348: {  	vm9 =	veq.s32 v41, $0x0;
	v6 =	vperm.xlane v6, v5;
	v7 =	vperm.xlane v7, v5  }
0x349: {  	v43 =	vnsel vm9, $0x3F800000, v40;
	v44 =	vnsel vm3, $0x3F800000, v42  }
0x34a: {  	v8 =	vmin.f32 v43, v44;
	v6 =	vsel vm2, v6, v7  }
0x34b: {  	v6 =	vmin.f32 v8, v6  }
0x34c: {  	[tilespmem:s17+$0x12A60] =	vst v6  }
0x34d: {  	v6 =	vld [tilespmem:$0x12E88]  }
0x34e: {  	v7 =	vld [tilespmem:s16+$0x11210]  }
0x34f: {  	v45 =	vld.msk [tilespmem:s16+$0x11220], $0xff  }
0x350: {  	v46 =	vld [tilespmem:$0x12E98]  }
0x351: {  	v47 =	vld [tilespmem:s16+$0x11220]  }
0x352: {  	v48 =	vld.msk [tilespmem:s16+$0x11230], $0xff  }
0x353: {  	v49 =	vld [tilespmem:s16+$0x11230]  }
0x354: {  	v50 =	vld [tilespmem:$0x12EA0];
	_ =	sdelay $0x1  }
0x355: {  	v6 =	vperm.xlane v6, v5  }
0x356: {  	vm3 =	veq.s32 v7, $0x0;
	vm10 =	veq.s32 v45, $0x0;
	v51 =	vperm.xlane v46, v5  }
0x357: {  	vm11 =	veq.s32 v47, $0x0;
	v7 =	vnsel vm3, $0x3F800000, v6;
	vm3 =	veq.s32 v49, $0x0  }
0x358: {  	v6 =	vnsel vm10, $0x3F800000, v6;
	v52 =	vnsel vm3, $0x3F800000, v50;
	vm3 =	veq.s32 v48, $0x0  }
0x359: {  	v10 =	vnsel vm11, $0x3F800000, v51;
	v8 =	vnsel vm3, $0x3F800000, v51;
	v9 =	vperm.xlane v52, v5  }
0x35a: {  	v7 =	vmin.f32 v7, v10;
	v6 =	vmin.f32 v6, v8  }
0x35b: {  	v7 =	vmin.f32 v7, v9;
	v6 =	vmin.f32 v6, v9  }
0x35c: {  	v7 =	vperm.xlane v7, v5;
	v6 =	vperm.xlane v6, v5;
	_ =	sdelay $0x1  }
0x35d: {  	v6 =	vsel vm2, v7, v6  }
0x35e: {  	[tilespmem:s17+$0x12A70] =	vst v6  }
0x35f: {  	v6 =	vld [tilespmem:s16+$0x11250]  }
0x360: {  	v7 =	vld [tilespmem:$0x12EA0]  }
0x361: {  	v53 =	vld.msk [tilespmem:s16+$0x11260], $0xff  }
0x362: {  	v54 =	vld [tilespmem:$0x12E88]  }
0x363: {  	v55 =	vld [tilespmem:s16+$0x11240]  }
0x364: {  	v56 =	vld [tilespmem:$0x12E98]  }
0x365: {  	v7 =	vperm.xlane v7, v5  }
0x366: {  	vm3 =	veq.s32 v6, $0x0;
	vm12 =	veq.s32 v53, $0x0  }
0x367: {  	v6 =	vnsel vm3, $0x3F800000, v7;
	v7 =	vnsel vm12, $0x3F800000, v7  }
0x368: {  	vm13 =	veq.s32 v55, $0x0;
	v6 =	vperm.xlane v6, v5;
	v7 =	vperm.xlane v7, v5  }
0x369: {  	v57 =	vnsel vm13, $0x3F800000, v54;
	v58 =	vnsel vm3, $0x3F800000, v56  }
0x36a: {  	v8 =	vmin.f32 v57, v58;
	v6 =	vsel vm2, v6, v7  }
0x36b: {  	v6 =	vmin.f32 v8, v6  }
0x36c: {  	[tilespmem:s17+$0x12A80] =	vst v6  }
0x36d: {  	v6 =	vld [tilespmem:$0x12E88]  }
0x36e: {  	v7 =	vld [tilespmem:s16+$0x11260]  }
0x36f: {  	v59 =	vld.msk [tilespmem:s16+$0x11270], $0xff  }
0x370: {  	v60 =	vld [tilespmem:$0x12E90]  }
0x371: {  	v61 =	vld [tilespmem:s16+$0x11270]  }
0x372: {  	v62 =	vld [tilespmem:s16+$0x11300]  }
0x373: {  	v63 =	vld [tilespmem:$0x12EA0];
	_ =	sdelay $0x2  }
0x374: {  	v6 =	vperm.xlane v6, v5;
	vm3 =	veq.s32 v61, $0x0  }
0x375: {  	vm14 =	veq.s32 v7, $0x0;
	v7 =	vnsel vm3, $0x3F800000, v60;
	vm3 =	veq.s32 v62, $0x0  }
0x376: {  	v14 =	vnsel vm3, $0x3F800000, v63;
	vm3 =	veq.s32 v59, $0x0;
	v7 =	vperm.xlane v7, v5  }
0x377: {  	v15 =	vnsel vm14, $0x3F800000, v6;
	v6 =	vnsel vm3, $0x3F800000, v6;
	v9 =	vperm.xlane v14, v5  }
0x378: {  	v8 =	vmin.f32 v15, v7;
	v6 =	vmin.f32 v6, v7  }
0x379: {  	v7 =	vmin.f32 v8, v9;
	v6 =	vmin.f32 v6, v9  }
0x37a: {  	v7 =	vperm.xlane v7, v5;
	v6 =	vperm.xlane v6, v5;
	_ =	sdelay $0x1  }
0x37b: {  	v6 =	vsel vm2, v7, v6  }
0x37c: {  	[tilespmem:s17+$0x12A90] =	vst v6  }
0x37d: {  	v6 =	vld [tilespmem:s16+$0x11320]  }
0x37e: {  	v7 =	vld [tilespmem:$0x12EA0]  }
0x37f: {  	v16 =	vld.msk [tilespmem:s16+$0x11330], $0xff  }
0x380: {  	v17 =	vld [tilespmem:$0x12E88]  }
0x381: {  	v18 =	vld [tilespmem:s16+$0x11310]  }
0x382: {  	v19 =	vld [tilespmem:$0x12E98]  }
0x383: {  	v7 =	vperm.xlane v7, v5  }
0x384: {  	vm3 =	veq.s32 v6, $0x0;
	vm15 =	veq.s32 v16, $0x0  }
0x385: {  	v6 =	vnsel vm3, $0x3F800000, v7;
	v7 =	vnsel vm15, $0x3F800000, v7  }
0x386: {  	vm8 =	veq.s32 v18, $0x0;
	v6 =	vperm.xlane v6, v5;
	v7 =	vperm.xlane v7, v5  }
0x387: {  	v20 =	vnsel vm8, $0x3F800000, v17;
	v21 =	vnsel vm3, $0x3F800000, v19  }
0x388: {  	v8 =	vmin.f32 v20, v21;
	v6 =	vsel vm2, v6, v7  }
0x389: {  	v6 =	vmin.f32 v8, v6  }
0x38a: {  	[tilespmem:s17+$0x12AA0] =	vst v6  }
0x38b: {  	v6 =	vld [tilespmem:$0x12E88]  }
0x38c: {  	v7 =	vld [tilespmem:s16+$0x11330]  }
0x38d: {  	v22 =	vld.msk [tilespmem:s16+$0x11340], $0xff  }
0x38e: {  	v23 =	vld [tilespmem:$0x12E98]  }
0x38f: {  	v24 =	vld [tilespmem:s16+$0x11340]  }
0x390: {  	v25 =	vld.msk [tilespmem:s16+$0x11350], $0xff  }
0x391: {  	v26 =	vld [tilespmem:s16+$0x11350]  }
0x392: {  	v27 =	vld [tilespmem:$0x12EA0];
	_ =	sdelay $0x1  }
0x393: {  	v6 =	vperm.xlane v6, v5  }
0x394: {  	vm3 =	veq.s32 v7, $0x0;
	vm9 =	veq.s32 v22, $0x0;
	v28 =	vperm.xlane v23, v5  }
0x395: {  	vm10 =	veq.s32 v24, $0x0;
	v7 =	vnsel vm3, $0x3F800000, v6;
	vm3 =	veq.s32 v26, $0x0  }
0x396: {  	v6 =	vnsel vm9, $0x3F800000, v6;
	v29 =	vnsel vm3, $0x3F800000, v27;
	vm3 =	veq.s32 v25, $0x0  }
0x397: {  	v10 =	vnsel vm10, $0x3F800000, v28;
	v8 =	vnsel vm3, $0x3F800000, v28;
	v9 =	vperm.xlane v29, v5  }
0x398: {  	v7 =	vmin.f32 v7, v10;
	v6 =	vmin.f32 v6, v8  }
0x399: {  	v7 =	vmin.f32 v7, v9;
	v6 =	vmin.f32 v6, v9  }
0x39a: {  	v7 =	vperm.xlane v7, v5;
	v6 =	vperm.xlane v6, v5;
	_ =	sdelay $0x1  }
0x39b: {  	v6 =	vsel vm2, v7, v6  }
0x39c: {  	[tilespmem:s17+$0x12AB0] =	vst v6  }
0x39d: {  	v6 =	vld [tilespmem:$0x12E88]  }
0x39e: {  	v7 =	vld [tilespmem:s16+$0x11360]  }
0x39f: {  	v30 =	vld [tilespmem:$0x12E98]  }
0x3a0: {  	v31 =	vld [tilespmem:s16+$0x11370]  }
0x3a1: {  	v32 =	vld [tilespmem:s16+$0x11400]  }
0x3a2: {  	v33 =	vld [tilespmem:$0x12EA8];
	_ =	sdelay $0x2  }
0x3a3: {  	vm3 =	veq.s32 v7, $0x0;
	vm11 =	veq.s32 v31, $0x0  }
0x3a4: {  	v6 =	vnsel vm3, $0x3F800000, v6;
	v7 =	vnsel vm11, $0x3F800000, v30;
	vm3 =	veq.s32 v32, $0x0  }
0x3a5: {  	v6 =	vmin.f32 v6, v7;
	v7 =	vnsel vm3, $0x3F800000, v33  }
0x3a6: {  	v6 =	vmin.f32 v6, v7  }
0x3a7: {  	[tilespmem:s17+$0x12AC0] =	vst v6  }
0x3a8: {  	v6 =	vld [tilespmem:$0x12E88]  }
0x3a9: {  	v7 =	vld [tilespmem:s16+$0x11400]  }
0x3aa: {  	v34 =	vld.msk [tilespmem:s16+$0x11410], $0xff  }
0x3ab: {  	v35 =	vld [tilespmem:$0x12E98]  }
0x3ac: {  	v36 =	vld [tilespmem:s16+$0x11410]  }
0x3ad: {  	v37 =	vld.msk [tilespmem:s16+$0x11420], $0xff  }
0x3ae: {  	v38 =	vld [tilespmem:s16+$0x11420]  }
0x3af: {  	v39 =	vld [tilespmem:$0x12EA0];
	_ =	sdelay $0x1  }
0x3b0: {  	v6 =	vperm.xlane v6, v5  }
0x3b1: {  	vm3 =	veq.s32 v7, $0x0;
	vm12 =	veq.s32 v34, $0x0;
	v40 =	vperm.xlane v35, v5  }
0x3b2: {  	vm13 =	veq.s32 v36, $0x0;
	v7 =	vnsel vm3, $0x3F800000, v6;
	vm3 =	veq.s32 v38, $0x0  }
0x3b3: {  	v6 =	vnsel vm12, $0x3F800000, v6;
	v41 =	vnsel vm3, $0x3F800000, v39;
	vm3 =	veq.s32 v37, $0x0  }
0x3b4: {  	v10 =	vnsel vm13, $0x3F800000, v40;
	v8 =	vnsel vm3, $0x3F800000, v40;
	v9 =	vperm.xlane v41, v5  }
0x3b5: {  	v7 =	vmin.f32 v7, v10;
	v6 =	vmin.f32 v6, v8  }
0x3b6: {  	v7 =	vmin.f32 v7, v9;
	v6 =	vmin.f32 v6, v9  }
0x3b7: {  	v7 =	vperm.xlane v7, v5;
	v6 =	vperm.xlane v6, v5;
	_ =	sdelay $0x1  }
0x3b8: {  	v6 =	vsel vm2, v7, v6  }
0x3b9: {  	[tilespmem:s17+$0x12AD0] =	vst v6  }
0x3ba: {  	v6 =	vld [tilespmem:s16+$0x11440]  }
0x3bb: {  	v7 =	vld [tilespmem:$0x12EA0]  }
0x3bc: {  	v42 =	vld.msk [tilespmem:s16+$0x11450], $0xff  }
0x3bd: {  	v43 =	vld [tilespmem:$0x12E88]  }
0x3be: {  	v44 =	vld [tilespmem:s16+$0x11430]  }
0x3bf: {  	v45 =	vld [tilespmem:$0x12E98]  }
0x3c0: {  	v7 =	vperm.xlane v7, v5  }
0x3c1: {  	vm3 =	veq.s32 v6, $0x0;
	vm14 =	veq.s32 v42, $0x0  }
0x3c2: {  	v6 =	vnsel vm3, $0x3F800000, v7;
	v7 =	vnsel vm14, $0x3F800000, v7  }
0x3c3: {  	vm15 =	veq.s32 v44, $0x0;
	v6 =	vperm.xlane v6, v5;
	v7 =	vperm.xlane v7, v5  }
0x3c4: {  	v46 =	vnsel vm15, $0x3F800000, v43;
	v47 =	vnsel vm3, $0x3F800000, v45  }
0x3c5: {  	v8 =	vmin.f32 v46, v47;
	v6 =	vsel vm2, v6, v7  }
0x3c6: {  	v6 =	vmin.f32 v8, v6  }
0x3c7: {  	[tilespmem:s17+$0x12AE0] =	vst v6  }
0x3c8: {  	v6 =	vld [tilespmem:$0x12E88]  }
0x3c9: {  	v7 =	vld [tilespmem:s16+$0x11450]  }
0x3ca: {  	v48 =	vld.msk [tilespmem:s16+$0x11460], $0xff  }
0x3cb: {  	v49 =	vld [tilespmem:$0x12E98]  }
0x3cc: {  	v50 =	vld [tilespmem:s16+$0x11460]  }
0x3cd: {  	v51 =	vld.msk [tilespmem:s16+$0x11470], $0xff  }
0x3ce: {  	v52 =	vld [tilespmem:s16+$0x11470]  }
0x3cf: {  	v53 =	vld [tilespmem:$0x12EA0];
	_ =	sdelay $0x1  }
0x3d0: {  	v6 =	vperm.xlane v6, v5  }
0x3d1: {  	vm3 =	veq.s32 v7, $0x0;
	vm8 =	veq.s32 v48, $0x0;
	v54 =	vperm.xlane v49, v5  }
0x3d2: {  	vm9 =	veq.s32 v50, $0x0;
	v7 =	vnsel vm3, $0x3F800000, v6;
	vm3 =	veq.s32 v52, $0x0  }
0x3d3: {  	v6 =	vnsel vm8, $0x3F800000, v6;
	v55 =	vnsel vm3, $0x3F800000, v53;
	vm3 =	veq.s32 v51, $0x0  }
0x3d4: {  	v10 =	vnsel vm9, $0x3F800000, v54;
	v8 =	vnsel vm3, $0x3F800000, v54;
	v9 =	vperm.xlane v55, v5  }
0x3d5: {  	v7 =	vmin.f32 v7, v10;
	v6 =	vmin.f32 v6, v8  }
0x3d6: {  	v7 =	vmin.f32 v7, v9;
	v6 =	vmin.f32 v6, v9  }
0x3d7: {  	v7 =	vperm.xlane v7, v5;
	v6 =	vperm.xlane v6, v5;
	_ =	sdelay $0x1  }
0x3d8: {  	v6 =	vsel vm2, v7, v6  }
0x3d9: {  	[tilespmem:s17+$0x12AF0] =	vst v6  }
0x3da: {  	v6 =	vld [tilespmem:s16+$0x11510]  }
0x3db: {  	v7 =	vld [tilespmem:$0x12EA0]  }
0x3dc: {  	v56 =	vld.msk [tilespmem:s16+$0x11520], $0xff  }
0x3dd: {  	v57 =	vld [tilespmem:$0x12E88]  }
0x3de: {  	v58 =	vld [tilespmem:s16+$0x11500]  }
0x3df: {  	v59 =	vld [tilespmem:$0x12E98]  }
0x3e0: {  	v7 =	vperm.xlane v7, v5  }
0x3e1: {  	vm3 =	veq.s32 v6, $0x0;
	vm10 =	veq.s32 v56, $0x0  }
0x3e2: {  	v6 =	vnsel vm3, $0x3F800000, v7;
	v7 =	vnsel vm10, $0x3F800000, v7  }
0x3e3: {  	vm11 =	veq.s32 v58, $0x0;
	v6 =	vperm.xlane v6, v5;
	v7 =	vperm.xlane v7, v5  }
0x3e4: {  	v60 =	vnsel vm11, $0x3F800000, v57;
	v61 =	vnsel vm3, $0x3F800000, v59  }
0x3e5: {  	v8 =	vmin.f32 v60, v61;
	v6 =	vsel vm2, v6, v7  }
0x3e6: {  	v6 =	vmin.f32 v8, v6  }
0x3e7: {  	[tilespmem:s17+$0x12B00] =	vst v6  }
0x3e8: {  	v6 =	vld [tilespmem:$0x12E88]  }
0x3e9: {  	v7 =	vld [tilespmem:s16+$0x11520]  }
0x3ea: {  	v62 =	vld.msk [tilespmem:s16+$0x11530], $0xff  }
0x3eb: {  	v63 =	vld [tilespmem:$0x12E98]  }
0x3ec: {  	v16 =	vld [tilespmem:s16+$0x11530]  }
0x3ed: {  	v17 =	vld.msk [tilespmem:s16+$0x11540], $0xff  }
0x3ee: {  	v18 =	vld [tilespmem:s16+$0x11540]  }
0x3ef: {  	v19 =	vld [tilespmem:$0x12EA0];
	_ =	sdelay $0x1  }
0x3f0: {  	v6 =	vperm.xlane v6, v5  }
0x3f1: {  	vm3 =	veq.s32 v7, $0x0;
	vm12 =	veq.s32 v62, $0x0;
	v20 =	vperm.xlane v63, v5  }
0x3f2: {  	vm13 =	veq.s32 v16, $0x0;
	v7 =	vnsel vm3, $0x3F800000, v6;
	vm3 =	veq.s32 v18, $0x0  }
0x3f3: {  	v6 =	vnsel vm12, $0x3F800000, v6;
	v21 =	vnsel vm3, $0x3F800000, v19;
	vm3 =	veq.s32 v17, $0x0  }
0x3f4: {  	v10 =	vnsel vm13, $0x3F800000, v20;
	v8 =	vnsel vm3, $0x3F800000, v20;
	v9 =	vperm.xlane v21, v5  }
0x3f5: {  	v7 =	vmin.f32 v7, v10;
	v6 =	vmin.f32 v6, v8  }
0x3f6: {  	v7 =	vmin.f32 v7, v9;
	v6 =	vmin.f32 v6, v9  }
0x3f7: {  	v7 =	vperm.xlane v7, v5;
	v6 =	vperm.xlane v6, v5;
	_ =	sdelay $0x1  }
0x3f8: {  	v6 =	vsel vm2, v7, v6  }
0x3f9: {  	[tilespmem:s17+$0x12B10] =	vst v6  }
0x3fa: {  	v6 =	vld [tilespmem:s16+$0x11560]  }
0x3fb: {  	v7 =	vld [tilespmem:$0x12EA0]  }
0x3fc: {  	v22 =	vld.msk [tilespmem:s16+$0x11570], $0xff  }
0x3fd: {  	v23 =	vld [tilespmem:$0x12E88]  }
0x3fe: {  	v24 =	vld [tilespmem:s16+$0x11550]  }
0x3ff: {  	v25 =	vld [tilespmem:$0x12E98]  }
0x400: {  	v7 =	vperm.xlane v7, v5  }
0x401: {  	vm3 =	veq.s32 v6, $0x0;
	vm14 =	veq.s32 v22, $0x0  }
0x402: {  	v6 =	vnsel vm3, $0x3F800000, v7;
	v7 =	vnsel vm14, $0x3F800000, v7  }
0x403: {  	vm15 =	veq.s32 v24, $0x0;
	v6 =	vperm.xlane v6, v5;
	v7 =	vperm.xlane v7, v5  }
0x404: {  	v26 =	vnsel vm15, $0x3F800000, v23;
	v27 =	vnsel vm3, $0x3F800000, v25  }
0x405: {  	v8 =	vmin.f32 v26, v27;
	v6 =	vsel vm2, v6, v7  }
0x406: {  	v6 =	vmin.f32 v8, v6  }
0x407: {  	[tilespmem:s17+$0x12B20] =	vst v6  }
0x408: {  	v6 =	vld [tilespmem:s16+$0x11600]  }
0x409: {  	v7 =	vld [tilespmem:$0x12E98]  }
0x40a: {  	v28 =	vld.msk [tilespmem:s16+$0x11610], $0xff  }
0x40b: {  	v29 =	vld [tilespmem:$0x12E80]  }
0x40c: {  	v30 =	vld [tilespmem:s16+$0x11570]  }
0x40d: {  	v31 =	vld [tilespmem:$0x12E90]  }
0x40e: {  	v32 =	vld [tilespmem:s16+$0x11610];
	v7 =	vperm.xlane v7, v5  }
0x40f: {  	vm3 =	veq.s32 v6, $0x0;
	vm8 =	veq.s32 v28, $0x0;
	v6 =	vld [tilespmem:$0x12EA0]  }
0x410: {  	v33 =	vnsel vm3, $0x3F800000, v7;
	v7 =	vnsel vm8, $0x3F800000, v7  }
0x411: {  	vm9 =	veq.s32 v30, $0x0;
	v8 =	vperm.xlane v33, v5;
	v7 =	vperm.xlane v7, v5  }
0x412: {  	v9 =	vnsel vm9, $0x3F800000, v29;
	v34 =	vnsel vm3, $0x3F800000, v31  }
0x413: {  	v9 =	vmin.f32 v9, v34;
	vm3 =	veq.s32 v32, $0x0;
	v7 =	vsel vm2, v8, v7  }
0x414: {  	v6 =	vnsel vm3, $0x3F800000, v6;
	v7 =	vmin.f32 v9, v7  }
0x415: {  	v6 =	vmin.f32 v7, v6  }
0x416: {  	[tilespmem:s17+$0x12B30] =	vst v6  }
0x417: {  	v6 =	vld [tilespmem:s16+$0x11630]  }
0x418: {  	v7 =	vld [tilespmem:$0x12EA0]  }
0x419: {  	v35 =	vld.msk [tilespmem:s16+$0x11640], $0xff  }
0x41a: {  	v36 =	vld [tilespmem:$0x12E88]  }
0x41b: {  	v37 =	vld [tilespmem:s16+$0x11620]  }
0x41c: {  	v38 =	vld [tilespmem:$0x12E98]  }
0x41d: {  	v7 =	vperm.xlane v7, v5  }
0x41e: {  	vm3 =	veq.s32 v6, $0x0;
	vm10 =	veq.s32 v35, $0x0  }
0x41f: {  	v6 =	vnsel vm3, $0x3F800000, v7;
	v7 =	vnsel vm10, $0x3F800000, v7  }
0x420: {  	vm11 =	veq.s32 v37, $0x0;
	v6 =	vperm.xlane v6, v5;
	v7 =	vperm.xlane v7, v5  }
0x421: {  	v39 =	vnsel vm11, $0x3F800000, v36;
	v40 =	vnsel vm3, $0x3F800000, v38  }
0x422: {  	v8 =	vmin.f32 v39, v40;
	v6 =	vsel vm2, v6, v7  }
0x423: {  	v6 =	vmin.f32 v8, v6  }
0x424: {  	[tilespmem:s17+$0x12B40] =	vst v6  }
0x425: {  	v6 =	vld [tilespmem:$0x12E88]  }
0x426: {  	v7 =	vld [tilespmem:s16+$0x11640]  }
0x427: {  	v41 =	vld.msk [tilespmem:s16+$0x11650], $0xff  }
0x428: {  	v42 =	vld [tilespmem:$0x12E98]  }
0x429: {  	v43 =	vld [tilespmem:s16+$0x11650]  }
0x42a: {  	v44 =	vld.msk [tilespmem:s16+$0x11660], $0xff  }
0x42b: {  	v45 =	vld [tilespmem:s16+$0x11660]  }
0x42c: {  	v46 =	vld [tilespmem:$0x12EA0];
	_ =	sdelay $0x1  }
0x42d: {  	v6 =	vperm.xlane v6, v5  }
0x42e: {  	vm3 =	veq.s32 v7, $0x0;
	vm12 =	veq.s32 v41, $0x0;
	v47 =	vperm.xlane v42, v5  }
0x42f: {  	vm13 =	veq.s32 v43, $0x0;
	v7 =	vnsel vm3, $0x3F800000, v6;
	vm3 =	veq.s32 v45, $0x0  }
0x430: {  	v6 =	vnsel vm12, $0x3F800000, v6;
	v48 =	vnsel vm3, $0x3F800000, v46;
	vm3 =	veq.s32 v44, $0x0  }
0x431: {  	v10 =	vnsel vm13, $0x3F800000, v47;
	v8 =	vnsel vm3, $0x3F800000, v47;
	v9 =	vperm.xlane v48, v5  }
0x432: {  	v7 =	vmin.f32 v7, v10;
	v6 =	vmin.f32 v6, v8  }
0x433: {  	v7 =	vmin.f32 v7, v9;
	v6 =	vmin.f32 v6, v9  }
0x434: {  	v7 =	vperm.xlane v7, v5;
	v6 =	vperm.xlane v6, v5;
	_ =	sdelay $0x1  }
0x435: {  	v6 =	vsel vm2, v7, v6  }
0x436: {  	[tilespmem:s17+$0x12B50] =	vst v6  }
0x437: {  	v6 =	vld [tilespmem:s16+$0x11700]  }
0x438: {  	v7 =	vld [tilespmem:$0x12EA0]  }
0x439: {  	v49 =	vld.msk [tilespmem:s16+$0x11710], $0xff  }
0x43a: {  	v50 =	vld [tilespmem:$0x12E88]  }
0x43b: {  	v51 =	vld [tilespmem:s16+$0x11670]  }
0x43c: {  	v52 =	vld [tilespmem:$0x12E98]  }
0x43d: {  	v7 =	vperm.xlane v7, v5  }
0x43e: {  	vm3 =	veq.s32 v6, $0x0;
	vm14 =	veq.s32 v49, $0x0  }
0x43f: {  	v6 =	vnsel vm3, $0x3F800000, v7;
	v7 =	vnsel vm14, $0x3F800000, v7  }
0x440: {  	vm15 =	veq.s32 v51, $0x0;
	v6 =	vperm.xlane v6, v5;
	v7 =	vperm.xlane v7, v5  }
0x441: {  	v53 =	vnsel vm15, $0x3F800000, v50;
	v54 =	vnsel vm3, $0x3F800000, v52  }
0x442: {  	v8 =	vmin.f32 v53, v54;
	v6 =	vsel vm2, v6, v7  }
0x443: {  	v6 =	vmin.f32 v8, v6  }
0x444: {  	[tilespmem:s17+$0x12B60] =	vst v6  }
0x445: {  	v6 =	vld [tilespmem:$0x12E88]  }
0x446: {  	v7 =	vld [tilespmem:s16+$0x11710]  }
0x447: {  	v55 =	vld.msk [tilespmem:s16+$0x11720], $0xff  }
0x448: {  	v56 =	vld [tilespmem:$0x12E98]  }
0x449: {  	v57 =	vld [tilespmem:s16+$0x11720]  }
0x44a: {  	v58 =	vld.msk [tilespmem:s16+$0x11730], $0xff  }
0x44b: {  	v59 =	vld [tilespmem:s16+$0x11730]  }
0x44c: {  	v60 =	vld [tilespmem:$0x12EA0];
	_ =	sdelay $0x1  }
0x44d: {  	v6 =	vperm.xlane v6, v5  }
0x44e: {  	vm3 =	veq.s32 v7, $0x0;
	vm8 =	veq.s32 v55, $0x0;
	v61 =	vperm.xlane v56, v5  }
0x44f: {  	vm9 =	veq.s32 v57, $0x0;
	v7 =	vnsel vm3, $0x3F800000, v6;
	vm3 =	veq.s32 v59, $0x0  }
0x450: {  	v6 =	vnsel vm8, $0x3F800000, v6;
	v62 =	vnsel vm3, $0x3F800000, v60;
	vm3 =	veq.s32 v58, $0x0  }
0x451: {  	v10 =	vnsel vm9, $0x3F800000, v61;
	v8 =	vnsel vm3, $0x3F800000, v61;
	v9 =	vperm.xlane v62, v5  }
0x452: {  	v7 =	vmin.f32 v7, v10;
	v6 =	vmin.f32 v6, v8  }
0x453: {  	v7 =	vmin.f32 v7, v9;
	v6 =	vmin.f32 v6, v9  }
0x454: {  	v7 =	vperm.xlane v7, v5;
	v6 =	vperm.xlane v6, v5;
	_ =	sdelay $0x1  }
0x455: {  	v6 =	vsel vm2, v7, v6  }
0x456: {  	[tilespmem:s17+$0x12B70] =	vst v6  }
0x457: {  	v6 =	vld [tilespmem:s16+$0x11750]  }
0x458: {  	v7 =	vld [tilespmem:$0x12EA0]  }
0x459: {  	v63 =	vld.msk [tilespmem:s16+$0x11760], $0xff  }
0x45a: {  	v12 =	vld [tilespmem:$0x12E88]  }
0x45b: {  	v13 =	vld [tilespmem:s16+$0x11740]  }
0x45c: {  	v14 =	vld [tilespmem:$0x12E98]  }
0x45d: {  	v7 =	vperm.xlane v7, v5  }
0x45e: {  	vm3 =	veq.s32 v6, $0x0;
	vm10 =	veq.s32 v63, $0x0  }
0x45f: {  	v6 =	vnsel vm3, $0x3F800000, v7;
	v7 =	vnsel vm10, $0x3F800000, v7  }
0x460: {  	vm11 =	veq.s32 v13, $0x0;
	v6 =	vperm.xlane v6, v5;
	v7 =	vperm.xlane v7, v5  }
0x461: {  	v15 =	vnsel vm11, $0x3F800000, v12;
	v16 =	vnsel vm3, $0x3F800000, v14  }
0x462: {  	v8 =	vmin.f32 v15, v16;
	v6 =	vsel vm2, v6, v7  }
0x463: {  	v6 =	vmin.f32 v8, v6  }
0x464: {  	[tilespmem:s17+$0x12B80] =	vst v6  }
0x465: {  	v6 =	vld [tilespmem:$0x12E88]  }
0x466: {  	v7 =	vld [tilespmem:s16+$0x11760]  }
0x467: {  	v17 =	vld.msk [tilespmem:s16+$0x11770], $0xff  }
0x468: {  	v18 =	vld [tilespmem:$0x12E90]  }
0x469: {  	v19 =	vld [tilespmem:s16+$0x11770]  }
0x46a: {  	v20 =	vld [tilespmem:s16+$0x11800]  }
0x46b: {  	v21 =	vld [tilespmem:$0x12EA0];
	_ =	sdelay $0x2  }
0x46c: {  	v6 =	vperm.xlane v6, v5;
	vm3 =	veq.s32 v19, $0x0  }
0x46d: {  	vm12 =	veq.s32 v7, $0x0;
	v7 =	vnsel vm3, $0x3F800000, v18;
	vm3 =	veq.s32 v20, $0x0  }
0x46e: {  	v22 =	vnsel vm3, $0x3F800000, v21;
	vm3 =	veq.s32 v17, $0x0;
	v7 =	vperm.xlane v7, v5  }
0x46f: {  	v23 =	vnsel vm12, $0x3F800000, v6;
	v6 =	vnsel vm3, $0x3F800000, v6;
	v9 =	vperm.xlane v22, v5  }
0x470: {  	v8 =	vmin.f32 v23, v7;
	v6 =	vmin.f32 v6, v7  }
0x471: {  	v7 =	vmin.f32 v8, v9;
	v6 =	vmin.f32 v6, v9  }
0x472: {  	v7 =	vperm.xlane v7, v5;
	v6 =	vperm.xlane v6, v5;
	_ =	sdelay $0x1  }
0x473: {  	v6 =	vsel vm2, v7, v6  }
0x474: {  	[tilespmem:s17+$0x12B90] =	vst v6  }
0x475: {  	v6 =	vld [tilespmem:s16+$0x11820]  }
0x476: {  	v7 =	vld [tilespmem:$0x12EA0]  }
0x477: {  	v24 =	vld.msk [tilespmem:s16+$0x11830], $0xff  }
0x478: {  	v25 =	vld [tilespmem:$0x12E88]  }
0x479: {  	v26 =	vld [tilespmem:s16+$0x11810]  }
0x47a: {  	v27 =	vld [tilespmem:$0x12E98]  }
0x47b: {  	v7 =	vperm.xlane v7, v5  }
0x47c: {  	vm3 =	veq.s32 v6, $0x0;
	vm13 =	veq.s32 v24, $0x0  }
0x47d: {  	v6 =	vnsel vm3, $0x3F800000, v7;
	v7 =	vnsel vm13, $0x3F800000, v7  }
0x47e: {  	vm14 =	veq.s32 v26, $0x0;
	v6 =	vperm.xlane v6, v5;
	v7 =	vperm.xlane v7, v5  }
0x47f: {  	v28 =	vnsel vm14, $0x3F800000, v25;
	v29 =	vnsel vm3, $0x3F800000, v27  }
0x480: {  	v8 =	vmin.f32 v28, v29;
	v6 =	vsel vm2, v6, v7  }
0x481: {  	v6 =	vmin.f32 v8, v6  }
0x482: {  	[tilespmem:s17+$0x12BA0] =	vst v6  }
0x483: {  	v6 =	vld [tilespmem:$0x12E88]  }
0x484: {  	v7 =	vld [tilespmem:s16+$0x11830]  }
0x485: {  	v30 =	vld.msk [tilespmem:s16+$0x11840], $0xff  }
0x486: {  	v31 =	vld [tilespmem:$0x12E98]  }
0x487: {  	v32 =	vld [tilespmem:s16+$0x11840]  }
0x488: {  	v33 =	vld.msk [tilespmem:s16+$0x11850], $0xff  }
0x489: {  	v34 =	vld [tilespmem:s16+$0x11850]  }
0x48a: {  	v35 =	vld [tilespmem:$0x12EA0];
	_ =	sdelay $0x1  }
0x48b: {  	v6 =	vperm.xlane v6, v5  }
0x48c: {  	vm3 =	veq.s32 v7, $0x0;
	vm15 =	veq.s32 v30, $0x0;
	v36 =	vperm.xlane v31, v5  }
0x48d: {  	vm8 =	veq.s32 v32, $0x0;
	v7 =	vnsel vm3, $0x3F800000, v6;
	vm3 =	veq.s32 v34, $0x0  }
0x48e: {  	v6 =	vnsel vm15, $0x3F800000, v6;
	v37 =	vnsel vm3, $0x3F800000, v35;
	vm3 =	veq.s32 v33, $0x0  }
0x48f: {  	v10 =	vnsel vm8, $0x3F800000, v36;
	v8 =	vnsel vm3, $0x3F800000, v36;
	v9 =	vperm.xlane v37, v5  }
0x490: {  	v7 =	vmin.f32 v7, v10;
	v6 =	vmin.f32 v6, v8  }
0x491: {  	v7 =	vmin.f32 v7, v9;
	v6 =	vmin.f32 v6, v9  }
0x492: {  	v7 =	vperm.xlane v7, v5;
	v6 =	vperm.xlane v6, v5;
	_ =	sdelay $0x1  }
0x493: {  	v6 =	vsel vm2, v7, v6  }
0x494: {  	[tilespmem:s17+$0x12BB0] =	vst v6  }
0x495: {  	v6 =	vld [tilespmem:$0x12E88]  }
0x496: {  	v7 =	vld [tilespmem:s16+$0x11860]  }
0x497: {  	v38 =	vld [tilespmem:$0x12E98]  }
0x498: {  	v39 =	vld [tilespmem:s16+$0x11870]  }
0x499: {  	v40 =	vld [tilespmem:s16+$0x11900]  }
0x49a: {  	v41 =	vld [tilespmem:$0x12EA8];
	_ =	sdelay $0x2  }
0x49b: {  	vm3 =	veq.s32 v7, $0x0;
	vm9 =	veq.s32 v39, $0x0  }
0x49c: {  	v6 =	vnsel vm3, $0x3F800000, v6;
	v7 =	vnsel vm9, $0x3F800000, v38;
	vm3 =	veq.s32 v40, $0x0  }
0x49d: {  	v6 =	vmin.f32 v6, v7;
	v7 =	vnsel vm3, $0x3F800000, v41  }
0x49e: {  	v6 =	vmin.f32 v6, v7  }
0x49f: {  	[tilespmem:s17+$0x12BC0] =	vst v6  }
0x4a0: {  	v6 =	vld [tilespmem:$0x12E88]  }
0x4a1: {  	v7 =	vld [tilespmem:s16+$0x11900]  }
0x4a2: {  	v42 =	vld.msk [tilespmem:s16+$0x11910], $0xff  }
0x4a3: {  	v43 =	vld [tilespmem:$0x12E98]  }
0x4a4: {  	v44 =	vld [tilespmem:s16+$0x11910]  }
0x4a5: {  	v45 =	vld.msk [tilespmem:s16+$0x11920], $0xff  }
0x4a6: {  	v46 =	vld [tilespmem:s16+$0x11920]  }
0x4a7: {  	v47 =	vld [tilespmem:$0x12EA0];
	_ =	sdelay $0x1  }
0x4a8: {  	v6 =	vperm.xlane v6, v5  }
0x4a9: {  	vm3 =	veq.s32 v7, $0x0;
	vm10 =	veq.s32 v42, $0x0;
	v48 =	vperm.xlane v43, v5  }
0x4aa: {  	vm11 =	veq.s32 v44, $0x0;
	v7 =	vnsel vm3, $0x3F800000, v6;
	vm3 =	veq.s32 v46, $0x0  }
0x4ab: {  	v6 =	vnsel vm10, $0x3F800000, v6;
	v49 =	vnsel vm3, $0x3F800000, v47;
	vm3 =	veq.s32 v45, $0x0  }
0x4ac: {  	v10 =	vnsel vm11, $0x3F800000, v48;
	v8 =	vnsel vm3, $0x3F800000, v48;
	v9 =	vperm.xlane v49, v5  }
0x4ad: {  	v7 =	vmin.f32 v7, v10;
	v6 =	vmin.f32 v6, v8  }
0x4ae: {  	v7 =	vmin.f32 v7, v9;
	v6 =	vmin.f32 v6, v9  }
0x4af: {  	v7 =	vperm.xlane v7, v5;
	v6 =	vperm.xlane v6, v5;
	_ =	sdelay $0x1  }
0x4b0: {  	v6 =	vsel vm2, v7, v6  }
0x4b1: {  	[tilespmem:s17+$0x12BD0] =	vst v6  }
0x4b2: {  	v6 =	vld [tilespmem:s16+$0x11940]  }
0x4b3: {  	v7 =	vld [tilespmem:$0x12EA0]  }
0x4b4: {  	v50 =	vld.msk [tilespmem:s16+$0x11950], $0xff  }
0x4b5: {  	v51 =	vld [tilespmem:$0x12E88]  }
0x4b6: {  	v52 =	vld [tilespmem:s16+$0x11930]  }
0x4b7: {  	v53 =	vld [tilespmem:$0x12E98]  }
0x4b8: {  	v7 =	vperm.xlane v7, v5  }
0x4b9: {  	vm3 =	veq.s32 v6, $0x0;
	vm12 =	veq.s32 v50, $0x0  }
0x4ba: {  	v6 =	vnsel vm3, $0x3F800000, v7;
	v7 =	vnsel vm12, $0x3F800000, v7  }
0x4bb: {  	vm13 =	veq.s32 v52, $0x0;
	v6 =	vperm.xlane v6, v5;
	v7 =	vperm.xlane v7, v5  }
0x4bc: {  	v54 =	vnsel vm13, $0x3F800000, v51;
	v55 =	vnsel vm3, $0x3F800000, v53  }
0x4bd: {  	v8 =	vmin.f32 v54, v55;
	v6 =	vsel vm2, v6, v7  }
0x4be: {  	v6 =	vmin.f32 v8, v6  }
0x4bf: {  	[tilespmem:s17+$0x12BE0] =	vst v6  }
0x4c0: {  	v6 =	vld [tilespmem:$0x12E88]  }
0x4c1: {  	v7 =	vld [tilespmem:s16+$0x11950]  }
0x4c2: {  	v56 =	vld.msk [tilespmem:s16+$0x11960], $0xff  }
0x4c3: {  	v57 =	vld [tilespmem:$0x12E98]  }
0x4c4: {  	v58 =	vld [tilespmem:s16+$0x11960]  }
0x4c5: {  	v59 =	vld.msk [tilespmem:s16+$0x11970], $0xff  }
0x4c6: {  	v60 =	vld [tilespmem:s16+$0x11970]  }
0x4c7: {  	v61 =	vld [tilespmem:$0x12EA0];
	_ =	sdelay $0x1  }
0x4c8: {  	v6 =	vperm.xlane v6, v5  }
0x4c9: {  	vm3 =	veq.s32 v7, $0x0;
	vm14 =	veq.s32 v56, $0x0;
	v62 =	vperm.xlane v57, v5  }
0x4ca: {  	vm15 =	veq.s32 v58, $0x0;
	v7 =	vnsel vm3, $0x3F800000, v6;
	vm3 =	veq.s32 v60, $0x0  }
0x4cb: {  	v6 =	vnsel vm14, $0x3F800000, v6;
	v63 =	vnsel vm3, $0x3F800000, v61;
	vm3 =	veq.s32 v59, $0x0  }
0x4cc: {  	v10 =	vnsel vm15, $0x3F800000, v62;
	v8 =	vnsel vm3, $0x3F800000, v62;
	v9 =	vperm.xlane v63, v5  }
0x4cd: {  	v7 =	vmin.f32 v7, v10;
	v6 =	vmin.f32 v6, v8  }
.Ltmp3:
0x4ce: {  	v7 =	vmin.f32 v7, v9;
	v6 =	vmin.f32 v6, v9;
	(pc) =	sbr.rel @p0 .LBB2_6-.Ltmp3, $3  }
0x4cf: {  	v7 =	vperm.xlane v7, v5;
	v6 =	vperm.xlane v6, v5;
	_ =	sdelay $0x1  }
0x4d0: {  	v6 =	vsel vm2, v7, v6  }
0x4d1: {  	p1 =	por $0x0, $0x0;
	[tilespmem:s17+$0x12BF0] =	vst v6;
	s17 =	simm.s32 $0x1  }
0x4d2: {  	s13 =	sadd.s32 $0x1, s13  }
0x4d3: {  	p0 =	sne.s32 s13, s1  }
.Ltmp4:
0x4d4: {  	s15 =	simm.s32 $0x11A00;
	(pc) =	sbr.rel @p0 .LBB2_1-.Ltmp4, $4  }
0x4d5: {  	[hbm4b:s0+s2] =	stream.linear.scatter [tilespmem:s15], [sflag:$0x3], $0x1400, $0x38;
	[tilespmem:$0x12F00] =	vst v63  }
0x4d6: {  	_ =	swait.ge [sflag:s9], $0x1400  }
0x4d7: {  	[sflag:s9] =	ssyncset.done $0x0  }
0x4d8: {  	[sflag:s9] =	ssyncadd.s32 $0xFFFFEC00  }
0x4d9: {  	_ =	sfence.sel $0x180000  }
0x4da: {  	[bflag:$0x0] =	sbarrier.arrive $0xFFFF  }
0x4db: {  	_ =	strace $0x9000004A  }
0x4dc: {  	s0 =	stileid.u32;
	[bflag:$0x2] =	sbarrier.arrive $0xFFFF  }
0x4dd: {  	p0 =	sne.s32 s0, $0x0;
	s0 =	rddreg [dreg:$0x1]  }
0x4de: {  	s0 =	sadd.s32 @!p0 $0x100000, s0  }
0x4df: {  	[sflag:s0] =	ssyncadd.tile.s32 @!p0 $0x1;
	_ =	shalt  }
.Lfunc_end2:
_tile_overlayer_lowered:
.L_overlay_start_2:
0x4e0: {  	(tag) =	ssettag $0x2  }
0x4e1: {  	s0 =	rddreg [dreg:$0x0];
	s2 =	stileid.u32  }
0x4e2: {  	s1 =	rddreg [dreg:$0x1];
	p0 =	sne.s32 s2, $0x0  }
0x4e3: {  	s3 =	rddreg [dreg:$0x2];
	[bflag:$0x3] =	sbarrier.arrive $0xFFFF;
	s2 =	simm.s32 @!p0 $0x1C03  }
0x4e4: {  	[timem:s3], [sflag:s2] =	dma.local @!p0 [hbm:s0], s1  }
0x4e5: {  	s0 =	simm.s32 @!p0 $0x3  }
0x4e6: {  	_ =	swait.ge @!p0 [sflag:s0], s1  }
0x4e7: {  	s1 =	ssub.s32 @!p0 $0x0, s1;
	[sflag:s0] =	ssyncset.done @!p0 $0x0  }
0x4e8: {  	[sflag:s0] =	ssyncadd.s32 @!p0 s1  }
0x4e9: {  	[bflag:$0x3] =	sbarrier.arrive $0xFFFF  }
0x4ea: {  	_ =	shalt  }

// kernel: sparse-core-data-format-call.cloned.1.call-start
scs
called_computation_lowered:
.L_overlay_start_0:
0x0: {  	s1 =	sld [smem:$0x3FD9]  }
0x1: {  	s2 =	sld [smem:$0x3FFE];
	_ =	sdelay $0x1  }
0x2: {  	s3 =	srdreg.scid  }
0x3: {  	s0 =	sand.u32 $0x1, s3  }
0x4: {  	s17 =	sshll.u32 s0, $0xA;
	s1 =	sadd.s32 s2, s1  }
0x5: {  	s1 =	sadd.s32 s1, s17  }
0x6: {  	[smem:$0x3FC2] =	sst s1  }
0x7: {  	_ = 	snop  }
0x8: {  	(tm) =	ssettm $0x1  }
0x9: {  	s18 =	sld [smem:$0x3FFB];
	_ =	sdelay $0x3  }
0xa: {  	_ =	strace s18  }
0xb: {  	s1 =	sld [smem:$0x3FFC];
	_ =	sdelay $0x3  }
0xc: {  	_ =	strace s1  }
0xd: {  	s1 =	sld [smem:$0x3FFD];
	_ =	sdelay $0x3  }
0xe: {  	_ =	strace s1  }
0xf: {  	_ =	strace $0x8FFFFFFF  }
0x10: {  	s19 =	sld [smem:$0x3FDB];
	_ =	sdelay $0x1  }
0x11: {  	s20 =	simm.s32 $_scs_section_size  }
0x12: {  	s4 =	simm.s32 $_size__tile_overlayer_lowered;
	s5 =	simm.s32 $_tile_overlayer_lowered  }
0x13: {  	s23 =	simm.s32 $0x1BFF;
	s22 =	sshll.u32 s5, $0x1;
	s1 =	sadd.s32 s20, s19  }
0x14: {  	s6 =	simm.s32 $0x0;
	s21 =	sshll.u32 s4, $0x1;
	s4 =	sadd.s32 s22, s1  }
0x15: {  	[timem:s6], [sflag:s23] =	dma.local [hbm:s4], s21  }
0x16: {  	_ =	swait.ge [sflag:s23], s21  }
0x17: {  	s2 =	ssub.s32 $0x0, s21;
	[sflag:s23] =	ssyncset.done $0x0  }
0x18: {  	[sflag:s23] =	ssyncadd.s32 s2;
	_ =	sdelay $0x1  }
0x19: {  	s24 =	simm.s32 $0x1B8B  }
0x1a: {  	_ =	swait.ge [sflag:s24], $0x1  }
0x1b: {  	[sflag:s24] =	ssyncset.done $0x0  }
0x1c: {  	s26 =	simm.s32 $0x1B8E;
	s25 =	sld [smem:$0x3FFE];
	[sflag:s24] =	ssyncadd.s32 $0xFFFFFFFF  }
0x1d: {  	s27 =	simm.s32 $execute0_lowered;
	[smem:$0x3FD2] =	sst s26  }
0x1e: {  	s4 =	sshll.u32 s27, $0x1;
	_ =	strace $0x80000046;
	[dreg:$0x1] =	wrdreg $0xFFFFFFFF  }
0x1f: {  	s28 =	simm.s32 $_size_execute0_lowered;
	s1 =	sadd.s32 s1, s4;
	[dreg:$0x0] =	wrdreg $0x0  }
0x20: {  	s4 =	sshll.u32 s28, $0x1;
	[dreg:$0x2] =	wrdreg s1  }
0x21: {  	[dreg:$0x3] =	wrdreg s4  }
0x22: {  	[dreg:$0x4] =	wrdreg $0xC0  }
0x23: {  	_ =	task [dreg:s6], $0x5FFFF  }
0x24: {  	[dreg:$0x1] =	wrdreg $0xFFFFFFFF  }
0x25: {  	[dreg:$0x0] =	wrdreg $0x60  }
0x26: {  	[dreg:$0x2] =	wrdreg s25  }
0x27: {  	[dreg:$0x3] =	wrdreg $0x9  }
0x28: {  	_ =	task.clear_ibuf [dreg:s6], $0x4FFFF;
	_ =	strace $0x90000046  }
0x29: {  	s29 =	simm.s32 $0x9;
	_ =	strace $0x80000048  }
0x2a: {  	_ =	swait.ge [sflag:s29], $0x1  }
0x2b: {  	[sflag:s29] =	ssyncadd.s32 $0xFFFFFFFF  }
0x2c: {  	_ =	strace $0x90000048  }
0x2d: {  	_ =	sfence  }
0x2e: {  	s30 =	sld [smem:$0x0];
	_ =	sdelay $0x2  }
0x2f: {  	s31 =	sshll.u32 s3, $0xD;
	s3 =	sshrl.u32 s3, $0x2  }
0x30: {  	s2 =	sand.u32 $0x4000, s31;
	s1 =	sadd.s32 s3, s30  }
0x31: {  	s0 =	sor.u32 s2, s0;
	s1 =	sshll.u32 s1, $0x11  }
0x32: {  	s0 =	sor.u32 s1, s0  }
0x33: {  	s0 =	sadd.s32 $0x8F2B, s0  }
0x34: {  	[sflag:s0] =	ssyncadd.remote.s32 $0x1  }
0x35: {  	_ =	sfence.sel $0xFFFF  }
0x36: {  	[dreg:$0x0] =	wrdreg $0xFFFFFFFF;
	(pc) =	sbr.abs _section_cstart, $3  }
0x37: {  	[dreg:$0x1] =	wrdreg $0xFFFFFFFF  }
0x38: {  	_ =	task.clear_ibuf [dreg:s6], $0x2FFFF;
	_ =	strace $0x9FFFFFFF  }
0x39: {  	(tm) =	ssettm $0x7FFFFFFF  }
tec
execute0_lowered:
.L_overlay_start_1:
0x0: {  	(tag) =	ssettag $0x1  }
0x1: {  	s1 =	rddreg [dreg:$0x0]  }
0x2: {  	s0 =	rddreg [dreg:$0x1]  }
0x3: {  	_ =	strace $0x80000047;
	s4 =	srdreg.scid;
	s6 =	simm.s32 $0x2  }
.Ltmp0:
0x4: {  	p0 =	por $0x0, $0x0;
	s9 =	simm.s32 $0x0;
	(pc) =	sbr.rel .LBB1_1-.Ltmp0, $4  }
0x5: {  	s2 =	sadd.s32 $0x3000, s1;
	s3 =	sadd.s32 $0x143000, s1;
	s5 =	sshll.u32 s4, $0x4  }
0x6: {  	s1 =	stileid.u32;
	s4 =	simm.s32 $0x1;
	s5 =	sand.u32 $0x10, s5  }
0x7: {  	s7 =	simm.s32 $0x0;
	[sflag:s4] =	ssyncpa.u1 $0x0;
	s5 =	sor.u32 s1, s5  }
0x8: {  	[sflag:s6] =	ssyncpa.u1 $0x0;
	s6 =	simm.s32 $0x0;
	s8 =	smov.u32 s5  }
.LBB1_7:
0x9: {  	s11 =	sadd.s32 $0x20, s8  }
0xa: {  	p1 =	slt.u32 s7, $0x2;
	s7 =	sadd.s32 $0x1, s7;
	p2 =	sgt.s32 s11, $0x27F  }
0xb: {  	s11 =	smov.u32 @p2 s5;
	p2 =	sne.s32 s7, $0x16  }
.Ltmp1:
0xc: {  	_ = 	snop;
	(pc) =	sbr.rel @!p2 .LBB1_8-.Ltmp1, $4  }
0xd: {  	s10 =	simm.s32 @!p1 $0x2  }
0xe: {  	_ =	swait.ge @!p1 [sflag:s10], $0x4000  }
0xf: {  	s9 =	smov.u32 s8;
	[sflag:s10] =	ssyncset.done @!p1 $0x0  }
0x10: {  	p0 =	por !p0, !p0;
	s8 =	smov.u32 s11;
	[sflag:s10] =	ssyncadd.s32 @!p1 $0xFFFFC000  }
.LBB1_1:
0x11: {  	p1 =	sgt.u32 s7, $0x13  }
0x12: {  	s10 =	sxor.u32 @!p1 $0xFFFFFFFF, s7  }
0x13: {  	s11 =	sshll.u32 @!p1 s8, $0xB;
	s10 =	sshll.u32 @!p1 s10, $0xE  }
0x14: {  	s12 =	simm.s32 @!p1 $0x0;
	s11 =	sadd.s32 @!p1 s2, s11;
	s10 =	sand.u32 @!p1 $0x4000, s10  }
0x15: {  	[tilespmem:s10], [sflag:$0x1] =	stream.linear.gather @!p1 [hbm4b:s11+s12], $0x4000, $0x38;
	[tilespmem:$0x10000] =	vst v63  }
0x16: {  	p1 =	seq.s32 s7, $0x0  }
0x17: {  	p2 =	seq.s32 @!p1 s7, $0x15  }
0x18: {  	p1 =	por p1, p2  }
.Ltmp2:
0x19: {  	_ = 	snop;
	(pc) =	sbr.rel @p1 .LBB1_7-.Ltmp2, $1  }
0x1a: {  	_ =	sdelay $0x3  }
0x1b: {  	s10 =	simm.s32 $0x1;
	_ =	swait.ge [sflag:s4], $0x4000;
	s12 =	sshll.u32 s7, $0xE  }
0x1c: {  	s13 =	simm.s32 $0x0;
	s10 =	simm.s32 @!p0 $0x0;
	[sflag:s4] =	ssyncset.done $0x0  }
0x1d: {  	s12 =	sand.u32 $0x4000, s12;
	s11 =	sshll.u32 s10, $0xE;
	[sflag:s4] =	ssyncadd.s32 $0xFFFFC000  }
0x1e: {  	s12 =	sor.u32 $0x8000, s12;
	s10 =	sor.u32 $0x8040, s11;
	s11 =	sor.u32 $0x40, s11  }
.LBB1_3:
0x1f: {  	v0 =	vmov s11;
	_ =	sdelay $0x3  }
0x20: {  	s15 =	simm.s32 $0x0  }
0x21: {  	v6 =	vld.idx.msk [tilespmem:v0+s15+$0x30 ss:$0x1], $0xffff  }
0x22: {  	v7 =	vld.idx.msk [tilespmem:v0+s15+$0xFFFFFFC0 ss:$0x1], $0xffff  }
0x23: {  	v5 =	vld.idx.msk [tilespmem:v0+s15+$0xFFFFFFD0 ss:$0x1], $0xffff  }
0x24: {  	v4 =	vld.idx.msk [tilespmem:v0+s15+$0xFFFFFFE0 ss:$0x1], $0xffff  }
0x25: {  	v3 =	vld.idx.msk [tilespmem:v0+s15+$0xFFFFFFF0 ss:$0x1], $0xffff  }
0x26: {  	v1 =	vld.idx.msk [tilespmem:v0+s15+$0x0 ss:$0x1], $0xffff  }
0x27: {  	v2 =	vld.idx.msk [tilespmem:v0+s15+$0x10 ss:$0x1], $0xffff;
	[tilespmem:s10+$0x30] =	vst v6  }
0x28: {  	s14 =	simm.s32 $0x80;
	s16 =	simm.s32 $0x400;
	[tilespmem:s10+$0xFFFFFFC0] =	vst v7;
	v6 =	vld.idx.msk [tilespmem:v0+s15+$0x20 ss:$0x1], $0xffff;
	s15 =	smov.u32 s10  }
.LBB1_4:
0x29: {  	p1 =	sne.s32 s16, $0x1E00;
	v7 =	vld.idx.msk [tilespmem:v0+s14+$0x30 ss:$0x1], $0xffff;
	[tilespmem:s15+$0xFFFFFFD0] =	vst v5  }
0x2a: {  	v8 =	vld.idx.msk [tilespmem:v0+s14+$0xFFFFFFC0 ss:$0x1], $0xffff;
	[tilespmem:s15+$0xFFFFFFE0] =	vst v4  }
0x2b: {  	v5 =	vld.idx.msk [tilespmem:v0+s14+$0xFFFFFFD0 ss:$0x1], $0xffff;
	[tilespmem:s15+$0xFFFFFFF0] =	vst v3  }
.Ltmp3:
0x2c: {  	v4 =	vld.idx.msk [tilespmem:v0+s14+$0xFFFFFFE0 ss:$0x1], $0xffff;
	[tilespmem:s15+$0x0] =	vst v1;
	(pc) =	sbr.rel @p1 .LBB1_4-.Ltmp3, $4  }
0x2d: {  	v3 =	vld.idx.msk [tilespmem:v0+s14+$0xFFFFFFF0 ss:$0x1], $0xffff;
	[tilespmem:s15+$0x10] =	vst v2  }
0x2e: {  	v1 =	vld.idx.msk [tilespmem:v0+s14+$0x0 ss:$0x1], $0xffff;
	[tilespmem:s15+$0x20] =	vst v6;
	s15 =	sadd.s32 $0x400, s15  }
0x2f: {  	v2 =	vld.idx.msk [tilespmem:v0+s14+$0x10 ss:$0x1], $0xffff;
	[tilespmem:s15+$0x30] =	vst v7  }
0x30: {  	[tilespmem:s15+$0xFFFFFFC0] =	vst v8;
	v6 =	vld.idx.msk [tilespmem:v0+s14+$0x20 ss:$0x1], $0xffff;
	s14 =	sshra.s32 s16, $0x2;
	s16 =	sadd.s32 $0x200, s16  }
0x31: {  	_ =	sdelay $0x2  }
0x32: {  	[tilespmem:s15+$0xFFFFFFD0] =	vst v5  }
0x33: {  	v56 =	vld.idx.msk [tilespmem:v0+s14+$0x30 ss:$0x1], $0xffff;
	[tilespmem:s15+$0xFFFFFFE0] =	vst v4  }
0x34: {  	v57 =	vld.idx.msk [tilespmem:v0+s14+$0xFFFFFFC0 ss:$0x1], $0xffff;
	[tilespmem:s15+$0xFFFFFFF0] =	vst v3  }
0x35: {  	v58 =	vld.idx.msk [tilespmem:v0+s14+$0xFFFFFFD0 ss:$0x1], $0xffff;
	[tilespmem:s15+$0x0] =	vst v1  }
0x36: {  	v59 =	vld.idx.msk [tilespmem:v0+s14+$0xFFFFFFE0 ss:$0x1], $0xffff;
	[tilespmem:s15+$0x10] =	vst v2  }
0x37: {  	v60 =	vld.idx.msk [tilespmem:v0+s14+$0xFFFFFFF0 ss:$0x1], $0xffff;
	s31 =	sadd.s32 $0x400, s15;
	[tilespmem:s15+$0x20] =	vst v6  }
0x38: {  	v61 =	vld.idx.msk [tilespmem:v0+s14+$0x0 ss:$0x1], $0xffff;
	[tilespmem:s31+$0x30] =	vst v56  }
0x39: {  	v62 =	vld.idx.msk [tilespmem:v0+s14+$0x10 ss:$0x1], $0xffff;
	s13 =	sadd.s32 $0x1, s13;
	[tilespmem:s31+$0xFFFFFFC0] =	vst v57  }
0x3a: {  	v63 =	vld.idx.msk [tilespmem:v0+s14+$0x20 ss:$0x1], $0xffff;
	p1 =	sne.s32 s13, $0x8;
	[tilespmem:s31+$0xFFFFFFD0] =	vst v58  }
.Ltmp4:
0x3b: {  	[tilespmem:s31+$0xFFFFFFE0] =	vst v59;
	(pc) =	sbr.rel @p1 .LBB1_3-.Ltmp4, $4  }
0x3c: {  	[tilespmem:s31+$0xFFFFFFF0] =	vst v60  }
0x3d: {  	[tilespmem:s31+$0x0] =	vst v61  }
0x3e: {  	[tilespmem:s31+$0x10] =	vst v62  }
0x3f: {  	s10 =	sadd.s32 $0x80, s10;
	s11 =	sadd.s32 $0x800, s11;
	[tilespmem:s31+$0x20] =	vst v63  }
.Ltmp5:
0x40: {  	(pc) =	sbr.rel .LBB1_7-.Ltmp5, $4  }
0x41: {  	_ = 	snop  }
0x42: {  	s9 =	sshll.u32 s9, $0xB  }
0x43: {  	s9 =	sadd.s32 s3, s9  }
0x44: {  	[hbm4b:s9+s6] =	stream.linear.scatter [tilespmem:s12], [sflag:$0x2], $0x4000, $0x38;
	[tilespmem:$0x10000] =	vst v63  }
.LBB1_8:
0x45: {  	_ =	sfence.sel $0x180000  }
0x46: {  	s2 =	simm.s32 $0x1;
	[bflag:$0x0] =	sbarrier.arrive $0xFFFF  }
0x47: {  	s31 =	simm.s32 $0x2;
	[sflag:s2] =	ssyncpa.u1 $0x1  }
0x48: {  	[sflag:s31] =	ssyncpa.u1 $0x1  }
0x49: {  	p0 =	sne.s32 s1, $0x0;
	_ =	strace $0x90000047  }
0x4a: {  	s0 =	sadd.s32 @!p0 $0x100000, s0;
	[bflag:$0x2] =	sbarrier.arrive $0xFFFF  }
0x4b: {  	[sflag:s0] =	ssyncadd.tile.s32 @!p0 $0x1;
	_ =	shalt  }
.Lfunc_end1:
_tile_overlayer_lowered:
.L_overlay_start_2:
0x4c: {  	(tag) =	ssettag $0x2  }
0x4d: {  	s0 =	rddreg [dreg:$0x0];
	s2 =	stileid.u32  }
0x4e: {  	s1 =	rddreg [dreg:$0x1];
	p0 =	sne.s32 s2, $0x0  }
0x4f: {  	s3 =	rddreg [dreg:$0x2];
	[bflag:$0x3] =	sbarrier.arrive $0xFFFF;
	s2 =	simm.s32 @!p0 $0x1C01  }
0x50: {  	[timem:s3], [sflag:s2] =	dma.local @!p0 [hbm:s0], s1  }
0x51: {  	s0 =	simm.s32 @!p0 $0x1  }
0x52: {  	_ =	swait.ge @!p0 [sflag:s0], s1  }
0x53: {  	s1 =	ssub.s32 @!p0 $0x0, s1;
	[sflag:s0] =	ssyncset.done @!p0 $0x0  }
0x54: {  	[sflag:s0] =	ssyncadd.s32 @!p0 s1  }
0x55: {  	[bflag:$0x3] =	sbarrier.arrive $0xFFFF  }
0x56: {  	_ =	shalt  }

</sc_bundles>
